<compile_context>
chip_gen: v7x
topology: tpu7x:2x2x1
jax: 0.10.2.dev20260603
libtpu: 0.0.44.dev20260713+nightly
codegen_flags: <defaults>
</compile_context>

<pallas_src>
import jax
import jax.numpy as jnp
from jax import lax
from jax.experimental import pallas as pl
from jax.experimental.pallas import tpu as pltpu
from jax.experimental.pallas import tpu_sc as plsc

N = 10000
E = 320000
G = 64
D = 128

NC = 2
NS = 16
NW = NC * NS
EPW = E // NW
CH = 125
NCHUNK = EPW // CH
NB = 2
NI = 2 * NB
RPT = 624
TAIL = N - NS * RPT


def _publish(s, src_sh, dst_hbm_rows):
    rows = pl.ds(s * RPT, RPT)
    pltpu.sync_copy(src_sh.at[rows], dst_hbm_rows.at[rows])

    @pl.when(s == NS - 1)
    def _():
        tail = pl.ds(NS * RPT, TAIL)
        pltpu.sync_copy(src_sh.at[tail], dst_hbm_rows.at[tail])


def _sc_agg_body(h_hbm, src_hbm, dst_hbm, zeros_hbm, out_hbm,
                 sidx, didx, b0, b1, acc_sh, gsem, ssem, isem):
    bufs = (b0, b1)
    c = lax.axis_index("c")
    s = lax.axis_index("s")
    wid = c * NS + s
    eh = src_hbm.at[wid]
    dh = dst_hbm.at[wid]

    def fire_idx(q, slot):
        pltpu.async_copy(eh.at[q], sidx.at[slot], isem)
        pltpu.async_copy(dh.at[q], didx.at[slot], isem)

    def wait_idx():
        pltpu.make_async_copy(eh.at[0], sidx.at[0], isem).wait()
        pltpu.make_async_copy(dh.at[0], didx.at[0], isem).wait()

    for q in range(NI):
        fire_idx(q, q)

    pltpu.sync_copy(zeros_hbm, acc_sh.at[pl.ds(s * RPT, RPT)])

    @pl.when(s == NS - 1)
    def _():
        pltpu.sync_copy(zeros_hbm.at[pl.ds(0, TAIL)],
                        acc_sh.at[pl.ds(NS * RPT, TAIL)])

    for b in range(NB):
        wait_idx()
        pltpu.async_copy(h_hbm.at[sidx.at[b]], bufs[b], gsem)

    plsc.subcore_barrier()

    def rnd(r, carry):
        base = r * NB
        for b in range(NB):
            j = base + b
            pltpu.make_async_copy(h_hbm.at[sidx.at[0]], bufs[b],
                                  gsem).wait()
            pltpu.async_copy(bufs[b], acc_sh.at[didx.at[j % NI]], ssem,
                             add=True)
        for b in range(NB):
            j = base + b
            pltpu.make_async_copy(bufs[b], acc_sh.at[didx.at[0]],
                                  ssem).wait()
            jn2 = base + NI + b

            @pl.when(jn2 < NCHUNK)
            def _(jn2=jn2, j=j):
                fire_idx(jn2, j % NI)

            jn = base + NB + b

            @pl.when(jn < NCHUNK)
            def _(jn=jn, b=b):
                wait_idx()
                pltpu.async_copy(h_hbm.at[sidx.at[jn % NI]], bufs[b], gsem)
        return carry

    lax.fori_loop(0, NCHUNK // NB, rnd, 0)
    plsc.subcore_barrier()
    _publish(s, acc_sh, out_hbm.at[c])


_MESH = plsc.VectorSubcoreMesh(core_axis_name="c", subcore_axis_name="s")

_sc_agg = pl.kernel(
    _sc_agg_body,
    out_type=(jax.ShapeDtypeStruct((NC, N, D), jnp.float32),),
    mesh=_MESH,
    scratch_types=(
        pltpu.VMEM((NI, CH), jnp.int32),
        pltpu.VMEM((NI, CH), jnp.int32),
        pltpu.VMEM((CH, D), jnp.float32),
        pltpu.VMEM((CH, D), jnp.float32),
        pltpu.VMEM_SHARED((N, D), jnp.float32),
        pltpu.SemaphoreType.DMA,
        pltpu.SemaphoreType.DMA,
        pltpu.SemaphoreType.DMA,
    ),
)

BN = 5000

EB = 8000
NSTEP = E // EB


def _cnt_body(dst_ref, out_ref, acc_ref):
    i = pl.program_id(0)

    @pl.when(i == 0)
    def _():
        acc_ref[...] = jnp.zeros_like(acc_ref)

    d = dst_ref[0]
    a = lax.rem(d, 80)
    b = lax.div(d, 80)
    ids = lax.broadcasted_iota(jnp.int32, (D, 1), 0)
    oh_a = (a == ids).astype(jnp.bfloat16)
    oh_b = (b == ids).astype(jnp.bfloat16)
    acc_ref[...] += lax.dot_general(
        oh_a, oh_b, (((1,), (1,)), ((), ())),
        preferred_element_type=jnp.float32)

    @pl.when(i == NSTEP - 1)
    def _():
        ct = acc_ref[...].T
        out_ref[...] = 1.0 / jnp.maximum(ct[:125, :80], 1.0)


def _tc_cnt(dst4):
    return pl.pallas_call(
        _cnt_body,
        grid=(NSTEP,),
        in_specs=[pl.BlockSpec((1, 1, EB), lambda i: (i, 0, 0))],
        out_specs=pl.BlockSpec((125, 80), lambda i: (0, 0)),
        out_shape=jax.ShapeDtypeStruct((125, 80), jnp.float32),
        scratch_shapes=[pltpu.VMEM((D, D), jnp.float32)],
    )(dst4)


def _dense_body(sums_ref, inv_ref, h_ref, wl_ref, bl_ref, wr_ref, out_ref):
    ssum = sums_ref[0] + sums_ref[1]
    mean = ssum * inv_ref[...]
    acc = jnp.dot(mean, wl_ref[...], preferred_element_type=jnp.float32)
    acc = acc + jnp.dot(h_ref[...], wr_ref[...],
                        preferred_element_type=jnp.float32)
    out_ref[...] = jnp.maximum(acc + bl_ref[...], 0.0)


def _dense(sums, inv_col, h, Wl, bl, Wr):
    return pl.pallas_call(
        _dense_body,
        grid=(N // BN,),
        in_specs=[
            pl.BlockSpec((NC, BN, D), lambda i: (0, i, 0)),
            pl.BlockSpec((BN, 1), lambda i: (i, 0)),
            pl.BlockSpec((BN, D), lambda i: (i, 0)),
            pl.BlockSpec((D, D), lambda i: (0, 0)),
            pl.BlockSpec((1, D), lambda i: (0, 0)),
            pl.BlockSpec((D, D), lambda i: (0, 0)),
        ],
        out_specs=pl.BlockSpec((BN, D), lambda i: (i, 0)),
        out_shape=jax.ShapeDtypeStruct((N, D), jnp.float32),
    )(sums, inv_col, h, Wl, bl.reshape(1, D), Wr)


def _dense_pool_body(sums_ref, inv_ref, h_ref, wl_ref, bl_ref, wr_ref,
                     batch_ref, out_ref, acc_ref, cnt_ref):
    i = pl.program_id(0)

    @pl.when(i == 0)
    def _():
        acc_ref[...] = jnp.zeros_like(acc_ref)
        cnt_ref[...] = jnp.zeros_like(cnt_ref)

    ssum = sums_ref[0] + sums_ref[1]
    mean = ssum * inv_ref[...]
    acc = jnp.dot(mean, wl_ref[...], preferred_element_type=jnp.float32)
    acc = acc + jnp.dot(h_ref[...], wr_ref[...],
                        preferred_element_type=jnp.float32)
    h3 = jnp.maximum(acc + bl_ref[...], 0.0)

    b = batch_ref[0]
    gids = lax.broadcasted_iota(jnp.int32, (G, 1), 0)
    oh = (b == gids).astype(jnp.float32)
    acc_ref[...] += jnp.dot(oh, h3, preferred_element_type=jnp.float32)
    cnt_ref[...] += jnp.broadcast_to(jnp.sum(oh, axis=1, keepdims=True),
                                     (G, D))

    @pl.when(i == N // BN - 1)
    def _():
        out_ref[...] = acc_ref[...] / jnp.maximum(cnt_ref[...], 1.0)


def _dense_pool(sums, inv_col, h, Wl, bl, Wr, batch3):
    return pl.pallas_call(
        _dense_pool_body,
        grid=(N // BN,),
        in_specs=[
            pl.BlockSpec((NC, BN, D), lambda i: (0, i, 0)),
            pl.BlockSpec((BN, 1), lambda i: (i, 0)),
            pl.BlockSpec((BN, D), lambda i: (i, 0)),
            pl.BlockSpec((D, D), lambda i: (0, 0)),
            pl.BlockSpec((1, D), lambda i: (0, 0)),
            pl.BlockSpec((D, D), lambda i: (0, 0)),
            pl.BlockSpec((1, 1, BN), lambda i: (i, 0, 0)),
        ],
        out_specs=pl.BlockSpec((G, D), lambda i: (0, 0)),
        out_shape=jax.ShapeDtypeStruct((G, D), jnp.float32),
        scratch_shapes=[
            pltpu.VMEM((G, D), jnp.float32),
            pltpu.VMEM((G, D), jnp.float32),
        ],
    )(sums, inv_col, h, Wl, bl.reshape(1, D), Wr, batch3)


def kernel(x, edge_index, batch, Wl1, bl1, Wr1, Wl2, bl2, Wr2, Wl3, bl3, Wr3):
    src = edge_index[0].reshape(NW, NCHUNK, CH)
    dst = edge_index[1].reshape(NW, NCHUNK, CH)
    dst4 = edge_index[1].reshape(NSTEP, 1, EB)
    zeros = jnp.zeros((RPT, D), jnp.float32)
    batch3 = batch.reshape(N // BN, 1, BN)

    sums = _sc_agg(x, src, dst, zeros)[0]
    inv_col = _tc_cnt(dst4).reshape(N, 1)
    h = _dense(sums, inv_col, x, Wl1, bl1, Wr1)
    sums = _sc_agg(h, src, dst, zeros)[0]
    h = _dense(sums, inv_col, h, Wl2, bl2, Wr2)
    sums = _sc_agg(h, src, dst, zeros)[0]
    return _dense_pool(sums, inv_col, h, Wl3, bl3, Wr3, batch3)

# --- scband reference (transcript-rebuilt; emitter-appended) ---
"""Pipeline reference for scband-gnnencoder-18743237280721 (READ-ONLY COPY).

The authoritative reference and input builder live on the scoring server;
editing this copy changes nothing except your own understanding.
"""

import jax, jax.numpy as jnp
import numpy as np

N = 10000
E = 320000
G = 64
D = 128
H = 128


def _sage_conv(x, edge_index, Wl, bl, Wr):
    # PyG-style SAGEConv with mean aggregation:
    #   out = lin_l(mean_{j in N(i)} x_j) + lin_r(x_i)
    src = edge_index[0]
    dst = edge_index[1]
    msg = jnp.take(x, src, axis=0)
    summed = jax.ops.segment_sum(msg, dst, num_segments=x.shape[0])
    cnt = jax.ops.segment_sum(jnp.ones((dst.shape[0],), jnp.float32), dst, num_segments=x.shape[0])
    mean = summed / jnp.clip(cnt, 1.0)[:, None]
    return mean @ Wl + bl + x @ Wr


def setup_inputs(seed: int = 0) -> dict:
    key = jax.random.key(seed)
    ks = jax.random.split(key, 16)
    inp = {}
    inp["x"] = jax.random.normal(ks[0], (N, D), dtype=jnp.float32)
    inp["edge_index"] = jax.random.randint(ks[1], (2, E), 0, N, dtype=jnp.int32)
    inp["batch"] = jnp.sort(jax.random.randint(ks[2], (N,), 0, G, dtype=jnp.int32))
    scale1 = 1.0 / np.sqrt(D)
    scale2 = 1.0 / np.sqrt(H)
    inp["Wl1"] = jax.random.normal(ks[3], (D, H), dtype=jnp.float32) * scale1
    inp["bl1"] = jnp.zeros((H,), dtype=jnp.float32)
    inp["Wr1"] = jax.random.normal(ks[4], (D, H), dtype=jnp.float32) * scale1
    inp["Wl2"] = jax.random.normal(ks[5], (H, H), dtype=jnp.float32) * scale2
    inp["bl2"] = jnp.zeros((H,), dtype=jnp.float32)
    inp["Wr2"] = jax.random.normal(ks[6], (H, H), dtype=jnp.float32) * scale2
    inp["Wl3"] = jax.random.normal(ks[7], (H, H), dtype=jnp.float32) * scale2
    inp["bl3"] = jnp.zeros((H,), dtype=jnp.float32)
    inp["Wr3"] = jax.random.normal(ks[8], (H, H), dtype=jnp.float32) * scale2
    return inp


def reference(x, edge_index, batch, Wl1, bl1, Wr1, Wl2, bl2, Wr2, Wl3, bl3, Wr3):
    h = jax.nn.relu(_sage_conv(x, edge_index, Wl1, bl1, Wr1))
    h = jax.nn.relu(_sage_conv(h, edge_index, Wl2, bl2, Wr2))
    h = jax.nn.relu(_sage_conv(h, edge_index, Wl3, bl3, Wr3))
    # global_mean_pool over graph assignment vector `batch`
    s = jax.ops.segment_sum(h, batch, num_segments=G)
    c = jax.ops.segment_sum(jnp.ones((h.shape[0],), jnp.float32), batch, num_segments=G)
    return s / jnp.clip(c, 1.0)[:, None]

if __name__ == "__main__":
    import jax
    _d = setup_inputs()
    print(jax.jit(kernel)(*tuple(_d.values())))

</pallas_src>

<mosaic_0001>
#map = affine_map<(d0, d1) -> (0, 0)>
#map1 = affine_map<(d0, d1) -> (0, 0, 0)>
module attributes {stable_mosaic.version = 14 : i64} {
  func.func @_sc_agg_body(%arg0: i32, %arg1: i32, %arg2: memref<10000x128xf32, #tpu.memory_space<hbm>>, %arg3: memref<32x80x125xi32, #tpu.memory_space<hbm>>, %arg4: memref<32x80x125xi32, #tpu.memory_space<hbm>>, %arg5: memref<624x128xf32, #tpu.memory_space<hbm>>, %arg6: memref<2x10000x128xf32, #tpu.memory_space<hbm>>, %arg7: memref<4x125xi32, #tpu.memory_space<vmem>>, %arg8: memref<4x125xi32, #tpu.memory_space<vmem>>, %arg9: memref<125x128xf32, #tpu.memory_space<vmem>>, %arg10: memref<125x128xf32, #tpu.memory_space<vmem>>, %arg11: memref<10000x128xf32, #tpu.memory_space<vmem_shared>>, %arg12: memref<!tpu.dma_semaphore, #tpu.memory_space<semaphore_mem>>, %arg13: memref<!tpu.dma_semaphore, #tpu.memory_space<semaphore_mem>>, %arg14: memref<!tpu.dma_semaphore, #tpu.memory_space<semaphore_mem>>) attributes {dimension_semantics = [#tpu.dimension_semantics<core_parallel>, #tpu.dimension_semantics<subcore_parallel>], iteration_bounds = array<i64: 2, 16>, scalar_prefetch = 0 : i64, scratch_operands = 8 : i64, tpu.core_type = #tpu.core_type<sc_vector_subcore>, window_params = [{transform_indices = #map}, {transform_indices = #map1}, {transform_indices = #map1}, {transform_indices = #map}, {transform_indices = #map1}]} {
    %mul3A = arith.constant 16 : i32
    %mul3A_0 = arith.muli %arg0, %mul3A : i32
    %add3A = arith.addi %mul3A_0, %arg1 : i32
    %dma_start3A = arith.constant 0 : i32
    %dma_start3A_1 = arith.constant 0 : i32
    %dma_start3A_2 = arith.constant 0 : i32
    %dma_start3A_3 = tpu.memref_slice %arg7[%dma_start3A_1, %dma_start3A_2] : memref<4x125xi32, #tpu.memory_space<vmem>> -> memref<1x125xi32, #tpu.memory_space<vmem>>
    %dma_start3A_4 = tpu.memref_squeeze %dma_start3A_3 : memref<1x125xi32, #tpu.memory_space<vmem>> -> memref<125xi32, #tpu.memory_space<vmem>>
    %dma_start3A_5 = arith.constant 0 : i32
    %dma_start3A_6 = arith.constant 0 : i32
    %dma_start3A_7 = tpu.memref_slice %arg3[%add3A, %dma_start3A_5, %dma_start3A_6] : memref<32x80x125xi32, #tpu.memory_space<hbm>> -> memref<1x80x125xi32, #tpu.memory_space<hbm>>
    %dma_start3A_8 = tpu.memref_squeeze %dma_start3A_7 : memref<1x80x125xi32, #tpu.memory_space<hbm>> -> memref<80x125xi32, #tpu.memory_space<hbm>>
    %dma_start3A_9 = arith.constant 0 : i32
    %dma_start3A_10 = tpu.memref_slice %dma_start3A_8[%dma_start3A, %dma_start3A_9] : memref<80x125xi32, #tpu.memory_space<hbm>> -> memref<1x125xi32, #tpu.memory_space<hbm>>
    %dma_start3A_11 = tpu.memref_squeeze %dma_start3A_10 : memref<1x125xi32, #tpu.memory_space<hbm>> -> memref<125xi32, #tpu.memory_space<hbm>>
    %dma_start3A_12 = arith.constant 0 : i32
    %dma_start3A_13 = tpu.memref_slice %arg7[%dma_start3A_1, %dma_start3A_12] : memref<4x125xi32, #tpu.memory_space<vmem>> -> memref<1x125xi32, #tpu.memory_space<vmem>>
    %dma_start3A_14 = tpu.memref_squeeze %dma_start3A_13 : memref<1x125xi32, #tpu.memory_space<vmem>> -> memref<125xi32, #tpu.memory_space<vmem>>
    %dma_start3A_15 = arith.constant 0 : i32
    %dma_start3A_16 = arith.constant 0 : i32
    %dma_start3A_17 = tpu.memref_slice %arg3[%add3A, %dma_start3A_15, %dma_start3A_16] : memref<32x80x125xi32, #tpu.memory_space<hbm>> -> memref<1x80x125xi32, #tpu.memory_space<hbm>>
    %dma_start3A_18 = tpu.memref_squeeze %dma_start3A_17 : memref<1x80x125xi32, #tpu.memory_space<hbm>> -> memref<80x125xi32, #tpu.memory_space<hbm>>
    %dma_start3A_19 = arith.constant 0 : i32
    %dma_start3A_20 = tpu.memref_slice %dma_start3A_18[%dma_start3A, %dma_start3A_19] : memref<80x125xi32, #tpu.memory_space<hbm>> -> memref<1x125xi32, #tpu.memory_space<hbm>>
    %dma_start3A_21 = tpu.memref_squeeze %dma_start3A_20 : memref<1x125xi32, #tpu.memory_space<hbm>> -> memref<125xi32, #tpu.memory_space<hbm>>
    tpu.enqueue_dma source(%dma_start3A_21 : memref<125xi32, #tpu.memory_space<hbm>>) target(%dma_start3A_14 : memref<125xi32, #tpu.memory_space<vmem>>) target_semaphore(%arg14 : memref<!tpu.dma_semaphore, #tpu.memory_space<semaphore_mem>>)
    %dma_start3A_22 = arith.constant 0 : i32
    %dma_start3A_23 = arith.constant 0 : i32
    %dma_start3A_24 = arith.constant 0 : i32
    %dma_start3A_25 = tpu.memref_slice %arg8[%dma_start3A_23, %dma_start3A_24] : memref<4x125xi32, #tpu.memory_space<vmem>> -> memref<1x125xi32, #tpu.memory_space<vmem>>
    %dma_start3A_26 = tpu.memref_squeeze %dma_start3A_25 : memref<1x125xi32, #tpu.memory_space<vmem>> -> memref<125xi32, #tpu.memory_space<vmem>>
    %dma_start3A_27 = arith.constant 0 : i32
    %dma_start3A_28 = arith.constant 0 : i32
    %dma_start3A_29 = tpu.memref_slice %arg4[%add3A, %dma_start3A_27, %dma_start3A_28] : memref<32x80x125xi32, #tpu.memory_space<hbm>> -> memref<1x80x125xi32, #tpu.memory_space<hbm>>
    %dma_start3A_30 = tpu.memref_squeeze %dma_start3A_29 : memref<1x80x125xi32, #tpu.memory_space<hbm>> -> memref<80x125xi32, #tpu.memory_space<hbm>>
    %dma_start3A_31 = arith.constant 0 : i32
    %dma_start3A_32 = tpu.memref_slice %dma_start3A_30[%dma_start3A_22, %dma_start3A_31] : memref<80x125xi32, #tpu.memory_space<hbm>> -> memref<1x125xi32, #tpu.memory_space<hbm>>
    %dma_start3A_33 = tpu.memref_squeeze %dma_start3A_32 : memref<1x125xi32, #tpu.memory_space<hbm>> -> memref<125xi32, #tpu.memory_space<hbm>>
    %dma_start3A_34 = arith.constant 0 : i32
    %dma_start3A_35 = tpu.memref_slice %arg8[%dma_start3A_23, %dma_start3A_34] : memref<4x125xi32, #tpu.memory_space<vmem>> -> memref<1x125xi32, #tpu.memory_space<vmem>>
    %dma_start3A_36 = tpu.memref_squeeze %dma_start3A_35 : memref<1x125xi32, #tpu.memory_space<vmem>> -> memref<125xi32, #tpu.memory_space<vmem>>
    %dma_start3A_37 = arith.constant 0 : i32
    %dma_start3A_38 = arith.constant 0 : i32
    %dma_start3A_39 = tpu.memref_slice %arg4[%add3A, %dma_start3A_37, %dma_start3A_38] : memref<32x80x125xi32, #tpu.memory_space<hbm>> -> memref<1x80x125xi32, #tpu.memory_space<hbm>>
    %dma_start3A_40 = tpu.memref_squeeze %dma_start3A_39 : memref<1x80x125xi32, #tpu.memory_space<hbm>> -> memref<80x125xi32, #tpu.memory_space<hbm>>
    %dma_start3A_41 = arith.constant 0 : i32
    %dma_start3A_42 = tpu.memref_slice %dma_start3A_40[%dma_start3A_22, %dma_start3A_41] : memref<80x125xi32, #tpu.memory_space<hbm>> -> memref<1x125xi32, #tpu.memory_space<hbm>>
    %dma_start3A_43 = tpu.memref_squeeze %dma_start3A_42 : memref<1x125xi32, #tpu.memory_space<hbm>> -> memref<125xi32, #tpu.memory_space<hbm>>
    tpu.enqueue_dma source(%dma_start3A_43 : memref<125xi32, #tpu.memory_space<hbm>>) target(%dma_start3A_36 : memref<125xi32, #tpu.memory_space<vmem>>) target_semaphore(%arg14 : memref<!tpu.dma_semaphore, #tpu.memory_space<semaphore_mem>>)
    %dma_start3A_44 = arith.constant 1 : i32
    %dma_start3A_45 = arith.constant 1 : i32
    %dma_start3A_46 = arith.constant 0 : i32
    %dma_start3A_47 = tpu.memref_slice %arg7[%dma_start3A_45, %dma_start3A_46] : memref<4x125xi32, #tpu.memory_space<vmem>> -> memref<1x125xi32, #tpu.memory_space<vmem>>
    %dma_start3A_48 = tpu.memref_squeeze %dma_start3A_47 : memref<1x125xi32, #tpu.memory_space<vmem>> -> memref<125xi32, #tpu.memory_space<vmem>>
    %dma_start3A_49 = arith.constant 0 : i32
    %dma_start3A_50 = arith.constant 0 : i32
    %dma_start3A_51 = tpu.memref_slice %arg3[%add3A, %dma_start3A_49, %dma_start3A_50] : memref<32x80x125xi32, #tpu.memory_space<hbm>> -> memref<1x80x125xi32, #tpu.memory_space<hbm>>
    %dma_start3A_52 = tpu.memref_squeeze %dma_start3A_51 : memref<1x80x125xi32, #tpu.memory_space<hbm>> -> memref<80x125xi32, #tpu.memory_space<hbm>>
    %dma_start3A_53 = arith.constant 0 : i32
    %dma_start3A_54 = tpu.memref_slice %dma_start3A_52[%dma_start3A_44, %dma_start3A_53] : memref<80x125xi32, #tpu.memory_space<hbm>> -> memref<1x125xi32, #tpu.memory_space<hbm>>
    %dma_start3A_55 = tpu.memref_squeeze %dma_start3A_54 : memref<1x125xi32, #tpu.memory_space<hbm>> -> memref<125xi32, #tpu.memory_space<hbm>>
    %dma_start3A_56 = arith.constant 0 : i32
    %dma_start3A_57 = tpu.memref_slice %arg7[%dma_start3A_45, %dma_start3A_56] : memref<4x125xi32, #tpu.memory_space<vmem>> -> memref<1x125xi32, #tpu.memory_space<vmem>>
    %dma_start3A_58 = tpu.memref_squeeze %dma_start3A_57 : memref<1x125xi32, #tpu.memory_space<vmem>> -> memref<125xi32, #tpu.memory_space<vmem>>
    %dma_start3A_59 = arith.constant 0 : i32
    %dma_start3A_60 = arith.constant 0 : i32
    %dma_start3A_61 = tpu.memref_slice %arg3[%add3A, %dma_start3A_59, %dma_start3A_60] : memref<32x80x125xi32, #tpu.memory_space<hbm>> -> memref<1x80x125xi32, #tpu.memory_space<hbm>>
    %dma_start3A_62 = tpu.memref_squeeze %dma_start3A_61 : memref<1x80x125xi32, #tpu.memory_space<hbm>> -> memref<80x125xi32, #tpu.memory_space<hbm>>
    %dma_start3A_63 = arith.constant 0 : i32
    %dma_start3A_64 = tpu.memref_slice %dma_start3A_62[%dma_start3A_44, %dma_start3A_63] : memref<80x125xi32, #tpu.memory_space<hbm>> -> memref<1x125xi32, #tpu.memory_space<hbm>>
    %dma_start3A_65 = tpu.memref_squeeze %dma_start3A_64 : memref<1x125xi32, #tpu.memory_space<hbm>> -> memref<125xi32, #tpu.memory_space<hbm>>
    tpu.enqueue_dma source(%dma_start3A_65 : memref<125xi32, #tpu.memory_space<hbm>>) target(%dma_start3A_58 : memref<125xi32, #tpu.memory_space<vmem>>) target_semaphore(%arg14 : memref<!tpu.dma_semaphore, #tpu.memory_space<semaphore_mem>>)
    %dma_start3A_66 = arith.constant 1 : i32
    %dma_start3A_67 = arith.constant 1 : i32
    %dma_start3A_68 = arith.constant 0 : i32
    %dma_start3A_69 = tpu.memref_slice %arg8[%dma_start3A_67, %dma_start3A_68] : memref<4x125xi32, #tpu.memory_space<vmem>> -> memref<1x125xi32, #tpu.memory_space<vmem>>
    %dma_start3A_70 = tpu.memref_squeeze %dma_start3A_69 : memref<1x125xi32, #tpu.memory_space<vmem>> -> memref<125xi32, #tpu.memory_space<vmem>>
    %dma_start3A_71 = arith.constant 0 : i32
    %dma_start3A_72 = arith.constant 0 : i32
    %dma_start3A_73 = tpu.memref_slice %arg4[%add3A, %dma_start3A_71, %dma_start3A_72] : memref<32x80x125xi32, #tpu.memory_space<hbm>> -> memref<1x80x125xi32, #tpu.memory_space<hbm>>
    %dma_start3A_74 = tpu.memref_squeeze %dma_start3A_73 : memref<1x80x125xi32, #tpu.memory_space<hbm>> -> memref<80x125xi32, #tpu.memory_space<hbm>>
    %dma_start3A_75 = arith.constant 0 : i32
    %dma_start3A_76 = tpu.memref_slice %dma_start3A_74[%dma_start3A_66, %dma_start3A_75] : memref<80x125xi32, #tpu.memory_space<hbm>> -> memref<1x125xi32, #tpu.memory_space<hbm>>
    %dma_start3A_77 = tpu.memref_squeeze %dma_start3A_76 : memref<1x125xi32, #tpu.memory_space<hbm>> -> memref<125xi32, #tpu.memory_space<hbm>>
    %dma_start3A_78 = arith.constant 0 : i32
    %dma_start3A_79 = tpu.memref_slice %arg8[%dma_start3A_67, %dma_start3A_78] : memref<4x125xi32, #tpu.memory_space<vmem>> -> memref<1x125xi32, #tpu.memory_space<vmem>>
    %dma_start3A_80 = tpu.memref_squeeze %dma_start3A_79 : memref<1x125xi32, #tpu.memory_space<vmem>> -> memref<125xi32, #tpu.memory_space<vmem>>
    %dma_start3A_81 = arith.constant 0 : i32
    %dma_start3A_82 = arith.constant 0 : i32
    %dma_start3A_83 = tpu.memref_slice %arg4[%add3A, %dma_start3A_81, %dma_start3A_82] : memref<32x80x125xi32, #tpu.memory_space<hbm>> -> memref<1x80x125xi32, #tpu.memory_space<hbm>>
    %dma_start3A_84 = tpu.memref_squeeze %dma_start3A_83 : memref<1x80x125xi32, #tpu.memory_space<hbm>> -> memref<80x125xi32, #tpu.memory_space<hbm>>
    %dma_start3A_85 = arith.constant 0 : i32
    %dma_start3A_86 = tpu.memref_slice %dma_start3A_84[%dma_start3A_66, %dma_start3A_85] : memref<80x125xi32, #tpu.memory_space<hbm>> -> memref<1x125xi32, #tpu.memory_space<hbm>>
    %dma_start3A_87 = tpu.memref_squeeze %dma_start3A_86 : memref<1x125xi32, #tpu.memory_space<hbm>> -> memref<125xi32, #tpu.memory_space<hbm>>
    tpu.enqueue_dma source(%dma_start3A_87 : memref<125xi32, #tpu.memory_space<hbm>>) target(%dma_start3A_80 : memref<125xi32, #tpu.memory_space<vmem>>) target_semaphore(%arg14 : memref<!tpu.dma_semaphore, #tpu.memory_space<semaphore_mem>>)
    %dma_start3A_88 = arith.constant 2 : i32
    %dma_start3A_89 = arith.constant 2 : i32
    %dma_start3A_90 = arith.constant 0 : i32
    %dma_start3A_91 = tpu.memref_slice %arg7[%dma_start3A_89, %dma_start3A_90] : memref<4x125xi32, #tpu.memory_space<vmem>> -> memref<1x125xi32, #tpu.memory_space<vmem>>
    %dma_start3A_92 = tpu.memref_squeeze %dma_start3A_91 : memref<1x125xi32, #tpu.memory_space<vmem>> -> memref<125xi32, #tpu.memory_space<vmem>>
    %dma_start3A_93 = arith.constant 0 : i32
    %dma_start3A_94 = arith.constant 0 : i32
    %dma_start3A_95 = tpu.memref_slice %arg3[%add3A, %dma_start3A_93, %dma_start3A_94] : memref<32x80x125xi32, #tpu.memory_space<hbm>> -> memref<1x80x125xi32, #tpu.memory_space<hbm>>
    %dma_start3A_96 = tpu.memref_squeeze %dma_start3A_95 : memref<1x80x125xi32, #tpu.memory_space<hbm>> -> memref<80x125xi32, #tpu.memory_space<hbm>>
    %dma_start3A_97 = arith.constant 0 : i32
    %dma_start3A_98 = tpu.memref_slice %dma_start3A_96[%dma_start3A_88, %dma_start3A_97] : memref<80x125xi32, #tpu.memory_space<hbm>> -> memref<1x125xi32, #tpu.memory_space<hbm>>
    %dma_start3A_99 = tpu.memref_squeeze %dma_start3A_98 : memref<1x125xi32, #tpu.memory_space<hbm>> -> memref<125xi32, #tpu.memory_space<hbm>>
    %dma_start3A_100 = arith.constant 0 : i32
    %dma_start3A_101 = tpu.memref_slice %arg7[%dma_start3A_89, %dma_start3A_100] : memref<4x125xi32, #tpu.memory_space<vmem>> -> memref<1x125xi32, #tpu.memory_space<vmem>>
    %dma_start3A_102 = tpu.memref_squeeze %dma_start3A_101 : memref<1x125xi32, #tpu.memory_space<vmem>> -> memref<125xi32, #tpu.memory_space<vmem>>
    %dma_start3A_103 = arith.constant 0 : i32
    %dma_start3A_104 = arith.constant 0 : i32
    %dma_start3A_105 = tpu.memref_slice %arg3[%add3A, %dma_start3A_103, %dma_start3A_104] : memref<32x80x125xi32, #tpu.memory_space<hbm>> -> memref<1x80x125xi32, #tpu.memory_space<hbm>>
    %dma_start3A_106 = tpu.memref_squeeze %dma_start3A_105 : memref<1x80x125xi32, #tpu.memory_space<hbm>> -> memref<80x125xi32, #tpu.memory_space<hbm>>
    %dma_start3A_107 = arith.constant 0 : i32
    %dma_start3A_108 = tpu.memref_slice %dma_start3A_106[%dma_start3A_88, %dma_start3A_107] : memref<80x125xi32, #tpu.memory_space<hbm>> -> memref<1x125xi32, #tpu.memory_space<hbm>>
    %dma_start3A_109 = tpu.memref_squeeze %dma_start3A_108 : memref<1x125xi32, #tpu.memory_space<hbm>> -> memref<125xi32, #tpu.memory_space<hbm>>
    tpu.enqueue_dma source(%dma_start3A_109 : memref<125xi32, #tpu.memory_space<hbm>>) target(%dma_start3A_102 : memref<125xi32, #tpu.memory_space<vmem>>) target_semaphore(%arg14 : memref<!tpu.dma_semaphore, #tpu.memory_space<semaphore_mem>>)
    %dma_start3A_110 = arith.constant 2 : i32
    %dma_start3A_111 = arith.constant 2 : i32
    %dma_start3A_112 = arith.constant 0 : i32
    %dma_start3A_113 = tpu.memref_slice %arg8[%dma_start3A_111, %dma_start3A_112] : memref<4x125xi32, #tpu.memory_space<vmem>> -> memref<1x125xi32, #tpu.memory_space<vmem>>
    %dma_start3A_114 = tpu.memref_squeeze %dma_start3A_113 : memref<1x125xi32, #tpu.memory_space<vmem>> -> memref<125xi32, #tpu.memory_space<vmem>>
    %dma_start3A_115 = arith.constant 0 : i32
    %dma_start3A_116 = arith.constant 0 : i32
    %dma_start3A_117 = tpu.memref_slice %arg4[%add3A, %dma_start3A_115, %dma_start3A_116] : memref<32x80x125xi32, #tpu.memory_space<hbm>> -> memref<1x80x125xi32, #tpu.memory_space<hbm>>
    %dma_start3A_118 = tpu.memref_squeeze %dma_start3A_117 : memref<1x80x125xi32, #tpu.memory_space<hbm>> -> memref<80x125xi32, #tpu.memory_space<hbm>>
    %dma_start3A_119 = arith.constant 0 : i32
    %dma_start3A_120 = tpu.memref_slice %dma_start3A_118[%dma_start3A_110, %dma_start3A_119] : memref<80x125xi32, #tpu.memory_space<hbm>> -> memref<1x125xi32, #tpu.memory_space<hbm>>
    %dma_start3A_121 = tpu.memref_squeeze %dma_start3A_120 : memref<1x125xi32, #tpu.memory_space<hbm>> -> memref<125xi32, #tpu.memory_space<hbm>>
    %dma_start3A_122 = arith.constant 0 : i32
    %dma_start3A_123 = tpu.memref_slice %arg8[%dma_start3A_111, %dma_start3A_122] : memref<4x125xi32, #tpu.memory_space<vmem>> -> memref<1x125xi32, #tpu.memory_space<vmem>>
    %dma_start3A_124 = tpu.memref_squeeze %dma_start3A_123 : memref<1x125xi32, #tpu.memory_space<vmem>> -> memref<125xi32, #tpu.memory_space<vmem>>
    %dma_start3A_125 = arith.constant 0 : i32
    %dma_start3A_126 = arith.constant 0 : i32
    %dma_start3A_127 = tpu.memref_slice %arg4[%add3A, %dma_start3A_125, %dma_start3A_126] : memref<32x80x125xi32, #tpu.memory_space<hbm>> -> memref<1x80x125xi32, #tpu.memory_space<hbm>>
    %dma_start3A_128 = tpu.memref_squeeze %dma_start3A_127 : memref<1x80x125xi32, #tpu.memory_space<hbm>> -> memref<80x125xi32, #tpu.memory_space<hbm>>
    %dma_start3A_129 = arith.constant 0 : i32
    %dma_start3A_130 = tpu.memref_slice %dma_start3A_128[%dma_start3A_110, %dma_start3A_129] : memref<80x125xi32, #tpu.memory_space<hbm>> -> memref<1x125xi32, #tpu.memory_space<hbm>>
    %dma_start3A_131 = tpu.memref_squeeze %dma_start3A_130 : memref<1x125xi32, #tpu.memory_space<hbm>> -> memref<125xi32, #tpu.memory_space<hbm>>
    tpu.enqueue_dma source(%dma_start3A_131 : memref<125xi32, #tpu.memory_space<hbm>>) target(%dma_start3A_124 : memref<125xi32, #tpu.memory_space<vmem>>) target_semaphore(%arg14 : memref<!tpu.dma_semaphore, #tpu.memory_space<semaphore_mem>>)
    %dma_start3A_132 = arith.constant 3 : i32
    %dma_start3A_133 = arith.constant 3 : i32
    %dma_start3A_134 = arith.constant 0 : i32
    %dma_start3A_135 = tpu.memref_slice %arg7[%dma_start3A_133, %dma_start3A_134] : memref<4x125xi32, #tpu.memory_space<vmem>> -> memref<1x125xi32, #tpu.memory_space<vmem>>
    %dma_start3A_136 = tpu.memref_squeeze %dma_start3A_135 : memref<1x125xi32, #tpu.memory_space<vmem>> -> memref<125xi32, #tpu.memory_space<vmem>>
    %dma_start3A_137 = arith.constant 0 : i32
    %dma_start3A_138 = arith.constant 0 : i32
    %dma_start3A_139 = tpu.memref_slice %arg3[%add3A, %dma_start3A_137, %dma_start3A_138] : memref<32x80x125xi32, #tpu.memory_space<hbm>> -> memref<1x80x125xi32, #tpu.memory_space<hbm>>
    %dma_start3A_140 = tpu.memref_squeeze %dma_start3A_139 : memref<1x80x125xi32, #tpu.memory_space<hbm>> -> memref<80x125xi32, #tpu.memory_space<hbm>>
    %dma_start3A_141 = arith.constant 0 : i32
    %dma_start3A_142 = tpu.memref_slice %dma_start3A_140[%dma_start3A_132, %dma_start3A_141] : memref<80x125xi32, #tpu.memory_space<hbm>> -> memref<1x125xi32, #tpu.memory_space<hbm>>
    %dma_start3A_143 = tpu.memref_squeeze %dma_start3A_142 : memref<1x125xi32, #tpu.memory_space<hbm>> -> memref<125xi32, #tpu.memory_space<hbm>>
    %dma_start3A_144 = arith.constant 0 : i32
    %dma_start3A_145 = tpu.memref_slice %arg7[%dma_start3A_133, %dma_start3A_144] : memref<4x125xi32, #tpu.memory_space<vmem>> -> memref<1x125xi32, #tpu.memory_space<vmem>>
    %dma_start3A_146 = tpu.memref_squeeze %dma_start3A_145 : memref<1x125xi32, #tpu.memory_space<vmem>> -> memref<125xi32, #tpu.memory_space<vmem>>
    %dma_start3A_147 = arith.constant 0 : i32
    %dma_start3A_148 = arith.constant 0 : i32
    %dma_start3A_149 = tpu.memref_slice %arg3[%add3A, %dma_start3A_147, %dma_start3A_148] : memref<32x80x125xi32, #tpu.memory_space<hbm>> -> memref<1x80x125xi32, #tpu.memory_space<hbm>>
    %dma_start3A_150 = tpu.memref_squeeze %dma_start3A_149 : memref<1x80x125xi32, #tpu.memory_space<hbm>> -> memref<80x125xi32, #tpu.memory_space<hbm>>
    %dma_start3A_151 = arith.constant 0 : i32
    %dma_start3A_152 = tpu.memref_slice %dma_start3A_150[%dma_start3A_132, %dma_start3A_151] : memref<80x125xi32, #tpu.memory_space<hbm>> -> memref<1x125xi32, #tpu.memory_space<hbm>>
    %dma_start3A_153 = tpu.memref_squeeze %dma_start3A_152 : memref<1x125xi32, #tpu.memory_space<hbm>> -> memref<125xi32, #tpu.memory_space<hbm>>
    tpu.enqueue_dma source(%dma_start3A_153 : memref<125xi32, #tpu.memory_space<hbm>>) target(%dma_start3A_146 : memref<125xi32, #tpu.memory_space<vmem>>) target_semaphore(%arg14 : memref<!tpu.dma_semaphore, #tpu.memory_space<semaphore_mem>>)
    %dma_start3A_154 = arith.constant 3 : i32
    %dma_start3A_155 = arith.constant 3 : i32
    %dma_start3A_156 = arith.constant 0 : i32
    %dma_start3A_157 = tpu.memref_slice %arg8[%dma_start3A_155, %dma_start3A_156] : memref<4x125xi32, #tpu.memory_space<vmem>> -> memref<1x125xi32, #tpu.memory_space<vmem>>
    %dma_start3A_158 = tpu.memref_squeeze %dma_start3A_157 : memref<1x125xi32, #tpu.memory_space<vmem>> -> memref<125xi32, #tpu.memory_space<vmem>>
    %dma_start3A_159 = arith.constant 0 : i32
    %dma_start3A_160 = arith.constant 0 : i32
    %dma_start3A_161 = tpu.memref_slice %arg4[%add3A, %dma_start3A_159, %dma_start3A_160] : memref<32x80x125xi32, #tpu.memory_space<hbm>> -> memref<1x80x125xi32, #tpu.memory_space<hbm>>
    %dma_start3A_162 = tpu.memref_squeeze %dma_start3A_161 : memref<1x80x125xi32, #tpu.memory_space<hbm>> -> memref<80x125xi32, #tpu.memory_space<hbm>>
    %dma_start3A_163 = arith.constant 0 : i32
    %dma_start3A_164 = tpu.memref_slice %dma_start3A_162[%dma_start3A_154, %dma_start3A_163] : memref<80x125xi32, #tpu.memory_space<hbm>> -> memref<1x125xi32, #tpu.memory_space<hbm>>
    %dma_start3A_165 = tpu.memref_squeeze %dma_start3A_164 : memref<1x125xi32, #tpu.memory_space<hbm>> -> memref<125xi32, #tpu.memory_space<hbm>>
    %dma_start3A_166 = arith.constant 0 : i32
    %dma_start3A_167 = tpu.memref_slice %arg8[%dma_start3A_155, %dma_start3A_166] : memref<4x125xi32, #tpu.memory_space<vmem>> -> memref<1x125xi32, #tpu.memory_space<vmem>>
    %dma_start3A_168 = tpu.memref_squeeze %dma_start3A_167 : memref<1x125xi32, #tpu.memory_space<vmem>> -> memref<125xi32, #tpu.memory_space<vmem>>
    %dma_start3A_169 = arith.constant 0 : i32
    %dma_start3A_170 = arith.constant 0 : i32
    %dma_start3A_171 = tpu.memref_slice %arg4[%add3A, %dma_start3A_169, %dma_start3A_170] : memref<32x80x125xi32, #tpu.memory_space<hbm>> -> memref<1x80x125xi32, #tpu.memory_space<hbm>>
    %dma_start3A_172 = tpu.memref_squeeze %dma_start3A_171 : memref<1x80x125xi32, #tpu.memory_space<hbm>> -> memref<80x125xi32, #tpu.memory_space<hbm>>
    %dma_start3A_173 = arith.constant 0 : i32
    %dma_start3A_174 = tpu.memref_slice %dma_start3A_172[%dma_start3A_154, %dma_start3A_173] : memref<80x125xi32, #tpu.memory_space<hbm>> -> memref<1x125xi32, #tpu.memory_space<hbm>>
    %dma_start3A_175 = tpu.memref_squeeze %dma_start3A_174 : memref<1x125xi32, #tpu.memory_space<hbm>> -> memref<125xi32, #tpu.memory_space<hbm>>
    tpu.enqueue_dma source(%dma_start3A_175 : memref<125xi32, #tpu.memory_space<hbm>>) target(%dma_start3A_168 : memref<125xi32, #tpu.memory_space<vmem>>) target_semaphore(%arg14 : memref<!tpu.dma_semaphore, #tpu.memory_space<semaphore_mem>>)
    %mul3A_176 = arith.constant 624 : i32
    %mul3A_177 = arith.muli %arg1, %mul3A_176 : i32
    "tpu.region"() ({
      %run_scoped3A = tpu.sem_alloc : memref<!tpu.dma_semaphore, #tpu.memory_space<semaphore_mem>>
      %dma_start3A_294 = arith.constant 0 : i32
      %dma_start3A_295 = tpu.memref_slice %arg11[%mul3A_177, %dma_start3A_294] : memref<10000x128xf32, #tpu.memory_space<vmem_shared>> -> memref<624x128xf32, #tpu.memory_space<vmem_shared>>
      tpu.enqueue_dma source(%arg5 : memref<624x128xf32, #tpu.memory_space<hbm>>) target(%dma_start3A_295 : memref<624x128xf32, #tpu.memory_space<vmem_shared>>) target_semaphore(%run_scoped3A : memref<!tpu.dma_semaphore, #tpu.memory_space<semaphore_mem>>)
      %dma_wait3A_296 = arith.constant 0 : i32
      %dma_wait3A_297 = tpu.memref_slice %arg11[%mul3A_177, %dma_wait3A_296] : memref<10000x128xf32, #tpu.memory_space<vmem_shared>> -> memref<624x128xf32, #tpu.memory_space<vmem_shared>>
      tpu.wait_dma2 semaphore(%run_scoped3A : memref<!tpu.dma_semaphore, #tpu.memory_space<semaphore_mem>>) src(%arg5 : memref<624x128xf32, #tpu.memory_space<hbm>>) dst(%dma_wait3A_297 : memref<624x128xf32, #tpu.memory_space<vmem_shared>>)
      tpu.yield
    }) : () -> ()
    %eq3A = arith.constant 15 : i32
    %eq3A_178 = arith.cmpi eq, %arg1, %eq3A : i32
    %convert_element_type3A = arith.extui %eq3A_178 : i1 to i32
    %cond3A = arith.constant 0 : i32
    %cond3A_179 = arith.cmpi ne, %convert_element_type3A, %cond3A : i32
    scf.if %cond3A_179 {
      "tpu.region"() ({
        %run_scoped3A = tpu.sem_alloc : memref<!tpu.dma_semaphore, #tpu.memory_space<semaphore_mem>>
        %dma_start3A_294 = arith.constant 9984 : i32
        %dma_start3A_295 = arith.constant 0 : i32
        %dma_start3A_296 = tpu.memref_slice %arg11[%dma_start3A_294, %dma_start3A_295] : memref<10000x128xf32, #tpu.memory_space<vmem_shared>> -> memref<16x128xf32, #tpu.memory_space<vmem_shared>>
        %dma_start3A_297 = arith.constant 0 : i32
        %dma_start3A_298 = arith.constant 0 : i32
        %dma_start3A_299 = tpu.memref_slice %arg5[%dma_start3A_297, %dma_start3A_298] : memref<624x128xf32, #tpu.memory_space<hbm>> -> memref<16x128xf32, #tpu.memory_space<hbm>>
        tpu.enqueue_dma source(%dma_start3A_299 : memref<16x128xf32, #tpu.memory_space<hbm>>) target(%dma_start3A_296 : memref<16x128xf32, #tpu.memory_space<vmem_shared>>) target_semaphore(%run_scoped3A : memref<!tpu.dma_semaphore, #tpu.memory_space<semaphore_mem>>)
        %dma_wait3A_300 = arith.constant 9984 : i32
        %dma_wait3A_301 = arith.constant 0 : i32
        %dma_wait3A_302 = tpu.memref_slice %arg11[%dma_wait3A_300, %dma_wait3A_301] : memref<10000x128xf32, #tpu.memory_space<vmem_shared>> -> memref<16x128xf32, #tpu.memory_space<vmem_shared>>
        %dma_wait3A_303 = arith.constant 0 : i32
        %dma_wait3A_304 = arith.constant 0 : i32
        %dma_wait3A_305 = tpu.memref_slice %arg5[%dma_wait3A_303, %dma_wait3A_304] : memref<624x128xf32, #tpu.memory_space<hbm>> -> memref<16x128xf32, #tpu.memory_space<hbm>>
        tpu.wait_dma2 semaphore(%run_scoped3A : memref<!tpu.dma_semaphore, #tpu.memory_space<semaphore_mem>>) src(%dma_wait3A_305 : memref<16x128xf32, #tpu.memory_space<hbm>>) dst(%dma_wait3A_302 : memref<16x128xf32, #tpu.memory_space<vmem_shared>>)
        tpu.yield
      }) : () -> ()
    } else {
    }
    %dma_wait3A = arith.constant 0 : i32
    %dma_wait3A_180 = arith.constant 0 : i32
    %dma_wait3A_181 = arith.constant 0 : i32
    %dma_wait3A_182 = tpu.memref_slice %arg7[%dma_wait3A_180, %dma_wait3A_181] : memref<4x125xi32, #tpu.memory_space<vmem>> -> memref<1x125xi32, #tpu.memory_space<vmem>>
    %dma_wait3A_183 = tpu.memref_squeeze %dma_wait3A_182 : memref<1x125xi32, #tpu.memory_space<vmem>> -> memref<125xi32, #tpu.memory_space<vmem>>
    %dma_wait3A_184 = arith.constant 0 : i32
    %dma_wait3A_185 = arith.constant 0 : i32
    %dma_wait3A_186 = tpu.memref_slice %arg3[%add3A, %dma_wait3A_184, %dma_wait3A_185] : memref<32x80x125xi32, #tpu.memory_space<hbm>> -> memref<1x80x125xi32, #tpu.memory_space<hbm>>
    %dma_wait3A_187 = tpu.memref_squeeze %dma_wait3A_186 : memref<1x80x125xi32, #tpu.memory_space<hbm>> -> memref<80x125xi32, #tpu.memory_space<hbm>>
    %dma_wait3A_188 = arith.constant 0 : i32
    %dma_wait3A_189 = tpu.memref_slice %dma_wait3A_187[%dma_wait3A, %dma_wait3A_188] : memref<80x125xi32, #tpu.memory_space<hbm>> -> memref<1x125xi32, #tpu.memory_space<hbm>>
    %dma_wait3A_190 = tpu.memref_squeeze %dma_wait3A_189 : memref<1x125xi32, #tpu.memory_space<hbm>> -> memref<125xi32, #tpu.memory_space<hbm>>
    %dma_wait3A_191 = arith.constant 0 : i32
    %dma_wait3A_192 = tpu.memref_slice %arg7[%dma_wait3A_180, %dma_wait3A_191] : memref<4x125xi32, #tpu.memory_space<vmem>> -> memref<1x125xi32, #tpu.memory_space<vmem>>
    %dma_wait3A_193 = tpu.memref_squeeze %dma_wait3A_192 : memref<1x125xi32, #tpu.memory_space<vmem>> -> memref<125xi32, #tpu.memory_space<vmem>>
    %dma_wait3A_194 = arith.constant 0 : i32
    %dma_wait3A_195 = arith.constant 0 : i32
    %dma_wait3A_196 = tpu.memref_slice %arg3[%add3A, %dma_wait3A_194, %dma_wait3A_195] : memref<32x80x125xi32, #tpu.memory_space<hbm>> -> memref<1x80x125xi32, #tpu.memory_space<hbm>>
    %dma_wait3A_197 = tpu.memref_squeeze %dma_wait3A_196 : memref<1x80x125xi32, #tpu.memory_space<hbm>> -> memref<80x125xi32, #tpu.memory_space<hbm>>
    %dma_wait3A_198 = arith.constant 0 : i32
    %dma_wait3A_199 = tpu.memref_slice %dma_wait3A_197[%dma_wait3A, %dma_wait3A_198] : memref<80x125xi32, #tpu.memory_space<hbm>> -> memref<1x125xi32, #tpu.memory_space<hbm>>
    %dma_wait3A_200 = tpu.memref_squeeze %dma_wait3A_199 : memref<1x125xi32, #tpu.memory_space<hbm>> -> memref<125xi32, #tpu.memory_space<hbm>>
    tpu.wait_dma2 semaphore(%arg14 : memref<!tpu.dma_semaphore, #tpu.memory_space<semaphore_mem>>) src(%dma_wait3A_200 : memref<125xi32, #tpu.memory_space<hbm>>) dst(%dma_wait3A_193 : memref<125xi32, #tpu.memory_space<vmem>>)
    %dma_wait3A_201 = arith.constant 0 : i32
    %dma_wait3A_202 = arith.constant 0 : i32
    %dma_wait3A_203 = arith.constant 0 : i32
    %dma_wait3A_204 = tpu.memref_slice %arg8[%dma_wait3A_202, %dma_wait3A_203] : memref<4x125xi32, #tpu.memory_space<vmem>> -> memref<1x125xi32, #tpu.memory_space<vmem>>
    %dma_wait3A_205 = tpu.memref_squeeze %dma_wait3A_204 : memref<1x125xi32, #tpu.memory_space<vmem>> -> memref<125xi32, #tpu.memory_space<vmem>>
    %dma_wait3A_206 = arith.constant 0 : i32
    %dma_wait3A_207 = arith.constant 0 : i32
    %dma_wait3A_208 = tpu.memref_slice %arg4[%add3A, %dma_wait3A_206, %dma_wait3A_207] : memref<32x80x125xi32, #tpu.memory_space<hbm>> -> memref<1x80x125xi32, #tpu.memory_space<hbm>>
    %dma_wait3A_209 = tpu.memref_squeeze %dma_wait3A_208 : memref<1x80x125xi32, #tpu.memory_space<hbm>> -> memref<80x125xi32, #tpu.memory_space<hbm>>
    %dma_wait3A_210 = arith.constant 0 : i32
    %dma_wait3A_211 = tpu.memref_slice %dma_wait3A_209[%dma_wait3A_201, %dma_wait3A_210] : memref<80x125xi32, #tpu.memory_space<hbm>> -> memref<1x125xi32, #tpu.memory_space<hbm>>
    %dma_wait3A_212 = tpu.memref_squeeze %dma_wait3A_211 : memref<1x125xi32, #tpu.memory_space<hbm>> -> memref<125xi32, #tpu.memory_space<hbm>>
    %dma_wait3A_213 = arith.constant 0 : i32
    %dma_wait3A_214 = tpu.memref_slice %arg8[%dma_wait3A_202, %dma_wait3A_213] : memref<4x125xi32, #tpu.memory_space<vmem>> -> memref<1x125xi32, #tpu.memory_space<vmem>>
    %dma_wait3A_215 = tpu.memref_squeeze %dma_wait3A_214 : memref<1x125xi32, #tpu.memory_space<vmem>> -> memref<125xi32, #tpu.memory_space<vmem>>
    %dma_wait3A_216 = arith.constant 0 : i32
    %dma_wait3A_217 = arith.constant 0 : i32
    %dma_wait3A_218 = tpu.memref_slice %arg4[%add3A, %dma_wait3A_216, %dma_wait3A_217] : memref<32x80x125xi32, #tpu.memory_space<hbm>> -> memref<1x80x125xi32, #tpu.memory_space<hbm>>
    %dma_wait3A_219 = tpu.memref_squeeze %dma_wait3A_218 : memref<1x80x125xi32, #tpu.memory_space<hbm>> -> memref<80x125xi32, #tpu.memory_space<hbm>>
    %dma_wait3A_220 = arith.constant 0 : i32
    %dma_wait3A_221 = tpu.memref_slice %dma_wait3A_219[%dma_wait3A_201, %dma_wait3A_220] : memref<80x125xi32, #tpu.memory_space<hbm>> -> memref<1x125xi32, #tpu.memory_space<hbm>>
    %dma_wait3A_222 = tpu.memref_squeeze %dma_wait3A_221 : memref<1x125xi32, #tpu.memory_space<hbm>> -> memref<125xi32, #tpu.memory_space<hbm>>
    tpu.wait_dma2 semaphore(%arg14 : memref<!tpu.dma_semaphore, #tpu.memory_space<semaphore_mem>>) src(%dma_wait3A_222 : memref<125xi32, #tpu.memory_space<hbm>>) dst(%dma_wait3A_215 : memref<125xi32, #tpu.memory_space<vmem>>)
    %dma_start3A_223 = arith.constant 0 : i32
    %dma_start3A_224 = arith.constant 0 : i32
    %dma_start3A_225 = tpu.memref_slice %arg7[%dma_start3A_223, %dma_start3A_224] : memref<4x125xi32, #tpu.memory_space<vmem>> -> memref<1x125xi32, #tpu.memory_space<vmem>>
    %dma_start3A_226 = tpu.memref_squeeze %dma_start3A_225 : memref<1x125xi32, #tpu.memory_space<vmem>> -> memref<125xi32, #tpu.memory_space<vmem>>
    %dma_start3A_227 = arith.constant 0 : i32
    %dma_start3A_228 = arith.constant 0 : i32
    %dma_start3A_229 = tpu.memref_slice %arg2[%dma_start3A_227, %dma_start3A_228] : memref<10000x128xf32, #tpu.memory_space<hbm>> -> memref<10000x128xf32, #tpu.memory_space<hbm>>
    tpu.enqueue_indirect_dma source(%dma_start3A_229 : memref<10000x128xf32, #tpu.memory_space<hbm>>) target(%arg9 : memref<125x128xf32, #tpu.memory_space<vmem>>) offsets(%dma_start3A_226 : memref<125xi32, #tpu.memory_space<vmem>>) semaphore(%arg12 : memref<!tpu.dma_semaphore, #tpu.memory_space<semaphore_mem>>)
    %dma_wait3A_230 = arith.constant 0 : i32
    %dma_wait3A_231 = arith.constant 0 : i32
    %dma_wait3A_232 = arith.constant 0 : i32
    %dma_wait3A_233 = tpu.memref_slice %arg7[%dma_wait3A_231, %dma_wait3A_232] : memref<4x125xi32, #tpu.memory_space<vmem>> -> memref<1x125xi32, #tpu.memory_space<vmem>>
    %dma_wait3A_234 = tpu.memref_squeeze %dma_wait3A_233 : memref<1x125xi32, #tpu.memory_space<vmem>> -> memref<125xi32, #tpu.memory_space<vmem>>
    %dma_wait3A_235 = arith.constant 0 : i32
    %dma_wait3A_236 = arith.constant 0 : i32
    %dma_wait3A_237 = tpu.memref_slice %arg3[%add3A, %dma_wait3A_235, %dma_wait3A_236] : memref<32x80x125xi32, #tpu.memory_space<hbm>> -> memref<1x80x125xi32, #tpu.memory_space<hbm>>
    %dma_wait3A_238 = tpu.memref_squeeze %dma_wait3A_237 : memref<1x80x125xi32, #tpu.memory_space<hbm>> -> memref<80x125xi32, #tpu.memory_space<hbm>>
    %dma_wait3A_239 = arith.constant 0 : i32
    %dma_wait3A_240 = tpu.memref_slice %dma_wait3A_238[%dma_wait3A_230, %dma_wait3A_239] : memref<80x125xi32, #tpu.memory_space<hbm>> -> memref<1x125xi32, #tpu.memory_space<hbm>>
    %dma_wait3A_241 = tpu.memref_squeeze %dma_wait3A_240 : memref<1x125xi32, #tpu.memory_space<hbm>> -> memref<125xi32, #tpu.memory_space<hbm>>
    %dma_wait3A_242 = arith.constant 0 : i32
    %dma_wait3A_243 = tpu.memref_slice %arg7[%dma_wait3A_231, %dma_wait3A_242] : memref<4x125xi32, #tpu.memory_space<vmem>> -> memref<1x125xi32, #tpu.memory_space<vmem>>
    %dma_wait3A_244 = tpu.memref_squeeze %dma_wait3A_243 : memref<1x125xi32, #tpu.memory_space<vmem>> -> memref<125xi32, #tpu.memory_space<vmem>>
    %dma_wait3A_245 = arith.constant 0 : i32
    %dma_wait3A_246 = arith.constant 0 : i32
    %dma_wait3A_247 = tpu.memref_slice %arg3[%add3A, %dma_wait3A_245, %dma_wait3A_246] : memref<32x80x125xi32, #tpu.memory_space<hbm>> -> memref<1x80x125xi32, #tpu.memory_space<hbm>>
    %dma_wait3A_248 = tpu.memref_squeeze %dma_wait3A_247 : memref<1x80x125xi32, #tpu.memory_space<hbm>> -> memref<80x125xi32, #tpu.memory_space<hbm>>
    %dma_wait3A_249 = arith.constant 0 : i32
    %dma_wait3A_250 = tpu.memref_slice %dma_wait3A_248[%dma_wait3A_230, %dma_wait3A_249] : memref<80x125xi32, #tpu.memory_space<hbm>> -> memref<1x125xi32, #tpu.memory_space<hbm>>
    %dma_wait3A_251 = tpu.memref_squeeze %dma_wait3A_250 : memref<1x125xi32, #tpu.memory_space<hbm>> -> memref<125xi32, #tpu.memory_space<hbm>>
    tpu.wait_dma2 semaphore(%arg14 : memref<!tpu.dma_semaphore, #tpu.memory_space<semaphore_mem>>) src(%dma_wait3A_251 : memref<125xi32, #tpu.memory_space<hbm>>) dst(%dma_wait3A_244 : memref<125xi32, #tpu.memory_space<vmem>>)
    %dma_wait3A_252 = arith.constant 0 : i32
    %dma_wait3A_253 = arith.constant 0 : i32
    %dma_wait3A_254 = arith.constant 0 : i32
    %dma_wait3A_255 = tpu.memref_slice %arg8[%dma_wait3A_253, %dma_wait3A_254] : memref<4x125xi32, #tpu.memory_space<vmem>> -> memref<1x125xi32, #tpu.memory_space<vmem>>
    %dma_wait3A_256 = tpu.memref_squeeze %dma_wait3A_255 : memref<1x125xi32, #tpu.memory_space<vmem>> -> memref<125xi32, #tpu.memory_space<vmem>>
    %dma_wait3A_257 = arith.constant 0 : i32
    %dma_wait3A_258 = arith.constant 0 : i32
    %dma_wait3A_259 = tpu.memref_slice %arg4[%add3A, %dma_wait3A_257, %dma_wait3A_258] : memref<32x80x125xi32, #tpu.memory_space<hbm>> -> memref<1x80x125xi32, #tpu.memory_space<hbm>>
    %dma_wait3A_260 = tpu.memref_squeeze %dma_wait3A_259 : memref<1x80x125xi32, #tpu.memory_space<hbm>> -> memref<80x125xi32, #tpu.memory_space<hbm>>
    %dma_wait3A_261 = arith.constant 0 : i32
    %dma_wait3A_262 = tpu.memref_slice %dma_wait3A_260[%dma_wait3A_252, %dma_wait3A_261] : memref<80x125xi32, #tpu.memory_space<hbm>> -> memref<1x125xi32, #tpu.memory_space<hbm>>
    %dma_wait3A_263 = tpu.memref_squeeze %dma_wait3A_262 : memref<1x125xi32, #tpu.memory_space<hbm>> -> memref<125xi32, #tpu.memory_space<hbm>>
    %dma_wait3A_264 = arith.constant 0 : i32
    %dma_wait3A_265 = tpu.memref_slice %arg8[%dma_wait3A_253, %dma_wait3A_264] : memref<4x125xi32, #tpu.memory_space<vmem>> -> memref<1x125xi32, #tpu.memory_space<vmem>>
    %dma_wait3A_266 = tpu.memref_squeeze %dma_wait3A_265 : memref<1x125xi32, #tpu.memory_space<vmem>> -> memref<125xi32, #tpu.memory_space<vmem>>
    %dma_wait3A_267 = arith.constant 0 : i32
    %dma_wait3A_268 = arith.constant 0 : i32
    %dma_wait3A_269 = tpu.memref_slice %arg4[%add3A, %dma_wait3A_267, %dma_wait3A_268] : memref<32x80x125xi32, #tpu.memory_space<hbm>> -> memref<1x80x125xi32, #tpu.memory_space<hbm>>
    %dma_wait3A_270 = tpu.memref_squeeze %dma_wait3A_269 : memref<1x80x125xi32, #tpu.memory_space<hbm>> -> memref<80x125xi32, #tpu.memory_space<hbm>>
    %dma_wait3A_271 = arith.constant 0 : i32
    %dma_wait3A_272 = tpu.memref_slice %dma_wait3A_270[%dma_wait3A_252, %dma_wait3A_271] : memref<80x125xi32, #tpu.memory_space<hbm>> -> memref<1x125xi32, #tpu.memory_space<hbm>>
    %dma_wait3A_273 = tpu.memref_squeeze %dma_wait3A_272 : memref<1x125xi32, #tpu.memory_space<hbm>> -> memref<125xi32, #tpu.memory_space<hbm>>
    tpu.wait_dma2 semaphore(%arg14 : memref<!tpu.dma_semaphore, #tpu.memory_space<semaphore_mem>>) src(%dma_wait3A_273 : memref<125xi32, #tpu.memory_space<hbm>>) dst(%dma_wait3A_266 : memref<125xi32, #tpu.memory_space<vmem>>)
    %dma_start3A_274 = arith.constant 1 : i32
    %dma_start3A_275 = arith.constant 0 : i32
    %dma_start3A_276 = tpu.memref_slice %arg7[%dma_start3A_274, %dma_start3A_275] : memref<4x125xi32, #tpu.memory_space<vmem>> -> memref<1x125xi32, #tpu.memory_space<vmem>>
    %dma_start3A_277 = tpu.memref_squeeze %dma_start3A_276 : memref<1x125xi32, #tpu.memory_space<vmem>> -> memref<125xi32, #tpu.memory_space<vmem>>
    %dma_start3A_278 = arith.constant 0 : i32
    %dma_start3A_279 = arith.constant 0 : i32
    %dma_start3A_280 = tpu.memref_slice %arg2[%dma_start3A_278, %dma_start3A_279] : memref<10000x128xf32, #tpu.memory_space<hbm>> -> memref<10000x128xf32, #tpu.memory_space<hbm>>
    tpu.enqueue_indirect_dma source(%dma_start3A_280 : memref<10000x128xf32, #tpu.memory_space<hbm>>) target(%arg10 : memref<125x128xf32, #tpu.memory_space<vmem>>) offsets(%dma_start3A_277 : memref<125xi32, #tpu.memory_space<vmem>>) semaphore(%arg12 : memref<!tpu.dma_semaphore, #tpu.memory_space<semaphore_mem>>)
    %barrier3A = arith.constant 0 : index
    tpu.barrier barrier_id(%barrier3A)
    %scan3A = arith.constant 0 : i32
    %scan3A_281 = arith.constant 0 : i32
    %scan3A_282 = arith.constant 40 : i32
    %scan3A_283 = arith.addi %scan3A_281, %scan3A_282 : i32
    %scan3A_284 = arith.constant 1 : i32
    scf.for %scan3A_294 = %scan3A_281 to %scan3A_283 step %scan3A_284  : i32 {
      %mul3A_295 = arith.constant 2 : i32
      %mul3A_296 = arith.muli %scan3A_294, %mul3A_295 : i32
      %add3A_297 = arith.constant 0 : i32
      %add3A_298 = arith.addi %mul3A_296, %add3A_297 : i32
      %dma_wait3A_299 = arith.constant 0 : i32
      %dma_wait3A_300 = arith.constant 0 : i32
      %dma_wait3A_301 = tpu.memref_slice %arg7[%dma_wait3A_299, %dma_wait3A_300] : memref<4x125xi32, #tpu.memory_space<vmem>> -> memref<1x125xi32, #tpu.memory_space<vmem>>
      %dma_wait3A_302 = tpu.memref_squeeze %dma_wait3A_301 : memref<1x125xi32, #tpu.memory_space<vmem>> -> memref<125xi32, #tpu.memory_space<vmem>>
      %dma_wait3A_303 = arith.constant 0 : i32
      %dma_wait3A_304 = arith.constant 0 : i32
      %dma_wait3A_305 = tpu.memref_slice %arg2[%dma_wait3A_303, %dma_wait3A_304] : memref<10000x128xf32, #tpu.memory_space<hbm>> -> memref<10000x128xf32, #tpu.memory_space<hbm>>
      tpu.wait_indirect_dma semaphore(%arg12 : memref<!tpu.dma_semaphore, #tpu.memory_space<semaphore_mem>>) src(%dma_wait3A_305 : memref<10000x128xf32, #tpu.memory_space<hbm>>) dst(%arg9 : memref<125x128xf32, #tpu.memory_space<vmem>>)
      %jit3A = arith.constant 4 : i32
      %eq3A_306 = arith.constant 0 : i32
      %eq3A_307 = arith.cmpi eq, %jit3A, %eq3A_306 : i32
      %jit3A_308 = arith.constant 1 : i32
      %select_n3A = arith.select %eq3A_307, %jit3A_308, %jit3A : i32
      %rem3A = arith.remsi %add3A_298, %select_n3A : i32
      %ne3A = arith.constant 0 : i32
      %ne3A_309 = arith.cmpi ne, %rem3A, %ne3A : i32
      %lt3A = arith.constant 0 : i32
      %lt3A_310 = arith.cmpi slt, %rem3A, %lt3A : i32
      %lt3A_311 = arith.constant 0 : i32
      %lt3A_312 = arith.cmpi slt, %select_n3A, %lt3A_311 : i32
      %ne3A_313 = arith.xori %lt3A_310, %lt3A_312 : i1
      %and3A = arith.andi %ne3A_313, %ne3A_309 : i1
      %add3A_314 = arith.addi %rem3A, %select_n3A : i32
      %select_n3A_315 = arith.select %and3A, %add3A_314, %rem3A : i32
      %dma_start3A_316 = arith.constant 0 : i32
      %dma_start3A_317 = tpu.memref_slice %arg8[%select_n3A_315, %dma_start3A_316] : memref<4x125xi32, #tpu.memory_space<vmem>> -> memref<1x125xi32, #tpu.memory_space<vmem>>
      %dma_start3A_318 = tpu.memref_squeeze %dma_start3A_317 : memref<1x125xi32, #tpu.memory_space<vmem>> -> memref<125xi32, #tpu.memory_space<vmem>>
      %dma_start3A_319 = arith.constant 0 : i32
      %dma_start3A_320 = arith.constant 0 : i32
      %dma_start3A_321 = tpu.memref_slice %arg11[%dma_start3A_319, %dma_start3A_320] : memref<10000x128xf32, #tpu.memory_space<vmem_shared>> -> memref<10000x128xf32, #tpu.memory_space<vmem_shared>>
      tpu.enqueue_indirect_dma source(%arg9 : memref<125x128xf32, #tpu.memory_space<vmem>>) target(%dma_start3A_321 : memref<10000x128xf32, #tpu.memory_space<vmem_shared>>) offsets(%dma_start3A_318 : memref<125xi32, #tpu.memory_space<vmem>>) semaphore(%arg13 : memref<!tpu.dma_semaphore, #tpu.memory_space<semaphore_mem>>) {add = true}
      %add3A_322 = arith.constant 1 : i32
      %add3A_323 = arith.addi %mul3A_296, %add3A_322 : i32
      %dma_wait3A_324 = arith.constant 0 : i32
      %dma_wait3A_325 = arith.constant 0 : i32
      %dma_wait3A_326 = tpu.memref_slice %arg7[%dma_wait3A_324, %dma_wait3A_325] : memref<4x125xi32, #tpu.memory_space<vmem>> -> memref<1x125xi32, #tpu.memory_space<vmem>>
      %dma_wait3A_327 = tpu.memref_squeeze %dma_wait3A_326 : memref<1x125xi32, #tpu.memory_space<vmem>> -> memref<125xi32, #tpu.memory_space<vmem>>
      %dma_wait3A_328 = arith.constant 0 : i32
      %dma_wait3A_329 = arith.constant 0 : i32
      %dma_wait3A_330 = tpu.memref_slice %arg2[%dma_wait3A_328, %dma_wait3A_329] : memref<10000x128xf32, #tpu.memory_space<hbm>> -> memref<10000x128xf32, #tpu.memory_space<hbm>>
      tpu.wait_indirect_dma semaphore(%arg12 : memref<!tpu.dma_semaphore, #tpu.memory_space<semaphore_mem>>) src(%dma_wait3A_330 : memref<10000x128xf32, #tpu.memory_space<hbm>>) dst(%arg10 : memref<125x128xf32, #tpu.memory_space<vmem>>)
      %jit3A_331 = arith.constant 4 : i32
      %eq3A_332 = arith.constant 0 : i32
      %eq3A_333 = arith.cmpi eq, %jit3A_331, %eq3A_332 : i32
      %jit3A_334 = arith.constant 1 : i32
      %select_n3A_335 = arith.select %eq3A_333, %jit3A_334, %jit3A_331 : i32
      %rem3A_336 = arith.remsi %add3A_323, %select_n3A_335 : i32
      %ne3A_337 = arith.constant 0 : i32
      %ne3A_338 = arith.cmpi ne, %rem3A_336, %ne3A_337 : i32
      %lt3A_339 = arith.constant 0 : i32
      %lt3A_340 = arith.cmpi slt, %rem3A_336, %lt3A_339 : i32
      %lt3A_341 = arith.constant 0 : i32
      %lt3A_342 = arith.cmpi slt, %select_n3A_335, %lt3A_341 : i32
      %ne3A_343 = arith.xori %lt3A_340, %lt3A_342 : i1
      %and3A_344 = arith.andi %ne3A_343, %ne3A_338 : i1
      %add3A_345 = arith.addi %rem3A_336, %select_n3A_335 : i32
      %select_n3A_346 = arith.select %and3A_344, %add3A_345, %rem3A_336 : i32
      %dma_start3A_347 = arith.constant 0 : i32
      %dma_start3A_348 = tpu.memref_slice %arg8[%select_n3A_346, %dma_start3A_347] : memref<4x125xi32, #tpu.memory_space<vmem>> -> memref<1x125xi32, #tpu.memory_space<vmem>>
      %dma_start3A_349 = tpu.memref_squeeze %dma_start3A_348 : memref<1x125xi32, #tpu.memory_space<vmem>> -> memref<125xi32, #tpu.memory_space<vmem>>
      %dma_start3A_350 = arith.constant 0 : i32
      %dma_start3A_351 = arith.constant 0 : i32
      %dma_start3A_352 = tpu.memref_slice %arg11[%dma_start3A_350, %dma_start3A_351] : memref<10000x128xf32, #tpu.memory_space<vmem_shared>> -> memref<10000x128xf32, #tpu.memory_space<vmem_shared>>
      tpu.enqueue_indirect_dma source(%arg10 : memref<125x128xf32, #tpu.memory_space<vmem>>) target(%dma_start3A_352 : memref<10000x128xf32, #tpu.memory_space<vmem_shared>>) offsets(%dma_start3A_349 : memref<125xi32, #tpu.memory_space<vmem>>) semaphore(%arg13 : memref<!tpu.dma_semaphore, #tpu.memory_space<semaphore_mem>>) {add = true}
      %add3A_353 = arith.constant 0 : i32
      %add3A_354 = arith.addi %mul3A_296, %add3A_353 : i32
      %dma_wait3A_355 = arith.constant 0 : i32
      %dma_wait3A_356 = arith.constant 0 : i32
      %dma_wait3A_357 = tpu.memref_slice %arg8[%dma_wait3A_355, %dma_wait3A_356] : memref<4x125xi32, #tpu.memory_space<vmem>> -> memref<1x125xi32, #tpu.memory_space<vmem>>
      %dma_wait3A_358 = tpu.memref_squeeze %dma_wait3A_357 : memref<1x125xi32, #tpu.memory_space<vmem>> -> memref<125xi32, #tpu.memory_space<vmem>>
      %dma_wait3A_359 = arith.constant 0 : i32
      %dma_wait3A_360 = arith.constant 0 : i32
      %dma_wait3A_361 = tpu.memref_slice %arg11[%dma_wait3A_359, %dma_wait3A_360] : memref<10000x128xf32, #tpu.memory_space<vmem_shared>> -> memref<10000x128xf32, #tpu.memory_space<vmem_shared>>
      tpu.wait_indirect_dma semaphore(%arg13 : memref<!tpu.dma_semaphore, #tpu.memory_space<semaphore_mem>>) src(%arg9 : memref<125x128xf32, #tpu.memory_space<vmem>>) dst(%dma_wait3A_361 : memref<10000x128xf32, #tpu.memory_space<vmem_shared>>)
      %add3A_362 = arith.constant 4 : i32
      %add3A_363 = arith.addi %mul3A_296, %add3A_362 : i32
      %add3A_364 = arith.constant 0 : i32
      %add3A_365 = arith.addi %add3A_363, %add3A_364 : i32
      %lt3A_366 = arith.constant 80 : i32
      %lt3A_367 = arith.cmpi slt, %add3A_365, %lt3A_366 : i32
      %convert_element_type3A_368 = arith.extui %lt3A_367 : i1 to i32
      %cond3A_369 = arith.constant 0 : i32
      %cond3A_370 = arith.cmpi ne, %convert_element_type3A_368, %cond3A_369 : i32
      scf.if %cond3A_370 {
        %jit3A_407 = arith.constant 4 : i32
        %eq3A_408 = arith.constant 0 : i32
        %eq3A_409 = arith.cmpi eq, %jit3A_407, %eq3A_408 : i32
        %jit3A_410 = arith.constant 1 : i32
        %select_n3A_411 = arith.select %eq3A_409, %jit3A_410, %jit3A_407 : i32
        %rem3A_412 = arith.remsi %add3A_354, %select_n3A_411 : i32
        %ne3A_413 = arith.constant 0 : i32
        %ne3A_414 = arith.cmpi ne, %rem3A_412, %ne3A_413 : i32
        %lt3A_415 = arith.constant 0 : i32
        %lt3A_416 = arith.cmpi slt, %rem3A_412, %lt3A_415 : i32
        %lt3A_417 = arith.constant 0 : i32
        %lt3A_418 = arith.cmpi slt, %select_n3A_411, %lt3A_417 : i32
        %ne3A_419 = arith.xori %lt3A_416, %lt3A_418 : i1
        %and3A_420 = arith.andi %ne3A_419, %ne3A_414 : i1
        %add3A_421 = arith.addi %rem3A_412, %select_n3A_411 : i32
        %select_n3A_422 = arith.select %and3A_420, %add3A_421, %rem3A_412 : i32
        %dma_start3A_423 = arith.constant 0 : i32
        %dma_start3A_424 = tpu.memref_slice %arg7[%select_n3A_422, %dma_start3A_423] : memref<4x125xi32, #tpu.memory_space<vmem>> -> memref<1x125xi32, #tpu.memory_space<vmem>>
        %dma_start3A_425 = tpu.memref_squeeze %dma_start3A_424 : memref<1x125xi32, #tpu.memory_space<vmem>> -> memref<125xi32, #tpu.memory_space<vmem>>
        %dma_start3A_426 = arith.constant 0 : i32
        %dma_start3A_427 = arith.constant 0 : i32
        %dma_start3A_428 = tpu.memref_slice %arg3[%add3A, %dma_start3A_426, %dma_start3A_427] : memref<32x80x125xi32, #tpu.memory_space<hbm>> -> memref<1x80x125xi32, #tpu.memory_space<hbm>>
        %dma_start3A_429 = tpu.memref_squeeze %dma_start3A_428 : memref<1x80x125xi32, #tpu.memory_space<hbm>> -> memref<80x125xi32, #tpu.memory_space<hbm>>
        %dma_start3A_430 = arith.constant 0 : i32
        %dma_start3A_431 = tpu.memref_slice %dma_start3A_429[%add3A_365, %dma_start3A_430] : memref<80x125xi32, #tpu.memory_space<hbm>> -> memref<1x125xi32, #tpu.memory_space<hbm>>
        %dma_start3A_432 = tpu.memref_squeeze %dma_start3A_431 : memref<1x125xi32, #tpu.memory_space<hbm>> -> memref<125xi32, #tpu.memory_space<hbm>>
        %dma_start3A_433 = arith.constant 0 : i32
        %dma_start3A_434 = tpu.memref_slice %arg7[%select_n3A_422, %dma_start3A_433] : memref<4x125xi32, #tpu.memory_space<vmem>> -> memref<1x125xi32, #tpu.memory_space<vmem>>
        %dma_start3A_435 = tpu.memref_squeeze %dma_start3A_434 : memref<1x125xi32, #tpu.memory_space<vmem>> -> memref<125xi32, #tpu.memory_space<vmem>>
        %dma_start3A_436 = arith.constant 0 : i32
        %dma_start3A_437 = arith.constant 0 : i32
        %dma_start3A_438 = tpu.memref_slice %arg3[%add3A, %dma_start3A_436, %dma_start3A_437] : memref<32x80x125xi32, #tpu.memory_space<hbm>> -> memref<1x80x125xi32, #tpu.memory_space<hbm>>
        %dma_start3A_439 = tpu.memref_squeeze %dma_start3A_438 : memref<1x80x125xi32, #tpu.memory_space<hbm>> -> memref<80x125xi32, #tpu.memory_space<hbm>>
        %dma_start3A_440 = arith.constant 0 : i32
        %dma_start3A_441 = tpu.memref_slice %dma_start3A_439[%add3A_365, %dma_start3A_440] : memref<80x125xi32, #tpu.memory_space<hbm>> -> memref<1x125xi32, #tpu.memory_space<hbm>>
        %dma_start3A_442 = tpu.memref_squeeze %dma_start3A_441 : memref<1x125xi32, #tpu.memory_space<hbm>> -> memref<125xi32, #tpu.memory_space<hbm>>
        tpu.enqueue_dma source(%dma_start3A_442 : memref<125xi32, #tpu.memory_space<hbm>>) target(%dma_start3A_435 : memref<125xi32, #tpu.memory_space<vmem>>) target_semaphore(%arg14 : memref<!tpu.dma_semaphore, #tpu.memory_space<semaphore_mem>>)
        %dma_start3A_443 = arith.constant 0 : i32
        %dma_start3A_444 = tpu.memref_slice %arg8[%select_n3A_422, %dma_start3A_443] : memref<4x125xi32, #tpu.memory_space<vmem>> -> memref<1x125xi32, #tpu.memory_space<vmem>>
        %dma_start3A_445 = tpu.memref_squeeze %dma_start3A_444 : memref<1x125xi32, #tpu.memory_space<vmem>> -> memref<125xi32, #tpu.memory_space<vmem>>
        %dma_start3A_446 = arith.constant 0 : i32
        %dma_start3A_447 = arith.constant 0 : i32
        %dma_start3A_448 = tpu.memref_slice %arg4[%add3A, %dma_start3A_446, %dma_start3A_447] : memref<32x80x125xi32, #tpu.memory_space<hbm>> -> memref<1x80x125xi32, #tpu.memory_space<hbm>>
        %dma_start3A_449 = tpu.memref_squeeze %dma_start3A_448 : memref<1x80x125xi32, #tpu.memory_space<hbm>> -> memref<80x125xi32, #tpu.memory_space<hbm>>
        %dma_start3A_450 = arith.constant 0 : i32
        %dma_start3A_451 = tpu.memref_slice %dma_start3A_449[%add3A_365, %dma_start3A_450] : memref<80x125xi32, #tpu.memory_space<hbm>> -> memref<1x125xi32, #tpu.memory_space<hbm>>
        %dma_start3A_452 = tpu.memref_squeeze %dma_start3A_451 : memref<1x125xi32, #tpu.memory_space<hbm>> -> memref<125xi32, #tpu.memory_space<hbm>>
        %dma_start3A_453 = arith.constant 0 : i32
        %dma_start3A_454 = tpu.memref_slice %arg8[%select_n3A_422, %dma_start3A_453] : memref<4x125xi32, #tpu.memory_space<vmem>> -> memref<1x125xi32, #tpu.memory_space<vmem>>
        %dma_start3A_455 = tpu.memref_squeeze %dma_start3A_454 : memref<1x125xi32, #tpu.memory_space<vmem>> -> memref<125xi32, #tpu.memory_space<vmem>>
        %dma_start3A_456 = arith.constant 0 : i32
        %dma_start3A_457 = arith.constant 0 : i32
        %dma_start3A_458 = tpu.memref_slice %arg4[%add3A, %dma_start3A_456, %dma_start3A_457] : memref<32x80x125xi32, #tpu.memory_space<hbm>> -> memref<1x80x125xi32, #tpu.memory_space<hbm>>
        %dma_start3A_459 = tpu.memref_squeeze %dma_start3A_458 : memref<1x80x125xi32, #tpu.memory_space<hbm>> -> memref<80x125xi32, #tpu.memory_space<hbm>>
        %dma_start3A_460 = arith.constant 0 : i32
        %dma_start3A_461 = tpu.memref_slice %dma_start3A_459[%add3A_365, %dma_start3A_460] : memref<80x125xi32, #tpu.memory_space<hbm>> -> memref<1x125xi32, #tpu.memory_space<hbm>>
        %dma_start3A_462 = tpu.memref_squeeze %dma_start3A_461 : memref<1x125xi32, #tpu.memory_space<hbm>> -> memref<125xi32, #tpu.memory_space<hbm>>
        tpu.enqueue_dma source(%dma_start3A_462 : memref<125xi32, #tpu.memory_space<hbm>>) target(%dma_start3A_455 : memref<125xi32, #tpu.memory_space<vmem>>) target_semaphore(%arg14 : memref<!tpu.dma_semaphore, #tpu.memory_space<semaphore_mem>>)
      } else {
      }
      %add3A_371 = arith.constant 2 : i32
      %add3A_372 = arith.addi %mul3A_296, %add3A_371 : i32
      %add3A_373 = arith.constant 0 : i32
      %add3A_374 = arith.addi %add3A_372, %add3A_373 : i32
      %lt3A_375 = arith.constant 80 : i32
      %lt3A_376 = arith.cmpi slt, %add3A_374, %lt3A_375 : i32
      %convert_element_type3A_377 = arith.extui %lt3A_376 : i1 to i32
      %cond3A_378 = arith.constant 0 : i32
      %cond3A_379 = arith.cmpi ne, %convert_element_type3A_377, %cond3A_378 : i32
      scf.if %cond3A_379 {
        %dma_wait3A_407 = arith.constant 0 : i32
        %dma_wait3A_408 = arith.constant 0 : i32
        %dma_wait3A_409 = arith.constant 0 : i32
        %dma_wait3A_410 = tpu.memref_slice %arg7[%dma_wait3A_408, %dma_wait3A_409] : memref<4x125xi32, #tpu.memory_space<vmem>> -> memref<1x125xi32, #tpu.memory_space<vmem>>
        %dma_wait3A_411 = tpu.memref_squeeze %dma_wait3A_410 : memref<1x125xi32, #tpu.memory_space<vmem>> -> memref<125xi32, #tpu.memory_space<vmem>>
        %dma_wait3A_412 = arith.constant 0 : i32
        %dma_wait3A_413 = arith.constant 0 : i32
        %dma_wait3A_414 = tpu.memref_slice %arg3[%add3A, %dma_wait3A_412, %dma_wait3A_413] : memref<32x80x125xi32, #tpu.memory_space<hbm>> -> memref<1x80x125xi32, #tpu.memory_space<hbm>>
        %dma_wait3A_415 = tpu.memref_squeeze %dma_wait3A_414 : memref<1x80x125xi32, #tpu.memory_space<hbm>> -> memref<80x125xi32, #tpu.memory_space<hbm>>
        %dma_wait3A_416 = arith.constant 0 : i32
        %dma_wait3A_417 = tpu.memref_slice %dma_wait3A_415[%dma_wait3A_407, %dma_wait3A_416] : memref<80x125xi32, #tpu.memory_space<hbm>> -> memref<1x125xi32, #tpu.memory_space<hbm>>
        %dma_wait3A_418 = tpu.memref_squeeze %dma_wait3A_417 : memref<1x125xi32, #tpu.memory_space<hbm>> -> memref<125xi32, #tpu.memory_space<hbm>>
        %dma_wait3A_419 = arith.constant 0 : i32
        %dma_wait3A_420 = tpu.memref_slice %arg7[%dma_wait3A_408, %dma_wait3A_419] : memref<4x125xi32, #tpu.memory_space<vmem>> -> memref<1x125xi32, #tpu.memory_space<vmem>>
        %dma_wait3A_421 = tpu.memref_squeeze %dma_wait3A_420 : memref<1x125xi32, #tpu.memory_space<vmem>> -> memref<125xi32, #tpu.memory_space<vmem>>
        %dma_wait3A_422 = arith.constant 0 : i32
        %dma_wait3A_423 = arith.constant 0 : i32
        %dma_wait3A_424 = tpu.memref_slice %arg3[%add3A, %dma_wait3A_422, %dma_wait3A_423] : memref<32x80x125xi32, #tpu.memory_space<hbm>> -> memref<1x80x125xi32, #tpu.memory_space<hbm>>
        %dma_wait3A_425 = tpu.memref_squeeze %dma_wait3A_424 : memref<1x80x125xi32, #tpu.memory_space<hbm>> -> memref<80x125xi32, #tpu.memory_space<hbm>>
        %dma_wait3A_426 = arith.constant 0 : i32
        %dma_wait3A_427 = tpu.memref_slice %dma_wait3A_425[%dma_wait3A_407, %dma_wait3A_426] : memref<80x125xi32, #tpu.memory_space<hbm>> -> memref<1x125xi32, #tpu.memory_space<hbm>>
        %dma_wait3A_428 = tpu.memref_squeeze %dma_wait3A_427 : memref<1x125xi32, #tpu.memory_space<hbm>> -> memref<125xi32, #tpu.memory_space<hbm>>
        tpu.wait_dma2 semaphore(%arg14 : memref<!tpu.dma_semaphore, #tpu.memory_space<semaphore_mem>>) src(%dma_wait3A_428 : memref<125xi32, #tpu.memory_space<hbm>>) dst(%dma_wait3A_421 : memref<125xi32, #tpu.memory_space<vmem>>)
        %dma_wait3A_429 = arith.constant 0 : i32
        %dma_wait3A_430 = arith.constant 0 : i32
        %dma_wait3A_431 = arith.constant 0 : i32
        %dma_wait3A_432 = tpu.memref_slice %arg8[%dma_wait3A_430, %dma_wait3A_431] : memref<4x125xi32, #tpu.memory_space<vmem>> -> memref<1x125xi32, #tpu.memory_space<vmem>>
        %dma_wait3A_433 = tpu.memref_squeeze %dma_wait3A_432 : memref<1x125xi32, #tpu.memory_space<vmem>> -> memref<125xi32, #tpu.memory_space<vmem>>
        %dma_wait3A_434 = arith.constant 0 : i32
        %dma_wait3A_435 = arith.constant 0 : i32
        %dma_wait3A_436 = tpu.memref_slice %arg4[%add3A, %dma_wait3A_434, %dma_wait3A_435] : memref<32x80x125xi32, #tpu.memory_space<hbm>> -> memref<1x80x125xi32, #tpu.memory_space<hbm>>
        %dma_wait3A_437 = tpu.memref_squeeze %dma_wait3A_436 : memref<1x80x125xi32, #tpu.memory_space<hbm>> -> memref<80x125xi32, #tpu.memory_space<hbm>>
        %dma_wait3A_438 = arith.constant 0 : i32
        %dma_wait3A_439 = tpu.memref_slice %dma_wait3A_437[%dma_wait3A_429, %dma_wait3A_438] : memref<80x125xi32, #tpu.memory_space<hbm>> -> memref<1x125xi32, #tpu.memory_space<hbm>>
        %dma_wait3A_440 = tpu.memref_squeeze %dma_wait3A_439 : memref<1x125xi32, #tpu.memory_space<hbm>> -> memref<125xi32, #tpu.memory_space<hbm>>
        %dma_wait3A_441 = arith.constant 0 : i32
        %dma_wait3A_442 = tpu.memref_slice %arg8[%dma_wait3A_430, %dma_wait3A_441] : memref<4x125xi32, #tpu.memory_space<vmem>> -> memref<1x125xi32, #tpu.memory_space<vmem>>
        %dma_wait3A_443 = tpu.memref_squeeze %dma_wait3A_442 : memref<1x125xi32, #tpu.memory_space<vmem>> -> memref<125xi32, #tpu.memory_space<vmem>>
        %dma_wait3A_444 = arith.constant 0 : i32
        %dma_wait3A_445 = arith.constant 0 : i32
        %dma_wait3A_446 = tpu.memref_slice %arg4[%add3A, %dma_wait3A_444, %dma_wait3A_445] : memref<32x80x125xi32, #tpu.memory_space<hbm>> -> memref<1x80x125xi32, #tpu.memory_space<hbm>>
        %dma_wait3A_447 = tpu.memref_squeeze %dma_wait3A_446 : memref<1x80x125xi32, #tpu.memory_space<hbm>> -> memref<80x125xi32, #tpu.memory_space<hbm>>
        %dma_wait3A_448 = arith.constant 0 : i32
        %dma_wait3A_449 = tpu.memref_slice %dma_wait3A_447[%dma_wait3A_429, %dma_wait3A_448] : memref<80x125xi32, #tpu.memory_space<hbm>> -> memref<1x125xi32, #tpu.memory_space<hbm>>
        %dma_wait3A_450 = tpu.memref_squeeze %dma_wait3A_449 : memref<1x125xi32, #tpu.memory_space<hbm>> -> memref<125xi32, #tpu.memory_space<hbm>>
        tpu.wait_dma2 semaphore(%arg14 : memref<!tpu.dma_semaphore, #tpu.memory_space<semaphore_mem>>) src(%dma_wait3A_450 : memref<125xi32, #tpu.memory_space<hbm>>) dst(%dma_wait3A_443 : memref<125xi32, #tpu.memory_space<vmem>>)
        %jit3A_451 = arith.constant 4 : i32
        %eq3A_452 = arith.constant 0 : i32
        %eq3A_453 = arith.cmpi eq, %jit3A_451, %eq3A_452 : i32
        %jit3A_454 = arith.constant 1 : i32
        %select_n3A_455 = arith.select %eq3A_453, %jit3A_454, %jit3A_451 : i32
        %rem3A_456 = arith.remsi %add3A_374, %select_n3A_455 : i32
        %ne3A_457 = arith.constant 0 : i32
        %ne3A_458 = arith.cmpi ne, %rem3A_456, %ne3A_457 : i32
        %lt3A_459 = arith.constant 0 : i32
        %lt3A_460 = arith.cmpi slt, %rem3A_456, %lt3A_459 : i32
        %lt3A_461 = arith.constant 0 : i32
        %lt3A_462 = arith.cmpi slt, %select_n3A_455, %lt3A_461 : i32
        %ne3A_463 = arith.xori %lt3A_460, %lt3A_462 : i1
        %and3A_464 = arith.andi %ne3A_463, %ne3A_458 : i1
        %add3A_465 = arith.addi %rem3A_456, %select_n3A_455 : i32
        %select_n3A_466 = arith.select %and3A_464, %add3A_465, %rem3A_456 : i32
        %dma_start3A_467 = arith.constant 0 : i32
        %dma_start3A_468 = tpu.memref_slice %arg7[%select_n3A_466, %dma_start3A_467] : memref<4x125xi32, #tpu.memory_space<vmem>> -> memref<1x125xi32, #tpu.memory_space<vmem>>
        %dma_start3A_469 = tpu.memref_squeeze %dma_start3A_468 : memref<1x125xi32, #tpu.memory_space<vmem>> -> memref<125xi32, #tpu.memory_space<vmem>>
        %dma_start3A_470 = arith.constant 0 : i32
        %dma_start3A_471 = arith.constant 0 : i32
        %dma_start3A_472 = tpu.memref_slice %arg2[%dma_start3A_470, %dma_start3A_471] : memref<10000x128xf32, #tpu.memory_space<hbm>> -> memref<10000x128xf32, #tpu.memory_space<hbm>>
        tpu.enqueue_indirect_dma source(%dma_start3A_472 : memref<10000x128xf32, #tpu.memory_space<hbm>>) target(%arg9 : memref<125x128xf32, #tpu.memory_space<vmem>>) offsets(%dma_start3A_469 : memref<125xi32, #tpu.memory_space<vmem>>) semaphore(%arg12 : memref<!tpu.dma_semaphore, #tpu.memory_space<semaphore_mem>>)
      } else {
      }
      %add3A_380 = arith.constant 1 : i32
      %add3A_381 = arith.addi %mul3A_296, %add3A_380 : i32
      %dma_wait3A_382 = arith.constant 0 : i32
      %dma_wait3A_383 = arith.constant 0 : i32
      %dma_wait3A_384 = tpu.memref_slice %arg8[%dma_wait3A_382, %dma_wait3A_383] : memref<4x125xi32, #tpu.memory_space<vmem>> -> memref<1x125xi32, #tpu.memory_space<vmem>>
      %dma_wait3A_385 = tpu.memref_squeeze %dma_wait3A_384 : memref<1x125xi32, #tpu.memory_space<vmem>> -> memref<125xi32, #tpu.memory_space<vmem>>
      %dma_wait3A_386 = arith.constant 0 : i32
      %dma_wait3A_387 = arith.constant 0 : i32
      %dma_wait3A_388 = tpu.memref_slice %arg11[%dma_wait3A_386, %dma_wait3A_387] : memref<10000x128xf32, #tpu.memory_space<vmem_shared>> -> memref<10000x128xf32, #tpu.memory_space<vmem_shared>>
      tpu.wait_indirect_dma semaphore(%arg13 : memref<!tpu.dma_semaphore, #tpu.memory_space<semaphore_mem>>) src(%arg10 : memref<125x128xf32, #tpu.memory_space<vmem>>) dst(%dma_wait3A_388 : memref<10000x128xf32, #tpu.memory_space<vmem_shared>>)
      %add3A_389 = arith.constant 4 : i32
      %add3A_390 = arith.addi %mul3A_296, %add3A_389 : i32
      %add3A_391 = arith.constant 1 : i32
      %add3A_392 = arith.addi %add3A_390, %add3A_391 : i32
      %lt3A_393 = arith.constant 80 : i32
      %lt3A_394 = arith.cmpi slt, %add3A_392, %lt3A_393 : i32
      %convert_element_type3A_395 = arith.extui %lt3A_394 : i1 to i32
      %cond3A_396 = arith.constant 0 : i32
      %cond3A_397 = arith.cmpi ne, %convert_element_type3A_395, %cond3A_396 : i32
      scf.if %cond3A_397 {
        %jit3A_407 = arith.constant 4 : i32
        %eq3A_408 = arith.constant 0 : i32
        %eq3A_409 = arith.cmpi eq, %jit3A_407, %eq3A_408 : i32
        %jit3A_410 = arith.constant 1 : i32
        %select_n3A_411 = arith.select %eq3A_409, %jit3A_410, %jit3A_407 : i32
        %rem3A_412 = arith.remsi %add3A_381, %select_n3A_411 : i32
        %ne3A_413 = arith.constant 0 : i32
        %ne3A_414 = arith.cmpi ne, %rem3A_412, %ne3A_413 : i32
        %lt3A_415 = arith.constant 0 : i32
        %lt3A_416 = arith.cmpi slt, %rem3A_412, %lt3A_415 : i32
        %lt3A_417 = arith.constant 0 : i32
        %lt3A_418 = arith.cmpi slt, %select_n3A_411, %lt3A_417 : i32
        %ne3A_419 = arith.xori %lt3A_416, %lt3A_418 : i1
        %and3A_420 = arith.andi %ne3A_419, %ne3A_414 : i1
        %add3A_421 = arith.addi %rem3A_412, %select_n3A_411 : i32
        %select_n3A_422 = arith.select %and3A_420, %add3A_421, %rem3A_412 : i32
        %dma_start3A_423 = arith.constant 0 : i32
        %dma_start3A_424 = tpu.memref_slice %arg7[%select_n3A_422, %dma_start3A_423] : memref<4x125xi32, #tpu.memory_space<vmem>> -> memref<1x125xi32, #tpu.memory_space<vmem>>
        %dma_start3A_425 = tpu.memref_squeeze %dma_start3A_424 : memref<1x125xi32, #tpu.memory_space<vmem>> -> memref<125xi32, #tpu.memory_space<vmem>>
        %dma_start3A_426 = arith.constant 0 : i32
        %dma_start3A_427 = arith.constant 0 : i32
        %dma_start3A_428 = tpu.memref_slice %arg3[%add3A, %dma_start3A_426, %dma_start3A_427] : memref<32x80x125xi32, #tpu.memory_space<hbm>> -> memref<1x80x125xi32, #tpu.memory_space<hbm>>
        %dma_start3A_429 = tpu.memref_squeeze %dma_start3A_428 : memref<1x80x125xi32, #tpu.memory_space<hbm>> -> memref<80x125xi32, #tpu.memory_space<hbm>>
        %dma_start3A_430 = arith.constant 0 : i32
        %dma_start3A_431 = tpu.memref_slice %dma_start3A_429[%add3A_392, %dma_start3A_430] : memref<80x125xi32, #tpu.memory_space<hbm>> -> memref<1x125xi32, #tpu.memory_space<hbm>>
        %dma_start3A_432 = tpu.memref_squeeze %dma_start3A_431 : memref<1x125xi32, #tpu.memory_space<hbm>> -> memref<125xi32, #tpu.memory_space<hbm>>
        %dma_start3A_433 = arith.constant 0 : i32
        %dma_start3A_434 = tpu.memref_slice %arg7[%select_n3A_422, %dma_start3A_433] : memref<4x125xi32, #tpu.memory_space<vmem>> -> memref<1x125xi32, #tpu.memory_space<vmem>>
        %dma_start3A_435 = tpu.memref_squeeze %dma_start3A_434 : memref<1x125xi32, #tpu.memory_space<vmem>> -> memref<125xi32, #tpu.memory_space<vmem>>
        %dma_start3A_436 = arith.constant 0 : i32
        %dma_start3A_437 = arith.constant 0 : i32
        %dma_start3A_438 = tpu.memref_slice %arg3[%add3A, %dma_start3A_436, %dma_start3A_437] : memref<32x80x125xi32, #tpu.memory_space<hbm>> -> memref<1x80x125xi32, #tpu.memory_space<hbm>>
        %dma_start3A_439 = tpu.memref_squeeze %dma_start3A_438 : memref<1x80x125xi32, #tpu.memory_space<hbm>> -> memref<80x125xi32, #tpu.memory_space<hbm>>
        %dma_start3A_440 = arith.constant 0 : i32
        %dma_start3A_441 = tpu.memref_slice %dma_start3A_439[%add3A_392, %dma_start3A_440] : memref<80x125xi32, #tpu.memory_space<hbm>> -> memref<1x125xi32, #tpu.memory_space<hbm>>
        %dma_start3A_442 = tpu.memref_squeeze %dma_start3A_441 : memref<1x125xi32, #tpu.memory_space<hbm>> -> memref<125xi32, #tpu.memory_space<hbm>>
        tpu.enqueue_dma source(%dma_start3A_442 : memref<125xi32, #tpu.memory_space<hbm>>) target(%dma_start3A_435 : memref<125xi32, #tpu.memory_space<vmem>>) target_semaphore(%arg14 : memref<!tpu.dma_semaphore, #tpu.memory_space<semaphore_mem>>)
        %dma_start3A_443 = arith.constant 0 : i32
        %dma_start3A_444 = tpu.memref_slice %arg8[%select_n3A_422, %dma_start3A_443] : memref<4x125xi32, #tpu.memory_space<vmem>> -> memref<1x125xi32, #tpu.memory_space<vmem>>
        %dma_start3A_445 = tpu.memref_squeeze %dma_start3A_444 : memref<1x125xi32, #tpu.memory_space<vmem>> -> memref<125xi32, #tpu.memory_space<vmem>>
        %dma_start3A_446 = arith.constant 0 : i32
        %dma_start3A_447 = arith.constant 0 : i32
        %dma_start3A_448 = tpu.memref_slice %arg4[%add3A, %dma_start3A_446, %dma_start3A_447] : memref<32x80x125xi32, #tpu.memory_space<hbm>> -> memref<1x80x125xi32, #tpu.memory_space<hbm>>
        %dma_start3A_449 = tpu.memref_squeeze %dma_start3A_448 : memref<1x80x125xi32, #tpu.memory_space<hbm>> -> memref<80x125xi32, #tpu.memory_space<hbm>>
        %dma_start3A_450 = arith.constant 0 : i32
        %dma_start3A_451 = tpu.memref_slice %dma_start3A_449[%add3A_392, %dma_start3A_450] : memref<80x125xi32, #tpu.memory_space<hbm>> -> memref<1x125xi32, #tpu.memory_space<hbm>>
        %dma_start3A_452 = tpu.memref_squeeze %dma_start3A_451 : memref<1x125xi32, #tpu.memory_space<hbm>> -> memref<125xi32, #tpu.memory_space<hbm>>
        %dma_start3A_453 = arith.constant 0 : i32
        %dma_start3A_454 = tpu.memref_slice %arg8[%select_n3A_422, %dma_start3A_453] : memref<4x125xi32, #tpu.memory_space<vmem>> -> memref<1x125xi32, #tpu.memory_space<vmem>>
        %dma_start3A_455 = tpu.memref_squeeze %dma_start3A_454 : memref<1x125xi32, #tpu.memory_space<vmem>> -> memref<125xi32, #tpu.memory_space<vmem>>
        %dma_start3A_456 = arith.constant 0 : i32
        %dma_start3A_457 = arith.constant 0 : i32
        %dma_start3A_458 = tpu.memref_slice %arg4[%add3A, %dma_start3A_456, %dma_start3A_457] : memref<32x80x125xi32, #tpu.memory_space<hbm>> -> memref<1x80x125xi32, #tpu.memory_space<hbm>>
        %dma_start3A_459 = tpu.memref_squeeze %dma_start3A_458 : memref<1x80x125xi32, #tpu.memory_space<hbm>> -> memref<80x125xi32, #tpu.memory_space<hbm>>
        %dma_start3A_460 = arith.constant 0 : i32
        %dma_start3A_461 = tpu.memref_slice %dma_start3A_459[%add3A_392, %dma_start3A_460] : memref<80x125xi32, #tpu.memory_space<hbm>> -> memref<1x125xi32, #tpu.memory_space<hbm>>
        %dma_start3A_462 = tpu.memref_squeeze %dma_start3A_461 : memref<1x125xi32, #tpu.memory_space<hbm>> -> memref<125xi32, #tpu.memory_space<hbm>>
        tpu.enqueue_dma source(%dma_start3A_462 : memref<125xi32, #tpu.memory_space<hbm>>) target(%dma_start3A_455 : memref<125xi32, #tpu.memory_space<vmem>>) target_semaphore(%arg14 : memref<!tpu.dma_semaphore, #tpu.memory_space<semaphore_mem>>)
      } else {
      }
      %add3A_398 = arith.constant 2 : i32
      %add3A_399 = arith.addi %mul3A_296, %add3A_398 : i32
      %add3A_400 = arith.constant 1 : i32
      %add3A_401 = arith.addi %add3A_399, %add3A_400 : i32
      %lt3A_402 = arith.constant 80 : i32
      %lt3A_403 = arith.cmpi slt, %add3A_401, %lt3A_402 : i32
      %convert_element_type3A_404 = arith.extui %lt3A_403 : i1 to i32
      %cond3A_405 = arith.constant 0 : i32
      %cond3A_406 = arith.cmpi ne, %convert_element_type3A_404, %cond3A_405 : i32
      scf.if %cond3A_406 {
        %dma_wait3A_407 = arith.constant 0 : i32
        %dma_wait3A_408 = arith.constant 0 : i32
        %dma_wait3A_409 = arith.constant 0 : i32
        %dma_wait3A_410 = tpu.memref_slice %arg7[%dma_wait3A_408, %dma_wait3A_409] : memref<4x125xi32, #tpu.memory_space<vmem>> -> memref<1x125xi32, #tpu.memory_space<vmem>>
        %dma_wait3A_411 = tpu.memref_squeeze %dma_wait3A_410 : memref<1x125xi32, #tpu.memory_space<vmem>> -> memref<125xi32, #tpu.memory_space<vmem>>
        %dma_wait3A_412 = arith.constant 0 : i32
        %dma_wait3A_413 = arith.constant 0 : i32
        %dma_wait3A_414 = tpu.memref_slice %arg3[%add3A, %dma_wait3A_412, %dma_wait3A_413] : memref<32x80x125xi32, #tpu.memory_space<hbm>> -> memref<1x80x125xi32, #tpu.memory_space<hbm>>
        %dma_wait3A_415 = tpu.memref_squeeze %dma_wait3A_414 : memref<1x80x125xi32, #tpu.memory_space<hbm>> -> memref<80x125xi32, #tpu.memory_space<hbm>>
        %dma_wait3A_416 = arith.constant 0 : i32
        %dma_wait3A_417 = tpu.memref_slice %dma_wait3A_415[%dma_wait3A_407, %dma_wait3A_416] : memref<80x125xi32, #tpu.memory_space<hbm>> -> memref<1x125xi32, #tpu.memory_space<hbm>>
        %dma_wait3A_418 = tpu.memref_squeeze %dma_wait3A_417 : memref<1x125xi32, #tpu.memory_space<hbm>> -> memref<125xi32, #tpu.memory_space<hbm>>
        %dma_wait3A_419 = arith.constant 0 : i32
        %dma_wait3A_420 = tpu.memref_slice %arg7[%dma_wait3A_408, %dma_wait3A_419] : memref<4x125xi32, #tpu.memory_space<vmem>> -> memref<1x125xi32, #tpu.memory_space<vmem>>
        %dma_wait3A_421 = tpu.memref_squeeze %dma_wait3A_420 : memref<1x125xi32, #tpu.memory_space<vmem>> -> memref<125xi32, #tpu.memory_space<vmem>>
        %dma_wait3A_422 = arith.constant 0 : i32
        %dma_wait3A_423 = arith.constant 0 : i32
        %dma_wait3A_424 = tpu.memref_slice %arg3[%add3A, %dma_wait3A_422, %dma_wait3A_423] : memref<32x80x125xi32, #tpu.memory_space<hbm>> -> memref<1x80x125xi32, #tpu.memory_space<hbm>>
        %dma_wait3A_425 = tpu.memref_squeeze %dma_wait3A_424 : memref<1x80x125xi32, #tpu.memory_space<hbm>> -> memref<80x125xi32, #tpu.memory_space<hbm>>
        %dma_wait3A_426 = arith.constant 0 : i32
        %dma_wait3A_427 = tpu.memref_slice %dma_wait3A_425[%dma_wait3A_407, %dma_wait3A_426] : memref<80x125xi32, #tpu.memory_space<hbm>> -> memref<1x125xi32, #tpu.memory_space<hbm>>
        %dma_wait3A_428 = tpu.memref_squeeze %dma_wait3A_427 : memref<1x125xi32, #tpu.memory_space<hbm>> -> memref<125xi32, #tpu.memory_space<hbm>>
        tpu.wait_dma2 semaphore(%arg14 : memref<!tpu.dma_semaphore, #tpu.memory_space<semaphore_mem>>) src(%dma_wait3A_428 : memref<125xi32, #tpu.memory_space<hbm>>) dst(%dma_wait3A_421 : memref<125xi32, #tpu.memory_space<vmem>>)
        %dma_wait3A_429 = arith.constant 0 : i32
        %dma_wait3A_430 = arith.constant 0 : i32
        %dma_wait3A_431 = arith.constant 0 : i32
        %dma_wait3A_432 = tpu.memref_slice %arg8[%dma_wait3A_430, %dma_wait3A_431] : memref<4x125xi32, #tpu.memory_space<vmem>> -> memref<1x125xi32, #tpu.memory_space<vmem>>
        %dma_wait3A_433 = tpu.memref_squeeze %dma_wait3A_432 : memref<1x125xi32, #tpu.memory_space<vmem>> -> memref<125xi32, #tpu.memory_space<vmem>>
        %dma_wait3A_434 = arith.constant 0 : i32
        %dma_wait3A_435 = arith.constant 0 : i32
        %dma_wait3A_436 = tpu.memref_slice %arg4[%add3A, %dma_wait3A_434, %dma_wait3A_435] : memref<32x80x125xi32, #tpu.memory_space<hbm>> -> memref<1x80x125xi32, #tpu.memory_space<hbm>>
        %dma_wait3A_437 = tpu.memref_squeeze %dma_wait3A_436 : memref<1x80x125xi32, #tpu.memory_space<hbm>> -> memref<80x125xi32, #tpu.memory_space<hbm>>
        %dma_wait3A_438 = arith.constant 0 : i32
        %dma_wait3A_439 = tpu.memref_slice %dma_wait3A_437[%dma_wait3A_429, %dma_wait3A_438] : memref<80x125xi32, #tpu.memory_space<hbm>> -> memref<1x125xi32, #tpu.memory_space<hbm>>
        %dma_wait3A_440 = tpu.memref_squeeze %dma_wait3A_439 : memref<1x125xi32, #tpu.memory_space<hbm>> -> memref<125xi32, #tpu.memory_space<hbm>>
        %dma_wait3A_441 = arith.constant 0 : i32
        %dma_wait3A_442 = tpu.memref_slice %arg8[%dma_wait3A_430, %dma_wait3A_441] : memref<4x125xi32, #tpu.memory_space<vmem>> -> memref<1x125xi32, #tpu.memory_space<vmem>>
        %dma_wait3A_443 = tpu.memref_squeeze %dma_wait3A_442 : memref<1x125xi32, #tpu.memory_space<vmem>> -> memref<125xi32, #tpu.memory_space<vmem>>
        %dma_wait3A_444 = arith.constant 0 : i32
        %dma_wait3A_445 = arith.constant 0 : i32
        %dma_wait3A_446 = tpu.memref_slice %arg4[%add3A, %dma_wait3A_444, %dma_wait3A_445] : memref<32x80x125xi32, #tpu.memory_space<hbm>> -> memref<1x80x125xi32, #tpu.memory_space<hbm>>
        %dma_wait3A_447 = tpu.memref_squeeze %dma_wait3A_446 : memref<1x80x125xi32, #tpu.memory_space<hbm>> -> memref<80x125xi32, #tpu.memory_space<hbm>>
        %dma_wait3A_448 = arith.constant 0 : i32
        %dma_wait3A_449 = tpu.memref_slice %dma_wait3A_447[%dma_wait3A_429, %dma_wait3A_448] : memref<80x125xi32, #tpu.memory_space<hbm>> -> memref<1x125xi32, #tpu.memory_space<hbm>>
        %dma_wait3A_450 = tpu.memref_squeeze %dma_wait3A_449 : memref<1x125xi32, #tpu.memory_space<hbm>> -> memref<125xi32, #tpu.memory_space<hbm>>
        tpu.wait_dma2 semaphore(%arg14 : memref<!tpu.dma_semaphore, #tpu.memory_space<semaphore_mem>>) src(%dma_wait3A_450 : memref<125xi32, #tpu.memory_space<hbm>>) dst(%dma_wait3A_443 : memref<125xi32, #tpu.memory_space<vmem>>)
        %jit3A_451 = arith.constant 4 : i32
        %eq3A_452 = arith.constant 0 : i32
        %eq3A_453 = arith.cmpi eq, %jit3A_451, %eq3A_452 : i32
        %jit3A_454 = arith.constant 1 : i32
        %select_n3A_455 = arith.select %eq3A_453, %jit3A_454, %jit3A_451 : i32
        %rem3A_456 = arith.remsi %add3A_401, %select_n3A_455 : i32
        %ne3A_457 = arith.constant 0 : i32
        %ne3A_458 = arith.cmpi ne, %rem3A_456, %ne3A_457 : i32
        %lt3A_459 = arith.constant 0 : i32
        %lt3A_460 = arith.cmpi slt, %rem3A_456, %lt3A_459 : i32
        %lt3A_461 = arith.constant 0 : i32
        %lt3A_462 = arith.cmpi slt, %select_n3A_455, %lt3A_461 : i32
        %ne3A_463 = arith.xori %lt3A_460, %lt3A_462 : i1
        %and3A_464 = arith.andi %ne3A_463, %ne3A_458 : i1
        %add3A_465 = arith.addi %rem3A_456, %select_n3A_455 : i32
        %select_n3A_466 = arith.select %and3A_464, %add3A_465, %rem3A_456 : i32
        %dma_start3A_467 = arith.constant 0 : i32
        %dma_start3A_468 = tpu.memref_slice %arg7[%select_n3A_466, %dma_start3A_467] : memref<4x125xi32, #tpu.memory_space<vmem>> -> memref<1x125xi32, #tpu.memory_space<vmem>>
        %dma_start3A_469 = tpu.memref_squeeze %dma_start3A_468 : memref<1x125xi32, #tpu.memory_space<vmem>> -> memref<125xi32, #tpu.memory_space<vmem>>
        %dma_start3A_470 = arith.constant 0 : i32
        %dma_start3A_471 = arith.constant 0 : i32
        %dma_start3A_472 = tpu.memref_slice %arg2[%dma_start3A_470, %dma_start3A_471] : memref<10000x128xf32, #tpu.memory_space<hbm>> -> memref<10000x128xf32, #tpu.memory_space<hbm>>
        tpu.enqueue_indirect_dma source(%dma_start3A_472 : memref<10000x128xf32, #tpu.memory_space<hbm>>) target(%arg10 : memref<125x128xf32, #tpu.memory_space<vmem>>) offsets(%dma_start3A_469 : memref<125xi32, #tpu.memory_space<vmem>>) semaphore(%arg12 : memref<!tpu.dma_semaphore, #tpu.memory_space<semaphore_mem>>)
      } else {
      }
    }
    %scan3A_285 = arith.constant 40 : i32
    %barrier3A_286 = arith.constant 0 : index
    tpu.barrier barrier_id(%barrier3A_286)
    %mul3A_287 = arith.constant 624 : i32
    %mul3A_288 = arith.muli %arg1, %mul3A_287 : i32
    "tpu.region"() ({
      %run_scoped3A = tpu.sem_alloc : memref<!tpu.dma_semaphore, #tpu.memory_space<semaphore_mem>>
      %dma_start3A_294 = arith.constant 0 : i32
      %dma_start3A_295 = arith.constant 0 : i32
      %dma_start3A_296 = tpu.memref_slice %arg6[%arg0, %dma_start3A_294, %dma_start3A_295] : memref<2x10000x128xf32, #tpu.memory_space<hbm>> -> memref<1x10000x128xf32, #tpu.memory_space<hbm>>
      %dma_start3A_297 = tpu.memref_squeeze %dma_start3A_296 : memref<1x10000x128xf32, #tpu.memory_space<hbm>> -> memref<10000x128xf32, #tpu.memory_space<hbm>>
      %dma_start3A_298 = arith.constant 0 : i32
      %dma_start3A_299 = tpu.memref_slice %dma_start3A_297[%mul3A_288, %dma_start3A_298] : memref<10000x128xf32, #tpu.memory_space<hbm>> -> memref<624x128xf32, #tpu.memory_space<hbm>>
      %dma_start3A_300 = arith.constant 0 : i32
      %dma_start3A_301 = tpu.memref_slice %arg11[%mul3A_288, %dma_start3A_300] : memref<10000x128xf32, #tpu.memory_space<vmem_shared>> -> memref<624x128xf32, #tpu.memory_space<vmem_shared>>
      tpu.enqueue_dma source(%dma_start3A_301 : memref<624x128xf32, #tpu.memory_space<vmem_shared>>) target(%dma_start3A_299 : memref<624x128xf32, #tpu.memory_space<hbm>>) target_semaphore(%run_scoped3A : memref<!tpu.dma_semaphore, #tpu.memory_space<semaphore_mem>>)
      %dma_wait3A_302 = arith.constant 0 : i32
      %dma_wait3A_303 = arith.constant 0 : i32
      %dma_wait3A_304 = tpu.memref_slice %arg6[%arg0, %dma_wait3A_302, %dma_wait3A_303] : memref<2x10000x128xf32, #tpu.memory_space<hbm>> -> memref<1x10000x128xf32, #tpu.memory_space<hbm>>
      %dma_wait3A_305 = tpu.memref_squeeze %dma_wait3A_304 : memref<1x10000x128xf32, #tpu.memory_space<hbm>> -> memref<10000x128xf32, #tpu.memory_space<hbm>>
      %dma_wait3A_306 = arith.constant 0 : i32
      %dma_wait3A_307 = tpu.memref_slice %dma_wait3A_305[%mul3A_288, %dma_wait3A_306] : memref<10000x128xf32, #tpu.memory_space<hbm>> -> memref<624x128xf32, #tpu.memory_space<hbm>>
      %dma_wait3A_308 = arith.constant 0 : i32
      %dma_wait3A_309 = tpu.memref_slice %arg11[%mul3A_288, %dma_wait3A_308] : memref<10000x128xf32, #tpu.memory_space<vmem_shared>> -> memref<624x128xf32, #tpu.memory_space<vmem_shared>>
      tpu.wait_dma2 semaphore(%run_scoped3A : memref<!tpu.dma_semaphore, #tpu.memory_space<semaphore_mem>>) src(%dma_wait3A_309 : memref<624x128xf32, #tpu.memory_space<vmem_shared>>) dst(%dma_wait3A_307 : memref<624x128xf32, #tpu.memory_space<hbm>>)
      tpu.yield
    }) : () -> ()
    %eq3A_289 = arith.constant 15 : i32
    %eq3A_290 = arith.cmpi eq, %arg1, %eq3A_289 : i32
    %convert_element_type3A_291 = arith.extui %eq3A_290 : i1 to i32
    %cond3A_292 = arith.constant 0 : i32
    %cond3A_293 = arith.cmpi ne, %convert_element_type3A_291, %cond3A_292 : i32
    scf.if %cond3A_293 {
      "tpu.region"() ({
        %run_scoped3A = tpu.sem_alloc : memref<!tpu.dma_semaphore, #tpu.memory_space<semaphore_mem>>
        %dma_start3A_294 = arith.constant 0 : i32
        %dma_start3A_295 = arith.constant 0 : i32
        %dma_start3A_296 = tpu.memref_slice %arg6[%arg0, %dma_start3A_294, %dma_start3A_295] : memref<2x10000x128xf32, #tpu.memory_space<hbm>> -> memref<1x10000x128xf32, #tpu.memory_space<hbm>>
        %dma_start3A_297 = tpu.memref_squeeze %dma_start3A_296 : memref<1x10000x128xf32, #tpu.memory_space<hbm>> -> memref<10000x128xf32, #tpu.memory_space<hbm>>
        %dma_start3A_298 = arith.constant 9984 : i32
        %dma_start3A_299 = arith.constant 0 : i32
        %dma_start3A_300 = tpu.memref_slice %dma_start3A_297[%dma_start3A_298, %dma_start3A_299] : memref<10000x128xf32, #tpu.memory_space<hbm>> -> memref<16x128xf32, #tpu.memory_space<hbm>>
        %dma_start3A_301 = arith.constant 9984 : i32
        %dma_start3A_302 = arith.constant 0 : i32
        %dma_start3A_303 = tpu.memref_slice %arg11[%dma_start3A_301, %dma_start3A_302] : memref<10000x128xf32, #tpu.memory_space<vmem_shared>> -> memref<16x128xf32, #tpu.memory_space<vmem_shared>>
        tpu.enqueue_dma source(%dma_start3A_303 : memref<16x128xf32, #tpu.memory_space<vmem_shared>>) target(%dma_start3A_300 : memref<16x128xf32, #tpu.memory_space<hbm>>) target_semaphore(%run_scoped3A : memref<!tpu.dma_semaphore, #tpu.memory_space<semaphore_mem>>)
        %dma_wait3A_304 = arith.constant 0 : i32
        %dma_wait3A_305 = arith.constant 0 : i32
        %dma_wait3A_306 = tpu.memref_slice %arg6[%arg0, %dma_wait3A_304, %dma_wait3A_305] : memref<2x10000x128xf32, #tpu.memory_space<hbm>> -> memref<1x10000x128xf32, #tpu.memory_space<hbm>>
        %dma_wait3A_307 = tpu.memref_squeeze %dma_wait3A_306 : memref<1x10000x128xf32, #tpu.memory_space<hbm>> -> memref<10000x128xf32, #tpu.memory_space<hbm>>
        %dma_wait3A_308 = arith.constant 9984 : i32
        %dma_wait3A_309 = arith.constant 0 : i32
        %dma_wait3A_310 = tpu.memref_slice %dma_wait3A_307[%dma_wait3A_308, %dma_wait3A_309] : memref<10000x128xf32, #tpu.memory_space<hbm>> -> memref<16x128xf32, #tpu.memory_space<hbm>>
        %dma_wait3A_311 = arith.constant 9984 : i32
        %dma_wait3A_312 = arith.constant 0 : i32
        %dma_wait3A_313 = tpu.memref_slice %arg11[%dma_wait3A_311, %dma_wait3A_312] : memref<10000x128xf32, #tpu.memory_space<vmem_shared>> -> memref<16x128xf32, #tpu.memory_space<vmem_shared>>
        tpu.wait_dma2 semaphore(%run_scoped3A : memref<!tpu.dma_semaphore, #tpu.memory_space<semaphore_mem>>) src(%dma_wait3A_313 : memref<16x128xf32, #tpu.memory_space<vmem_shared>>) dst(%dma_wait3A_310 : memref<16x128xf32, #tpu.memory_space<hbm>>)
        tpu.yield
      }) : () -> ()
    } else {
    }
    return
  }
}

#map = affine_map<(d0, d1) -> (0, 0)>
#map1 = affine_map<(d0, d1) -> (0, 0, 0)>
module attributes {stable_mosaic.version = 14 : i64} {
  func.func @_sc_agg_body(%arg0: i32, %arg1: i32, %arg2: memref<10000x128xf32, #tpu.memory_space<hbm>>, %arg3: memref<32x80x125xi32, #tpu.memory_space<hbm>>, %arg4: memref<32x80x125xi32, #tpu.memory_space<hbm>>, %arg5: memref<624x128xf32, #tpu.memory_space<hbm>>, %arg6: memref<2x10000x128xf32, #tpu.memory_space<hbm>>, %arg7: memref<4x125xi32, #tpu.memory_space<vmem>>, %arg8: memref<4x125xi32, #tpu.memory_space<vmem>>, %arg9: memref<125x128xf32, #tpu.memory_space<vmem>>, %arg10: memref<125x128xf32, #tpu.memory_space<vmem>>, %arg11: memref<10000x128xf32, #tpu.memory_space<vmem_shared>>, %arg12: memref<!tpu.dma_semaphore, #tpu.memory_space<semaphore_mem>>, %arg13: memref<!tpu.dma_semaphore, #tpu.memory_space<semaphore_mem>>, %arg14: memref<!tpu.dma_semaphore, #tpu.memory_space<semaphore_mem>>) attributes {dimension_semantics = [#tpu.dimension_semantics<core_parallel>, #tpu.dimension_semantics<subcore_parallel>], iteration_bounds = array<i64: 2, 16>, scalar_prefetch = 0 : i64, scratch_operands = 8 : i64, tpu.core_type = #tpu.core_type<sc_vector_subcore>, window_params = [{transform_indices = #map}, {transform_indices = #map1}, {transform_indices = #map1}, {transform_indices = #map}, {transform_indices = #map1}]} {
    %mul3A = arith.constant 16 : i32
    %mul3A_0 = arith.muli %arg0, %mul3A : i32
    %add3A = arith.addi %mul3A_0, %arg1 : i32
    %dma_start3A = arith.constant 0 : i32
    %dma_start3A_1 = arith.constant 0 : i32
    %dma_start3A_2 = arith.constant 0 : i32
    %dma_start3A_3 = tpu.memref_slice %arg7[%dma_start3A_1, %dma_start3A_2] : memref<4x125xi32, #tpu.memory_space<vmem>> -> memref<1x125xi32, #tpu.memory_space<vmem>>
    %dma_start3A_4 = tpu.memref_squeeze %dma_start3A_3 : memref<1x125xi32, #tpu.memory_space<vmem>> -> memref<125xi32, #tpu.memory_space<vmem>>
    %dma_start3A_5 = arith.constant 0 : i32
    %dma_start3A_6 = arith.constant 0 : i32
    %dma_start3A_7 = tpu.memref_slice %arg3[%add3A, %dma_start3A_5, %dma_start3A_6] : memref<32x80x125xi32, #tpu.memory_space<hbm>> -> memref<1x80x125xi32, #tpu.memory_space<hbm>>
    %dma_start3A_8 = tpu.memref_squeeze %dma_start3A_7 : memref<1x80x125xi32, #tpu.memory_space<hbm>> -> memref<80x125xi32, #tpu.memory_space<hbm>>
    %dma_start3A_9 = arith.constant 0 : i32
    %dma_start3A_10 = tpu.memref_slice %dma_start3A_8[%dma_start3A, %dma_start3A_9] : memref<80x125xi32, #tpu.memory_space<hbm>> -> memref<1x125xi32, #tpu.memory_space<hbm>>
    %dma_start3A_11 = tpu.memref_squeeze %dma_start3A_10 : memref<1x125xi32, #tpu.memory_space<hbm>> -> memref<125xi32, #tpu.memory_space<hbm>>
    %dma_start3A_12 = arith.constant 0 : i32
    %dma_start3A_13 = tpu.memref_slice %arg7[%dma_start3A_1, %dma_start3A_12] : memref<4x125xi32, #tpu.memory_space<vmem>> -> memref<1x125xi32, #tpu.memory_space<vmem>>
    %dma_start3A_14 = tpu.memref_squeeze %dma_start3A_13 : memref<1x125xi32, #tpu.memory_space<vmem>> -> memref<125xi32, #tpu.memory_space<vmem>>
    %dma_start3A_15 = arith.constant 0 : i32
    %dma_start3A_16 = arith.constant 0 : i32
    %dma_start3A_17 = tpu.memref_slice %arg3[%add3A, %dma_start3A_15, %dma_start3A_16] : memref<32x80x125xi32, #tpu.memory_space<hbm>> -> memref<1x80x125xi32, #tpu.memory_space<hbm>>
    %dma_start3A_18 = tpu.memref_squeeze %dma_start3A_17 : memref<1x80x125xi32, #tpu.memory_space<hbm>> -> memref<80x125xi32, #tpu.memory_space<hbm>>
    %dma_start3A_19 = arith.constant 0 : i32
    %dma_start3A_20 = tpu.memref_slice %dma_start3A_18[%dma_start3A, %dma_start3A_19] : memref<80x125xi32, #tpu.memory_space<hbm>> -> memref<1x125xi32, #tpu.memory_space<hbm>>
    %dma_start3A_21 = tpu.memref_squeeze %dma_start3A_20 : memref<1x125xi32, #tpu.memory_space<hbm>> -> memref<125xi32, #tpu.memory_space<hbm>>
    tpu.enqueue_dma source(%dma_start3A_21 : memref<125xi32, #tpu.memory_space<hbm>>) target(%dma_start3A_14 : memref<125xi32, #tpu.memory_space<vmem>>) target_semaphore(%arg14 : memref<!tpu.dma_semaphore, #tpu.memory_space<semaphore_mem>>)
    %dma_start3A_22 = arith.constant 0 : i32
    %dma_start3A_23 = arith.constant 0 : i32
    %dma_start3A_24 = arith.constant 0 : i32
    %dma_start3A_25 = tpu.memref_slice %arg8[%dma_start3A_23, %dma_start3A_24] : memref<4x125xi32, #tpu.memory_space<vmem>> -> memref<1x125xi32, #tpu.memory_space<vmem>>
    %dma_start3A_26 = tpu.memref_squeeze %dma_start3A_25 : memref<1x125xi32, #tpu.memory_space<vmem>> -> memref<125xi32, #tpu.memory_space<vmem>>
    %dma_start3A_27 = arith.constant 0 : i32
    %dma_start3A_28 = arith.constant 0 : i32
    %dma_start3A_29 = tpu.memref_slice %arg4[%add3A, %dma_start3A_27, %dma_start3A_28] : memref<32x80x125xi32, #tpu.memory_space<hbm>> -> memref<1x80x125xi32, #tpu.memory_space<hbm>>
    %dma_start3A_30 = tpu.memref_squeeze %dma_start3A_29 : memref<1x80x125xi32, #tpu.memory_space<hbm>> -> memref<80x125xi32, #tpu.memory_space<hbm>>
    %dma_start3A_31 = arith.constant 0 : i32
    %dma_start3A_32 = tpu.memref_slice %dma_start3A_30[%dma_start3A_22, %dma_start3A_31] : memref<80x125xi32, #tpu.memory_space<hbm>> -> memref<1x125xi32, #tpu.memory_space<hbm>>
    %dma_start3A_33 = tpu.memref_squeeze %dma_start3A_32 : memref<1x125xi32, #tpu.memory_space<hbm>> -> memref<125xi32, #tpu.memory_space<hbm>>
    %dma_start3A_34 = arith.constant 0 : i32
    %dma_start3A_35 = tpu.memref_slice %arg8[%dma_start3A_23, %dma_start3A_34] : memref<4x125xi32, #tpu.memory_space<vmem>> -> memref<1x125xi32, #tpu.memory_space<vmem>>
    %dma_start3A_36 = tpu.memref_squeeze %dma_start3A_35 : memref<1x125xi32, #tpu.memory_space<vmem>> -> memref<125xi32, #tpu.memory_space<vmem>>
    %dma_start3A_37 = arith.constant 0 : i32
    %dma_start3A_38 = arith.constant 0 : i32
    %dma_start3A_39 = tpu.memref_slice %arg4[%add3A, %dma_start3A_37, %dma_start3A_38] : memref<32x80x125xi32, #tpu.memory_space<hbm>> -> memref<1x80x125xi32, #tpu.memory_space<hbm>>
    %dma_start3A_40 = tpu.memref_squeeze %dma_start3A_39 : memref<1x80x125xi32, #tpu.memory_space<hbm>> -> memref<80x125xi32, #tpu.memory_space<hbm>>
    %dma_start3A_41 = arith.constant 0 : i32
    %dma_start3A_42 = tpu.memref_slice %dma_start3A_40[%dma_start3A_22, %dma_start3A_41] : memref<80x125xi32, #tpu.memory_space<hbm>> -> memref<1x125xi32, #tpu.memory_space<hbm>>
    %dma_start3A_43 = tpu.memref_squeeze %dma_start3A_42 : memref<1x125xi32, #tpu.memory_space<hbm>> -> memref<125xi32, #tpu.memory_space<hbm>>
    tpu.enqueue_dma source(%dma_start3A_43 : memref<125xi32, #tpu.memory_space<hbm>>) target(%dma_start3A_36 : memref<125xi32, #tpu.memory_space<vmem>>) target_semaphore(%arg14 : memref<!tpu.dma_semaphore, #tpu.memory_space<semaphore_mem>>)
    %dma_start3A_44 = arith.constant 1 : i32
    %dma_start3A_45 = arith.constant 1 : i32
    %dma_start3A_46 = arith.constant 0 : i32
    %dma_start3A_47 = tpu.memref_slice %arg7[%dma_start3A_45, %dma_start3A_46] : memref<4x125xi32, #tpu.memory_space<vmem>> -> memref<1x125xi32, #tpu.memory_space<vmem>>
    %dma_start3A_48 = tpu.memref_squeeze %dma_start3A_47 : memref<1x125xi32, #tpu.memory_space<vmem>> -> memref<125xi32, #tpu.memory_space<vmem>>
    %dma_start3A_49 = arith.constant 0 : i32
    %dma_start3A_50 = arith.constant 0 : i32
    %dma_start3A_51 = tpu.memref_slice %arg3[%add3A, %dma_start3A_49, %dma_start3A_50] : memref<32x80x125xi32, #tpu.memory_space<hbm>> -> memref<1x80x125xi32, #tpu.memory_space<hbm>>
    %dma_start3A_52 = tpu.memref_squeeze %dma_start3A_51 : memref<1x80x125xi32, #tpu.memory_space<hbm>> -> memref<80x125xi32, #tpu.memory_space<hbm>>
    %dma_start3A_53 = arith.constant 0 : i32
    %dma_start3A_54 = tpu.memref_slice %dma_start3A_52[%dma_start3A_44, %dma_start3A_53] : memref<80x125xi32, #tpu.memory_space<hbm>> -> memref<1x125xi32, #tpu.memory_space<hbm>>
    %dma_start3A_55 = tpu.memref_squeeze %dma_start3A_54 : memref<1x125xi32, #tpu.memory_space<hbm>> -> memref<125xi32, #tpu.memory_space<hbm>>
    %dma_start3A_56 = arith.constant 0 : i32
    %dma_start3A_57 = tpu.memref_slice %arg7[%dma_start3A_45, %dma_start3A_56] : memref<4x125xi32, #tpu.memory_space<vmem>> -> memref<1x125xi32, #tpu.memory_space<vmem>>
    %dma_start3A_58 = tpu.memref_squeeze %dma_start3A_57 : memref<1x125xi32, #tpu.memory_space<vmem>> -> memref<125xi32, #tpu.memory_space<vmem>>
    %dma_start3A_59 = arith.constant 0 : i32
    %dma_start3A_60 = arith.constant 0 : i32
    %dma_start3A_61 = tpu.memref_slice %arg3[%add3A, %dma_start3A_59, %dma_start3A_60] : memref<32x80x125xi32, #tpu.memory_space<hbm>> -> memref<1x80x125xi32, #tpu.memory_space<hbm>>
    %dma_start3A_62 = tpu.memref_squeeze %dma_start3A_61 : memref<1x80x125xi32, #tpu.memory_space<hbm>> -> memref<80x125xi32, #tpu.memory_space<hbm>>
    %dma_start3A_63 = arith.constant 0 : i32
    %dma_start3A_64 = tpu.memref_slice %dma_start3A_62[%dma_start3A_44, %dma_start3A_63] : memref<80x125xi32, #tpu.memory_space<hbm>> -> memref<1x125xi32, #tpu.memory_space<hbm>>
    %dma_start3A_65 = tpu.memref_squeeze %dma_start3A_64 : memref<1x125xi32, #tpu.memory_space<hbm>> -> memref<125xi32, #tpu.memory_space<hbm>>
    tpu.enqueue_dma source(%dma_start3A_65 : memref<125xi32, #tpu.memory_space<hbm>>) target(%dma_start3A_58 : memref<125xi32, #tpu.memory_space<vmem>>) target_semaphore(%arg14 : memref<!tpu.dma_semaphore, #tpu.memory_space<semaphore_mem>>)
    %dma_start3A_66 = arith.constant 1 : i32
    %dma_start3A_67 = arith.constant 1 : i32
    %dma_start3A_68 = arith.constant 0 : i32
    %dma_start3A_69 = tpu.memref_slice %arg8[%dma_start3A_67, %dma_start3A_68] : memref<4x125xi32, #tpu.memory_space<vmem>> -> memref<1x125xi32, #tpu.memory_space<vmem>>
    %dma_start3A_70 = tpu.memref_squeeze %dma_start3A_69 : memref<1x125xi32, #tpu.memory_space<vmem>> -> memref<125xi32, #tpu.memory_space<vmem>>
    %dma_start3A_71 = arith.constant 0 : i32
    %dma_start3A_72 = arith.constant 0 : i32
    %dma_start3A_73 = tpu.memref_slice %arg4[%add3A, %dma_start3A_71, %dma_start3A_72] : memref<32x80x125xi32, #tpu.memory_space<hbm>> -> memref<1x80x125xi32, #tpu.memory_space<hbm>>
    %dma_start3A_74 = tpu.memref_squeeze %dma_start3A_73 : memref<1x80x125xi32, #tpu.memory_space<hbm>> -> memref<80x125xi32, #tpu.memory_space<hbm>>
    %dma_start3A_75 = arith.constant 0 : i32
    %dma_start3A_76 = tpu.memref_slice %dma_start3A_74[%dma_start3A_66, %dma_start3A_75] : memref<80x125xi32, #tpu.memory_space<hbm>> -> memref<1x125xi32, #tpu.memory_space<hbm>>
    %dma_start3A_77 = tpu.memref_squeeze %dma_start3A_76 : memref<1x125xi32, #tpu.memory_space<hbm>> -> memref<125xi32, #tpu.memory_space<hbm>>
    %dma_start3A_78 = arith.constant 0 : i32
    %dma_start3A_79 = tpu.memref_slice %arg8[%dma_start3A_67, %dma_start3A_78] : memref<4x125xi32, #tpu.memory_space<vmem>> -> memref<1x125xi32, #tpu.memory_space<vmem>>
    %dma_start3A_80 = tpu.memref_squeeze %dma_start3A_79 : memref<1x125xi32, #tpu.memory_space<vmem>> -> memref<125xi32, #tpu.memory_space<vmem>>
    %dma_start3A_81 = arith.constant 0 : i32
    %dma_start3A_82 = arith.constant 0 : i32
    %dma_start3A_83 = tpu.memref_slice %arg4[%add3A, %dma_start3A_81, %dma_start3A_82] : memref<32x80x125xi32, #tpu.memory_space<hbm>> -> memref<1x80x125xi32, #tpu.memory_space<hbm>>
    %dma_start3A_84 = tpu.memref_squeeze %dma_start3A_83 : memref<1x80x125xi32, #tpu.memory_space<hbm>> -> memref<80x125xi32, #tpu.memory_space<hbm>>
    %dma_start3A_85 = arith.constant 0 : i32
    %dma_start3A_86 = tpu.memref_slice %dma_start3A_84[%dma_start3A_66, %dma_start3A_85] : memref<80x125xi32, #tpu.memory_space<hbm>> -> memref<1x125xi32, #tpu.memory_space<hbm>>
    %dma_start3A_87 = tpu.memref_squeeze %dma_start3A_86 : memref<1x125xi32, #tpu.memory_space<hbm>> -> memref<125xi32, #tpu.memory_space<hbm>>
    tpu.enqueue_dma source(%dma_start3A_87 : memref<125xi32, #tpu.memory_space<hbm>>) target(%dma_start3A_80 : memref<125xi32, #tpu.memory_space<vmem>>) target_semaphore(%arg14 : memref<!tpu.dma_semaphore, #tpu.memory_space<semaphore_mem>>)
    %dma_start3A_88 = arith.constant 2 : i32
    %dma_start3A_89 = arith.constant 2 : i32
    %dma_start3A_90 = arith.constant 0 : i32
    %dma_start3A_91 = tpu.memref_slice %arg7[%dma_start3A_89, %dma_start3A_90] : memref<4x125xi32, #tpu.memory_space<vmem>> -> memref<1x125xi32, #tpu.memory_space<vmem>>
    %dma_start3A_92 = tpu.memref_squeeze %dma_start3A_91 : memref<1x125xi32, #tpu.memory_space<vmem>> -> memref<125xi32, #tpu.memory_space<vmem>>
    %dma_start3A_93 = arith.constant 0 : i32
    %dma_start3A_94 = arith.constant 0 : i32
    %dma_start3A_95 = tpu.memref_slice %arg3[%add3A, %dma_start3A_93, %dma_start3A_94] : memref<32x80x125xi32, #tpu.memory_space<hbm>> -> memref<1x80x125xi32, #tpu.memory_space<hbm>>
    %dma_start3A_96 = tpu.memref_squeeze %dma_start3A_95 : memref<1x80x125xi32, #tpu.memory_space<hbm>> -> memref<80x125xi32, #tpu.memory_space<hbm>>
    %dma_start3A_97 = arith.constant 0 : i32
    %dma_start3A_98 = tpu.memref_slice %dma_start3A_96[%dma_start3A_88, %dma_start3A_97] : memref<80x125xi32, #tpu.memory_space<hbm>> -> memref<1x125xi32, #tpu.memory_space<hbm>>
    %dma_start3A_99 = tpu.memref_squeeze %dma_start3A_98 : memref<1x125xi32, #tpu.memory_space<hbm>> -> memref<125xi32, #tpu.memory_space<hbm>>
    %dma_start3A_100 = arith.constant 0 : i32
    %dma_start3A_101 = tpu.memref_slice %arg7[%dma_start3A_89, %dma_start3A_100] : memref<4x125xi32, #tpu.memory_space<vmem>> -> memref<1x125xi32, #tpu.memory_space<vmem>>
    %dma_start3A_102 = tpu.memref_squeeze %dma_start3A_101 : memref<1x125xi32, #tpu.memory_space<vmem>> -> memref<125xi32, #tpu.memory_space<vmem>>
    %dma_start3A_103 = arith.constant 0 : i32
    %dma_start3A_104 = arith.constant 0 : i32
    %dma_start3A_105 = tpu.memref_slice %arg3[%add3A, %dma_start3A_103, %dma_start3A_104] : memref<32x80x125xi32, #tpu.memory_space<hbm>> -> memref<1x80x125xi32, #tpu.memory_space<hbm>>
    %dma_start3A_106 = tpu.memref_squeeze %dma_start3A_105 : memref<1x80x125xi32, #tpu.memory_space<hbm>> -> memref<80x125xi32, #tpu.memory_space<hbm>>
    %dma_start3A_107 = arith.constant 0 : i32
    %dma_start3A_108 = tpu.memref_slice %dma_start3A_106[%dma_start3A_88, %dma_start3A_107] : memref<80x125xi32, #tpu.memory_space<hbm>> -> memref<1x125xi32, #tpu.memory_space<hbm>>
    %dma_start3A_109 = tpu.memref_squeeze %dma_start3A_108 : memref<1x125xi32, #tpu.memory_space<hbm>> -> memref<125xi32, #tpu.memory_space<hbm>>
    tpu.enqueue_dma source(%dma_start3A_109 : memref<125xi32, #tpu.memory_space<hbm>>) target(%dma_start3A_102 : memref<125xi32, #tpu.memory_space<vmem>>) target_semaphore(%arg14 : memref<!tpu.dma_semaphore, #tpu.memory_space<semaphore_mem>>)
    %dma_start3A_110 = arith.constant 2 : i32
    %dma_start3A_111 = arith.constant 2 : i32
    %dma_start3A_112 = arith.constant 0 : i32
    %dma_start3A_113 = tpu.memref_slice %arg8[%dma_start3A_111, %dma_start3A_112] : memref<4x125xi32, #tpu.memory_space<vmem>> -> memref<1x125xi32, #tpu.memory_space<vmem>>
    %dma_start3A_114 = tpu.memref_squeeze %dma_start3A_113 : memref<1x125xi32, #tpu.memory_space<vmem>> -> memref<125xi32, #tpu.memory_space<vmem>>
    %dma_start3A_115 = arith.constant 0 : i32
    %dma_start3A_116 = arith.constant 0 : i32
    %dma_start3A_117 = tpu.memref_slice %arg4[%add3A, %dma_start3A_115, %dma_start3A_116] : memref<32x80x125xi32, #tpu.memory_space<hbm>> -> memref<1x80x125xi32, #tpu.memory_space<hbm>>
    %dma_start3A_118 = tpu.memref_squeeze %dma_start3A_117 : memref<1x80x125xi32, #tpu.memory_space<hbm>> -> memref<80x125xi32, #tpu.memory_space<hbm>>
    %dma_start3A_119 = arith.constant 0 : i32
    %dma_start3A_120 = tpu.memref_slice %dma_start3A_118[%dma_start3A_110, %dma_start3A_119] : memref<80x125xi32, #tpu.memory_space<hbm>> -> memref<1x125xi32, #tpu.memory_space<hbm>>
    %dma_start3A_121 = tpu.memref_squeeze %dma_start3A_120 : memref<1x125xi32, #tpu.memory_space<hbm>> -> memref<125xi32, #tpu.memory_space<hbm>>
    %dma_start3A_122 = arith.constant 0 : i32
    %dma_start3A_123 = tpu.memref_slice %arg8[%dma_start3A_111, %dma_start3A_122] : memref<4x125xi32, #tpu.memory_space<vmem>> -> memref<1x125xi32, #tpu.memory_space<vmem>>
    %dma_start3A_124 = tpu.memref_squeeze %dma_start3A_123 : memref<1x125xi32, #tpu.memory_space<vmem>> -> memref<125xi32, #tpu.memory_space<vmem>>
    %dma_start3A_125 = arith.constant 0 : i32
    %dma_start3A_126 = arith.constant 0 : i32
    %dma_start3A_127 = tpu.memref_slice %arg4[%add3A, %dma_start3A_125, %dma_start3A_126] : memref<32x80x125xi32, #tpu.memory_space<hbm>> -> memref<1x80x125xi32, #tpu.memory_space<hbm>>
    %dma_start3A_128 = tpu.memref_squeeze %dma_start3A_127 : memref<1x80x125xi32, #tpu.memory_space<hbm>> -> memref<80x125xi32, #tpu.memory_space<hbm>>
    %dma_start3A_129 = arith.constant 0 : i32
    %dma_start3A_130 = tpu.memref_slice %dma_start3A_128[%dma_start3A_110, %dma_start3A_129] : memref<80x125xi32, #tpu.memory_space<hbm>> -> memref<1x125xi32, #tpu.memory_space<hbm>>
    %dma_start3A_131 = tpu.memref_squeeze %dma_start3A_130 : memref<1x125xi32, #tpu.memory_space<hbm>> -> memref<125xi32, #tpu.memory_space<hbm>>
    tpu.enqueue_dma source(%dma_start3A_131 : memref<125xi32, #tpu.memory_space<hbm>>) target(%dma_start3A_124 : memref<125xi32, #tpu.memory_space<vmem>>) target_semaphore(%arg14 : memref<!tpu.dma_semaphore, #tpu.memory_space<semaphore_mem>>)
    %dma_start3A_132 = arith.constant 3 : i32
    %dma_start3A_133 = arith.constant 3 : i32
    %dma_start3A_134 = arith.constant 0 : i32
    %dma_start3A_135 = tpu.memref_slice %arg7[%dma_start3A_133, %dma_start3A_134] : memref<4x125xi32, #tpu.memory_space<vmem>> -> memref<1x125xi32, #tpu.memory_space<vmem>>
    %dma_start3A_136 = tpu.memref_squeeze %dma_start3A_135 : memref<1x125xi32, #tpu.memory_space<vmem>> -> memref<125xi32, #tpu.memory_space<vmem>>
    %dma_start3A_137 = arith.constant 0 : i32
    %dma_start3A_138 = arith.constant 0 : i32
    %dma_start3A_139 = tpu.memref_slice %arg3[%add3A, %dma_start3A_137, %dma_start3A_138] : memref<32x80x125xi32, #tpu.memory_space<hbm>> -> memref<1x80x125xi32, #tpu.memory_space<hbm>>
    %dma_start3A_140 = tpu.memref_squeeze %dma_start3A_139 : memref<1x80x125xi32, #tpu.memory_space<hbm>> -> memref<80x125xi32, #tpu.memory_space<hbm>>
    %dma_start3A_141 = arith.constant 0 : i32
    %dma_start3A_142 = tpu.memref_slice %dma_start3A_140[%dma_start3A_132, %dma_start3A_141] : memref<80x125xi32, #tpu.memory_space<hbm>> -> memref<1x125xi32, #tpu.memory_space<hbm>>
    %dma_start3A_143 = tpu.memref_squeeze %dma_start3A_142 : memref<1x125xi32, #tpu.memory_space<hbm>> -> memref<125xi32, #tpu.memory_space<hbm>>
    %dma_start3A_144 = arith.constant 0 : i32
    %dma_start3A_145 = tpu.memref_slice %arg7[%dma_start3A_133, %dma_start3A_144] : memref<4x125xi32, #tpu.memory_space<vmem>> -> memref<1x125xi32, #tpu.memory_space<vmem>>
    %dma_start3A_146 = tpu.memref_squeeze %dma_start3A_145 : memref<1x125xi32, #tpu.memory_space<vmem>> -> memref<125xi32, #tpu.memory_space<vmem>>
    %dma_start3A_147 = arith.constant 0 : i32
    %dma_start3A_148 = arith.constant 0 : i32
    %dma_start3A_149 = tpu.memref_slice %arg3[%add3A, %dma_start3A_147, %dma_start3A_148] : memref<32x80x125xi32, #tpu.memory_space<hbm>> -> memref<1x80x125xi32, #tpu.memory_space<hbm>>
    %dma_start3A_150 = tpu.memref_squeeze %dma_start3A_149 : memref<1x80x125xi32, #tpu.memory_space<hbm>> -> memref<80x125xi32, #tpu.memory_space<hbm>>
    %dma_start3A_151 = arith.constant 0 : i32
    %dma_start3A_152 = tpu.memref_slice %dma_start3A_150[%dma_start3A_132, %dma_start3A_151] : memref<80x125xi32, #tpu.memory_space<hbm>> -> memref<1x125xi32, #tpu.memory_space<hbm>>
    %dma_start3A_153 = tpu.memref_squeeze %dma_start3A_152 : memref<1x125xi32, #tpu.memory_space<hbm>> -> memref<125xi32, #tpu.memory_space<hbm>>
    tpu.enqueue_dma source(%dma_start3A_153 : memref<125xi32, #tpu.memory_space<hbm>>) target(%dma_start3A_146 : memref<125xi32, #tpu.memory_space<vmem>>) target_semaphore(%arg14 : memref<!tpu.dma_semaphore, #tpu.memory_space<semaphore_mem>>)
    %dma_start3A_154 = arith.constant 3 : i32
    %dma_start3A_155 = arith.constant 3 : i32
    %dma_start3A_156 = arith.constant 0 : i32
    %dma_start3A_157 = tpu.memref_slice %arg8[%dma_start3A_155, %dma_start3A_156] : memref<4x125xi32, #tpu.memory_space<vmem>> -> memref<1x125xi32, #tpu.memory_space<vmem>>
    %dma_start3A_158 = tpu.memref_squeeze %dma_start3A_157 : memref<1x125xi32, #tpu.memory_space<vmem>> -> memref<125xi32, #tpu.memory_space<vmem>>
    %dma_start3A_159 = arith.constant 0 : i32
    %dma_start3A_160 = arith.constant 0 : i32
    %dma_start3A_161 = tpu.memref_slice %arg4[%add3A, %dma_start3A_159, %dma_start3A_160] : memref<32x80x125xi32, #tpu.memory_space<hbm>> -> memref<1x80x125xi32, #tpu.memory_space<hbm>>
    %dma_start3A_162 = tpu.memref_squeeze %dma_start3A_161 : memref<1x80x125xi32, #tpu.memory_space<hbm>> -> memref<80x125xi32, #tpu.memory_space<hbm>>
    %dma_start3A_163 = arith.constant 0 : i32
    %dma_start3A_164 = tpu.memref_slice %dma_start3A_162[%dma_start3A_154, %dma_start3A_163] : memref<80x125xi32, #tpu.memory_space<hbm>> -> memref<1x125xi32, #tpu.memory_space<hbm>>
    %dma_start3A_165 = tpu.memref_squeeze %dma_start3A_164 : memref<1x125xi32, #tpu.memory_space<hbm>> -> memref<125xi32, #tpu.memory_space<hbm>>
    %dma_start3A_166 = arith.constant 0 : i32
    %dma_start3A_167 = tpu.memref_slice %arg8[%dma_start3A_155, %dma_start3A_166] : memref<4x125xi32, #tpu.memory_space<vmem>> -> memref<1x125xi32, #tpu.memory_space<vmem>>
    %dma_start3A_168 = tpu.memref_squeeze %dma_start3A_167 : memref<1x125xi32, #tpu.memory_space<vmem>> -> memref<125xi32, #tpu.memory_space<vmem>>
    %dma_start3A_169 = arith.constant 0 : i32
    %dma_start3A_170 = arith.constant 0 : i32
    %dma_start3A_171 = tpu.memref_slice %arg4[%add3A, %dma_start3A_169, %dma_start3A_170] : memref<32x80x125xi32, #tpu.memory_space<hbm>> -> memref<1x80x125xi32, #tpu.memory_space<hbm>>
    %dma_start3A_172 = tpu.memref_squeeze %dma_start3A_171 : memref<1x80x125xi32, #tpu.memory_space<hbm>> -> memref<80x125xi32, #tpu.memory_space<hbm>>
    %dma_start3A_173 = arith.constant 0 : i32
    %dma_start3A_174 = tpu.memref_slice %dma_start3A_172[%dma_start3A_154, %dma_start3A_173] : memref<80x125xi32, #tpu.memory_space<hbm>> -> memref<1x125xi32, #tpu.memory_space<hbm>>
    %dma_start3A_175 = tpu.memref_squeeze %dma_start3A_174 : memref<1x125xi32, #tpu.memory_space<hbm>> -> memref<125xi32, #tpu.memory_space<hbm>>
    tpu.enqueue_dma source(%dma_start3A_175 : memref<125xi32, #tpu.memory_space<hbm>>) target(%dma_start3A_168 : memref<125xi32, #tpu.memory_space<vmem>>) target_semaphore(%arg14 : memref<!tpu.dma_semaphore, #tpu.memory_space<semaphore_mem>>)
    %mul3A_176 = arith.constant 624 : i32
    %mul3A_177 = arith.muli %arg1, %mul3A_176 : i32
    "tpu.region"() ({
      %run_scoped3A = tpu.sem_alloc : memref<!tpu.dma_semaphore, #tpu.memory_space<semaphore_mem>>
      %dma_start3A_294 = arith.constant 0 : i32
      %dma_start3A_295 = tpu.memref_slice %arg11[%mul3A_177, %dma_start3A_294] : memref<10000x128xf32, #tpu.memory_space<vmem_shared>> -> memref<624x128xf32, #tpu.memory_space<vmem_shared>>
      tpu.enqueue_dma source(%arg5 : memref<624x128xf32, #tpu.memory_space<hbm>>) target(%dma_start3A_295 : memref<624x128xf32, #tpu.memory_space<vmem_shared>>) target_semaphore(%run_scoped3A : memref<!tpu.dma_semaphore, #tpu.memory_space<semaphore_mem>>)
      %dma_wait3A_296 = arith.constant 0 : i32
      %dma_wait3A_297 = tpu.memref_slice %arg11[%mul3A_177, %dma_wait3A_296] : memref<10000x128xf32, #tpu.memory_space<vmem_shared>> -> memref<624x128xf32, #tpu.memory_space<vmem_shared>>
      tpu.wait_dma2 semaphore(%run_scoped3A : memref<!tpu.dma_semaphore, #tpu.memory_space<semaphore_mem>>) src(%arg5 : memref<624x128xf32, #tpu.memory_space<hbm>>) dst(%dma_wait3A_297 : memref<624x128xf32, #tpu.memory_space<vmem_shared>>)
      tpu.yield
    }) : () -> ()
    %eq3A = arith.constant 15 : i32
    %eq3A_178 = arith.cmpi eq, %arg1, %eq3A : i32
    %convert_element_type3A = arith.extui %eq3A_178 : i1 to i32
    %cond3A = arith.constant 0 : i32
    %cond3A_179 = arith.cmpi ne, %convert_element_type3A, %cond3A : i32
    scf.if %cond3A_179 {
      "tpu.region"() ({
        %run_scoped3A = tpu.sem_alloc : memref<!tpu.dma_semaphore, #tpu.memory_space<semaphore_mem>>
        %dma_start3A_294 = arith.constant 9984 : i32
        %dma_start3A_295 = arith.constant 0 : i32
        %dma_start3A_296 = tpu.memref_slice %arg11[%dma_start3A_294, %dma_start3A_295] : memref<10000x128xf32, #tpu.memory_space<vmem_shared>> -> memref<16x128xf32, #tpu.memory_space<vmem_shared>>
        %dma_start3A_297 = arith.constant 0 : i32
        %dma_start3A_298 = arith.constant 0 : i32
        %dma_start3A_299 = tpu.memref_slice %arg5[%dma_start3A_297, %dma_start3A_298] : memref<624x128xf32, #tpu.memory_space<hbm>> -> memref<16x128xf32, #tpu.memory_space<hbm>>
        tpu.enqueue_dma source(%dma_start3A_299 : memref<16x128xf32, #tpu.memory_space<hbm>>) target(%dma_start3A_296 : memref<16x128xf32, #tpu.memory_space<vmem_shared>>) target_semaphore(%run_scoped3A : memref<!tpu.dma_semaphore, #tpu.memory_space<semaphore_mem>>)
        %dma_wait3A_300 = arith.constant 9984 : i32
        %dma_wait3A_301 = arith.constant 0 : i32
        %dma_wait3A_302 = tpu.memref_slice %arg11[%dma_wait3A_300, %dma_wait3A_301] : memref<10000x128xf32, #tpu.memory_space<vmem_shared>> -> memref<16x128xf32, #tpu.memory_space<vmem_shared>>
        %dma_wait3A_303 = arith.constant 0 : i32
        %dma_wait3A_304 = arith.constant 0 : i32
        %dma_wait3A_305 = tpu.memref_slice %arg5[%dma_wait3A_303, %dma_wait3A_304] : memref<624x128xf32, #tpu.memory_space<hbm>> -> memref<16x128xf32, #tpu.memory_space<hbm>>
        tpu.wait_dma2 semaphore(%run_scoped3A : memref<!tpu.dma_semaphore, #tpu.memory_space<semaphore_mem>>) src(%dma_wait3A_305 : memref<16x128xf32, #tpu.memory_space<hbm>>) dst(%dma_wait3A_302 : memref<16x128xf32, #tpu.memory_space<vmem_shared>>)
        tpu.yield
      }) : () -> ()
    } else {
    }
    %dma_wait3A = arith.constant 0 : i32
    %dma_wait3A_180 = arith.constant 0 : i32
    %dma_wait3A_181 = arith.constant 0 : i32
    %dma_wait3A_182 = tpu.memref_slice %arg7[%dma_wait3A_180, %dma_wait3A_181] : memref<4x125xi32, #tpu.memory_space<vmem>> -> memref<1x125xi32, #tpu.memory_space<vmem>>
    %dma_wait3A_183 = tpu.memref_squeeze %dma_wait3A_182 : memref<1x125xi32, #tpu.memory_space<vmem>> -> memref<125xi32, #tpu.memory_space<vmem>>
    %dma_wait3A_184 = arith.constant 0 : i32
    %dma_wait3A_185 = arith.constant 0 : i32
    %dma_wait3A_186 = tpu.memref_slice %arg3[%add3A, %dma_wait3A_184, %dma_wait3A_185] : memref<32x80x125xi32, #tpu.memory_space<hbm>> -> memref<1x80x125xi32, #tpu.memory_space<hbm>>
    %dma_wait3A_187 = tpu.memref_squeeze %dma_wait3A_186 : memref<1x80x125xi32, #tpu.memory_space<hbm>> -> memref<80x125xi32, #tpu.memory_space<hbm>>
    %dma_wait3A_188 = arith.constant 0 : i32
    %dma_wait3A_189 = tpu.memref_slice %dma_wait3A_187[%dma_wait3A, %dma_wait3A_188] : memref<80x125xi32, #tpu.memory_space<hbm>> -> memref<1x125xi32, #tpu.memory_space<hbm>>
    %dma_wait3A_190 = tpu.memref_squeeze %dma_wait3A_189 : memref<1x125xi32, #tpu.memory_space<hbm>> -> memref<125xi32, #tpu.memory_space<hbm>>
    %dma_wait3A_191 = arith.constant 0 : i32
    %dma_wait3A_192 = tpu.memref_slice %arg7[%dma_wait3A_180, %dma_wait3A_191] : memref<4x125xi32, #tpu.memory_space<vmem>> -> memref<1x125xi32, #tpu.memory_space<vmem>>
    %dma_wait3A_193 = tpu.memref_squeeze %dma_wait3A_192 : memref<1x125xi32, #tpu.memory_space<vmem>> -> memref<125xi32, #tpu.memory_space<vmem>>
    %dma_wait3A_194 = arith.constant 0 : i32
    %dma_wait3A_195 = arith.constant 0 : i32
    %dma_wait3A_196 = tpu.memref_slice %arg3[%add3A, %dma_wait3A_194, %dma_wait3A_195] : memref<32x80x125xi32, #tpu.memory_space<hbm>> -> memref<1x80x125xi32, #tpu.memory_space<hbm>>
    %dma_wait3A_197 = tpu.memref_squeeze %dma_wait3A_196 : memref<1x80x125xi32, #tpu.memory_space<hbm>> -> memref<80x125xi32, #tpu.memory_space<hbm>>
    %dma_wait3A_198 = arith.constant 0 : i32
    %dma_wait3A_199 = tpu.memref_slice %dma_wait3A_197[%dma_wait3A, %dma_wait3A_198] : memref<80x125xi32, #tpu.memory_space<hbm>> -> memref<1x125xi32, #tpu.memory_space<hbm>>
    %dma_wait3A_200 = tpu.memref_squeeze %dma_wait3A_199 : memref<1x125xi32, #tpu.memory_space<hbm>> -> memref<125xi32, #tpu.memory_space<hbm>>
    tpu.wait_dma2 semaphore(%arg14 : memref<!tpu.dma_semaphore, #tpu.memory_space<semaphore_mem>>) src(%dma_wait3A_200 : memref<125xi32, #tpu.memory_space<hbm>>) dst(%dma_wait3A_193 : memref<125xi32, #tpu.memory_space<vmem>>)
    %dma_wait3A_201 = arith.constant 0 : i32
    %dma_wait3A_202 = arith.constant 0 : i32
    %dma_wait3A_203 = arith.constant 0 : i32
    %dma_wait3A_204 = tpu.memref_slice %arg8[%dma_wait3A_202, %dma_wait3A_203] : memref<4x125xi32, #tpu.memory_space<vmem>> -> memref<1x125xi32, #tpu.memory_space<vmem>>
    %dma_wait3A_205 = tpu.memref_squeeze %dma_wait3A_204 : memref<1x125xi32, #tpu.memory_space<vmem>> -> memref<125xi32, #tpu.memory_space<vmem>>
    %dma_wait3A_206 = arith.constant 0 : i32
    %dma_wait3A_207 = arith.constant 0 : i32
    %dma_wait3A_208 = tpu.memref_slice %arg4[%add3A, %dma_wait3A_206, %dma_wait3A_207] : memref<32x80x125xi32, #tpu.memory_space<hbm>> -> memref<1x80x125xi32, #tpu.memory_space<hbm>>
    %dma_wait3A_209 = tpu.memref_squeeze %dma_wait3A_208 : memref<1x80x125xi32, #tpu.memory_space<hbm>> -> memref<80x125xi32, #tpu.memory_space<hbm>>
    %dma_wait3A_210 = arith.constant 0 : i32
    %dma_wait3A_211 = tpu.memref_slice %dma_wait3A_209[%dma_wait3A_201, %dma_wait3A_210] : memref<80x125xi32, #tpu.memory_space<hbm>> -> memref<1x125xi32, #tpu.memory_space<hbm>>
    %dma_wait3A_212 = tpu.memref_squeeze %dma_wait3A_211 : memref<1x125xi32, #tpu.memory_space<hbm>> -> memref<125xi32, #tpu.memory_space<hbm>>
    %dma_wait3A_213 = arith.constant 0 : i32
    %dma_wait3A_214 = tpu.memref_slice %arg8[%dma_wait3A_202, %dma_wait3A_213] : memref<4x125xi32, #tpu.memory_space<vmem>> -> memref<1x125xi32, #tpu.memory_space<vmem>>
    %dma_wait3A_215 = tpu.memref_squeeze %dma_wait3A_214 : memref<1x125xi32, #tpu.memory_space<vmem>> -> memref<125xi32, #tpu.memory_space<vmem>>
    %dma_wait3A_216 = arith.constant 0 : i32
    %dma_wait3A_217 = arith.constant 0 : i32
    %dma_wait3A_218 = tpu.memref_slice %arg4[%add3A, %dma_wait3A_216, %dma_wait3A_217] : memref<32x80x125xi32, #tpu.memory_space<hbm>> -> memref<1x80x125xi32, #tpu.memory_space<hbm>>
    %dma_wait3A_219 = tpu.memref_squeeze %dma_wait3A_218 : memref<1x80x125xi32, #tpu.memory_space<hbm>> -> memref<80x125xi32, #tpu.memory_space<hbm>>
    %dma_wait3A_220 = arith.constant 0 : i32
    %dma_wait3A_221 = tpu.memref_slice %dma_wait3A_219[%dma_wait3A_201, %dma_wait3A_220] : memref<80x125xi32, #tpu.memory_space<hbm>> -> memref<1x125xi32, #tpu.memory_space<hbm>>
    %dma_wait3A_222 = tpu.memref_squeeze %dma_wait3A_221 : memref<1x125xi32, #tpu.memory_space<hbm>> -> memref<125xi32, #tpu.memory_space<hbm>>
    tpu.wait_dma2 semaphore(%arg14 : memref<!tpu.dma_semaphore, #tpu.memory_space<semaphore_mem>>) src(%dma_wait3A_222 : memref<125xi32, #tpu.memory_space<hbm>>) dst(%dma_wait3A_215 : memref<125xi32, #tpu.memory_space<vmem>>)
    %dma_start3A_223 = arith.constant 0 : i32
    %dma_start3A_224 = arith.constant 0 : i32
    %dma_start3A_225 = tpu.memref_slice %arg7[%dma_start3A_223, %dma_start3A_224] : memref<4x125xi32, #tpu.memory_space<vmem>> -> memref<1x125xi32, #tpu.memory_space<vmem>>
    %dma_start3A_226 = tpu.memref_squeeze %dma_start3A_225 : memref<1x125xi32, #tpu.memory_space<vmem>> -> memref<125xi32, #tpu.memory_space<vmem>>
    %dma_start3A_227 = arith.constant 0 : i32
    %dma_start3A_228 = arith.constant 0 : i32
    %dma_start3A_229 = tpu.memref_slice %arg2[%dma_start3A_227, %dma_start3A_228] : memref<10000x128xf32, #tpu.memory_space<hbm>> -> memref<10000x128xf32, #tpu.memory_space<hbm>>
    tpu.enqueue_indirect_dma source(%dma_start3A_229 : memref<10000x128xf32, #tpu.memory_space<hbm>>) target(%arg9 : memref<125x128xf32, #tpu.memory_space<vmem>>) offsets(%dma_start3A_226 : memref<125xi32, #tpu.memory_space<vmem>>) semaphore(%arg12 : memref<!tpu.dma_semaphore, #tpu.memory_space<semaphore_mem>>)
    %dma_wait3A_230 = arith.constant 0 : i32
    %dma_wait3A_231 = arith.constant 0 : i32
    %dma_wait3A_232 = arith.constant 0 : i32
    %dma_wait3A_233 = tpu.memref_slice %arg7[%dma_wait3A_231, %dma_wait3A_232] : memref<4x125xi32, #tpu.memory_space<vmem>> -> memref<1x125xi32, #tpu.memory_space<vmem>>
    %dma_wait3A_234 = tpu.memref_squeeze %dma_wait3A_233 : memref<1x125xi32, #tpu.memory_space<vmem>> -> memref<125xi32, #tpu.memory_space<vmem>>
    %dma_wait3A_235 = arith.constant 0 : i32
    %dma_wait3A_236 = arith.constant 0 : i32
    %dma_wait3A_237 = tpu.memref_slice %arg3[%add3A, %dma_wait3A_235, %dma_wait3A_236] : memref<32x80x125xi32, #tpu.memory_space<hbm>> -> memref<1x80x125xi32, #tpu.memory_space<hbm>>
    %dma_wait3A_238 = tpu.memref_squeeze %dma_wait3A_237 : memref<1x80x125xi32, #tpu.memory_space<hbm>> -> memref<80x125xi32, #tpu.memory_space<hbm>>
    %dma_wait3A_239 = arith.constant 0 : i32
    %dma_wait3A_240 = tpu.memref_slice %dma_wait3A_238[%dma_wait3A_230, %dma_wait3A_239] : memref<80x125xi32, #tpu.memory_space<hbm>> -> memref<1x125xi32, #tpu.memory_space<hbm>>
    %dma_wait3A_241 = tpu.memref_squeeze %dma_wait3A_240 : memref<1x125xi32, #tpu.memory_space<hbm>> -> memref<125xi32, #tpu.memory_space<hbm>>
    %dma_wait3A_242 = arith.constant 0 : i32
    %dma_wait3A_243 = tpu.memref_slice %arg7[%dma_wait3A_231, %dma_wait3A_242] : memref<4x125xi32, #tpu.memory_space<vmem>> -> memref<1x125xi32, #tpu.memory_space<vmem>>
    %dma_wait3A_244 = tpu.memref_squeeze %dma_wait3A_243 : memref<1x125xi32, #tpu.memory_space<vmem>> -> memref<125xi32, #tpu.memory_space<vmem>>
    %dma_wait3A_245 = arith.constant 0 : i32
    %dma_wait3A_246 = arith.constant 0 : i32
    %dma_wait3A_247 = tpu.memref_slice %arg3[%add3A, %dma_wait3A_245, %dma_wait3A_246] : memref<32x80x125xi32, #tpu.memory_space<hbm>> -> memref<1x80x125xi32, #tpu.memory_space<hbm>>
    %dma_wait3A_248 = tpu.memref_squeeze %dma_wait3A_247 : memref<1x80x125xi32, #tpu.memory_space<hbm>> -> memref<80x125xi32, #tpu.memory_space<hbm>>
    %dma_wait3A_249 = arith.constant 0 : i32
    %dma_wait3A_250 = tpu.memref_slice %dma_wait3A_248[%dma_wait3A_230, %dma_wait3A_249] : memref<80x125xi32, #tpu.memory_space<hbm>> -> memref<1x125xi32, #tpu.memory_space<hbm>>
    %dma_wait3A_251 = tpu.memref_squeeze %dma_wait3A_250 : memref<1x125xi32, #tpu.memory_space<hbm>> -> memref<125xi32, #tpu.memory_space<hbm>>
    tpu.wait_dma2 semaphore(%arg14 : memref<!tpu.dma_semaphore, #tpu.memory_space<semaphore_mem>>) src(%dma_wait3A_251 : memref<125xi32, #tpu.memory_space<hbm>>) dst(%dma_wait3A_244 : memref<125xi32, #tpu.memory_space<vmem>>)
    %dma_wait3A_252 = arith.constant 0 : i32
    %dma_wait3A_253 = arith.constant 0 : i32
    %dma_wait3A_254 = arith.constant 0 : i32
    %dma_wait3A_255 = tpu.memref_slice %arg8[%dma_wait3A_253, %dma_wait3A_254] : memref<4x125xi32, #tpu.memory_space<vmem>> -> memref<1x125xi32, #tpu.memory_space<vmem>>
    %dma_wait3A_256 = tpu.memref_squeeze %dma_wait3A_255 : memref<1x125xi32, #tpu.memory_space<vmem>> -> memref<125xi32, #tpu.memory_space<vmem>>
    %dma_wait3A_257 = arith.constant 0 : i32
    %dma_wait3A_258 = arith.constant 0 : i32
    %dma_wait3A_259 = tpu.memref_slice %arg4[%add3A, %dma_wait3A_257, %dma_wait3A_258] : memref<32x80x125xi32, #tpu.memory_space<hbm>> -> memref<1x80x125xi32, #tpu.memory_space<hbm>>
    %dma_wait3A_260 = tpu.memref_squeeze %dma_wait3A_259 : memref<1x80x125xi32, #tpu.memory_space<hbm>> -> memref<80x125xi32, #tpu.memory_space<hbm>>
    %dma_wait3A_261 = arith.constant 0 : i32
    %dma_wait3A_262 = tpu.memref_slice %dma_wait3A_260[%dma_wait3A_252, %dma_wait3A_261] : memref<80x125xi32, #tpu.memory_space<hbm>> -> memref<1x125xi32, #tpu.memory_space<hbm>>
    %dma_wait3A_263 = tpu.memref_squeeze %dma_wait3A_262 : memref<1x125xi32, #tpu.memory_space<hbm>> -> memref<125xi32, #tpu.memory_space<hbm>>
    %dma_wait3A_264 = arith.constant 0 : i32
    %dma_wait3A_265 = tpu.memref_slice %arg8[%dma_wait3A_253, %dma_wait3A_264] : memref<4x125xi32, #tpu.memory_space<vmem>> -> memref<1x125xi32, #tpu.memory_space<vmem>>
    %dma_wait3A_266 = tpu.memref_squeeze %dma_wait3A_265 : memref<1x125xi32, #tpu.memory_space<vmem>> -> memref<125xi32, #tpu.memory_space<vmem>>
    %dma_wait3A_267 = arith.constant 0 : i32
    %dma_wait3A_268 = arith.constant 0 : i32
    %dma_wait3A_269 = tpu.memref_slice %arg4[%add3A, %dma_wait3A_267, %dma_wait3A_268] : memref<32x80x125xi32, #tpu.memory_space<hbm>> -> memref<1x80x125xi32, #tpu.memory_space<hbm>>
    %dma_wait3A_270 = tpu.memref_squeeze %dma_wait3A_269 : memref<1x80x125xi32, #tpu.memory_space<hbm>> -> memref<80x125xi32, #tpu.memory_space<hbm>>
    %dma_wait3A_271 = arith.constant 0 : i32
    %dma_wait3A_272 = tpu.memref_slice %dma_wait3A_270[%dma_wait3A_252, %dma_wait3A_271] : memref<80x125xi32, #tpu.memory_space<hbm>> -> memref<1x125xi32, #tpu.memory_space<hbm>>
    %dma_wait3A_273 = tpu.memref_squeeze %dma_wait3A_272 : memref<1x125xi32, #tpu.memory_space<hbm>> -> memref<125xi32, #tpu.memory_space<hbm>>
    tpu.wait_dma2 semaphore(%arg14 : memref<!tpu.dma_semaphore, #tpu.memory_space<semaphore_mem>>) src(%dma_wait3A_273 : memref<125xi32, #tpu.memory_space<hbm>>) dst(%dma_wait3A_266 : memref<125xi32, #tpu.memory_space<vmem>>)
    %dma_start3A_274 = arith.constant 1 : i32
    %dma_start3A_275 = arith.constant 0 : i32
    %dma_start3A_276 = tpu.memref_slice %arg7[%dma_start3A_274, %dma_start3A_275] : memref<4x125xi32, #tpu.memory_space<vmem>> -> memref<1x125xi32, #tpu.memory_space<vmem>>
    %dma_start3A_277 = tpu.memref_squeeze %dma_start3A_276 : memref<1x125xi32, #tpu.memory_space<vmem>> -> memref<125xi32, #tpu.memory_space<vmem>>
    %dma_start3A_278 = arith.constant 0 : i32
    %dma_start3A_279 = arith.constant 0 : i32
    %dma_start3A_280 = tpu.memref_slice %arg2[%dma_start3A_278, %dma_start3A_279] : memref<10000x128xf32, #tpu.memory_space<hbm>> -> memref<10000x128xf32, #tpu.memory_space<hbm>>
    tpu.enqueue_indirect_dma source(%dma_start3A_280 : memref<10000x128xf32, #tpu.memory_space<hbm>>) target(%arg10 : memref<125x128xf32, #tpu.memory_space<vmem>>) offsets(%dma_start3A_277 : memref<125xi32, #tpu.memory_space<vmem>>) semaphore(%arg12 : memref<!tpu.dma_semaphore, #tpu.memory_space<semaphore_mem>>)
    %barrier3A = arith.constant 0 : index
    tpu.barrier barrier_id(%barrier3A)
    %scan3A = arith.constant 0 : i32
    %scan3A_281 = arith.constant 0 : i32
    %scan3A_282 = arith.constant 40 : i32
    %scan3A_283 = arith.addi %scan3A_281, %scan3A_282 : i32
    %scan3A_284 = arith.constant 1 : i32
    scf.for %scan3A_294 = %scan3A_281 to %scan3A_283 step %scan3A_284  : i32 {
      %mul3A_295 = arith.constant 2 : i32
      %mul3A_296 = arith.muli %scan3A_294, %mul3A_295 : i32
      %add3A_297 = arith.constant 0 : i32
      %add3A_298 = arith.addi %mul3A_296, %add3A_297 : i32
      %dma_wait3A_299 = arith.constant 0 : i32
      %dma_wait3A_300 = arith.constant 0 : i32
      %dma_wait3A_301 = tpu.memref_slice %arg7[%dma_wait3A_299, %dma_wait3A_300] : memref<4x125xi32, #tpu.memory_space<vmem>> -> memref<1x125xi32, #tpu.memory_space<vmem>>
      %dma_wait3A_302 = tpu.memref_squeeze %dma_wait3A_301 : memref<1x125xi32, #tpu.memory_space<vmem>> -> memref<125xi32, #tpu.memory_space<vmem>>
      %dma_wait3A_303 = arith.constant 0 : i32
      %dma_wait3A_304 = arith.constant 0 : i32
      %dma_wait3A_305 = tpu.memref_slice %arg2[%dma_wait3A_303, %dma_wait3A_304] : memref<10000x128xf32, #tpu.memory_space<hbm>> -> memref<10000x128xf32, #tpu.memory_space<hbm>>
      tpu.wait_indirect_dma semaphore(%arg12 : memref<!tpu.dma_semaphore, #tpu.memory_space<semaphore_mem>>) src(%dma_wait3A_305 : memref<10000x128xf32, #tpu.memory_space<hbm>>) dst(%arg9 : memref<125x128xf32, #tpu.memory_space<vmem>>)
      %jit3A = arith.constant 4 : i32
      %eq3A_306 = arith.constant 0 : i32
      %eq3A_307 = arith.cmpi eq, %jit3A, %eq3A_306 : i32
      %jit3A_308 = arith.constant 1 : i32
      %select_n3A = arith.select %eq3A_307, %jit3A_308, %jit3A : i32
      %rem3A = arith.remsi %add3A_298, %select_n3A : i32
      %ne3A = arith.constant 0 : i32
      %ne3A_309 = arith.cmpi ne, %rem3A, %ne3A : i32
      %lt3A = arith.constant 0 : i32
      %lt3A_310 = arith.cmpi slt, %rem3A, %lt3A : i32
      %lt3A_311 = arith.constant 0 : i32
      %lt3A_312 = arith.cmpi slt, %select_n3A, %lt3A_311 : i32
      %ne3A_313 = arith.xori %lt3A_310, %lt3A_312 : i1
      %and3A = arith.andi %ne3A_313, %ne3A_309 : i1
      %add3A_314 = arith.addi %rem3A, %select_n3A : i32
      %select_n3A_315 = arith.select %and3A, %add3A_314, %rem3A : i32
      %dma_start3A_316 = arith.constant 0 : i32
      %dma_start3A_317 = tpu.memref_slice %arg8[%select_n3A_315, %dma_start3A_316] : memref<4x125xi32, #tpu.memory_space<vmem>> -> memref<1x125xi32, #tpu.memory_space<vmem>>
      %dma_start3A_318 = tpu.memref_squeeze %dma_start3A_317 : memref<1x125xi32, #tpu.memory_space<vmem>> -> memref<125xi32, #tpu.memory_space<vmem>>
      %dma_start3A_319 = arith.constant 0 : i32
      %dma_start3A_320 = arith.constant 0 : i32
      %dma_start3A_321 = tpu.memref_slice %arg11[%dma_start3A_319, %dma_start3A_320] : memref<10000x128xf32, #tpu.memory_space<vmem_shared>> -> memref<10000x128xf32, #tpu.memory_space<vmem_shared>>
      tpu.enqueue_indirect_dma source(%arg9 : memref<125x128xf32, #tpu.memory_space<vmem>>) target(%dma_start3A_321 : memref<10000x128xf32, #tpu.memory_space<vmem_shared>>) offsets(%dma_start3A_318 : memref<125xi32, #tpu.memory_space<vmem>>) semaphore(%arg13 : memref<!tpu.dma_semaphore, #tpu.memory_space<semaphore_mem>>) {add = true}
      %add3A_322 = arith.constant 1 : i32
      %add3A_323 = arith.addi %mul3A_296, %add3A_322 : i32
      %dma_wait3A_324 = arith.constant 0 : i32
      %dma_wait3A_325 = arith.constant 0 : i32
      %dma_wait3A_326 = tpu.memref_slice %arg7[%dma_wait3A_324, %dma_wait3A_325] : memref<4x125xi32, #tpu.memory_space<vmem>> -> memref<1x125xi32, #tpu.memory_space<vmem>>
      %dma_wait3A_327 = tpu.memref_squeeze %dma_wait3A_326 : memref<1x125xi32, #tpu.memory_space<vmem>> -> memref<125xi32, #tpu.memory_space<vmem>>
      %dma_wait3A_328 = arith.constant 0 : i32
      %dma_wait3A_329 = arith.constant 0 : i32
      %dma_wait3A_330 = tpu.memref_slice %arg2[%dma_wait3A_328, %dma_wait3A_329] : memref<10000x128xf32, #tpu.memory_space<hbm>> -> memref<10000x128xf32, #tpu.memory_space<hbm>>
      tpu.wait_indirect_dma semaphore(%arg12 : memref<!tpu.dma_semaphore, #tpu.memory_space<semaphore_mem>>) src(%dma_wait3A_330 : memref<10000x128xf32, #tpu.memory_space<hbm>>) dst(%arg10 : memref<125x128xf32, #tpu.memory_space<vmem>>)
      %jit3A_331 = arith.constant 4 : i32
      %eq3A_332 = arith.constant 0 : i32
      %eq3A_333 = arith.cmpi eq, %jit3A_331, %eq3A_332 : i32
      %jit3A_334 = arith.constant 1 : i32
      %select_n3A_335 = arith.select %eq3A_333, %jit3A_334, %jit3A_331 : i32
      %rem3A_336 = arith.remsi %add3A_323, %select_n3A_335 : i32
      %ne3A_337 = arith.constant 0 : i32
      %ne3A_338 = arith.cmpi ne, %rem3A_336, %ne3A_337 : i32
      %lt3A_339 = arith.constant 0 : i32
      %lt3A_340 = arith.cmpi slt, %rem3A_336, %lt3A_339 : i32
      %lt3A_341 = arith.constant 0 : i32
      %lt3A_342 = arith.cmpi slt, %select_n3A_335, %lt3A_341 : i32
      %ne3A_343 = arith.xori %lt3A_340, %lt3A_342 : i1
      %and3A_344 = arith.andi %ne3A_343, %ne3A_338 : i1
      %add3A_345 = arith.addi %rem3A_336, %select_n3A_335 : i32
      %select_n3A_346 = arith.select %and3A_344, %add3A_345, %rem3A_336 : i32
      %dma_start3A_347 = arith.constant 0 : i32
      %dma_start3A_348 = tpu.memref_slice %arg8[%select_n3A_346, %dma_start3A_347] : memref<4x125xi32, #tpu.memory_space<vmem>> -> memref<1x125xi32, #tpu.memory_space<vmem>>
      %dma_start3A_349 = tpu.memref_squeeze %dma_start3A_348 : memref<1x125xi32, #tpu.memory_space<vmem>> -> memref<125xi32, #tpu.memory_space<vmem>>
      %dma_start3A_350 = arith.constant 0 : i32
      %dma_start3A_351 = arith.constant 0 : i32
      %dma_start3A_352 = tpu.memref_slice %arg11[%dma_start3A_350, %dma_start3A_351] : memref<10000x128xf32, #tpu.memory_space<vmem_shared>> -> memref<10000x128xf32, #tpu.memory_space<vmem_shared>>
      tpu.enqueue_indirect_dma source(%arg10 : memref<125x128xf32, #tpu.memory_space<vmem>>) target(%dma_start3A_352 : memref<10000x128xf32, #tpu.memory_space<vmem_shared>>) offsets(%dma_start3A_349 : memref<125xi32, #tpu.memory_space<vmem>>) semaphore(%arg13 : memref<!tpu.dma_semaphore, #tpu.memory_space<semaphore_mem>>) {add = true}
      %add3A_353 = arith.constant 0 : i32
      %add3A_354 = arith.addi %mul3A_296, %add3A_353 : i32
      %dma_wait3A_355 = arith.constant 0 : i32
      %dma_wait3A_356 = arith.constant 0 : i32
      %dma_wait3A_357 = tpu.memref_slice %arg8[%dma_wait3A_355, %dma_wait3A_356] : memref<4x125xi32, #tpu.memory_space<vmem>> -> memref<1x125xi32, #tpu.memory_space<vmem>>
      %dma_wait3A_358 = tpu.memref_squeeze %dma_wait3A_357 : memref<1x125xi32, #tpu.memory_space<vmem>> -> memref<125xi32, #tpu.memory_space<vmem>>
      %dma_wait3A_359 = arith.constant 0 : i32
      %dma_wait3A_360 = arith.constant 0 : i32
      %dma_wait3A_361 = tpu.memref_slice %arg11[%dma_wait3A_359, %dma_wait3A_360] : memref<10000x128xf32, #tpu.memory_space<vmem_shared>> -> memref<10000x128xf32, #tpu.memory_space<vmem_shared>>
      tpu.wait_indirect_dma semaphore(%arg13 : memref<!tpu.dma_semaphore, #tpu.memory_space<semaphore_mem>>) src(%arg9 : memref<125x128xf32, #tpu.memory_space<vmem>>) dst(%dma_wait3A_361 : memref<10000x128xf32, #tpu.memory_space<vmem_shared>>)
      %add3A_362 = arith.constant 4 : i32
      %add3A_363 = arith.addi %mul3A_296, %add3A_362 : i32
      %add3A_364 = arith.constant 0 : i32
      %add3A_365 = arith.addi %add3A_363, %add3A_364 : i32
      %lt3A_366 = arith.constant 80 : i32
      %lt3A_367 = arith.cmpi slt, %add3A_365, %lt3A_366 : i32
      %convert_element_type3A_368 = arith.extui %lt3A_367 : i1 to i32
      %cond3A_369 = arith.constant 0 : i32
      %cond3A_370 = arith.cmpi ne, %convert_element_type3A_368, %cond3A_369 : i32
      scf.if %cond3A_370 {
        %jit3A_407 = arith.constant 4 : i32
        %eq3A_408 = arith.constant 0 : i32
        %eq3A_409 = arith.cmpi eq, %jit3A_407, %eq3A_408 : i32
        %jit3A_410 = arith.constant 1 : i32
        %select_n3A_411 = arith.select %eq3A_409, %jit3A_410, %jit3A_407 : i32
        %rem3A_412 = arith.remsi %add3A_354, %select_n3A_411 : i32
        %ne3A_413 = arith.constant 0 : i32
        %ne3A_414 = arith.cmpi ne, %rem3A_412, %ne3A_413 : i32
        %lt3A_415 = arith.constant 0 : i32
        %lt3A_416 = arith.cmpi slt, %rem3A_412, %lt3A_415 : i32
        %lt3A_417 = arith.constant 0 : i32
        %lt3A_418 = arith.cmpi slt, %select_n3A_411, %lt3A_417 : i32
        %ne3A_419 = arith.xori %lt3A_416, %lt3A_418 : i1
        %and3A_420 = arith.andi %ne3A_419, %ne3A_414 : i1
        %add3A_421 = arith.addi %rem3A_412, %select_n3A_411 : i32
        %select_n3A_422 = arith.select %and3A_420, %add3A_421, %rem3A_412 : i32
        %dma_start3A_423 = arith.constant 0 : i32
        %dma_start3A_424 = tpu.memref_slice %arg7[%select_n3A_422, %dma_start3A_423] : memref<4x125xi32, #tpu.memory_space<vmem>> -> memref<1x125xi32, #tpu.memory_space<vmem>>
        %dma_start3A_425 = tpu.memref_squeeze %dma_start3A_424 : memref<1x125xi32, #tpu.memory_space<vmem>> -> memref<125xi32, #tpu.memory_space<vmem>>
        %dma_start3A_426 = arith.constant 0 : i32
        %dma_start3A_427 = arith.constant 0 : i32
        %dma_start3A_428 = tpu.memref_slice %arg3[%add3A, %dma_start3A_426, %dma_start3A_427] : memref<32x80x125xi32, #tpu.memory_space<hbm>> -> memref<1x80x125xi32, #tpu.memory_space<hbm>>
        %dma_start3A_429 = tpu.memref_squeeze %dma_start3A_428 : memref<1x80x125xi32, #tpu.memory_space<hbm>> -> memref<80x125xi32, #tpu.memory_space<hbm>>
        %dma_start3A_430 = arith.constant 0 : i32
        %dma_start3A_431 = tpu.memref_slice %dma_start3A_429[%add3A_365, %dma_start3A_430] : memref<80x125xi32, #tpu.memory_space<hbm>> -> memref<1x125xi32, #tpu.memory_space<hbm>>
        %dma_start3A_432 = tpu.memref_squeeze %dma_start3A_431 : memref<1x125xi32, #tpu.memory_space<hbm>> -> memref<125xi32, #tpu.memory_space<hbm>>
        %dma_start3A_433 = arith.constant 0 : i32
        %dma_start3A_434 = tpu.memref_slice %arg7[%select_n3A_422, %dma_start3A_433] : memref<4x125xi32, #tpu.memory_space<vmem>> -> memref<1x125xi32, #tpu.memory_space<vmem>>
        %dma_start3A_435 = tpu.memref_squeeze %dma_start3A_434 : memref<1x125xi32, #tpu.memory_space<vmem>> -> memref<125xi32, #tpu.memory_space<vmem>>
        %dma_start3A_436 = arith.constant 0 : i32
        %dma_start3A_437 = arith.constant 0 : i32
        %dma_start3A_438 = tpu.memref_slice %arg3[%add3A, %dma_start3A_436, %dma_start3A_437] : memref<32x80x125xi32, #tpu.memory_space<hbm>> -> memref<1x80x125xi32, #tpu.memory_space<hbm>>
        %dma_start3A_439 = tpu.memref_squeeze %dma_start3A_438 : memref<1x80x125xi32, #tpu.memory_space<hbm>> -> memref<80x125xi32, #tpu.memory_space<hbm>>
        %dma_start3A_440 = arith.constant 0 : i32
        %dma_start3A_441 = tpu.memref_slice %dma_start3A_439[%add3A_365, %dma_start3A_440] : memref<80x125xi32, #tpu.memory_space<hbm>> -> memref<1x125xi32, #tpu.memory_space<hbm>>
        %dma_start3A_442 = tpu.memref_squeeze %dma_start3A_441 : memref<1x125xi32, #tpu.memory_space<hbm>> -> memref<125xi32, #tpu.memory_space<hbm>>
        tpu.enqueue_dma source(%dma_start3A_442 : memref<125xi32, #tpu.memory_space<hbm>>) target(%dma_start3A_435 : memref<125xi32, #tpu.memory_space<vmem>>) target_semaphore(%arg14 : memref<!tpu.dma_semaphore, #tpu.memory_space<semaphore_mem>>)
        %dma_start3A_443 = arith.constant 0 : i32
        %dma_start3A_444 = tpu.memref_slice %arg8[%select_n3A_422, %dma_start3A_443] : memref<4x125xi32, #tpu.memory_space<vmem>> -> memref<1x125xi32, #tpu.memory_space<vmem>>
        %dma_start3A_445 = tpu.memref_squeeze %dma_start3A_444 : memref<1x125xi32, #tpu.memory_space<vmem>> -> memref<125xi32, #tpu.memory_space<vmem>>
        %dma_start3A_446 = arith.constant 0 : i32
        %dma_start3A_447 = arith.constant 0 : i32
        %dma_start3A_448 = tpu.memref_slice %arg4[%add3A, %dma_start3A_446, %dma_start3A_447] : memref<32x80x125xi32, #tpu.memory_space<hbm>> -> memref<1x80x125xi32, #tpu.memory_space<hbm>>
        %dma_start3A_449 = tpu.memref_squeeze %dma_start3A_448 : memref<1x80x125xi32, #tpu.memory_space<hbm>> -> memref<80x125xi32, #tpu.memory_space<hbm>>
        %dma_start3A_450 = arith.constant 0 : i32
        %dma_start3A_451 = tpu.memref_slice %dma_start3A_449[%add3A_365, %dma_start3A_450] : memref<80x125xi32, #tpu.memory_space<hbm>> -> memref<1x125xi32, #tpu.memory_space<hbm>>
        %dma_start3A_452 = tpu.memref_squeeze %dma_start3A_451 : memref<1x125xi32, #tpu.memory_space<hbm>> -> memref<125xi32, #tpu.memory_space<hbm>>
        %dma_start3A_453 = arith.constant 0 : i32
        %dma_start3A_454 = tpu.memref_slice %arg8[%select_n3A_422, %dma_start3A_453] : memref<4x125xi32, #tpu.memory_space<vmem>> -> memref<1x125xi32, #tpu.memory_space<vmem>>
        %dma_start3A_455 = tpu.memref_squeeze %dma_start3A_454 : memref<1x125xi32, #tpu.memory_space<vmem>> -> memref<125xi32, #tpu.memory_space<vmem>>
        %dma_start3A_456 = arith.constant 0 : i32
        %dma_start3A_457 = arith.constant 0 : i32
        %dma_start3A_458 = tpu.memref_slice %arg4[%add3A, %dma_start3A_456, %dma_start3A_457] : memref<32x80x125xi32, #tpu.memory_space<hbm>> -> memref<1x80x125xi32, #tpu.memory_space<hbm>>
        %dma_start3A_459 = tpu.memref_squeeze %dma_start3A_458 : memref<1x80x125xi32, #tpu.memory_space<hbm>> -> memref<80x125xi32, #tpu.memory_space<hbm>>
        %dma_start3A_460 = arith.constant 0 : i32
        %dma_start3A_461 = tpu.memref_slice %dma_start3A_459[%add3A_365, %dma_start3A_460] : memref<80x125xi32, #tpu.memory_space<hbm>> -> memref<1x125xi32, #tpu.memory_space<hbm>>
        %dma_start3A_462 = tpu.memref_squeeze %dma_start3A_461 : memref<1x125xi32, #tpu.memory_space<hbm>> -> memref<125xi32, #tpu.memory_space<hbm>>
        tpu.enqueue_dma source(%dma_start3A_462 : memref<125xi32, #tpu.memory_space<hbm>>) target(%dma_start3A_455 : memref<125xi32, #tpu.memory_space<vmem>>) target_semaphore(%arg14 : memref<!tpu.dma_semaphore, #tpu.memory_space<semaphore_mem>>)
      } else {
      }
      %add3A_371 = arith.constant 2 : i32
      %add3A_372 = arith.addi %mul3A_296, %add3A_371 : i32
      %add3A_373 = arith.constant 0 : i32
      %add3A_374 = arith.addi %add3A_372, %add3A_373 : i32
      %lt3A_375 = arith.constant 80 : i32
      %lt3A_376 = arith.cmpi slt, %add3A_374, %lt3A_375 : i32
      %convert_element_type3A_377 = arith.extui %lt3A_376 : i1 to i32
      %cond3A_378 = arith.constant 0 : i32
      %cond3A_379 = arith.cmpi ne, %convert_element_type3A_377, %cond3A_378 : i32
      scf.if %cond3A_379 {
        %dma_wait3A_407 = arith.constant 0 : i32
        %dma_wait3A_408 = arith.constant 0 : i32
        %dma_wait3A_409 = arith.constant 0 : i32
        %dma_wait3A_410 = tpu.memref_slice %arg7[%dma_wait3A_408, %dma_wait3A_409] : memref<4x125xi32, #tpu.memory_space<vmem>> -> memref<1x125xi32, #tpu.memory_space<vmem>>
        %dma_wait3A_411 = tpu.memref_squeeze %dma_wait3A_410 : memref<1x125xi32, #tpu.memory_space<vmem>> -> memref<125xi32, #tpu.memory_space<vmem>>
        %dma_wait3A_412 = arith.constant 0 : i32
        %dma_wait3A_413 = arith.constant 0 : i32
        %dma_wait3A_414 = tpu.memref_slice %arg3[%add3A, %dma_wait3A_412, %dma_wait3A_413] : memref<32x80x125xi32, #tpu.memory_space<hbm>> -> memref<1x80x125xi32, #tpu.memory_space<hbm>>
        %dma_wait3A_415 = tpu.memref_squeeze %dma_wait3A_414 : memref<1x80x125xi32, #tpu.memory_space<hbm>> -> memref<80x125xi32, #tpu.memory_space<hbm>>
        %dma_wait3A_416 = arith.constant 0 : i32
        %dma_wait3A_417 = tpu.memref_slice %dma_wait3A_415[%dma_wait3A_407, %dma_wait3A_416] : memref<80x125xi32, #tpu.memory_space<hbm>> -> memref<1x125xi32, #tpu.memory_space<hbm>>
        %dma_wait3A_418 = tpu.memref_squeeze %dma_wait3A_417 : memref<1x125xi32, #tpu.memory_space<hbm>> -> memref<125xi32, #tpu.memory_space<hbm>>
        %dma_wait3A_419 = arith.constant 0 : i32
        %dma_wait3A_420 = tpu.memref_slice %arg7[%dma_wait3A_408, %dma_wait3A_419] : memref<4x125xi32, #tpu.memory_space<vmem>> -> memref<1x125xi32, #tpu.memory_space<vmem>>
        %dma_wait3A_421 = tpu.memref_squeeze %dma_wait3A_420 : memref<1x125xi32, #tpu.memory_space<vmem>> -> memref<125xi32, #tpu.memory_space<vmem>>
        %dma_wait3A_422 = arith.constant 0 : i32
        %dma_wait3A_423 = arith.constant 0 : i32
        %dma_wait3A_424 = tpu.memref_slice %arg3[%add3A, %dma_wait3A_422, %dma_wait3A_423] : memref<32x80x125xi32, #tpu.memory_space<hbm>> -> memref<1x80x125xi32, #tpu.memory_space<hbm>>
        %dma_wait3A_425 = tpu.memref_squeeze %dma_wait3A_424 : memref<1x80x125xi32, #tpu.memory_space<hbm>> -> memref<80x125xi32, #tpu.memory_space<hbm>>
        %dma_wait3A_426 = arith.constant 0 : i32
        %dma_wait3A_427 = tpu.memref_slice %dma_wait3A_425[%dma_wait3A_407, %dma_wait3A_426] : memref<80x125xi32, #tpu.memory_space<hbm>> -> memref<1x125xi32, #tpu.memory_space<hbm>>
        %dma_wait3A_428 = tpu.memref_squeeze %dma_wait3A_427 : memref<1x125xi32, #tpu.memory_space<hbm>> -> memref<125xi32, #tpu.memory_space<hbm>>
        tpu.wait_dma2 semaphore(%arg14 : memref<!tpu.dma_semaphore, #tpu.memory_space<semaphore_mem>>) src(%dma_wait3A_428 : memref<125xi32, #tpu.memory_space<hbm>>) dst(%dma_wait3A_421 : memref<125xi32, #tpu.memory_space<vmem>>)
        %dma_wait3A_429 = arith.constant 0 : i32
        %dma_wait3A_430 = arith.constant 0 : i32
        %dma_wait3A_431 = arith.constant 0 : i32
        %dma_wait3A_432 = tpu.memref_slice %arg8[%dma_wait3A_430, %dma_wait3A_431] : memref<4x125xi32, #tpu.memory_space<vmem>> -> memref<1x125xi32, #tpu.memory_space<vmem>>
        %dma_wait3A_433 = tpu.memref_squeeze %dma_wait3A_432 : memref<1x125xi32, #tpu.memory_space<vmem>> -> memref<125xi32, #tpu.memory_space<vmem>>
        %dma_wait3A_434 = arith.constant 0 : i32
        %dma_wait3A_435 = arith.constant 0 : i32
        %dma_wait3A_436 = tpu.memref_slice %arg4[%add3A, %dma_wait3A_434, %dma_wait3A_435] : memref<32x80x125xi32, #tpu.memory_space<hbm>> -> memref<1x80x125xi32, #tpu.memory_space<hbm>>
        %dma_wait3A_437 = tpu.memref_squeeze %dma_wait3A_436 : memref<1x80x125xi32, #tpu.memory_space<hbm>> -> memref<80x125xi32, #tpu.memory_space<hbm>>
        %dma_wait3A_438 = arith.constant 0 : i32
        %dma_wait3A_439 = tpu.memref_slice %dma_wait3A_437[%dma_wait3A_429, %dma_wait3A_438] : memref<80x125xi32, #tpu.memory_space<hbm>> -> memref<1x125xi32, #tpu.memory_space<hbm>>
        %dma_wait3A_440 = tpu.memref_squeeze %dma_wait3A_439 : memref<1x125xi32, #tpu.memory_space<hbm>> -> memref<125xi32, #tpu.memory_space<hbm>>
        %dma_wait3A_441 = arith.constant 0 : i32
        %dma_wait3A_442 = tpu.memref_slice %arg8[%dma_wait3A_430, %dma_wait3A_441] : memref<4x125xi32, #tpu.memory_space<vmem>> -> memref<1x125xi32, #tpu.memory_space<vmem>>
        %dma_wait3A_443 = tpu.memref_squeeze %dma_wait3A_442 : memref<1x125xi32, #tpu.memory_space<vmem>> -> memref<125xi32, #tpu.memory_space<vmem>>
        %dma_wait3A_444 = arith.constant 0 : i32
        %dma_wait3A_445 = arith.constant 0 : i32
        %dma_wait3A_446 = tpu.memref_slice %arg4[%add3A, %dma_wait3A_444, %dma_wait3A_445] : memref<32x80x125xi32, #tpu.memory_space<hbm>> -> memref<1x80x125xi32, #tpu.memory_space<hbm>>
        %dma_wait3A_447 = tpu.memref_squeeze %dma_wait3A_446 : memref<1x80x125xi32, #tpu.memory_space<hbm>> -> memref<80x125xi32, #tpu.memory_space<hbm>>
        %dma_wait3A_448 = arith.constant 0 : i32
        %dma_wait3A_449 = tpu.memref_slice %dma_wait3A_447[%dma_wait3A_429, %dma_wait3A_448] : memref<80x125xi32, #tpu.memory_space<hbm>> -> memref<1x125xi32, #tpu.memory_space<hbm>>
        %dma_wait3A_450 = tpu.memref_squeeze %dma_wait3A_449 : memref<1x125xi32, #tpu.memory_space<hbm>> -> memref<125xi32, #tpu.memory_space<hbm>>
        tpu.wait_dma2 semaphore(%arg14 : memref<!tpu.dma_semaphore, #tpu.memory_space<semaphore_mem>>) src(%dma_wait3A_450 : memref<125xi32, #tpu.memory_space<hbm>>) dst(%dma_wait3A_443 : memref<125xi32, #tpu.memory_space<vmem>>)
        %jit3A_451 = arith.constant 4 : i32
        %eq3A_452 = arith.constant 0 : i32
        %eq3A_453 = arith.cmpi eq, %jit3A_451, %eq3A_452 : i32
        %jit3A_454 = arith.constant 1 : i32
        %select_n3A_455 = arith.select %eq3A_453, %jit3A_454, %jit3A_451 : i32
        %rem3A_456 = arith.remsi %add3A_374, %select_n3A_455 : i32
        %ne3A_457 = arith.constant 0 : i32
        %ne3A_458 = arith.cmpi ne, %rem3A_456, %ne3A_457 : i32
        %lt3A_459 = arith.constant 0 : i32
        %lt3A_460 = arith.cmpi slt, %rem3A_456, %lt3A_459 : i32
        %lt3A_461 = arith.constant 0 : i32
        %lt3A_462 = arith.cmpi slt, %select_n3A_455, %lt3A_461 : i32
        %ne3A_463 = arith.xori %lt3A_460, %lt3A_462 : i1
        %and3A_464 = arith.andi %ne3A_463, %ne3A_458 : i1
        %add3A_465 = arith.addi %rem3A_456, %select_n3A_455 : i32
        %select_n3A_466 = arith.select %and3A_464, %add3A_465, %rem3A_456 : i32
        %dma_start3A_467 = arith.constant 0 : i32
        %dma_start3A_468 = tpu.memref_slice %arg7[%select_n3A_466, %dma_start3A_467] : memref<4x125xi32, #tpu.memory_space<vmem>> -> memref<1x125xi32, #tpu.memory_space<vmem>>
        %dma_start3A_469 = tpu.memref_squeeze %dma_start3A_468 : memref<1x125xi32, #tpu.memory_space<vmem>> -> memref<125xi32, #tpu.memory_space<vmem>>
        %dma_start3A_470 = arith.constant 0 : i32
        %dma_start3A_471 = arith.constant 0 : i32
        %dma_start3A_472 = tpu.memref_slice %arg2[%dma_start3A_470, %dma_start3A_471] : memref<10000x128xf32, #tpu.memory_space<hbm>> -> memref<10000x128xf32, #tpu.memory_space<hbm>>
        tpu.enqueue_indirect_dma source(%dma_start3A_472 : memref<10000x128xf32, #tpu.memory_space<hbm>>) target(%arg9 : memref<125x128xf32, #tpu.memory_space<vmem>>) offsets(%dma_start3A_469 : memref<125xi32, #tpu.memory_space<vmem>>) semaphore(%arg12 : memref<!tpu.dma_semaphore, #tpu.memory_space<semaphore_mem>>)
      } else {
      }
      %add3A_380 = arith.constant 1 : i32
      %add3A_381 = arith.addi %mul3A_296, %add3A_380 : i32
      %dma_wait3A_382 = arith.constant 0 : i32
      %dma_wait3A_383 = arith.constant 0 : i32
      %dma_wait3A_384 = tpu.memref_slice %arg8[%dma_wait3A_382, %dma_wait3A_383] : memref<4x125xi32, #tpu.memory_space<vmem>> -> memref<1x125xi32, #tpu.memory_space<vmem>>
      %dma_wait3A_385 = tpu.memref_squeeze %dma_wait3A_384 : memref<1x125xi32, #tpu.memory_space<vmem>> -> memref<125xi32, #tpu.memory_space<vmem>>
      %dma_wait3A_386 = arith.constant 0 : i32
      %dma_wait3A_387 = arith.constant 0 : i32
      %dma_wait3A_388 = tpu.memref_slice %arg11[%dma_wait3A_386, %dma_wait3A_387] : memref<10000x128xf32, #tpu.memory_space<vmem_shared>> -> memref<10000x128xf32, #tpu.memory_space<vmem_shared>>
      tpu.wait_indirect_dma semaphore(%arg13 : memref<!tpu.dma_semaphore, #tpu.memory_space<semaphore_mem>>) src(%arg10 : memref<125x128xf32, #tpu.memory_space<vmem>>) dst(%dma_wait3A_388 : memref<10000x128xf32, #tpu.memory_space<vmem_shared>>)
      %add3A_389 = arith.constant 4 : i32
      %add3A_390 = arith.addi %mul3A_296, %add3A_389 : i32
      %add3A_391 = arith.constant 1 : i32
      %add3A_392 = arith.addi %add3A_390, %add3A_391 : i32
      %lt3A_393 = arith.constant 80 : i32
      %lt3A_394 = arith.cmpi slt, %add3A_392, %lt3A_393 : i32
      %convert_element_type3A_395 = arith.extui %lt3A_394 : i1 to i32
      %cond3A_396 = arith.constant 0 : i32
      %cond3A_397 = arith.cmpi ne, %convert_element_type3A_395, %cond3A_396 : i32
      scf.if %cond3A_397 {
        %jit3A_407 = arith.constant 4 : i32
        %eq3A_408 = arith.constant 0 : i32
        %eq3A_409 = arith.cmpi eq, %jit3A_407, %eq3A_408 : i32
        %jit3A_410 = arith.constant 1 : i32
        %select_n3A_411 = arith.select %eq3A_409, %jit3A_410, %jit3A_407 : i32
        %rem3A_412 = arith.remsi %add3A_381, %select_n3A_411 : i32
        %ne3A_413 = arith.constant 0 : i32
        %ne3A_414 = arith.cmpi ne, %rem3A_412, %ne3A_413 : i32
        %lt3A_415 = arith.constant 0 : i32
        %lt3A_416 = arith.cmpi slt, %rem3A_412, %lt3A_415 : i32
        %lt3A_417 = arith.constant 0 : i32
        %lt3A_418 = arith.cmpi slt, %select_n3A_411, %lt3A_417 : i32
        %ne3A_419 = arith.xori %lt3A_416, %lt3A_418 : i1
        %and3A_420 = arith.andi %ne3A_419, %ne3A_414 : i1
        %add3A_421 = arith.addi %rem3A_412, %select_n3A_411 : i32
        %select_n3A_422 = arith.select %and3A_420, %add3A_421, %rem3A_412 : i32
        %dma_start3A_423 = arith.constant 0 : i32
        %dma_start3A_424 = tpu.memref_slice %arg7[%select_n3A_422, %dma_start3A_423] : memref<4x125xi32, #tpu.memory_space<vmem>> -> memref<1x125xi32, #tpu.memory_space<vmem>>
        %dma_start3A_425 = tpu.memref_squeeze %dma_start3A_424 : memref<1x125xi32, #tpu.memory_space<vmem>> -> memref<125xi32, #tpu.memory_space<vmem>>
        %dma_start3A_426 = arith.constant 0 : i32
        %dma_start3A_427 = arith.constant 0 : i32
        %dma_start3A_428 = tpu.memref_slice %arg3[%add3A, %dma_start3A_426, %dma_start3A_427] : memref<32x80x125xi32, #tpu.memory_space<hbm>> -> memref<1x80x125xi32, #tpu.memory_space<hbm>>
        %dma_start3A_429 = tpu.memref_squeeze %dma_start3A_428 : memref<1x80x125xi32, #tpu.memory_space<hbm>> -> memref<80x125xi32, #tpu.memory_space<hbm>>
        %dma_start3A_430 = arith.constant 0 : i32
        %dma_start3A_431 = tpu.memref_slice %dma_start3A_429[%add3A_392, %dma_start3A_430] : memref<80x125xi32, #tpu.memory_space<hbm>> -> memref<1x125xi32, #tpu.memory_space<hbm>>
        %dma_start3A_432 = tpu.memref_squeeze %dma_start3A_431 : memref<1x125xi32, #tpu.memory_space<hbm>> -> memref<125xi32, #tpu.memory_space<hbm>>
        %dma_start3A_433 = arith.constant 0 : i32
        %dma_start3A_434 = tpu.memref_slice %arg7[%select_n3A_422, %dma_start3A_433] : memref<4x125xi32, #tpu.memory_space<vmem>> -> memref<1x125xi32, #tpu.memory_space<vmem>>
        %dma_start3A_435 = tpu.memref_squeeze %dma_start3A_434 : memref<1x125xi32, #tpu.memory_space<vmem>> -> memref<125xi32, #tpu.memory_space<vmem>>
        %dma_start3A_436 = arith.constant 0 : i32
        %dma_start3A_437 = arith.constant 0 : i32
        %dma_start3A_438 = tpu.memref_slice %arg3[%add3A, %dma_start3A_436, %dma_start3A_437] : memref<32x80x125xi32, #tpu.memory_space<hbm>> -> memref<1x80x125xi32, #tpu.memory_space<hbm>>
        %dma_start3A_439 = tpu.memref_squeeze %dma_start3A_438 : memref<1x80x125xi32, #tpu.memory_space<hbm>> -> memref<80x125xi32, #tpu.memory_space<hbm>>
        %dma_start3A_440 = arith.constant 0 : i32
        %dma_start3A_441 = tpu.memref_slice %dma_start3A_439[%add3A_392, %dma_start3A_440] : memref<80x125xi32, #tpu.memory_space<hbm>> -> memref<1x125xi32, #tpu.memory_space<hbm>>
        %dma_start3A_442 = tpu.memref_squeeze %dma_start3A_441 : memref<1x125xi32, #tpu.memory_space<hbm>> -> memref<125xi32, #tpu.memory_space<hbm>>
        tpu.enqueue_dma source(%dma_start3A_442 : memref<125xi32, #tpu.memory_space<hbm>>) target(%dma_start3A_435 : memref<125xi32, #tpu.memory_space<vmem>>) target_semaphore(%arg14 : memref<!tpu.dma_semaphore, #tpu.memory_space<semaphore_mem>>)
        %dma_start3A_443 = arith.constant 0 : i32
        %dma_start3A_444 = tpu.memref_slice %arg8[%select_n3A_422, %dma_start3A_443] : memref<4x125xi32, #tpu.memory_space<vmem>> -> memref<1x125xi32, #tpu.memory_space<vmem>>
        %dma_start3A_445 = tpu.memref_squeeze %dma_start3A_444 : memref<1x125xi32, #tpu.memory_space<vmem>> -> memref<125xi32, #tpu.memory_space<vmem>>
        %dma_start3A_446 = arith.constant 0 : i32
        %dma_start3A_447 = arith.constant 0 : i32
        %dma_start3A_448 = tpu.memref_slice %arg4[%add3A, %dma_start3A_446, %dma_start3A_447] : memref<32x80x125xi32, #tpu.memory_space<hbm>> -> memref<1x80x125xi32, #tpu.memory_space<hbm>>
        %dma_start3A_449 = tpu.memref_squeeze %dma_start3A_448 : memref<1x80x125xi32, #tpu.memory_space<hbm>> -> memref<80x125xi32, #tpu.memory_space<hbm>>
        %dma_start3A_450 = arith.constant 0 : i32
        %dma_start3A_451 = tpu.memref_slice %dma_start3A_449[%add3A_392, %dma_start3A_450] : memref<80x125xi32, #tpu.memory_space<hbm>> -> memref<1x125xi32, #tpu.memory_space<hbm>>
        %dma_start3A_452 = tpu.memref_squeeze %dma_start3A_451 : memref<1x125xi32, #tpu.memory_space<hbm>> -> memref<125xi32, #tpu.memory_space<hbm>>
        %dma_start3A_453 = arith.constant 0 : i32
        %dma_start3A_454 = tpu.memref_slice %arg8[%select_n3A_422, %dma_start3A_453] : memref<4x125xi32, #tpu.memory_space<vmem>> -> memref<1x125xi32, #tpu.memory_space<vmem>>
        %dma_start3A_455 = tpu.memref_squeeze %dma_start3A_454 : memref<1x125xi32, #tpu.memory_space<vmem>> -> memref<125xi32, #tpu.memory_space<vmem>>
        %dma_start3A_456 = arith.constant 0 : i32
        %dma_start3A_457 = arith.constant 0 : i32
        %dma_start3A_458 = tpu.memref_slice %arg4[%add3A, %dma_start3A_456, %dma_start3A_457] : memref<32x80x125xi32, #tpu.memory_space<hbm>> -> memref<1x80x125xi32, #tpu.memory_space<hbm>>
        %dma_start3A_459 = tpu.memref_squeeze %dma_start3A_458 : memref<1x80x125xi32, #tpu.memory_space<hbm>> -> memref<80x125xi32, #tpu.memory_space<hbm>>
        %dma_start3A_460 = arith.constant 0 : i32
        %dma_start3A_461 = tpu.memref_slice %dma_start3A_459[%add3A_392, %dma_start3A_460] : memref<80x125xi32, #tpu.memory_space<hbm>> -> memref<1x125xi32, #tpu.memory_space<hbm>>
        %dma_start3A_462 = tpu.memref_squeeze %dma_start3A_461 : memref<1x125xi32, #tpu.memory_space<hbm>> -> memref<125xi32, #tpu.memory_space<hbm>>
        tpu.enqueue_dma source(%dma_start3A_462 : memref<125xi32, #tpu.memory_space<hbm>>) target(%dma_start3A_455 : memref<125xi32, #tpu.memory_space<vmem>>) target_semaphore(%arg14 : memref<!tpu.dma_semaphore, #tpu.memory_space<semaphore_mem>>)
      } else {
      }
      %add3A_398 = arith.constant 2 : i32
      %add3A_399 = arith.addi %mul3A_296, %add3A_398 : i32
      %add3A_400 = arith.constant 1 : i32
      %add3A_401 = arith.addi %add3A_399, %add3A_400 : i32
      %lt3A_402 = arith.constant 80 : i32
      %lt3A_403 = arith.cmpi slt, %add3A_401, %lt3A_402 : i32
      %convert_element_type3A_404 = arith.extui %lt3A_403 : i1 to i32
      %cond3A_405 = arith.constant 0 : i32
      %cond3A_406 = arith.cmpi ne, %convert_element_type3A_404, %cond3A_405 : i32
      scf.if %cond3A_406 {
        %dma_wait3A_407 = arith.constant 0 : i32
        %dma_wait3A_408 = arith.constant 0 : i32
        %dma_wait3A_409 = arith.constant 0 : i32
        %dma_wait3A_410 = tpu.memref_slice %arg7[%dma_wait3A_408, %dma_wait3A_409] : memref<4x125xi32, #tpu.memory_space<vmem>> -> memref<1x125xi32, #tpu.memory_space<vmem>>
        %dma_wait3A_411 = tpu.memref_squeeze %dma_wait3A_410 : memref<1x125xi32, #tpu.memory_space<vmem>> -> memref<125xi32, #tpu.memory_space<vmem>>
        %dma_wait3A_412 = arith.constant 0 : i32
        %dma_wait3A_413 = arith.constant 0 : i32
        %dma_wait3A_414 = tpu.memref_slice %arg3[%add3A, %dma_wait3A_412, %dma_wait3A_413] : memref<32x80x125xi32, #tpu.memory_space<hbm>> -> memref<1x80x125xi32, #tpu.memory_space<hbm>>
        %dma_wait3A_415 = tpu.memref_squeeze %dma_wait3A_414 : memref<1x80x125xi32, #tpu.memory_space<hbm>> -> memref<80x125xi32, #tpu.memory_space<hbm>>
        %dma_wait3A_416 = arith.constant 0 : i32
        %dma_wait3A_417 = tpu.memref_slice %dma_wait3A_415[%dma_wait3A_407, %dma_wait3A_416] : memref<80x125xi32, #tpu.memory_space<hbm>> -> memref<1x125xi32, #tpu.memory_space<hbm>>
        %dma_wait3A_418 = tpu.memref_squeeze %dma_wait3A_417 : memref<1x125xi32, #tpu.memory_space<hbm>> -> memref<125xi32, #tpu.memory_space<hbm>>
        %dma_wait3A_419 = arith.constant 0 : i32
        %dma_wait3A_420 = tpu.memref_slice %arg7[%dma_wait3A_408, %dma_wait3A_419] : memref<4x125xi32, #tpu.memory_space<vmem>> -> memref<1x125xi32, #tpu.memory_space<vmem>>
        %dma_wait3A_421 = tpu.memref_squeeze %dma_wait3A_420 : memref<1x125xi32, #tpu.memory_space<vmem>> -> memref<125xi32, #tpu.memory_space<vmem>>
        %dma_wait3A_422 = arith.constant 0 : i32
        %dma_wait3A_423 = arith.constant 0 : i32
        %dma_wait3A_424 = tpu.memref_slice %arg3[%add3A, %dma_wait3A_422, %dma_wait3A_423] : memref<32x80x125xi32, #tpu.memory_space<hbm>> -> memref<1x80x125xi32, #tpu.memory_space<hbm>>
        %dma_wait3A_425 = tpu.memref_squeeze %dma_wait3A_424 : memref<1x80x125xi32, #tpu.memory_space<hbm>> -> memref<80x125xi32, #tpu.memory_space<hbm>>
        %dma_wait3A_426 = arith.constant 0 : i32
        %dma_wait3A_427 = tpu.memref_slice %dma_wait3A_425[%dma_wait3A_407, %dma_wait3A_426] : memref<80x125xi32, #tpu.memory_space<hbm>> -> memref<1x125xi32, #tpu.memory_space<hbm>>
        %dma_wait3A_428 = tpu.memref_squeeze %dma_wait3A_427 : memref<1x125xi32, #tpu.memory_space<hbm>> -> memref<125xi32, #tpu.memory_space<hbm>>
        tpu.wait_dma2 semaphore(%arg14 : memref<!tpu.dma_semaphore, #tpu.memory_space<semaphore_mem>>) src(%dma_wait3A_428 : memref<125xi32, #tpu.memory_space<hbm>>) dst(%dma_wait3A_421 : memref<125xi32, #tpu.memory_space<vmem>>)
        %dma_wait3A_429 = arith.constant 0 : i32
        %dma_wait3A_430 = arith.constant 0 : i32
        %dma_wait3A_431 = arith.constant 0 : i32
        %dma_wait3A_432 = tpu.memref_slice %arg8[%dma_wait3A_430, %dma_wait3A_431] : memref<4x125xi32, #tpu.memory_space<vmem>> -> memref<1x125xi32, #tpu.memory_space<vmem>>
        %dma_wait3A_433 = tpu.memref_squeeze %dma_wait3A_432 : memref<1x125xi32, #tpu.memory_space<vmem>> -> memref<125xi32, #tpu.memory_space<vmem>>
        %dma_wait3A_434 = arith.constant 0 : i32
        %dma_wait3A_435 = arith.constant 0 : i32
        %dma_wait3A_436 = tpu.memref_slice %arg4[%add3A, %dma_wait3A_434, %dma_wait3A_435] : memref<32x80x125xi32, #tpu.memory_space<hbm>> -> memref<1x80x125xi32, #tpu.memory_space<hbm>>
        %dma_wait3A_437 = tpu.memref_squeeze %dma_wait3A_436 : memref<1x80x125xi32, #tpu.memory_space<hbm>> -> memref<80x125xi32, #tpu.memory_space<hbm>>
        %dma_wait3A_438 = arith.constant 0 : i32
        %dma_wait3A_439 = tpu.memref_slice %dma_wait3A_437[%dma_wait3A_429, %dma_wait3A_438] : memref<80x125xi32, #tpu.memory_space<hbm>> -> memref<1x125xi32, #tpu.memory_space<hbm>>
        %dma_wait3A_440 = tpu.memref_squeeze %dma_wait3A_439 : memref<1x125xi32, #tpu.memory_space<hbm>> -> memref<125xi32, #tpu.memory_space<hbm>>
        %dma_wait3A_441 = arith.constant 0 : i32
        %dma_wait3A_442 = tpu.memref_slice %arg8[%dma_wait3A_430, %dma_wait3A_441] : memref<4x125xi32, #tpu.memory_space<vmem>> -> memref<1x125xi32, #tpu.memory_space<vmem>>
        %dma_wait3A_443 = tpu.memref_squeeze %dma_wait3A_442 : memref<1x125xi32, #tpu.memory_space<vmem>> -> memref<125xi32, #tpu.memory_space<vmem>>
        %dma_wait3A_444 = arith.constant 0 : i32
        %dma_wait3A_445 = arith.constant 0 : i32
        %dma_wait3A_446 = tpu.memref_slice %arg4[%add3A, %dma_wait3A_444, %dma_wait3A_445] : memref<32x80x125xi32, #tpu.memory_space<hbm>> -> memref<1x80x125xi32, #tpu.memory_space<hbm>>
        %dma_wait3A_447 = tpu.memref_squeeze %dma_wait3A_446 : memref<1x80x125xi32, #tpu.memory_space<hbm>> -> memref<80x125xi32, #tpu.memory_space<hbm>>
        %dma_wait3A_448 = arith.constant 0 : i32
        %dma_wait3A_449 = tpu.memref_slice %dma_wait3A_447[%dma_wait3A_429, %dma_wait3A_448] : memref<80x125xi32, #tpu.memory_space<hbm>> -> memref<1x125xi32, #tpu.memory_space<hbm>>
        %dma_wait3A_450 = tpu.memref_squeeze %dma_wait3A_449 : memref<1x125xi32, #tpu.memory_space<hbm>> -> memref<125xi32, #tpu.memory_space<hbm>>
        tpu.wait_dma2 semaphore(%arg14 : memref<!tpu.dma_semaphore, #tpu.memory_space<semaphore_mem>>) src(%dma_wait3A_450 : memref<125xi32, #tpu.memory_space<hbm>>) dst(%dma_wait3A_443 : memref<125xi32, #tpu.memory_space<vmem>>)
        %jit3A_451 = arith.constant 4 : i32
        %eq3A_452 = arith.constant 0 : i32
        %eq3A_453 = arith.cmpi eq, %jit3A_451, %eq3A_452 : i32
        %jit3A_454 = arith.constant 1 : i32
        %select_n3A_455 = arith.select %eq3A_453, %jit3A_454, %jit3A_451 : i32
        %rem3A_456 = arith.remsi %add3A_401, %select_n3A_455 : i32
        %ne3A_457 = arith.constant 0 : i32
        %ne3A_458 = arith.cmpi ne, %rem3A_456, %ne3A_457 : i32
        %lt3A_459 = arith.constant 0 : i32
        %lt3A_460 = arith.cmpi slt, %rem3A_456, %lt3A_459 : i32
        %lt3A_461 = arith.constant 0 : i32
        %lt3A_462 = arith.cmpi slt, %select_n3A_455, %lt3A_461 : i32
        %ne3A_463 = arith.xori %lt3A_460, %lt3A_462 : i1
        %and3A_464 = arith.andi %ne3A_463, %ne3A_458 : i1
        %add3A_465 = arith.addi %rem3A_456, %select_n3A_455 : i32
        %select_n3A_466 = arith.select %and3A_464, %add3A_465, %rem3A_456 : i32
        %dma_start3A_467 = arith.constant 0 : i32
        %dma_start3A_468 = tpu.memref_slice %arg7[%select_n3A_466, %dma_start3A_467] : memref<4x125xi32, #tpu.memory_space<vmem>> -> memref<1x125xi32, #tpu.memory_space<vmem>>
        %dma_start3A_469 = tpu.memref_squeeze %dma_start3A_468 : memref<1x125xi32, #tpu.memory_space<vmem>> -> memref<125xi32, #tpu.memory_space<vmem>>
        %dma_start3A_470 = arith.constant 0 : i32
        %dma_start3A_471 = arith.constant 0 : i32
        %dma_start3A_472 = tpu.memref_slice %arg2[%dma_start3A_470, %dma_start3A_471] : memref<10000x128xf32, #tpu.memory_space<hbm>> -> memref<10000x128xf32, #tpu.memory_space<hbm>>
        tpu.enqueue_indirect_dma source(%dma_start3A_472 : memref<10000x128xf32, #tpu.memory_space<hbm>>) target(%arg10 : memref<125x128xf32, #tpu.memory_space<vmem>>) offsets(%dma_start3A_469 : memref<125xi32, #tpu.memory_space<vmem>>) semaphore(%arg12 : memref<!tpu.dma_semaphore, #tpu.memory_space<semaphore_mem>>)
      } else {
      }
    }
    %scan3A_285 = arith.constant 40 : i32
    %barrier3A_286 = arith.constant 0 : index
    tpu.barrier barrier_id(%barrier3A_286)
    %mul3A_287 = arith.constant 624 : i32
    %mul3A_288 = arith.muli %arg1, %mul3A_287 : i32
    "tpu.region"() ({
      %run_scoped3A = tpu.sem_alloc : memref<!tpu.dma_semaphore, #tpu.memory_space<semaphore_mem>>
      %dma_start3A_294 = arith.constant 0 : i32
      %dma_start3A_295 = arith.constant 0 : i32
      %dma_start3A_296 = tpu.memref_slice %arg6[%arg0, %dma_start3A_294, %dma_start3A_295] : memref<2x10000x128xf32, #tpu.memory_space<hbm>> -> memref<1x10000x128xf32, #tpu.memory_space<hbm>>
      %dma_start3A_297 = tpu.memref_squeeze %dma_start3A_296 : memref<1x10000x128xf32, #tpu.memory_space<hbm>> -> memref<10000x128xf32, #tpu.memory_space<hbm>>
      %dma_start3A_298 = arith.constant 0 : i32
      %dma_start3A_299 = tpu.memref_slice %dma_start3A_297[%mul3A_288, %dma_start3A_298] : memref<10000x128xf32, #tpu.memory_space<hbm>> -> memref<624x128xf32, #tpu.memory_space<hbm>>
      %dma_start3A_300 = arith.constant 0 : i32
      %dma_start3A_301 = tpu.memref_slice %arg11[%mul3A_288, %dma_start3A_300] : memref<10000x128xf32, #tpu.memory_space<vmem_shared>> -> memref<624x128xf32, #tpu.memory_space<vmem_shared>>
      tpu.enqueue_dma source(%dma_start3A_301 : memref<624x128xf32, #tpu.memory_space<vmem_shared>>) target(%dma_start3A_299 : memref<624x128xf32, #tpu.memory_space<hbm>>) target_semaphore(%run_scoped3A : memref<!tpu.dma_semaphore, #tpu.memory_space<semaphore_mem>>)
      %dma_wait3A_302 = arith.constant 0 : i32
      %dma_wait3A_303 = arith.constant 0 : i32
      %dma_wait3A_304 = tpu.memref_slice %arg6[%arg0, %dma_wait3A_302, %dma_wait3A_303] : memref<2x10000x128xf32, #tpu.memory_space<hbm>> -> memref<1x10000x128xf32, #tpu.memory_space<hbm>>
      %dma_wait3A_305 = tpu.memref_squeeze %dma_wait3A_304 : memref<1x10000x128xf32, #tpu.memory_space<hbm>> -> memref<10000x128xf32, #tpu.memory_space<hbm>>
      %dma_wait3A_306 = arith.constant 0 : i32
      %dma_wait3A_307 = tpu.memref_slice %dma_wait3A_305[%mul3A_288, %dma_wait3A_306] : memref<10000x128xf32, #tpu.memory_space<hbm>> -> memref<624x128xf32, #tpu.memory_space<hbm>>
      %dma_wait3A_308 = arith.constant 0 : i32
      %dma_wait3A_309 = tpu.memref_slice %arg11[%mul3A_288, %dma_wait3A_308] : memref<10000x128xf32, #tpu.memory_space<vmem_shared>> -> memref<624x128xf32, #tpu.memory_space<vmem_shared>>
      tpu.wait_dma2 semaphore(%run_scoped3A : memref<!tpu.dma_semaphore, #tpu.memory_space<semaphore_mem>>) src(%dma_wait3A_309 : memref<624x128xf32, #tpu.memory_space<vmem_shared>>) dst(%dma_wait3A_307 : memref<624x128xf32, #tpu.memory_space<hbm>>)
      tpu.yield
    }) : () -> ()
    %eq3A_289 = arith.constant 15 : i32
    %eq3A_290 = arith.cmpi eq, %arg1, %eq3A_289 : i32
    %convert_element_type3A_291 = arith.extui %eq3A_290 : i1 to i32
    %cond3A_292 = arith.constant 0 : i32
    %cond3A_293 = arith.cmpi ne, %convert_element_type3A_291, %cond3A_292 : i32
    scf.if %cond3A_293 {
      "tpu.region"() ({
        %run_scoped3A = tpu.sem_alloc : memref<!tpu.dma_semaphore, #tpu.memory_space<semaphore_mem>>
        %dma_start3A_294 = arith.constant 0 : i32
        %dma_start3A_295 = arith.constant 0 : i32
        %dma_start3A_296 = tpu.memref_slice %arg6[%arg0, %dma_start3A_294, %dma_start3A_295] : memref<2x10000x128xf32, #tpu.memory_space<hbm>> -> memref<1x10000x128xf32, #tpu.memory_space<hbm>>
        %dma_start3A_297 = tpu.memref_squeeze %dma_start3A_296 : memref<1x10000x128xf32, #tpu.memory_space<hbm>> -> memref<10000x128xf32, #tpu.memory_space<hbm>>
        %dma_start3A_298 = arith.constant 9984 : i32
        %dma_start3A_299 = arith.constant 0 : i32
        %dma_start3A_300 = tpu.memref_slice %dma_start3A_297[%dma_start3A_298, %dma_start3A_299] : memref<10000x128xf32, #tpu.memory_space<hbm>> -> memref<16x128xf32, #tpu.memory_space<hbm>>
        %dma_start3A_301 = arith.constant 9984 : i32
        %dma_start3A_302 = arith.constant 0 : i32
        %dma_start3A_303 = tpu.memref_slice %arg11[%dma_start3A_301, %dma_start3A_302] : memref<10000x128xf32, #tpu.memory_space<vmem_shared>> -> memref<16x128xf32, #tpu.memory_space<vmem_shared>>
        tpu.enqueue_dma source(%dma_start3A_303 : memref<16x128xf32, #tpu.memory_space<vmem_shared>>) target(%dma_start3A_300 : memref<16x128xf32, #tpu.memory_space<hbm>>) target_semaphore(%run_scoped3A : memref<!tpu.dma_semaphore, #tpu.memory_space<semaphore_mem>>)
        %dma_wait3A_304 = arith.constant 0 : i32
        %dma_wait3A_305 = arith.constant 0 : i32
        %dma_wait3A_306 = tpu.memref_slice %arg6[%arg0, %dma_wait3A_304, %dma_wait3A_305] : memref<2x10000x128xf32, #tpu.memory_space<hbm>> -> memref<1x10000x128xf32, #tpu.memory_space<hbm>>
        %dma_wait3A_307 = tpu.memref_squeeze %dma_wait3A_306 : memref<1x10000x128xf32, #tpu.memory_space<hbm>> -> memref<10000x128xf32, #tpu.memory_space<hbm>>
        %dma_wait3A_308 = arith.constant 9984 : i32
        %dma_wait3A_309 = arith.constant 0 : i32
        %dma_wait3A_310 = tpu.memref_slice %dma_wait3A_307[%dma_wait3A_308, %dma_wait3A_309] : memref<10000x128xf32, #tpu.memory_space<hbm>> -> memref<16x128xf32, #tpu.memory_space<hbm>>
        %dma_wait3A_311 = arith.constant 9984 : i32
        %dma_wait3A_312 = arith.constant 0 : i32
        %dma_wait3A_313 = tpu.memref_slice %arg11[%dma_wait3A_311, %dma_wait3A_312] : memref<10000x128xf32, #tpu.memory_space<vmem_shared>> -> memref<16x128xf32, #tpu.memory_space<vmem_shared>>
        tpu.wait_dma2 semaphore(%run_scoped3A : memref<!tpu.dma_semaphore, #tpu.memory_space<semaphore_mem>>) src(%dma_wait3A_313 : memref<16x128xf32, #tpu.memory_space<vmem_shared>>) dst(%dma_wait3A_310 : memref<16x128xf32, #tpu.memory_space<hbm>>)
        tpu.yield
      }) : () -> ()
    } else {
    }
    return
  }
}

#map = affine_map<(d0, d1) -> (0, 0)>
#map1 = affine_map<(d0, d1) -> (0, 0, 0)>
module attributes {stable_mosaic.version = 14 : i64} {
  func.func @_sc_agg_body(%arg0: i32, %arg1: i32, %arg2: memref<10000x128xf32, #tpu.memory_space<hbm>>, %arg3: memref<32x80x125xi32, #tpu.memory_space<hbm>>, %arg4: memref<32x80x125xi32, #tpu.memory_space<hbm>>, %arg5: memref<624x128xf32, #tpu.memory_space<hbm>>, %arg6: memref<2x10000x128xf32, #tpu.memory_space<hbm>>, %arg7: memref<4x125xi32, #tpu.memory_space<vmem>>, %arg8: memref<4x125xi32, #tpu.memory_space<vmem>>, %arg9: memref<125x128xf32, #tpu.memory_space<vmem>>, %arg10: memref<125x128xf32, #tpu.memory_space<vmem>>, %arg11: memref<10000x128xf32, #tpu.memory_space<vmem_shared>>, %arg12: memref<!tpu.dma_semaphore, #tpu.memory_space<semaphore_mem>>, %arg13: memref<!tpu.dma_semaphore, #tpu.memory_space<semaphore_mem>>, %arg14: memref<!tpu.dma_semaphore, #tpu.memory_space<semaphore_mem>>) attributes {dimension_semantics = [#tpu.dimension_semantics<core_parallel>, #tpu.dimension_semantics<subcore_parallel>], iteration_bounds = array<i64: 2, 16>, scalar_prefetch = 0 : i64, scratch_operands = 8 : i64, tpu.core_type = #tpu.core_type<sc_vector_subcore>, window_params = [{transform_indices = #map}, {transform_indices = #map1}, {transform_indices = #map1}, {transform_indices = #map}, {transform_indices = #map1}]} {
    %mul3A = arith.constant 16 : i32
    %mul3A_0 = arith.muli %arg0, %mul3A : i32
    %add3A = arith.addi %mul3A_0, %arg1 : i32
    %dma_start3A = arith.constant 0 : i32
    %dma_start3A_1 = arith.constant 0 : i32
    %dma_start3A_2 = arith.constant 0 : i32
    %dma_start3A_3 = tpu.memref_slice %arg7[%dma_start3A_1, %dma_start3A_2] : memref<4x125xi32, #tpu.memory_space<vmem>> -> memref<1x125xi32, #tpu.memory_space<vmem>>
    %dma_start3A_4 = tpu.memref_squeeze %dma_start3A_3 : memref<1x125xi32, #tpu.memory_space<vmem>> -> memref<125xi32, #tpu.memory_space<vmem>>
    %dma_start3A_5 = arith.constant 0 : i32
    %dma_start3A_6 = arith.constant 0 : i32
    %dma_start3A_7 = tpu.memref_slice %arg3[%add3A, %dma_start3A_5, %dma_start3A_6] : memref<32x80x125xi32, #tpu.memory_space<hbm>> -> memref<1x80x125xi32, #tpu.memory_space<hbm>>
    %dma_start3A_8 = tpu.memref_squeeze %dma_start3A_7 : memref<1x80x125xi32, #tpu.memory_space<hbm>> -> memref<80x125xi32, #tpu.memory_space<hbm>>
    %dma_start3A_9 = arith.constant 0 : i32
    %dma_start3A_10 = tpu.memref_slice %dma_start3A_8[%dma_start3A, %dma_start3A_9] : memref<80x125xi32, #tpu.memory_space<hbm>> -> memref<1x125xi32, #tpu.memory_space<hbm>>
    %dma_start3A_11 = tpu.memref_squeeze %dma_start3A_10 : memref<1x125xi32, #tpu.memory_space<hbm>> -> memref<125xi32, #tpu.memory_space<hbm>>
    %dma_start3A_12 = arith.constant 0 : i32
    %dma_start3A_13 = tpu.memref_slice %arg7[%dma_start3A_1, %dma_start3A_12] : memref<4x125xi32, #tpu.memory_space<vmem>> -> memref<1x125xi32, #tpu.memory_space<vmem>>
    %dma_start3A_14 = tpu.memref_squeeze %dma_start3A_13 : memref<1x125xi32, #tpu.memory_space<vmem>> -> memref<125xi32, #tpu.memory_space<vmem>>
    %dma_start3A_15 = arith.constant 0 : i32
    %dma_start3A_16 = arith.constant 0 : i32
    %dma_start3A_17 = tpu.memref_slice %arg3[%add3A, %dma_start3A_15, %dma_start3A_16] : memref<32x80x125xi32, #tpu.memory_space<hbm>> -> memref<1x80x125xi32, #tpu.memory_space<hbm>>
    %dma_start3A_18 = tpu.memref_squeeze %dma_start3A_17 : memref<1x80x125xi32, #tpu.memory_space<hbm>> -> memref<80x125xi32, #tpu.memory_space<hbm>>
    %dma_start3A_19 = arith.constant 0 : i32
    %dma_start3A_20 = tpu.memref_slice %dma_start3A_18[%dma_start3A, %dma_start3A_19] : memref<80x125xi32, #tpu.memory_space<hbm>> -> memref<1x125xi32, #tpu.memory_space<hbm>>
    %dma_start3A_21 = tpu.memref_squeeze %dma_start3A_20 : memref<1x125xi32, #tpu.memory_space<hbm>> -> memref<125xi32, #tpu.memory_space<hbm>>
    tpu.enqueue_dma source(%dma_start3A_21 : memref<125xi32, #tpu.memory_space<hbm>>) target(%dma_start3A_14 : memref<125xi32, #tpu.memory_space<vmem>>) target_semaphore(%arg14 : memref<!tpu.dma_semaphore, #tpu.memory_space<semaphore_mem>>)
    %dma_start3A_22 = arith.constant 0 : i32
    %dma_start3A_23 = arith.constant 0 : i32
    %dma_start3A_24 = arith.constant 0 : i32
    %dma_start3A_25 = tpu.memref_slice %arg8[%dma_start3A_23, %dma_start3A_24] : memref<4x125xi32, #tpu.memory_space<vmem>> -> memref<1x125xi32, #tpu.memory_space<vmem>>
    %dma_start3A_26 = tpu.memref_squeeze %dma_start3A_25 : memref<1x125xi32, #tpu.memory_space<vmem>> -> memref<125xi32, #tpu.memory_space<vmem>>
    %dma_start3A_27 = arith.constant 0 : i32
    %dma_start3A_28 = arith.constant 0 : i32
    %dma_start3A_29 = tpu.memref_slice %arg4[%add3A, %dma_start3A_27, %dma_start3A_28] : memref<32x80x125xi32, #tpu.memory_space<hbm>> -> memref<1x80x125xi32, #tpu.memory_space<hbm>>
    %dma_start3A_30 = tpu.memref_squeeze %dma_start3A_29 : memref<1x80x125xi32, #tpu.memory_space<hbm>> -> memref<80x125xi32, #tpu.memory_space<hbm>>
    %dma_start3A_31 = arith.constant 0 : i32
    %dma_start3A_32 = tpu.memref_slice %dma_start3A_30[%dma_start3A_22, %dma_start3A_31] : memref<80x125xi32, #tpu.memory_space<hbm>> -> memref<1x125xi32, #tpu.memory_space<hbm>>
    %dma_start3A_33 = tpu.memref_squeeze %dma_start3A_32 : memref<1x125xi32, #tpu.memory_space<hbm>> -> memref<125xi32, #tpu.memory_space<hbm>>
    %dma_start3A_34 = arith.constant 0 : i32
    %dma_start3A_35 = tpu.memref_slice %arg8[%dma_start3A_23, %dma_start3A_34] : memref<4x125xi32, #tpu.memory_space<vmem>> -> memref<1x125xi32, #tpu.memory_space<vmem>>
    %dma_start3A_36 = tpu.memref_squeeze %dma_start3A_35 : memref<1x125xi32, #tpu.memory_space<vmem>> -> memref<125xi32, #tpu.memory_space<vmem>>
    %dma_start3A_37 = arith.constant 0 : i32
    %dma_start3A_38 = arith.constant 0 : i32
    %dma_start3A_39 = tpu.memref_slice %arg4[%add3A, %dma_start3A_37, %dma_start3A_38] : memref<32x80x125xi32, #tpu.memory_space<hbm>> -> memref<1x80x125xi32, #tpu.memory_space<hbm>>
    %dma_start3A_40 = tpu.memref_squeeze %dma_start3A_39 : memref<1x80x125xi32, #tpu.memory_space<hbm>> -> memref<80x125xi32, #tpu.memory_space<hbm>>
    %dma_start3A_41 = arith.constant 0 : i32
    %dma_start3A_42 = tpu.memref_slice %dma_start3A_40[%dma_start3A_22, %dma_start3A_41] : memref<80x125xi32, #tpu.memory_space<hbm>> -> memref<1x125xi32, #tpu.memory_space<hbm>>
    %dma_start3A_43 = tpu.memref_squeeze %dma_start3A_42 : memref<1x125xi32, #tpu.memory_space<hbm>> -> memref<125xi32, #tpu.memory_space<hbm>>
    tpu.enqueue_dma source(%dma_start3A_43 : memref<125xi32, #tpu.memory_space<hbm>>) target(%dma_start3A_36 : memref<125xi32, #tpu.memory_space<vmem>>) target_semaphore(%arg14 : memref<!tpu.dma_semaphore, #tpu.memory_space<semaphore_mem>>)
    %dma_start3A_44 = arith.constant 1 : i32
    %dma_start3A_45 = arith.constant 1 : i32
    %dma_start3A_46 = arith.constant 0 : i32
    %dma_start3A_47 = tpu.memref_slice %arg7[%dma_start3A_45, %dma_start3A_46] : memref<4x125xi32, #tpu.memory_space<vmem>> -> memref<1x125xi32, #tpu.memory_space<vmem>>
    %dma_start3A_48 = tpu.memref_squeeze %dma_start3A_47 : memref<1x125xi32, #tpu.memory_space<vmem>> -> memref<125xi32, #tpu.memory_space<vmem>>
    %dma_start3A_49 = arith.constant 0 : i32
    %dma_start3A_50 = arith.constant 0 : i32
    %dma_start3A_51 = tpu.memref_slice %arg3[%add3A, %dma_start3A_49, %dma_start3A_50] : memref<32x80x125xi32, #tpu.memory_space<hbm>> -> memref<1x80x125xi32, #tpu.memory_space<hbm>>
    %dma_start3A_52 = tpu.memref_squeeze %dma_start3A_51 : memref<1x80x125xi32, #tpu.memory_space<hbm>> -> memref<80x125xi32, #tpu.memory_space<hbm>>
    %dma_start3A_53 = arith.constant 0 : i32
    %dma_start3A_54 = tpu.memref_slice %dma_start3A_52[%dma_start3A_44, %dma_start3A_53] : memref<80x125xi32, #tpu.memory_space<hbm>> -> memref<1x125xi32, #tpu.memory_space<hbm>>
    %dma_start3A_55 = tpu.memref_squeeze %dma_start3A_54 : memref<1x125xi32, #tpu.memory_space<hbm>> -> memref<125xi32, #tpu.memory_space<hbm>>
    %dma_start3A_56 = arith.constant 0 : i32
    %dma_start3A_57 = tpu.memref_slice %arg7[%dma_start3A_45, %dma_start3A_56] : memref<4x125xi32, #tpu.memory_space<vmem>> -> memref<1x125xi32, #tpu.memory_space<vmem>>
    %dma_start3A_58 = tpu.memref_squeeze %dma_start3A_57 : memref<1x125xi32, #tpu.memory_space<vmem>> -> memref<125xi32, #tpu.memory_space<vmem>>
    %dma_start3A_59 = arith.constant 0 : i32
    %dma_start3A_60 = arith.constant 0 : i32
    %dma_start3A_61 = tpu.memref_slice %arg3[%add3A, %dma_start3A_59, %dma_start3A_60] : memref<32x80x125xi32, #tpu.memory_space<hbm>> -> memref<1x80x125xi32, #tpu.memory_space<hbm>>
    %dma_start3A_62 = tpu.memref_squeeze %dma_start3A_61 : memref<1x80x125xi32, #tpu.memory_space<hbm>> -> memref<80x125xi32, #tpu.memory_space<hbm>>
    %dma_start3A_63 = arith.constant 0 : i32
    %dma_start3A_64 = tpu.memref_slice %dma_start3A_62[%dma_start3A_44, %dma_start3A_63] : memref<80x125xi32, #tpu.memory_space<hbm>> -> memref<1x125xi32, #tpu.memory_space<hbm>>
    %dma_start3A_65 = tpu.memref_squeeze %dma_start3A_64 : memref<1x125xi32, #tpu.memory_space<hbm>> -> memref<125xi32, #tpu.memory_space<hbm>>
    tpu.enqueue_dma source(%dma_start3A_65 : memref<125xi32, #tpu.memory_space<hbm>>) target(%dma_start3A_58 : memref<125xi32, #tpu.memory_space<vmem>>) target_semaphore(%arg14 : memref<!tpu.dma_semaphore, #tpu.memory_space<semaphore_mem>>)
    %dma_start3A_66 = arith.constant 1 : i32
    %dma_start3A_67 = arith.constant 1 : i32
    %dma_start3A_68 = arith.constant 0 : i32
    %dma_start3A_69 = tpu.memref_slice %arg8[%dma_start3A_67, %dma_start3A_68] : memref<4x125xi32, #tpu.memory_space<vmem>> -> memref<1x125xi32, #tpu.memory_space<vmem>>
    %dma_start3A_70 = tpu.memref_squeeze %dma_start3A_69 : memref<1x125xi32, #tpu.memory_space<vmem>> -> memref<125xi32, #tpu.memory_space<vmem>>
    %dma_start3A_71 = arith.constant 0 : i32
    %dma_start3A_72 = arith.constant 0 : i32
    %dma_start3A_73 = tpu.memref_slice %arg4[%add3A, %dma_start3A_71, %dma_start3A_72] : memref<32x80x125xi32, #tpu.memory_space<hbm>> -> memref<1x80x125xi32, #tpu.memory_space<hbm>>
    %dma_start3A_74 = tpu.memref_squeeze %dma_start3A_73 : memref<1x80x125xi32, #tpu.memory_space<hbm>> -> memref<80x125xi32, #tpu.memory_space<hbm>>
    %dma_start3A_75 = arith.constant 0 : i32
    %dma_start3A_76 = tpu.memref_slice %dma_start3A_74[%dma_start3A_66, %dma_start3A_75] : memref<80x125xi32, #tpu.memory_space<hbm>> -> memref<1x125xi32, #tpu.memory_space<hbm>>
    %dma_start3A_77 = tpu.memref_squeeze %dma_start3A_76 : memref<1x125xi32, #tpu.memory_space<hbm>> -> memref<125xi32, #tpu.memory_space<hbm>>
    %dma_start3A_78 = arith.constant 0 : i32
    %dma_start3A_79 = tpu.memref_slice %arg8[%dma_start3A_67, %dma_start3A_78] : memref<4x125xi32, #tpu.memory_space<vmem>> -> memref<1x125xi32, #tpu.memory_space<vmem>>
    %dma_start3A_80 = tpu.memref_squeeze %dma_start3A_79 : memref<1x125xi32, #tpu.memory_space<vmem>> -> memref<125xi32, #tpu.memory_space<vmem>>
    %dma_start3A_81 = arith.constant 0 : i32
    %dma_start3A_82 = arith.constant 0 : i32
    %dma_start3A_83 = tpu.memref_slice %arg4[%add3A, %dma_start3A_81, %dma_start3A_82] : memref<32x80x125xi32, #tpu.memory_space<hbm>> -> memref<1x80x125xi32, #tpu.memory_space<hbm>>
    %dma_start3A_84 = tpu.memref_squeeze %dma_start3A_83 : memref<1x80x125xi32, #tpu.memory_space<hbm>> -> memref<80x125xi32, #tpu.memory_space<hbm>>
    %dma_start3A_85 = arith.constant 0 : i32
    %dma_start3A_86 = tpu.memref_slice %dma_start3A_84[%dma_start3A_66, %dma_start3A_85] : memref<80x125xi32, #tpu.memory_space<hbm>> -> memref<1x125xi32, #tpu.memory_space<hbm>>
    %dma_start3A_87 = tpu.memref_squeeze %dma_start3A_86 : memref<1x125xi32, #tpu.memory_space<hbm>> -> memref<125xi32, #tpu.memory_space<hbm>>
    tpu.enqueue_dma source(%dma_start3A_87 : memref<125xi32, #tpu.memory_space<hbm>>) target(%dma_start3A_80 : memref<125xi32, #tpu.memory_space<vmem>>) target_semaphore(%arg14 : memref<!tpu.dma_semaphore, #tpu.memory_space<semaphore_mem>>)
    %dma_start3A_88 = arith.constant 2 : i32
    %dma_start3A_89 = arith.constant 2 : i32
    %dma_start3A_90 = arith.constant 0 : i32
    %dma_start3A_91 = tpu.memref_slice %arg7[%dma_start3A_89, %dma_start3A_90] : memref<4x125xi32, #tpu.memory_space<vmem>> -> memref<1x125xi32, #tpu.memory_space<vmem>>
    %dma_start3A_92 = tpu.memref_squeeze %dma_start3A_91 : memref<1x125xi32, #tpu.memory_space<vmem>> -> memref<125xi32, #tpu.memory_space<vmem>>
    %dma_start3A_93 = arith.constant 0 : i32
    %dma_start3A_94 = arith.constant 0 : i32
    %dma_start3A_95 = tpu.memref_slice %arg3[%add3A, %dma_start3A_93, %dma_start3A_94] : memref<32x80x125xi32, #tpu.memory_space<hbm>> -> memref<1x80x125xi32, #tpu.memory_space<hbm>>
    %dma_start3A_96 = tpu.memref_squeeze %dma_start3A_95 : memref<1x80x125xi32, #tpu.memory_space<hbm>> -> memref<80x125xi32, #tpu.memory_space<hbm>>
    %dma_start3A_97 = arith.constant 0 : i32
    %dma_start3A_98 = tpu.memref_slice %dma_start3A_96[%dma_start3A_88, %dma_start3A_97] : memref<80x125xi32, #tpu.memory_space<hbm>> -> memref<1x125xi32, #tpu.memory_space<hbm>>
    %dma_start3A_99 = tpu.memref_squeeze %dma_start3A_98 : memref<1x125xi32, #tpu.memory_space<hbm>> -> memref<125xi32, #tpu.memory_space<hbm>>
    %dma_start3A_100 = arith.constant 0 : i32
    %dma_start3A_101 = tpu.memref_slice %arg7[%dma_start3A_89, %dma_start3A_100] : memref<4x125xi32, #tpu.memory_space<vmem>> -> memref<1x125xi32, #tpu.memory_space<vmem>>
    %dma_start3A_102 = tpu.memref_squeeze %dma_start3A_101 : memref<1x125xi32, #tpu.memory_space<vmem>> -> memref<125xi32, #tpu.memory_space<vmem>>
    %dma_start3A_103 = arith.constant 0 : i32
    %dma_start3A_104 = arith.constant 0 : i32
    %dma_start3A_105 = tpu.memref_slice %arg3[%add3A, %dma_start3A_103, %dma_start3A_104] : memref<32x80x125xi32, #tpu.memory_space<hbm>> -> memref<1x80x125xi32, #tpu.memory_space<hbm>>
    %dma_start3A_106 = tpu.memref_squeeze %dma_start3A_105 : memref<1x80x125xi32, #tpu.memory_space<hbm>> -> memref<80x125xi32, #tpu.memory_space<hbm>>
    %dma_start3A_107 = arith.constant 0 : i32
    %dma_start3A_108 = tpu.memref_slice %dma_start3A_106[%dma_start3A_88, %dma_start3A_107] : memref<80x125xi32, #tpu.memory_space<hbm>> -> memref<1x125xi32, #tpu.memory_space<hbm>>
    %dma_start3A_109 = tpu.memref_squeeze %dma_start3A_108 : memref<1x125xi32, #tpu.memory_space<hbm>> -> memref<125xi32, #tpu.memory_space<hbm>>
    tpu.enqueue_dma source(%dma_start3A_109 : memref<125xi32, #tpu.memory_space<hbm>>) target(%dma_start3A_102 : memref<125xi32, #tpu.memory_space<vmem>>) target_semaphore(%arg14 : memref<!tpu.dma_semaphore, #tpu.memory_space<semaphore_mem>>)
    %dma_start3A_110 = arith.constant 2 : i32
    %dma_start3A_111 = arith.constant 2 : i32
    %dma_start3A_112 = arith.constant 0 : i32
    %dma_start3A_113 = tpu.memref_slice %arg8[%dma_start3A_111, %dma_start3A_112] : memref<4x125xi32, #tpu.memory_space<vmem>> -> memref<1x125xi32, #tpu.memory_space<vmem>>
    %dma_start3A_114 = tpu.memref_squeeze %dma_start3A_113 : memref<1x125xi32, #tpu.memory_space<vmem>> -> memref<125xi32, #tpu.memory_space<vmem>>
    %dma_start3A_115 = arith.constant 0 : i32
    %dma_start3A_116 = arith.constant 0 : i32
    %dma_start3A_117 = tpu.memref_slice %arg4[%add3A, %dma_start3A_115, %dma_start3A_116] : memref<32x80x125xi32, #tpu.memory_space<hbm>> -> memref<1x80x125xi32, #tpu.memory_space<hbm>>
    %dma_start3A_118 = tpu.memref_squeeze %dma_start3A_117 : memref<1x80x125xi32, #tpu.memory_space<hbm>> -> memref<80x125xi32, #tpu.memory_space<hbm>>
    %dma_start3A_119 = arith.constant 0 : i32
    %dma_start3A_120 = tpu.memref_slice %dma_start3A_118[%dma_start3A_110, %dma_start3A_119] : memref<80x125xi32, #tpu.memory_space<hbm>> -> memref<1x125xi32, #tpu.memory_space<hbm>>
    %dma_start3A_121 = tpu.memref_squeeze %dma_start3A_120 : memref<1x125xi32, #tpu.memory_space<hbm>> -> memref<125xi32, #tpu.memory_space<hbm>>
    %dma_start3A_122 = arith.constant 0 : i32
    %dma_start3A_123 = tpu.memref_slice %arg8[%dma_start3A_111, %dma_start3A_122] : memref<4x125xi32, #tpu.memory_space<vmem>> -> memref<1x125xi32, #tpu.memory_space<vmem>>
    %dma_start3A_124 = tpu.memref_squeeze %dma_start3A_123 : memref<1x125xi32, #tpu.memory_space<vmem>> -> memref<125xi32, #tpu.memory_space<vmem>>
    %dma_start3A_125 = arith.constant 0 : i32
    %dma_start3A_126 = arith.constant 0 : i32
    %dma_start3A_127 = tpu.memref_slice %arg4[%add3A, %dma_start3A_125, %dma_start3A_126] : memref<32x80x125xi32, #tpu.memory_space<hbm>> -> memref<1x80x125xi32, #tpu.memory_space<hbm>>
    %dma_start3A_128 = tpu.memref_squeeze %dma_start3A_127 : memref<1x80x125xi32, #tpu.memory_space<hbm>> -> memref<80x125xi32, #tpu.memory_space<hbm>>
    %dma_start3A_129 = arith.constant 0 : i32
    %dma_start3A_130 = tpu.memref_slice %dma_start3A_128[%dma_start3A_110, %dma_start3A_129] : memref<80x125xi32, #tpu.memory_space<hbm>> -> memref<1x125xi32, #tpu.memory_space<hbm>>
    %dma_start3A_131 = tpu.memref_squeeze %dma_start3A_130 : memref<1x125xi32, #tpu.memory_space<hbm>> -> memref<125xi32, #tpu.memory_space<hbm>>
    tpu.enqueue_dma source(%dma_start3A_131 : memref<125xi32, #tpu.memory_space<hbm>>) target(%dma_start3A_124 : memref<125xi32, #tpu.memory_space<vmem>>) target_semaphore(%arg14 : memref<!tpu.dma_semaphore, #tpu.memory_space<semaphore_mem>>)
    %dma_start3A_132 = arith.constant 3 : i32
    %dma_start3A_133 = arith.constant 3 : i32
    %dma_start3A_134 = arith.constant 0 : i32
    %dma_start3A_135 = tpu.memref_slice %arg7[%dma_start3A_133, %dma_start3A_134] : memref<4x125xi32, #tpu.memory_space<vmem>> -> memref<1x125xi32, #tpu.memory_space<vmem>>
    %dma_start3A_136 = tpu.memref_squeeze %dma_start3A_135 : memref<1x125xi32, #tpu.memory_space<vmem>> -> memref<125xi32, #tpu.memory_space<vmem>>
    %dma_start3A_137 = arith.constant 0 : i32
    %dma_start3A_138 = arith.constant 0 : i32
    %dma_start3A_139 = tpu.memref_slice %arg3[%add3A, %dma_start3A_137, %dma_start3A_138] : memref<32x80x125xi32, #tpu.memory_space<hbm>> -> memref<1x80x125xi32, #tpu.memory_space<hbm>>
    %dma_start3A_140 = tpu.memref_squeeze %dma_start3A_139 : memref<1x80x125xi32, #tpu.memory_space<hbm>> -> memref<80x125xi32, #tpu.memory_space<hbm>>
    %dma_start3A_141 = arith.constant 0 : i32
    %dma_start3A_142 = tpu.memref_slice %dma_start3A_140[%dma_start3A_132, %dma_start3A_141] : memref<80x125xi32, #tpu.memory_space<hbm>> -> memref<1x125xi32, #tpu.memory_space<hbm>>
    %dma_start3A_143 = tpu.memref_squeeze %dma_start3A_142 : memref<1x125xi32, #tpu.memory_space<hbm>> -> memref<125xi32, #tpu.memory_space<hbm>>
    %dma_start3A_144 = arith.constant 0 : i32
    %dma_start3A_145 = tpu.memref_slice %arg7[%dma_start3A_133, %dma_start3A_144] : memref<4x125xi32, #tpu.memory_space<vmem>> -> memref<1x125xi32, #tpu.memory_space<vmem>>
    %dma_start3A_146 = tpu.memref_squeeze %dma_start3A_145 : memref<1x125xi32, #tpu.memory_space<vmem>> -> memref<125xi32, #tpu.memory_space<vmem>>
    %dma_start3A_147 = arith.constant 0 : i32
    %dma_start3A_148 = arith.constant 0 : i32
    %dma_start3A_149 = tpu.memref_slice %arg3[%add3A, %dma_start3A_147, %dma_start3A_148] : memref<32x80x125xi32, #tpu.memory_space<hbm>> -> memref<1x80x125xi32, #tpu.memory_space<hbm>>
    %dma_start3A_150 = tpu.memref_squeeze %dma_start3A_149 : memref<1x80x125xi32, #tpu.memory_space<hbm>> -> memref<80x125xi32, #tpu.memory_space<hbm>>
    %dma_start3A_151 = arith.constant 0 : i32
    %dma_start3A_152 = tpu.memref_slice %dma_start3A_150[%dma_start3A_132, %dma_start3A_151] : memref<80x125xi32, #tpu.memory_space<hbm>> -> memref<1x125xi32, #tpu.memory_space<hbm>>
    %dma_start3A_153 = tpu.memref_squeeze %dma_start3A_152 : memref<1x125xi32, #tpu.memory_space<hbm>> -> memref<125xi32, #tpu.memory_space<hbm>>
    tpu.enqueue_dma source(%dma_start3A_153 : memref<125xi32, #tpu.memory_space<hbm>>) target(%dma_start3A_146 : memref<125xi32, #tpu.memory_space<vmem>>) target_semaphore(%arg14 : memref<!tpu.dma_semaphore, #tpu.memory_space<semaphore_mem>>)
    %dma_start3A_154 = arith.constant 3 : i32
    %dma_start3A_155 = arith.constant 3 : i32
    %dma_start3A_156 = arith.constant 0 : i32
    %dma_start3A_157 = tpu.memref_slice %arg8[%dma_start3A_155, %dma_start3A_156] : memref<4x125xi32, #tpu.memory_space<vmem>> -> memref<1x125xi32, #tpu.memory_space<vmem>>
    %dma_start3A_158 = tpu.memref_squeeze %dma_start3A_157 : memref<1x125xi32, #tpu.memory_space<vmem>> -> memref<125xi32, #tpu.memory_space<vmem>>
    %dma_start3A_159 = arith.constant 0 : i32
    %dma_start3A_160 = arith.constant 0 : i32
    %dma_start3A_161 = tpu.memref_slice %arg4[%add3A, %dma_start3A_159, %dma_start3A_160] : memref<32x80x125xi32, #tpu.memory_space<hbm>> -> memref<1x80x125xi32, #tpu.memory_space<hbm>>
    %dma_start3A_162 = tpu.memref_squeeze %dma_start3A_161 : memref<1x80x125xi32, #tpu.memory_space<hbm>> -> memref<80x125xi32, #tpu.memory_space<hbm>>
    %dma_start3A_163 = arith.constant 0 : i32
    %dma_start3A_164 = tpu.memref_slice %dma_start3A_162[%dma_start3A_154, %dma_start3A_163] : memref<80x125xi32, #tpu.memory_space<hbm>> -> memref<1x125xi32, #tpu.memory_space<hbm>>
    %dma_start3A_165 = tpu.memref_squeeze %dma_start3A_164 : memref<1x125xi32, #tpu.memory_space<hbm>> -> memref<125xi32, #tpu.memory_space<hbm>>
    %dma_start3A_166 = arith.constant 0 : i32
    %dma_start3A_167 = tpu.memref_slice %arg8[%dma_start3A_155, %dma_start3A_166] : memref<4x125xi32, #tpu.memory_space<vmem>> -> memref<1x125xi32, #tpu.memory_space<vmem>>
    %dma_start3A_168 = tpu.memref_squeeze %dma_start3A_167 : memref<1x125xi32, #tpu.memory_space<vmem>> -> memref<125xi32, #tpu.memory_space<vmem>>
    %dma_start3A_169 = arith.constant 0 : i32
    %dma_start3A_170 = arith.constant 0 : i32
    %dma_start3A_171 = tpu.memref_slice %arg4[%add3A, %dma_start3A_169, %dma_start3A_170] : memref<32x80x125xi32, #tpu.memory_space<hbm>> -> memref<1x80x125xi32, #tpu.memory_space<hbm>>
    %dma_start3A_172 = tpu.memref_squeeze %dma_start3A_171 : memref<1x80x125xi32, #tpu.memory_space<hbm>> -> memref<80x125xi32, #tpu.memory_space<hbm>>
    %dma_start3A_173 = arith.constant 0 : i32
    %dma_start3A_174 = tpu.memref_slice %dma_start3A_172[%dma_start3A_154, %dma_start3A_173] : memref<80x125xi32, #tpu.memory_space<hbm>> -> memref<1x125xi32, #tpu.memory_space<hbm>>
    %dma_start3A_175 = tpu.memref_squeeze %dma_start3A_174 : memref<1x125xi32, #tpu.memory_space<hbm>> -> memref<125xi32, #tpu.memory_space<hbm>>
    tpu.enqueue_dma source(%dma_start3A_175 : memref<125xi32, #tpu.memory_space<hbm>>) target(%dma_start3A_168 : memref<125xi32, #tpu.memory_space<vmem>>) target_semaphore(%arg14 : memref<!tpu.dma_semaphore, #tpu.memory_space<semaphore_mem>>)
    %mul3A_176 = arith.constant 624 : i32
    %mul3A_177 = arith.muli %arg1, %mul3A_176 : i32
    "tpu.region"() ({
      %run_scoped3A = tpu.sem_alloc : memref<!tpu.dma_semaphore, #tpu.memory_space<semaphore_mem>>
      %dma_start3A_294 = arith.constant 0 : i32
      %dma_start3A_295 = tpu.memref_slice %arg11[%mul3A_177, %dma_start3A_294] : memref<10000x128xf32, #tpu.memory_space<vmem_shared>> -> memref<624x128xf32, #tpu.memory_space<vmem_shared>>
      tpu.enqueue_dma source(%arg5 : memref<624x128xf32, #tpu.memory_space<hbm>>) target(%dma_start3A_295 : memref<624x128xf32, #tpu.memory_space<vmem_shared>>) target_semaphore(%run_scoped3A : memref<!tpu.dma_semaphore, #tpu.memory_space<semaphore_mem>>)
      %dma_wait3A_296 = arith.constant 0 : i32
      %dma_wait3A_297 = tpu.memref_slice %arg11[%mul3A_177, %dma_wait3A_296] : memref<10000x128xf32, #tpu.memory_space<vmem_shared>> -> memref<624x128xf32, #tpu.memory_space<vmem_shared>>
      tpu.wait_dma2 semaphore(%run_scoped3A : memref<!tpu.dma_semaphore, #tpu.memory_space<semaphore_mem>>) src(%arg5 : memref<624x128xf32, #tpu.memory_space<hbm>>) dst(%dma_wait3A_297 : memref<624x128xf32, #tpu.memory_space<vmem_shared>>)
      tpu.yield
    }) : () -> ()
    %eq3A = arith.constant 15 : i32
    %eq3A_178 = arith.cmpi eq, %arg1, %eq3A : i32
    %convert_element_type3A = arith.extui %eq3A_178 : i1 to i32
    %cond3A = arith.constant 0 : i32
    %cond3A_179 = arith.cmpi ne, %convert_element_type3A, %cond3A : i32
    scf.if %cond3A_179 {
      "tpu.region"() ({
        %run_scoped3A = tpu.sem_alloc : memref<!tpu.dma_semaphore, #tpu.memory_space<semaphore_mem>>
        %dma_start3A_294 = arith.constant 9984 : i32
        %dma_start3A_295 = arith.constant 0 : i32
        %dma_start3A_296 = tpu.memref_slice %arg11[%dma_start3A_294, %dma_start3A_295] : memref<10000x128xf32, #tpu.memory_space<vmem_shared>> -> memref<16x128xf32, #tpu.memory_space<vmem_shared>>
        %dma_start3A_297 = arith.constant 0 : i32
        %dma_start3A_298 = arith.constant 0 : i32
        %dma_start3A_299 = tpu.memref_slice %arg5[%dma_start3A_297, %dma_start3A_298] : memref<624x128xf32, #tpu.memory_space<hbm>> -> memref<16x128xf32, #tpu.memory_space<hbm>>
        tpu.enqueue_dma source(%dma_start3A_299 : memref<16x128xf32, #tpu.memory_space<hbm>>) target(%dma_start3A_296 : memref<16x128xf32, #tpu.memory_space<vmem_shared>>) target_semaphore(%run_scoped3A : memref<!tpu.dma_semaphore, #tpu.memory_space<semaphore_mem>>)
        %dma_wait3A_300 = arith.constant 9984 : i32
        %dma_wait3A_301 = arith.constant 0 : i32
        %dma_wait3A_302 = tpu.memref_slice %arg11[%dma_wait3A_300, %dma_wait3A_301] : memref<10000x128xf32, #tpu.memory_space<vmem_shared>> -> memref<16x128xf32, #tpu.memory_space<vmem_shared>>
        %dma_wait3A_303 = arith.constant 0 : i32
        %dma_wait3A_304 = arith.constant 0 : i32
        %dma_wait3A_305 = tpu.memref_slice %arg5[%dma_wait3A_303, %dma_wait3A_304] : memref<624x128xf32, #tpu.memory_space<hbm>> -> memref<16x128xf32, #tpu.memory_space<hbm>>
        tpu.wait_dma2 semaphore(%run_scoped3A : memref<!tpu.dma_semaphore, #tpu.memory_space<semaphore_mem>>) src(%dma_wait3A_305 : memref<16x128xf32, #tpu.memory_space<hbm>>) dst(%dma_wait3A_302 : memref<16x128xf32, #tpu.memory_space<vmem_shared>>)
        tpu.yield
      }) : () -> ()
    } else {
    }
    %dma_wait3A = arith.constant 0 : i32
    %dma_wait3A_180 = arith.constant 0 : i32
    %dma_wait3A_181 = arith.constant 0 : i32
    %dma_wait3A_182 = tpu.memref_slice %arg7[%dma_wait3A_180, %dma_wait3A_181] : memref<4x125xi32, #tpu.memory_space<vmem>> -> memref<1x125xi32, #tpu.memory_space<vmem>>
    %dma_wait3A_183 = tpu.memref_squeeze %dma_wait3A_182 : memref<1x125xi32, #tpu.memory_space<vmem>> -> memref<125xi32, #tpu.memory_space<vmem>>
    %dma_wait3A_184 = arith.constant 0 : i32
    %dma_wait3A_185 = arith.constant 0 : i32
    %dma_wait3A_186 = tpu.memref_slice %arg3[%add3A, %dma_wait3A_184, %dma_wait3A_185] : memref<32x80x125xi32, #tpu.memory_space<hbm>> -> memref<1x80x125xi32, #tpu.memory_space<hbm>>
    %dma_wait3A_187 = tpu.memref_squeeze %dma_wait3A_186 : memref<1x80x125xi32, #tpu.memory_space<hbm>> -> memref<80x125xi32, #tpu.memory_space<hbm>>
    %dma_wait3A_188 = arith.constant 0 : i32
    %dma_wait3A_189 = tpu.memref_slice %dma_wait3A_187[%dma_wait3A, %dma_wait3A_188] : memref<80x125xi32, #tpu.memory_space<hbm>> -> memref<1x125xi32, #tpu.memory_space<hbm>>
    %dma_wait3A_190 = tpu.memref_squeeze %dma_wait3A_189 : memref<1x125xi32, #tpu.memory_space<hbm>> -> memref<125xi32, #tpu.memory_space<hbm>>
    %dma_wait3A_191 = arith.constant 0 : i32
    %dma_wait3A_192 = tpu.memref_slice %arg7[%dma_wait3A_180, %dma_wait3A_191] : memref<4x125xi32, #tpu.memory_space<vmem>> -> memref<1x125xi32, #tpu.memory_space<vmem>>
    %dma_wait3A_193 = tpu.memref_squeeze %dma_wait3A_192 : memref<1x125xi32, #tpu.memory_space<vmem>> -> memref<125xi32, #tpu.memory_space<vmem>>
    %dma_wait3A_194 = arith.constant 0 : i32
    %dma_wait3A_195 = arith.constant 0 : i32
    %dma_wait3A_196 = tpu.memref_slice %arg3[%add3A, %dma_wait3A_194, %dma_wait3A_195] : memref<32x80x125xi32, #tpu.memory_space<hbm>> -> memref<1x80x125xi32, #tpu.memory_space<hbm>>
    %dma_wait3A_197 = tpu.memref_squeeze %dma_wait3A_196 : memref<1x80x125xi32, #tpu.memory_space<hbm>> -> memref<80x125xi32, #tpu.memory_space<hbm>>
    %dma_wait3A_198 = arith.constant 0 : i32
    %dma_wait3A_199 = tpu.memref_slice %dma_wait3A_197[%dma_wait3A, %dma_wait3A_198] : memref<80x125xi32, #tpu.memory_space<hbm>> -> memref<1x125xi32, #tpu.memory_space<hbm>>
    %dma_wait3A_200 = tpu.memref_squeeze %dma_wait3A_199 : memref<1x125xi32, #tpu.memory_space<hbm>> -> memref<125xi32, #tpu.memory_space<hbm>>
    tpu.wait_dma2 semaphore(%arg14 : memref<!tpu.dma_semaphore, #tpu.memory_space<semaphore_mem>>) src(%dma_wait3A_200 : memref<125xi32, #tpu.memory_space<hbm>>) dst(%dma_wait3A_193 : memref<125xi32, #tpu.memory_space<vmem>>)
    %dma_wait3A_201 = arith.constant 0 : i32
    %dma_wait3A_202 = arith.constant 0 : i32
    %dma_wait3A_203 = arith.constant 0 : i32
    %dma_wait3A_204 = tpu.memref_slice %arg8[%dma_wait3A_202, %dma_wait3A_203] : memref<4x125xi32, #tpu.memory_space<vmem>> -> memref<1x125xi32, #tpu.memory_space<vmem>>
    %dma_wait3A_205 = tpu.memref_squeeze %dma_wait3A_204 : memref<1x125xi32, #tpu.memory_space<vmem>> -> memref<125xi32, #tpu.memory_space<vmem>>
    %dma_wait3A_206 = arith.constant 0 : i32
    %dma_wait3A_207 = arith.constant 0 : i32
    %dma_wait3A_208 = tpu.memref_slice %arg4[%add3A, %dma_wait3A_206, %dma_wait3A_207] : memref<32x80x125xi32, #tpu.memory_space<hbm>> -> memref<1x80x125xi32, #tpu.memory_space<hbm>>
    %dma_wait3A_209 = tpu.memref_squeeze %dma_wait3A_208 : memref<1x80x125xi32, #tpu.memory_space<hbm>> -> memref<80x125xi32, #tpu.memory_space<hbm>>
    %dma_wait3A_210 = arith.constant 0 : i32
    %dma_wait3A_211 = tpu.memref_slice %dma_wait3A_209[%dma_wait3A_201, %dma_wait3A_210] : memref<80x125xi32, #tpu.memory_space<hbm>> -> memref<1x125xi32, #tpu.memory_space<hbm>>
    %dma_wait3A_212 = tpu.memref_squeeze %dma_wait3A_211 : memref<1x125xi32, #tpu.memory_space<hbm>> -> memref<125xi32, #tpu.memory_space<hbm>>
    %dma_wait3A_213 = arith.constant 0 : i32
    %dma_wait3A_214 = tpu.memref_slice %arg8[%dma_wait3A_202, %dma_wait3A_213] : memref<4x125xi32, #tpu.memory_space<vmem>> -> memref<1x125xi32, #tpu.memory_space<vmem>>
    %dma_wait3A_215 = tpu.memref_squeeze %dma_wait3A_214 : memref<1x125xi32, #tpu.memory_space<vmem>> -> memref<125xi32, #tpu.memory_space<vmem>>
    %dma_wait3A_216 = arith.constant 0 : i32
    %dma_wait3A_217 = arith.constant 0 : i32
    %dma_wait3A_218 = tpu.memref_slice %arg4[%add3A, %dma_wait3A_216, %dma_wait3A_217] : memref<32x80x125xi32, #tpu.memory_space<hbm>> -> memref<1x80x125xi32, #tpu.memory_space<hbm>>
    %dma_wait3A_219 = tpu.memref_squeeze %dma_wait3A_218 : memref<1x80x125xi32, #tpu.memory_space<hbm>> -> memref<80x125xi32, #tpu.memory_space<hbm>>
    %dma_wait3A_220 = arith.constant 0 : i32
    %dma_wait3A_221 = tpu.memref_slice %dma_wait3A_219[%dma_wait3A_201, %dma_wait3A_220] : memref<80x125xi32, #tpu.memory_space<hbm>> -> memref<1x125xi32, #tpu.memory_space<hbm>>
    %dma_wait3A_222 = tpu.memref_squeeze %dma_wait3A_221 : memref<1x125xi32, #tpu.memory_space<hbm>> -> memref<125xi32, #tpu.memory_space<hbm>>
    tpu.wait_dma2 semaphore(%arg14 : memref<!tpu.dma_semaphore, #tpu.memory_space<semaphore_mem>>) src(%dma_wait3A_222 : memref<125xi32, #tpu.memory_space<hbm>>) dst(%dma_wait3A_215 : memref<125xi32, #tpu.memory_space<vmem>>)
    %dma_start3A_223 = arith.constant 0 : i32
    %dma_start3A_224 = arith.constant 0 : i32
    %dma_start3A_225 = tpu.memref_slice %arg7[%dma_start3A_223, %dma_start3A_224] : memref<4x125xi32, #tpu.memory_space<vmem>> -> memref<1x125xi32, #tpu.memory_space<vmem>>
    %dma_start3A_226 = tpu.memref_squeeze %dma_start3A_225 : memref<1x125xi32, #tpu.memory_space<vmem>> -> memref<125xi32, #tpu.memory_space<vmem>>
    %dma_start3A_227 = arith.constant 0 : i32
    %dma_start3A_228 = arith.constant 0 : i32
    %dma_start3A_229 = tpu.memref_slice %arg2[%dma_start3A_227, %dma_start3A_228] : memref<10000x128xf32, #tpu.memory_space<hbm>> -> memref<10000x128xf32, #tpu.memory_space<hbm>>
    tpu.enqueue_indirect_dma source(%dma_start3A_229 : memref<10000x128xf32, #tpu.memory_space<hbm>>) target(%arg9 : memref<125x128xf32, #tpu.memory_space<vmem>>) offsets(%dma_start3A_226 : memref<125xi32, #tpu.memory_space<vmem>>) semaphore(%arg12 : memref<!tpu.dma_semaphore, #tpu.memory_space<semaphore_mem>>)
    %dma_wait3A_230 = arith.constant 0 : i32
    %dma_wait3A_231 = arith.constant 0 : i32
    %dma_wait3A_232 = arith.constant 0 : i32
    %dma_wait3A_233 = tpu.memref_slice %arg7[%dma_wait3A_231, %dma_wait3A_232] : memref<4x125xi32, #tpu.memory_space<vmem>> -> memref<1x125xi32, #tpu.memory_space<vmem>>
    %dma_wait3A_234 = tpu.memref_squeeze %dma_wait3A_233 : memref<1x125xi32, #tpu.memory_space<vmem>> -> memref<125xi32, #tpu.memory_space<vmem>>
    %dma_wait3A_235 = arith.constant 0 : i32
    %dma_wait3A_236 = arith.constant 0 : i32
    %dma_wait3A_237 = tpu.memref_slice %arg3[%add3A, %dma_wait3A_235, %dma_wait3A_236] : memref<32x80x125xi32, #tpu.memory_space<hbm>> -> memref<1x80x125xi32, #tpu.memory_space<hbm>>
    %dma_wait3A_238 = tpu.memref_squeeze %dma_wait3A_237 : memref<1x80x125xi32, #tpu.memory_space<hbm>> -> memref<80x125xi32, #tpu.memory_space<hbm>>
    %dma_wait3A_239 = arith.constant 0 : i32
    %dma_wait3A_240 = tpu.memref_slice %dma_wait3A_238[%dma_wait3A_230, %dma_wait3A_239] : memref<80x125xi32, #tpu.memory_space<hbm>> -> memref<1x125xi32, #tpu.memory_space<hbm>>
    %dma_wait3A_241 = tpu.memref_squeeze %dma_wait3A_240 : memref<1x125xi32, #tpu.memory_space<hbm>> -> memref<125xi32, #tpu.memory_space<hbm>>
    %dma_wait3A_242 = arith.constant 0 : i32
    %dma_wait3A_243 = tpu.memref_slice %arg7[%dma_wait3A_231, %dma_wait3A_242] : memref<4x125xi32, #tpu.memory_space<vmem>> -> memref<1x125xi32, #tpu.memory_space<vmem>>
    %dma_wait3A_244 = tpu.memref_squeeze %dma_wait3A_243 : memref<1x125xi32, #tpu.memory_space<vmem>> -> memref<125xi32, #tpu.memory_space<vmem>>
    %dma_wait3A_245 = arith.constant 0 : i32
    %dma_wait3A_246 = arith.constant 0 : i32
    %dma_wait3A_247 = tpu.memref_slice %arg3[%add3A, %dma_wait3A_245, %dma_wait3A_246] : memref<32x80x125xi32, #tpu.memory_space<hbm>> -> memref<1x80x125xi32, #tpu.memory_space<hbm>>
    %dma_wait3A_248 = tpu.memref_squeeze %dma_wait3A_247 : memref<1x80x125xi32, #tpu.memory_space<hbm>> -> memref<80x125xi32, #tpu.memory_space<hbm>>
    %dma_wait3A_249 = arith.constant 0 : i32
    %dma_wait3A_250 = tpu.memref_slice %dma_wait3A_248[%dma_wait3A_230, %dma_wait3A_249] : memref<80x125xi32, #tpu.memory_space<hbm>> -> memref<1x125xi32, #tpu.memory_space<hbm>>
    %dma_wait3A_251 = tpu.memref_squeeze %dma_wait3A_250 : memref<1x125xi32, #tpu.memory_space<hbm>> -> memref<125xi32, #tpu.memory_space<hbm>>
    tpu.wait_dma2 semaphore(%arg14 : memref<!tpu.dma_semaphore, #tpu.memory_space<semaphore_mem>>) src(%dma_wait3A_251 : memref<125xi32, #tpu.memory_space<hbm>>) dst(%dma_wait3A_244 : memref<125xi32, #tpu.memory_space<vmem>>)
    %dma_wait3A_252 = arith.constant 0 : i32
    %dma_wait3A_253 = arith.constant 0 : i32
    %dma_wait3A_254 = arith.constant 0 : i32
    %dma_wait3A_255 = tpu.memref_slice %arg8[%dma_wait3A_253, %dma_wait3A_254] : memref<4x125xi32, #tpu.memory_space<vmem>> -> memref<1x125xi32, #tpu.memory_space<vmem>>
    %dma_wait3A_256 = tpu.memref_squeeze %dma_wait3A_255 : memref<1x125xi32, #tpu.memory_space<vmem>> -> memref<125xi32, #tpu.memory_space<vmem>>
    %dma_wait3A_257 = arith.constant 0 : i32
    %dma_wait3A_258 = arith.constant 0 : i32
    %dma_wait3A_259 = tpu.memref_slice %arg4[%add3A, %dma_wait3A_257, %dma_wait3A_258] : memref<32x80x125xi32, #tpu.memory_space<hbm>> -> memref<1x80x125xi32, #tpu.memory_space<hbm>>
    %dma_wait3A_260 = tpu.memref_squeeze %dma_wait3A_259 : memref<1x80x125xi32, #tpu.memory_space<hbm>> -> memref<80x125xi32, #tpu.memory_space<hbm>>
    %dma_wait3A_261 = arith.constant 0 : i32
    %dma_wait3A_262 = tpu.memref_slice %dma_wait3A_260[%dma_wait3A_252, %dma_wait3A_261] : memref<80x125xi32, #tpu.memory_space<hbm>> -> memref<1x125xi32, #tpu.memory_space<hbm>>
    %dma_wait3A_263 = tpu.memref_squeeze %dma_wait3A_262 : memref<1x125xi32, #tpu.memory_space<hbm>> -> memref<125xi32, #tpu.memory_space<hbm>>
    %dma_wait3A_264 = arith.constant 0 : i32
    %dma_wait3A_265 = tpu.memref_slice %arg8[%dma_wait3A_253, %dma_wait3A_264] : memref<4x125xi32, #tpu.memory_space<vmem>> -> memref<1x125xi32, #tpu.memory_space<vmem>>
    %dma_wait3A_266 = tpu.memref_squeeze %dma_wait3A_265 : memref<1x125xi32, #tpu.memory_space<vmem>> -> memref<125xi32, #tpu.memory_space<vmem>>
    %dma_wait3A_267 = arith.constant 0 : i32
    %dma_wait3A_268 = arith.constant 0 : i32
    %dma_wait3A_269 = tpu.memref_slice %arg4[%add3A, %dma_wait3A_267, %dma_wait3A_268] : memref<32x80x125xi32, #tpu.memory_space<hbm>> -> memref<1x80x125xi32, #tpu.memory_space<hbm>>
    %dma_wait3A_270 = tpu.memref_squeeze %dma_wait3A_269 : memref<1x80x125xi32, #tpu.memory_space<hbm>> -> memref<80x125xi32, #tpu.memory_space<hbm>>
    %dma_wait3A_271 = arith.constant 0 : i32
    %dma_wait3A_272 = tpu.memref_slice %dma_wait3A_270[%dma_wait3A_252, %dma_wait3A_271] : memref<80x125xi32, #tpu.memory_space<hbm>> -> memref<1x125xi32, #tpu.memory_space<hbm>>
    %dma_wait3A_273 = tpu.memref_squeeze %dma_wait3A_272 : memref<1x125xi32, #tpu.memory_space<hbm>> -> memref<125xi32, #tpu.memory_space<hbm>>
    tpu.wait_dma2 semaphore(%arg14 : memref<!tpu.dma_semaphore, #tpu.memory_space<semaphore_mem>>) src(%dma_wait3A_273 : memref<125xi32, #tpu.memory_space<hbm>>) dst(%dma_wait3A_266 : memref<125xi32, #tpu.memory_space<vmem>>)
    %dma_start3A_274 = arith.constant 1 : i32
    %dma_start3A_275 = arith.constant 0 : i32
    %dma_start3A_276 = tpu.memref_slice %arg7[%dma_start3A_274, %dma_start3A_275] : memref<4x125xi32, #tpu.memory_space<vmem>> -> memref<1x125xi32, #tpu.memory_space<vmem>>
    %dma_start3A_277 = tpu.memref_squeeze %dma_start3A_276 : memref<1x125xi32, #tpu.memory_space<vmem>> -> memref<125xi32, #tpu.memory_space<vmem>>
    %dma_start3A_278 = arith.constant 0 : i32
    %dma_start3A_279 = arith.constant 0 : i32
    %dma_start3A_280 = tpu.memref_slice %arg2[%dma_start3A_278, %dma_start3A_279] : memref<10000x128xf32, #tpu.memory_space<hbm>> -> memref<10000x128xf32, #tpu.memory_space<hbm>>
    tpu.enqueue_indirect_dma source(%dma_start3A_280 : memref<10000x128xf32, #tpu.memory_space<hbm>>) target(%arg10 : memref<125x128xf32, #tpu.memory_space<vmem>>) offsets(%dma_start3A_277 : memref<125xi32, #tpu.memory_space<vmem>>) semaphore(%arg12 : memref<!tpu.dma_semaphore, #tpu.memory_space<semaphore_mem>>)
    %barrier3A = arith.constant 0 : index
    tpu.barrier barrier_id(%barrier3A)
    %scan3A = arith.constant 0 : i32
    %scan3A_281 = arith.constant 0 : i32
    %scan3A_282 = arith.constant 40 : i32
    %scan3A_283 = arith.addi %scan3A_281, %scan3A_282 : i32
    %scan3A_284 = arith.constant 1 : i32
    scf.for %scan3A_294 = %scan3A_281 to %scan3A_283 step %scan3A_284  : i32 {
      %mul3A_295 = arith.constant 2 : i32
      %mul3A_296 = arith.muli %scan3A_294, %mul3A_295 : i32
      %add3A_297 = arith.constant 0 : i32
      %add3A_298 = arith.addi %mul3A_296, %add3A_297 : i32
      %dma_wait3A_299 = arith.constant 0 : i32
      %dma_wait3A_300 = arith.constant 0 : i32
      %dma_wait3A_301 = tpu.memref_slice %arg7[%dma_wait3A_299, %dma_wait3A_300] : memref<4x125xi32, #tpu.memory_space<vmem>> -> memref<1x125xi32, #tpu.memory_space<vmem>>
      %dma_wait3A_302 = tpu.memref_squeeze %dma_wait3A_301 : memref<1x125xi32, #tpu.memory_space<vmem>> -> memref<125xi32, #tpu.memory_space<vmem>>
      %dma_wait3A_303 = arith.constant 0 : i32
      %dma_wait3A_304 = arith.constant 0 : i32
      %dma_wait3A_305 = tpu.memref_slice %arg2[%dma_wait3A_303, %dma_wait3A_304] : memref<10000x128xf32, #tpu.memory_space<hbm>> -> memref<10000x128xf32, #tpu.memory_space<hbm>>
      tpu.wait_indirect_dma semaphore(%arg12 : memref<!tpu.dma_semaphore, #tpu.memory_space<semaphore_mem>>) src(%dma_wait3A_305 : memref<10000x128xf32, #tpu.memory_space<hbm>>) dst(%arg9 : memref<125x128xf32, #tpu.memory_space<vmem>>)
      %jit3A = arith.constant 4 : i32
      %eq3A_306 = arith.constant 0 : i32
      %eq3A_307 = arith.cmpi eq, %jit3A, %eq3A_306 : i32
      %jit3A_308 = arith.constant 1 : i32
      %select_n3A = arith.select %eq3A_307, %jit3A_308, %jit3A : i32
      %rem3A = arith.remsi %add3A_298, %select_n3A : i32
      %ne3A = arith.constant 0 : i32
      %ne3A_309 = arith.cmpi ne, %rem3A, %ne3A : i32
      %lt3A = arith.constant 0 : i32
      %lt3A_310 = arith.cmpi slt, %rem3A, %lt3A : i32
      %lt3A_311 = arith.constant 0 : i32
      %lt3A_312 = arith.cmpi slt, %select_n3A, %lt3A_311 : i32
      %ne3A_313 = arith.xori %lt3A_310, %lt3A_312 : i1
      %and3A = arith.andi %ne3A_313, %ne3A_309 : i1
      %add3A_314 = arith.addi %rem3A, %select_n3A : i32
      %select_n3A_315 = arith.select %and3A, %add3A_314, %rem3A : i32
      %dma_start3A_316 = arith.constant 0 : i32
      %dma_start3A_317 = tpu.memref_slice %arg8[%select_n3A_315, %dma_start3A_316] : memref<4x125xi32, #tpu.memory_space<vmem>> -> memref<1x125xi32, #tpu.memory_space<vmem>>
      %dma_start3A_318 = tpu.memref_squeeze %dma_start3A_317 : memref<1x125xi32, #tpu.memory_space<vmem>> -> memref<125xi32, #tpu.memory_space<vmem>>
      %dma_start3A_319 = arith.constant 0 : i32
      %dma_start3A_320 = arith.constant 0 : i32
      %dma_start3A_321 = tpu.memref_slice %arg11[%dma_start3A_319, %dma_start3A_320] : memref<10000x128xf32, #tpu.memory_space<vmem_shared>> -> memref<10000x128xf32, #tpu.memory_space<vmem_shared>>
      tpu.enqueue_indirect_dma source(%arg9 : memref<125x128xf32, #tpu.memory_space<vmem>>) target(%dma_start3A_321 : memref<10000x128xf32, #tpu.memory_space<vmem_shared>>) offsets(%dma_start3A_318 : memref<125xi32, #tpu.memory_space<vmem>>) semaphore(%arg13 : memref<!tpu.dma_semaphore, #tpu.memory_space<semaphore_mem>>) {add = true}
      %add3A_322 = arith.constant 1 : i32
      %add3A_323 = arith.addi %mul3A_296, %add3A_322 : i32
      %dma_wait3A_324 = arith.constant 0 : i32
      %dma_wait3A_325 = arith.constant 0 : i32
      %dma_wait3A_326 = tpu.memref_slice %arg7[%dma_wait3A_324, %dma_wait3A_325] : memref<4x125xi32, #tpu.memory_space<vmem>> -> memref<1x125xi32, #tpu.memory_space<vmem>>
      %dma_wait3A_327 = tpu.memref_squeeze %dma_wait3A_326 : memref<1x125xi32, #tpu.memory_space<vmem>> -> memref<125xi32, #tpu.memory_space<vmem>>
      %dma_wait3A_328 = arith.constant 0 : i32
      %dma_wait3A_329 = arith.constant 0 : i32
      %dma_wait3A_330 = tpu.memref_slice %arg2[%dma_wait3A_328, %dma_wait3A_329] : memref<10000x128xf32, #tpu.memory_space<hbm>> -> memref<10000x128xf32, #tpu.memory_space<hbm>>
      tpu.wait_indirect_dma semaphore(%arg12 : memref<!tpu.dma_semaphore, #tpu.memory_space<semaphore_mem>>) src(%dma_wait3A_330 : memref<10000x128xf32, #tpu.memory_space<hbm>>) dst(%arg10 : memref<125x128xf32, #tpu.memory_space<vmem>>)
      %jit3A_331 = arith.constant 4 : i32
      %eq3A_332 = arith.constant 0 : i32
      %eq3A_333 = arith.cmpi eq, %jit3A_331, %eq3A_332 : i32
      %jit3A_334 = arith.constant 1 : i32
      %select_n3A_335 = arith.select %eq3A_333, %jit3A_334, %jit3A_331 : i32
      %rem3A_336 = arith.remsi %add3A_323, %select_n3A_335 : i32
      %ne3A_337 = arith.constant 0 : i32
      %ne3A_338 = arith.cmpi ne, %rem3A_336, %ne3A_337 : i32
      %lt3A_339 = arith.constant 0 : i32
      %lt3A_340 = arith.cmpi slt, %rem3A_336, %lt3A_339 : i32
      %lt3A_341 = arith.constant 0 : i32
      %lt3A_342 = arith.cmpi slt, %select_n3A_335, %lt3A_341 : i32
      %ne3A_343 = arith.xori %lt3A_340, %lt3A_342 : i1
      %and3A_344 = arith.andi %ne3A_343, %ne3A_338 : i1
      %add3A_345 = arith.addi %rem3A_336, %select_n3A_335 : i32
      %select_n3A_346 = arith.select %and3A_344, %add3A_345, %rem3A_336 : i32
      %dma_start3A_347 = arith.constant 0 : i32
      %dma_start3A_348 = tpu.memref_slice %arg8[%select_n3A_346, %dma_start3A_347] : memref<4x125xi32, #tpu.memory_space<vmem>> -> memref<1x125xi32, #tpu.memory_space<vmem>>
      %dma_start3A_349 = tpu.memref_squeeze %dma_start3A_348 : memref<1x125xi32, #tpu.memory_space<vmem>> -> memref<125xi32, #tpu.memory_space<vmem>>
      %dma_start3A_350 = arith.constant 0 : i32
      %dma_start3A_351 = arith.constant 0 : i32
      %dma_start3A_352 = tpu.memref_slice %arg11[%dma_start3A_350, %dma_start3A_351] : memref<10000x128xf32, #tpu.memory_space<vmem_shared>> -> memref<10000x128xf32, #tpu.memory_space<vmem_shared>>
      tpu.enqueue_indirect_dma source(%arg10 : memref<125x128xf32, #tpu.memory_space<vmem>>) target(%dma_start3A_352 : memref<10000x128xf32, #tpu.memory_space<vmem_shared>>) offsets(%dma_start3A_349 : memref<125xi32, #tpu.memory_space<vmem>>) semaphore(%arg13 : memref<!tpu.dma_semaphore, #tpu.memory_space<semaphore_mem>>) {add = true}
      %add3A_353 = arith.constant 0 : i32
      %add3A_354 = arith.addi %mul3A_296, %add3A_353 : i32
      %dma_wait3A_355 = arith.constant 0 : i32
      %dma_wait3A_356 = arith.constant 0 : i32
      %dma_wait3A_357 = tpu.memref_slice %arg8[%dma_wait3A_355, %dma_wait3A_356] : memref<4x125xi32, #tpu.memory_space<vmem>> -> memref<1x125xi32, #tpu.memory_space<vmem>>
      %dma_wait3A_358 = tpu.memref_squeeze %dma_wait3A_357 : memref<1x125xi32, #tpu.memory_space<vmem>> -> memref<125xi32, #tpu.memory_space<vmem>>
      %dma_wait3A_359 = arith.constant 0 : i32
      %dma_wait3A_360 = arith.constant 0 : i32
      %dma_wait3A_361 = tpu.memref_slice %arg11[%dma_wait3A_359, %dma_wait3A_360] : memref<10000x128xf32, #tpu.memory_space<vmem_shared>> -> memref<10000x128xf32, #tpu.memory_space<vmem_shared>>
      tpu.wait_indirect_dma semaphore(%arg13 : memref<!tpu.dma_semaphore, #tpu.memory_space<semaphore_mem>>) src(%arg9 : memref<125x128xf32, #tpu.memory_space<vmem>>) dst(%dma_wait3A_361 : memref<10000x128xf32, #tpu.memory_space<vmem_shared>>)
      %add3A_362 = arith.constant 4 : i32
      %add3A_363 = arith.addi %mul3A_296, %add3A_362 : i32
      %add3A_364 = arith.constant 0 : i32
      %add3A_365 = arith.addi %add3A_363, %add3A_364 : i32
      %lt3A_366 = arith.constant 80 : i32
      %lt3A_367 = arith.cmpi slt, %add3A_365, %lt3A_366 : i32
      %convert_element_type3A_368 = arith.extui %lt3A_367 : i1 to i32
      %cond3A_369 = arith.constant 0 : i32
      %cond3A_370 = arith.cmpi ne, %convert_element_type3A_368, %cond3A_369 : i32
      scf.if %cond3A_370 {
        %jit3A_407 = arith.constant 4 : i32
        %eq3A_408 = arith.constant 0 : i32
        %eq3A_409 = arith.cmpi eq, %jit3A_407, %eq3A_408 : i32
        %jit3A_410 = arith.constant 1 : i32
        %select_n3A_411 = arith.select %eq3A_409, %jit3A_410, %jit3A_407 : i32
        %rem3A_412 = arith.remsi %add3A_354, %select_n3A_411 : i32
        %ne3A_413 = arith.constant 0 : i32
        %ne3A_414 = arith.cmpi ne, %rem3A_412, %ne3A_413 : i32
        %lt3A_415 = arith.constant 0 : i32
        %lt3A_416 = arith.cmpi slt, %rem3A_412, %lt3A_415 : i32
        %lt3A_417 = arith.constant 0 : i32
        %lt3A_418 = arith.cmpi slt, %select_n3A_411, %lt3A_417 : i32
        %ne3A_419 = arith.xori %lt3A_416, %lt3A_418 : i1
        %and3A_420 = arith.andi %ne3A_419, %ne3A_414 : i1
        %add3A_421 = arith.addi %rem3A_412, %select_n3A_411 : i32
        %select_n3A_422 = arith.select %and3A_420, %add3A_421, %rem3A_412 : i32
        %dma_start3A_423 = arith.constant 0 : i32
        %dma_start3A_424 = tpu.memref_slice %arg7[%select_n3A_422, %dma_start3A_423] : memref<4x125xi32, #tpu.memory_space<vmem>> -> memref<1x125xi32, #tpu.memory_space<vmem>>
        %dma_start3A_425 = tpu.memref_squeeze %dma_start3A_424 : memref<1x125xi32, #tpu.memory_space<vmem>> -> memref<125xi32, #tpu.memory_space<vmem>>
        %dma_start3A_426 = arith.constant 0 : i32
        %dma_start3A_427 = arith.constant 0 : i32
        %dma_start3A_428 = tpu.memref_slice %arg3[%add3A, %dma_start3A_426, %dma_start3A_427] : memref<32x80x125xi32, #tpu.memory_space<hbm>> -> memref<1x80x125xi32, #tpu.memory_space<hbm>>
        %dma_start3A_429 = tpu.memref_squeeze %dma_start3A_428 : memref<1x80x125xi32, #tpu.memory_space<hbm>> -> memref<80x125xi32, #tpu.memory_space<hbm>>
        %dma_start3A_430 = arith.constant 0 : i32
        %dma_start3A_431 = tpu.memref_slice %dma_start3A_429[%add3A_365, %dma_start3A_430] : memref<80x125xi32, #tpu.memory_space<hbm>> -> memref<1x125xi32, #tpu.memory_space<hbm>>
        %dma_start3A_432 = tpu.memref_squeeze %dma_start3A_431 : memref<1x125xi32, #tpu.memory_space<hbm>> -> memref<125xi32, #tpu.memory_space<hbm>>
        %dma_start3A_433 = arith.constant 0 : i32
        %dma_start3A_434 = tpu.memref_slice %arg7[%select_n3A_422, %dma_start3A_433] : memref<4x125xi32, #tpu.memory_space<vmem>> -> memref<1x125xi32, #tpu.memory_space<vmem>>
        %dma_start3A_435 = tpu.memref_squeeze %dma_start3A_434 : memref<1x125xi32, #tpu.memory_space<vmem>> -> memref<125xi32, #tpu.memory_space<vmem>>
        %dma_start3A_436 = arith.constant 0 : i32
        %dma_start3A_437 = arith.constant 0 : i32
        %dma_start3A_438 = tpu.memref_slice %arg3[%add3A, %dma_start3A_436, %dma_start3A_437] : memref<32x80x125xi32, #tpu.memory_space<hbm>> -> memref<1x80x125xi32, #tpu.memory_space<hbm>>
        %dma_start3A_439 = tpu.memref_squeeze %dma_start3A_438 : memref<1x80x125xi32, #tpu.memory_space<hbm>> -> memref<80x125xi32, #tpu.memory_space<hbm>>
        %dma_start3A_440 = arith.constant 0 : i32
        %dma_start3A_441 = tpu.memref_slice %dma_start3A_439[%add3A_365, %dma_start3A_440] : memref<80x125xi32, #tpu.memory_space<hbm>> -> memref<1x125xi32, #tpu.memory_space<hbm>>
        %dma_start3A_442 = tpu.memref_squeeze %dma_start3A_441 : memref<1x125xi32, #tpu.memory_space<hbm>> -> memref<125xi32, #tpu.memory_space<hbm>>
        tpu.enqueue_dma source(%dma_start3A_442 : memref<125xi32, #tpu.memory_space<hbm>>) target(%dma_start3A_435 : memref<125xi32, #tpu.memory_space<vmem>>) target_semaphore(%arg14 : memref<!tpu.dma_semaphore, #tpu.memory_space<semaphore_mem>>)
        %dma_start3A_443 = arith.constant 0 : i32
        %dma_start3A_444 = tpu.memref_slice %arg8[%select_n3A_422, %dma_start3A_443] : memref<4x125xi32, #tpu.memory_space<vmem>> -> memref<1x125xi32, #tpu.memory_space<vmem>>
        %dma_start3A_445 = tpu.memref_squeeze %dma_start3A_444 : memref<1x125xi32, #tpu.memory_space<vmem>> -> memref<125xi32, #tpu.memory_space<vmem>>
        %dma_start3A_446 = arith.constant 0 : i32
        %dma_start3A_447 = arith.constant 0 : i32
        %dma_start3A_448 = tpu.memref_slice %arg4[%add3A, %dma_start3A_446, %dma_start3A_447] : memref<32x80x125xi32, #tpu.memory_space<hbm>> -> memref<1x80x125xi32, #tpu.memory_space<hbm>>
        %dma_start3A_449 = tpu.memref_squeeze %dma_start3A_448 : memref<1x80x125xi32, #tpu.memory_space<hbm>> -> memref<80x125xi32, #tpu.memory_space<hbm>>
        %dma_start3A_450 = arith.constant 0 : i32
        %dma_start3A_451 = tpu.memref_slice %dma_start3A_449[%add3A_365, %dma_start3A_450] : memref<80x125xi32, #tpu.memory_space<hbm>> -> memref<1x125xi32, #tpu.memory_space<hbm>>
        %dma_start3A_452 = tpu.memref_squeeze %dma_start3A_451 : memref<1x125xi32, #tpu.memory_space<hbm>> -> memref<125xi32, #tpu.memory_space<hbm>>
        %dma_start3A_453 = arith.constant 0 : i32
        %dma_start3A_454 = tpu.memref_slice %arg8[%select_n3A_422, %dma_start3A_453] : memref<4x125xi32, #tpu.memory_space<vmem>> -> memref<1x125xi32, #tpu.memory_space<vmem>>
        %dma_start3A_455 = tpu.memref_squeeze %dma_start3A_454 : memref<1x125xi32, #tpu.memory_space<vmem>> -> memref<125xi32, #tpu.memory_space<vmem>>
        %dma_start3A_456 = arith.constant 0 : i32
        %dma_start3A_457 = arith.constant 0 : i32
        %dma_start3A_458 = tpu.memref_slice %arg4[%add3A, %dma_start3A_456, %dma_start3A_457] : memref<32x80x125xi32, #tpu.memory_space<hbm>> -> memref<1x80x125xi32, #tpu.memory_space<hbm>>
        %dma_start3A_459 = tpu.memref_squeeze %dma_start3A_458 : memref<1x80x125xi32, #tpu.memory_space<hbm>> -> memref<80x125xi32, #tpu.memory_space<hbm>>
        %dma_start3A_460 = arith.constant 0 : i32
        %dma_start3A_461 = tpu.memref_slice %dma_start3A_459[%add3A_365, %dma_start3A_460] : memref<80x125xi32, #tpu.memory_space<hbm>> -> memref<1x125xi32, #tpu.memory_space<hbm>>
        %dma_start3A_462 = tpu.memref_squeeze %dma_start3A_461 : memref<1x125xi32, #tpu.memory_space<hbm>> -> memref<125xi32, #tpu.memory_space<hbm>>
        tpu.enqueue_dma source(%dma_start3A_462 : memref<125xi32, #tpu.memory_space<hbm>>) target(%dma_start3A_455 : memref<125xi32, #tpu.memory_space<vmem>>) target_semaphore(%arg14 : memref<!tpu.dma_semaphore, #tpu.memory_space<semaphore_mem>>)
      } else {
      }
      %add3A_371 = arith.constant 2 : i32
      %add3A_372 = arith.addi %mul3A_296, %add3A_371 : i32
      %add3A_373 = arith.constant 0 : i32
      %add3A_374 = arith.addi %add3A_372, %add3A_373 : i32
      %lt3A_375 = arith.constant 80 : i32
      %lt3A_376 = arith.cmpi slt, %add3A_374, %lt3A_375 : i32
      %convert_element_type3A_377 = arith.extui %lt3A_376 : i1 to i32
      %cond3A_378 = arith.constant 0 : i32
      %cond3A_379 = arith.cmpi ne, %convert_element_type3A_377, %cond3A_378 : i32
      scf.if %cond3A_379 {
        %dma_wait3A_407 = arith.constant 0 : i32
        %dma_wait3A_408 = arith.constant 0 : i32
        %dma_wait3A_409 = arith.constant 0 : i32
        %dma_wait3A_410 = tpu.memref_slice %arg7[%dma_wait3A_408, %dma_wait3A_409] : memref<4x125xi32, #tpu.memory_space<vmem>> -> memref<1x125xi32, #tpu.memory_space<vmem>>
        %dma_wait3A_411 = tpu.memref_squeeze %dma_wait3A_410 : memref<1x125xi32, #tpu.memory_space<vmem>> -> memref<125xi32, #tpu.memory_space<vmem>>
        %dma_wait3A_412 = arith.constant 0 : i32
        %dma_wait3A_413 = arith.constant 0 : i32
        %dma_wait3A_414 = tpu.memref_slice %arg3[%add3A, %dma_wait3A_412, %dma_wait3A_413] : memref<32x80x125xi32, #tpu.memory_space<hbm>> -> memref<1x80x125xi32, #tpu.memory_space<hbm>>
        %dma_wait3A_415 = tpu.memref_squeeze %dma_wait3A_414 : memref<1x80x125xi32, #tpu.memory_space<hbm>> -> memref<80x125xi32, #tpu.memory_space<hbm>>
        %dma_wait3A_416 = arith.constant 0 : i32
        %dma_wait3A_417 = tpu.memref_slice %dma_wait3A_415[%dma_wait3A_407, %dma_wait3A_416] : memref<80x125xi32, #tpu.memory_space<hbm>> -> memref<1x125xi32, #tpu.memory_space<hbm>>
        %dma_wait3A_418 = tpu.memref_squeeze %dma_wait3A_417 : memref<1x125xi32, #tpu.memory_space<hbm>> -> memref<125xi32, #tpu.memory_space<hbm>>
        %dma_wait3A_419 = arith.constant 0 : i32
        %dma_wait3A_420 = tpu.memref_slice %arg7[%dma_wait3A_408, %dma_wait3A_419] : memref<4x125xi32, #tpu.memory_space<vmem>> -> memref<1x125xi32, #tpu.memory_space<vmem>>
        %dma_wait3A_421 = tpu.memref_squeeze %dma_wait3A_420 : memref<1x125xi32, #tpu.memory_space<vmem>> -> memref<125xi32, #tpu.memory_space<vmem>>
        %dma_wait3A_422 = arith.constant 0 : i32
        %dma_wait3A_423 = arith.constant 0 : i32
        %dma_wait3A_424 = tpu.memref_slice %arg3[%add3A, %dma_wait3A_422, %dma_wait3A_423] : memref<32x80x125xi32, #tpu.memory_space<hbm>> -> memref<1x80x125xi32, #tpu.memory_space<hbm>>
        %dma_wait3A_425 = tpu.memref_squeeze %dma_wait3A_424 : memref<1x80x125xi32, #tpu.memory_space<hbm>> -> memref<80x125xi32, #tpu.memory_space<hbm>>
        %dma_wait3A_426 = arith.constant 0 : i32
        %dma_wait3A_427 = tpu.memref_slice %dma_wait3A_425[%dma_wait3A_407, %dma_wait3A_426] : memref<80x125xi32, #tpu.memory_space<hbm>> -> memref<1x125xi32, #tpu.memory_space<hbm>>
        %dma_wait3A_428 = tpu.memref_squeeze %dma_wait3A_427 : memref<1x125xi32, #tpu.memory_space<hbm>> -> memref<125xi32, #tpu.memory_space<hbm>>
        tpu.wait_dma2 semaphore(%arg14 : memref<!tpu.dma_semaphore, #tpu.memory_space<semaphore_mem>>) src(%dma_wait3A_428 : memref<125xi32, #tpu.memory_space<hbm>>) dst(%dma_wait3A_421 : memref<125xi32, #tpu.memory_space<vmem>>)
        %dma_wait3A_429 = arith.constant 0 : i32
        %dma_wait3A_430 = arith.constant 0 : i32
        %dma_wait3A_431 = arith.constant 0 : i32
        %dma_wait3A_432 = tpu.memref_slice %arg8[%dma_wait3A_430, %dma_wait3A_431] : memref<4x125xi32, #tpu.memory_space<vmem>> -> memref<1x125xi32, #tpu.memory_space<vmem>>
        %dma_wait3A_433 = tpu.memref_squeeze %dma_wait3A_432 : memref<1x125xi32, #tpu.memory_space<vmem>> -> memref<125xi32, #tpu.memory_space<vmem>>
        %dma_wait3A_434 = arith.constant 0 : i32
        %dma_wait3A_435 = arith.constant 0 : i32
        %dma_wait3A_436 = tpu.memref_slice %arg4[%add3A, %dma_wait3A_434, %dma_wait3A_435] : memref<32x80x125xi32, #tpu.memory_space<hbm>> -> memref<1x80x125xi32, #tpu.memory_space<hbm>>
        %dma_wait3A_437 = tpu.memref_squeeze %dma_wait3A_436 : memref<1x80x125xi32, #tpu.memory_space<hbm>> -> memref<80x125xi32, #tpu.memory_space<hbm>>
        %dma_wait3A_438 = arith.constant 0 : i32
        %dma_wait3A_439 = tpu.memref_slice %dma_wait3A_437[%dma_wait3A_429, %dma_wait3A_438] : memref<80x125xi32, #tpu.memory_space<hbm>> -> memref<1x125xi32, #tpu.memory_space<hbm>>
        %dma_wait3A_440 = tpu.memref_squeeze %dma_wait3A_439 : memref<1x125xi32, #tpu.memory_space<hbm>> -> memref<125xi32, #tpu.memory_space<hbm>>
        %dma_wait3A_441 = arith.constant 0 : i32
        %dma_wait3A_442 = tpu.memref_slice %arg8[%dma_wait3A_430, %dma_wait3A_441] : memref<4x125xi32, #tpu.memory_space<vmem>> -> memref<1x125xi32, #tpu.memory_space<vmem>>
        %dma_wait3A_443 = tpu.memref_squeeze %dma_wait3A_442 : memref<1x125xi32, #tpu.memory_space<vmem>> -> memref<125xi32, #tpu.memory_space<vmem>>
        %dma_wait3A_444 = arith.constant 0 : i32
        %dma_wait3A_445 = arith.constant 0 : i32
        %dma_wait3A_446 = tpu.memref_slice %arg4[%add3A, %dma_wait3A_444, %dma_wait3A_445] : memref<32x80x125xi32, #tpu.memory_space<hbm>> -> memref<1x80x125xi32, #tpu.memory_space<hbm>>
        %dma_wait3A_447 = tpu.memref_squeeze %dma_wait3A_446 : memref<1x80x125xi32, #tpu.memory_space<hbm>> -> memref<80x125xi32, #tpu.memory_space<hbm>>
        %dma_wait3A_448 = arith.constant 0 : i32
        %dma_wait3A_449 = tpu.memref_slice %dma_wait3A_447[%dma_wait3A_429, %dma_wait3A_448] : memref<80x125xi32, #tpu.memory_space<hbm>> -> memref<1x125xi32, #tpu.memory_space<hbm>>
        %dma_wait3A_450 = tpu.memref_squeeze %dma_wait3A_449 : memref<1x125xi32, #tpu.memory_space<hbm>> -> memref<125xi32, #tpu.memory_space<hbm>>
        tpu.wait_dma2 semaphore(%arg14 : memref<!tpu.dma_semaphore, #tpu.memory_space<semaphore_mem>>) src(%dma_wait3A_450 : memref<125xi32, #tpu.memory_space<hbm>>) dst(%dma_wait3A_443 : memref<125xi32, #tpu.memory_space<vmem>>)
        %jit3A_451 = arith.constant 4 : i32
        %eq3A_452 = arith.constant 0 : i32
        %eq3A_453 = arith.cmpi eq, %jit3A_451, %eq3A_452 : i32
        %jit3A_454 = arith.constant 1 : i32
        %select_n3A_455 = arith.select %eq3A_453, %jit3A_454, %jit3A_451 : i32
        %rem3A_456 = arith.remsi %add3A_374, %select_n3A_455 : i32
        %ne3A_457 = arith.constant 0 : i32
        %ne3A_458 = arith.cmpi ne, %rem3A_456, %ne3A_457 : i32
        %lt3A_459 = arith.constant 0 : i32
        %lt3A_460 = arith.cmpi slt, %rem3A_456, %lt3A_459 : i32
        %lt3A_461 = arith.constant 0 : i32
        %lt3A_462 = arith.cmpi slt, %select_n3A_455, %lt3A_461 : i32
        %ne3A_463 = arith.xori %lt3A_460, %lt3A_462 : i1
        %and3A_464 = arith.andi %ne3A_463, %ne3A_458 : i1
        %add3A_465 = arith.addi %rem3A_456, %select_n3A_455 : i32
        %select_n3A_466 = arith.select %and3A_464, %add3A_465, %rem3A_456 : i32
        %dma_start3A_467 = arith.constant 0 : i32
        %dma_start3A_468 = tpu.memref_slice %arg7[%select_n3A_466, %dma_start3A_467] : memref<4x125xi32, #tpu.memory_space<vmem>> -> memref<1x125xi32, #tpu.memory_space<vmem>>
        %dma_start3A_469 = tpu.memref_squeeze %dma_start3A_468 : memref<1x125xi32, #tpu.memory_space<vmem>> -> memref<125xi32, #tpu.memory_space<vmem>>
        %dma_start3A_470 = arith.constant 0 : i32
        %dma_start3A_471 = arith.constant 0 : i32
        %dma_start3A_472 = tpu.memref_slice %arg2[%dma_start3A_470, %dma_start3A_471] : memref<10000x128xf32, #tpu.memory_space<hbm>> -> memref<10000x128xf32, #tpu.memory_space<hbm>>
        tpu.enqueue_indirect_dma source(%dma_start3A_472 : memref<10000x128xf32, #tpu.memory_space<hbm>>) target(%arg9 : memref<125x128xf32, #tpu.memory_space<vmem>>) offsets(%dma_start3A_469 : memref<125xi32, #tpu.memory_space<vmem>>) semaphore(%arg12 : memref<!tpu.dma_semaphore, #tpu.memory_space<semaphore_mem>>)
      } else {
      }
      %add3A_380 = arith.constant 1 : i32
      %add3A_381 = arith.addi %mul3A_296, %add3A_380 : i32
      %dma_wait3A_382 = arith.constant 0 : i32
      %dma_wait3A_383 = arith.constant 0 : i32
      %dma_wait3A_384 = tpu.memref_slice %arg8[%dma_wait3A_382, %dma_wait3A_383] : memref<4x125xi32, #tpu.memory_space<vmem>> -> memref<1x125xi32, #tpu.memory_space<vmem>>
      %dma_wait3A_385 = tpu.memref_squeeze %dma_wait3A_384 : memref<1x125xi32, #tpu.memory_space<vmem>> -> memref<125xi32, #tpu.memory_space<vmem>>
      %dma_wait3A_386 = arith.constant 0 : i32
      %dma_wait3A_387 = arith.constant 0 : i32
      %dma_wait3A_388 = tpu.memref_slice %arg11[%dma_wait3A_386, %dma_wait3A_387] : memref<10000x128xf32, #tpu.memory_space<vmem_shared>> -> memref<10000x128xf32, #tpu.memory_space<vmem_shared>>
      tpu.wait_indirect_dma semaphore(%arg13 : memref<!tpu.dma_semaphore, #tpu.memory_space<semaphore_mem>>) src(%arg10 : memref<125x128xf32, #tpu.memory_space<vmem>>) dst(%dma_wait3A_388 : memref<10000x128xf32, #tpu.memory_space<vmem_shared>>)
      %add3A_389 = arith.constant 4 : i32
      %add3A_390 = arith.addi %mul3A_296, %add3A_389 : i32
      %add3A_391 = arith.constant 1 : i32
      %add3A_392 = arith.addi %add3A_390, %add3A_391 : i32
      %lt3A_393 = arith.constant 80 : i32
      %lt3A_394 = arith.cmpi slt, %add3A_392, %lt3A_393 : i32
      %convert_element_type3A_395 = arith.extui %lt3A_394 : i1 to i32
      %cond3A_396 = arith.constant 0 : i32
      %cond3A_397 = arith.cmpi ne, %convert_element_type3A_395, %cond3A_396 : i32
      scf.if %cond3A_397 {
        %jit3A_407 = arith.constant 4 : i32
        %eq3A_408 = arith.constant 0 : i32
        %eq3A_409 = arith.cmpi eq, %jit3A_407, %eq3A_408 : i32
        %jit3A_410 = arith.constant 1 : i32
        %select_n3A_411 = arith.select %eq3A_409, %jit3A_410, %jit3A_407 : i32
        %rem3A_412 = arith.remsi %add3A_381, %select_n3A_411 : i32
        %ne3A_413 = arith.constant 0 : i32
        %ne3A_414 = arith.cmpi ne, %rem3A_412, %ne3A_413 : i32
        %lt3A_415 = arith.constant 0 : i32
        %lt3A_416 = arith.cmpi slt, %rem3A_412, %lt3A_415 : i32
        %lt3A_417 = arith.constant 0 : i32
        %lt3A_418 = arith.cmpi slt, %select_n3A_411, %lt3A_417 : i32
        %ne3A_419 = arith.xori %lt3A_416, %lt3A_418 : i1
        %and3A_420 = arith.andi %ne3A_419, %ne3A_414 : i1
        %add3A_421 = arith.addi %rem3A_412, %select_n3A_411 : i32
        %select_n3A_422 = arith.select %and3A_420, %add3A_421, %rem3A_412 : i32
        %dma_start3A_423 = arith.constant 0 : i32
        %dma_start3A_424 = tpu.memref_slice %arg7[%select_n3A_422, %dma_start3A_423] : memref<4x125xi32, #tpu.memory_space<vmem>> -> memref<1x125xi32, #tpu.memory_space<vmem>>
        %dma_start3A_425 = tpu.memref_squeeze %dma_start3A_424 : memref<1x125xi32, #tpu.memory_space<vmem>> -> memref<125xi32, #tpu.memory_space<vmem>>
        %dma_start3A_426 = arith.constant 0 : i32
        %dma_start3A_427 = arith.constant 0 : i32
        %dma_start3A_428 = tpu.memref_slice %arg3[%add3A, %dma_start3A_426, %dma_start3A_427] : memref<32x80x125xi32, #tpu.memory_space<hbm>> -> memref<1x80x125xi32, #tpu.memory_space<hbm>>
        %dma_start3A_429 = tpu.memref_squeeze %dma_start3A_428 : memref<1x80x125xi32, #tpu.memory_space<hbm>> -> memref<80x125xi32, #tpu.memory_space<hbm>>
        %dma_start3A_430 = arith.constant 0 : i32
        %dma_start3A_431 = tpu.memref_slice %dma_start3A_429[%add3A_392, %dma_start3A_430] : memref<80x125xi32, #tpu.memory_space<hbm>> -> memref<1x125xi32, #tpu.memory_space<hbm>>
        %dma_start3A_432 = tpu.memref_squeeze %dma_start3A_431 : memref<1x125xi32, #tpu.memory_space<hbm>> -> memref<125xi32, #tpu.memory_space<hbm>>
        %dma_start3A_433 = arith.constant 0 : i32
        %dma_start3A_434 = tpu.memref_slice %arg7[%select_n3A_422, %dma_start3A_433] : memref<4x125xi32, #tpu.memory_space<vmem>> -> memref<1x125xi32, #tpu.memory_space<vmem>>
        %dma_start3A_435 = tpu.memref_squeeze %dma_start3A_434 : memref<1x125xi32, #tpu.memory_space<vmem>> -> memref<125xi32, #tpu.memory_space<vmem>>
        %dma_start3A_436 = arith.constant 0 : i32
        %dma_start3A_437 = arith.constant 0 : i32
        %dma_start3A_438 = tpu.memref_slice %arg3[%add3A, %dma_start3A_436, %dma_start3A_437] : memref<32x80x125xi32, #tpu.memory_space<hbm>> -> memref<1x80x125xi32, #tpu.memory_space<hbm>>
        %dma_start3A_439 = tpu.memref_squeeze %dma_start3A_438 : memref<1x80x125xi32, #tpu.memory_space<hbm>> -> memref<80x125xi32, #tpu.memory_space<hbm>>
        %dma_start3A_440 = arith.constant 0 : i32
        %dma_start3A_441 = tpu.memref_slice %dma_start3A_439[%add3A_392, %dma_start3A_440] : memref<80x125xi32, #tpu.memory_space<hbm>> -> memref<1x125xi32, #tpu.memory_space<hbm>>
        %dma_start3A_442 = tpu.memref_squeeze %dma_start3A_441 : memref<1x125xi32, #tpu.memory_space<hbm>> -> memref<125xi32, #tpu.memory_space<hbm>>
        tpu.enqueue_dma source(%dma_start3A_442 : memref<125xi32, #tpu.memory_space<hbm>>) target(%dma_start3A_435 : memref<125xi32, #tpu.memory_space<vmem>>) target_semaphore(%arg14 : memref<!tpu.dma_semaphore, #tpu.memory_space<semaphore_mem>>)
        %dma_start3A_443 = arith.constant 0 : i32
        %dma_start3A_444 = tpu.memref_slice %arg8[%select_n3A_422, %dma_start3A_443] : memref<4x125xi32, #tpu.memory_space<vmem>> -> memref<1x125xi32, #tpu.memory_space<vmem>>
        %dma_start3A_445 = tpu.memref_squeeze %dma_start3A_444 : memref<1x125xi32, #tpu.memory_space<vmem>> -> memref<125xi32, #tpu.memory_space<vmem>>
        %dma_start3A_446 = arith.constant 0 : i32
        %dma_start3A_447 = arith.constant 0 : i32
        %dma_start3A_448 = tpu.memref_slice %arg4[%add3A, %dma_start3A_446, %dma_start3A_447] : memref<32x80x125xi32, #tpu.memory_space<hbm>> -> memref<1x80x125xi32, #tpu.memory_space<hbm>>
        %dma_start3A_449 = tpu.memref_squeeze %dma_start3A_448 : memref<1x80x125xi32, #tpu.memory_space<hbm>> -> memref<80x125xi32, #tpu.memory_space<hbm>>
        %dma_start3A_450 = arith.constant 0 : i32
        %dma_start3A_451 = tpu.memref_slice %dma_start3A_449[%add3A_392, %dma_start3A_450] : memref<80x125xi32, #tpu.memory_space<hbm>> -> memref<1x125xi32, #tpu.memory_space<hbm>>
        %dma_start3A_452 = tpu.memref_squeeze %dma_start3A_451 : memref<1x125xi32, #tpu.memory_space<hbm>> -> memref<125xi32, #tpu.memory_space<hbm>>
        %dma_start3A_453 = arith.constant 0 : i32
        %dma_start3A_454 = tpu.memref_slice %arg8[%select_n3A_422, %dma_start3A_453] : memref<4x125xi32, #tpu.memory_space<vmem>> -> memref<1x125xi32, #tpu.memory_space<vmem>>
        %dma_start3A_455 = tpu.memref_squeeze %dma_start3A_454 : memref<1x125xi32, #tpu.memory_space<vmem>> -> memref<125xi32, #tpu.memory_space<vmem>>
        %dma_start3A_456 = arith.constant 0 : i32
        %dma_start3A_457 = arith.constant 0 : i32
        %dma_start3A_458 = tpu.memref_slice %arg4[%add3A, %dma_start3A_456, %dma_start3A_457] : memref<32x80x125xi32, #tpu.memory_space<hbm>> -> memref<1x80x125xi32, #tpu.memory_space<hbm>>
        %dma_start3A_459 = tpu.memref_squeeze %dma_start3A_458 : memref<1x80x125xi32, #tpu.memory_space<hbm>> -> memref<80x125xi32, #tpu.memory_space<hbm>>
        %dma_start3A_460 = arith.constant 0 : i32
        %dma_start3A_461 = tpu.memref_slice %dma_start3A_459[%add3A_392, %dma_start3A_460] : memref<80x125xi32, #tpu.memory_space<hbm>> -> memref<1x125xi32, #tpu.memory_space<hbm>>
        %dma_start3A_462 = tpu.memref_squeeze %dma_start3A_461 : memref<1x125xi32, #tpu.memory_space<hbm>> -> memref<125xi32, #tpu.memory_space<hbm>>
        tpu.enqueue_dma source(%dma_start3A_462 : memref<125xi32, #tpu.memory_space<hbm>>) target(%dma_start3A_455 : memref<125xi32, #tpu.memory_space<vmem>>) target_semaphore(%arg14 : memref<!tpu.dma_semaphore, #tpu.memory_space<semaphore_mem>>)
      } else {
      }
      %add3A_398 = arith.constant 2 : i32
      %add3A_399 = arith.addi %mul3A_296, %add3A_398 : i32
      %add3A_400 = arith.constant 1 : i32
      %add3A_401 = arith.addi %add3A_399, %add3A_400 : i32
      %lt3A_402 = arith.constant 80 : i32
      %lt3A_403 = arith.cmpi slt, %add3A_401, %lt3A_402 : i32
      %convert_element_type3A_404 = arith.extui %lt3A_403 : i1 to i32
      %cond3A_405 = arith.constant 0 : i32
      %cond3A_406 = arith.cmpi ne, %convert_element_type3A_404, %cond3A_405 : i32
      scf.if %cond3A_406 {
        %dma_wait3A_407 = arith.constant 0 : i32
        %dma_wait3A_408 = arith.constant 0 : i32
        %dma_wait3A_409 = arith.constant 0 : i32
        %dma_wait3A_410 = tpu.memref_slice %arg7[%dma_wait3A_408, %dma_wait3A_409] : memref<4x125xi32, #tpu.memory_space<vmem>> -> memref<1x125xi32, #tpu.memory_space<vmem>>
        %dma_wait3A_411 = tpu.memref_squeeze %dma_wait3A_410 : memref<1x125xi32, #tpu.memory_space<vmem>> -> memref<125xi32, #tpu.memory_space<vmem>>
        %dma_wait3A_412 = arith.constant 0 : i32
        %dma_wait3A_413 = arith.constant 0 : i32
        %dma_wait3A_414 = tpu.memref_slice %arg3[%add3A, %dma_wait3A_412, %dma_wait3A_413] : memref<32x80x125xi32, #tpu.memory_space<hbm>> -> memref<1x80x125xi32, #tpu.memory_space<hbm>>
        %dma_wait3A_415 = tpu.memref_squeeze %dma_wait3A_414 : memref<1x80x125xi32, #tpu.memory_space<hbm>> -> memref<80x125xi32, #tpu.memory_space<hbm>>
        %dma_wait3A_416 = arith.constant 0 : i32
        %dma_wait3A_417 = tpu.memref_slice %dma_wait3A_415[%dma_wait3A_407, %dma_wait3A_416] : memref<80x125xi32, #tpu.memory_space<hbm>> -> memref<1x125xi32, #tpu.memory_space<hbm>>
        %dma_wait3A_418 = tpu.memref_squeeze %dma_wait3A_417 : memref<1x125xi32, #tpu.memory_space<hbm>> -> memref<125xi32, #tpu.memory_space<hbm>>
        %dma_wait3A_419 = arith.constant 0 : i32
        %dma_wait3A_420 = tpu.memref_slice %arg7[%dma_wait3A_408, %dma_wait3A_419] : memref<4x125xi32, #tpu.memory_space<vmem>> -> memref<1x125xi32, #tpu.memory_space<vmem>>
        %dma_wait3A_421 = tpu.memref_squeeze %dma_wait3A_420 : memref<1x125xi32, #tpu.memory_space<vmem>> -> memref<125xi32, #tpu.memory_space<vmem>>
        %dma_wait3A_422 = arith.constant 0 : i32
        %dma_wait3A_423 = arith.constant 0 : i32
        %dma_wait3A_424 = tpu.memref_slice %arg3[%add3A, %dma_wait3A_422, %dma_wait3A_423] : memref<32x80x125xi32, #tpu.memory_space<hbm>> -> memref<1x80x125xi32, #tpu.memory_space<hbm>>
        %dma_wait3A_425 = tpu.memref_squeeze %dma_wait3A_424 : memref<1x80x125xi32, #tpu.memory_space<hbm>> -> memref<80x125xi32, #tpu.memory_space<hbm>>
        %dma_wait3A_426 = arith.constant 0 : i32
        %dma_wait3A_427 = tpu.memref_slice %dma_wait3A_425[%dma_wait3A_407, %dma_wait3A_426] : memref<80x125xi32, #tpu.memory_space<hbm>> -> memref<1x125xi32, #tpu.memory_space<hbm>>
        %dma_wait3A_428 = tpu.memref_squeeze %dma_wait3A_427 : memref<1x125xi32, #tpu.memory_space<hbm>> -> memref<125xi32, #tpu.memory_space<hbm>>
        tpu.wait_dma2 semaphore(%arg14 : memref<!tpu.dma_semaphore, #tpu.memory_space<semaphore_mem>>) src(%dma_wait3A_428 : memref<125xi32, #tpu.memory_space<hbm>>) dst(%dma_wait3A_421 : memref<125xi32, #tpu.memory_space<vmem>>)
        %dma_wait3A_429 = arith.constant 0 : i32
        %dma_wait3A_430 = arith.constant 0 : i32
        %dma_wait3A_431 = arith.constant 0 : i32
        %dma_wait3A_432 = tpu.memref_slice %arg8[%dma_wait3A_430, %dma_wait3A_431] : memref<4x125xi32, #tpu.memory_space<vmem>> -> memref<1x125xi32, #tpu.memory_space<vmem>>
        %dma_wait3A_433 = tpu.memref_squeeze %dma_wait3A_432 : memref<1x125xi32, #tpu.memory_space<vmem>> -> memref<125xi32, #tpu.memory_space<vmem>>
        %dma_wait3A_434 = arith.constant 0 : i32
        %dma_wait3A_435 = arith.constant 0 : i32
        %dma_wait3A_436 = tpu.memref_slice %arg4[%add3A, %dma_wait3A_434, %dma_wait3A_435] : memref<32x80x125xi32, #tpu.memory_space<hbm>> -> memref<1x80x125xi32, #tpu.memory_space<hbm>>
        %dma_wait3A_437 = tpu.memref_squeeze %dma_wait3A_436 : memref<1x80x125xi32, #tpu.memory_space<hbm>> -> memref<80x125xi32, #tpu.memory_space<hbm>>
        %dma_wait3A_438 = arith.constant 0 : i32
        %dma_wait3A_439 = tpu.memref_slice %dma_wait3A_437[%dma_wait3A_429, %dma_wait3A_438] : memref<80x125xi32, #tpu.memory_space<hbm>> -> memref<1x125xi32, #tpu.memory_space<hbm>>
        %dma_wait3A_440 = tpu.memref_squeeze %dma_wait3A_439 : memref<1x125xi32, #tpu.memory_space<hbm>> -> memref<125xi32, #tpu.memory_space<hbm>>
        %dma_wait3A_441 = arith.constant 0 : i32
        %dma_wait3A_442 = tpu.memref_slice %arg8[%dma_wait3A_430, %dma_wait3A_441] : memref<4x125xi32, #tpu.memory_space<vmem>> -> memref<1x125xi32, #tpu.memory_space<vmem>>
        %dma_wait3A_443 = tpu.memref_squeeze %dma_wait3A_442 : memref<1x125xi32, #tpu.memory_space<vmem>> -> memref<125xi32, #tpu.memory_space<vmem>>
        %dma_wait3A_444 = arith.constant 0 : i32
        %dma_wait3A_445 = arith.constant 0 : i32
        %dma_wait3A_446 = tpu.memref_slice %arg4[%add3A, %dma_wait3A_444, %dma_wait3A_445] : memref<32x80x125xi32, #tpu.memory_space<hbm>> -> memref<1x80x125xi32, #tpu.memory_space<hbm>>
        %dma_wait3A_447 = tpu.memref_squeeze %dma_wait3A_446 : memref<1x80x125xi32, #tpu.memory_space<hbm>> -> memref<80x125xi32, #tpu.memory_space<hbm>>
        %dma_wait3A_448 = arith.constant 0 : i32
        %dma_wait3A_449 = tpu.memref_slice %dma_wait3A_447[%dma_wait3A_429, %dma_wait3A_448] : memref<80x125xi32, #tpu.memory_space<hbm>> -> memref<1x125xi32, #tpu.memory_space<hbm>>
        %dma_wait3A_450 = tpu.memref_squeeze %dma_wait3A_449 : memref<1x125xi32, #tpu.memory_space<hbm>> -> memref<125xi32, #tpu.memory_space<hbm>>
        tpu.wait_dma2 semaphore(%arg14 : memref<!tpu.dma_semaphore, #tpu.memory_space<semaphore_mem>>) src(%dma_wait3A_450 : memref<125xi32, #tpu.memory_space<hbm>>) dst(%dma_wait3A_443 : memref<125xi32, #tpu.memory_space<vmem>>)
        %jit3A_451 = arith.constant 4 : i32
        %eq3A_452 = arith.constant 0 : i32
        %eq3A_453 = arith.cmpi eq, %jit3A_451, %eq3A_452 : i32
        %jit3A_454 = arith.constant 1 : i32
        %select_n3A_455 = arith.select %eq3A_453, %jit3A_454, %jit3A_451 : i32
        %rem3A_456 = arith.remsi %add3A_401, %select_n3A_455 : i32
        %ne3A_457 = arith.constant 0 : i32
        %ne3A_458 = arith.cmpi ne, %rem3A_456, %ne3A_457 : i32
        %lt3A_459 = arith.constant 0 : i32
        %lt3A_460 = arith.cmpi slt, %rem3A_456, %lt3A_459 : i32
        %lt3A_461 = arith.constant 0 : i32
        %lt3A_462 = arith.cmpi slt, %select_n3A_455, %lt3A_461 : i32
        %ne3A_463 = arith.xori %lt3A_460, %lt3A_462 : i1
        %and3A_464 = arith.andi %ne3A_463, %ne3A_458 : i1
        %add3A_465 = arith.addi %rem3A_456, %select_n3A_455 : i32
        %select_n3A_466 = arith.select %and3A_464, %add3A_465, %rem3A_456 : i32
        %dma_start3A_467 = arith.constant 0 : i32
        %dma_start3A_468 = tpu.memref_slice %arg7[%select_n3A_466, %dma_start3A_467] : memref<4x125xi32, #tpu.memory_space<vmem>> -> memref<1x125xi32, #tpu.memory_space<vmem>>
        %dma_start3A_469 = tpu.memref_squeeze %dma_start3A_468 : memref<1x125xi32, #tpu.memory_space<vmem>> -> memref<125xi32, #tpu.memory_space<vmem>>
        %dma_start3A_470 = arith.constant 0 : i32
        %dma_start3A_471 = arith.constant 0 : i32
        %dma_start3A_472 = tpu.memref_slice %arg2[%dma_start3A_470, %dma_start3A_471] : memref<10000x128xf32, #tpu.memory_space<hbm>> -> memref<10000x128xf32, #tpu.memory_space<hbm>>
        tpu.enqueue_indirect_dma source(%dma_start3A_472 : memref<10000x128xf32, #tpu.memory_space<hbm>>) target(%arg10 : memref<125x128xf32, #tpu.memory_space<vmem>>) offsets(%dma_start3A_469 : memref<125xi32, #tpu.memory_space<vmem>>) semaphore(%arg12 : memref<!tpu.dma_semaphore, #tpu.memory_space<semaphore_mem>>)
      } else {
      }
    }
    %scan3A_285 = arith.constant 40 : i32
    %barrier3A_286 = arith.constant 0 : index
    tpu.barrier barrier_id(%barrier3A_286)
    %mul3A_287 = arith.constant 624 : i32
    %mul3A_288 = arith.muli %arg1, %mul3A_287 : i32
    "tpu.region"() ({
      %run_scoped3A = tpu.sem_alloc : memref<!tpu.dma_semaphore, #tpu.memory_space<semaphore_mem>>
      %dma_start3A_294 = arith.constant 0 : i32
      %dma_start3A_295 = arith.constant 0 : i32
      %dma_start3A_296 = tpu.memref_slice %arg6[%arg0, %dma_start3A_294, %dma_start3A_295] : memref<2x10000x128xf32, #tpu.memory_space<hbm>> -> memref<1x10000x128xf32, #tpu.memory_space<hbm>>
      %dma_start3A_297 = tpu.memref_squeeze %dma_start3A_296 : memref<1x10000x128xf32, #tpu.memory_space<hbm>> -> memref<10000x128xf32, #tpu.memory_space<hbm>>
      %dma_start3A_298 = arith.constant 0 : i32
      %dma_start3A_299 = tpu.memref_slice %dma_start3A_297[%mul3A_288, %dma_start3A_298] : memref<10000x128xf32, #tpu.memory_space<hbm>> -> memref<624x128xf32, #tpu.memory_space<hbm>>
      %dma_start3A_300 = arith.constant 0 : i32
      %dma_start3A_301 = tpu.memref_slice %arg11[%mul3A_288, %dma_start3A_300] : memref<10000x128xf32, #tpu.memory_space<vmem_shared>> -> memref<624x128xf32, #tpu.memory_space<vmem_shared>>
      tpu.enqueue_dma source(%dma_start3A_301 : memref<624x128xf32, #tpu.memory_space<vmem_shared>>) target(%dma_start3A_299 : memref<624x128xf32, #tpu.memory_space<hbm>>) target_semaphore(%run_scoped3A : memref<!tpu.dma_semaphore, #tpu.memory_space<semaphore_mem>>)
      %dma_wait3A_302 = arith.constant 0 : i32
      %dma_wait3A_303 = arith.constant 0 : i32
      %dma_wait3A_304 = tpu.memref_slice %arg6[%arg0, %dma_wait3A_302, %dma_wait3A_303] : memref<2x10000x128xf32, #tpu.memory_space<hbm>> -> memref<1x10000x128xf32, #tpu.memory_space<hbm>>
      %dma_wait3A_305 = tpu.memref_squeeze %dma_wait3A_304 : memref<1x10000x128xf32, #tpu.memory_space<hbm>> -> memref<10000x128xf32, #tpu.memory_space<hbm>>
      %dma_wait3A_306 = arith.constant 0 : i32
      %dma_wait3A_307 = tpu.memref_slice %dma_wait3A_305[%mul3A_288, %dma_wait3A_306] : memref<10000x128xf32, #tpu.memory_space<hbm>> -> memref<624x128xf32, #tpu.memory_space<hbm>>
      %dma_wait3A_308 = arith.constant 0 : i32
      %dma_wait3A_309 = tpu.memref_slice %arg11[%mul3A_288, %dma_wait3A_308] : memref<10000x128xf32, #tpu.memory_space<vmem_shared>> -> memref<624x128xf32, #tpu.memory_space<vmem_shared>>
      tpu.wait_dma2 semaphore(%run_scoped3A : memref<!tpu.dma_semaphore, #tpu.memory_space<semaphore_mem>>) src(%dma_wait3A_309 : memref<624x128xf32, #tpu.memory_space<vmem_shared>>) dst(%dma_wait3A_307 : memref<624x128xf32, #tpu.memory_space<hbm>>)
      tpu.yield
    }) : () -> ()
    %eq3A_289 = arith.constant 15 : i32
    %eq3A_290 = arith.cmpi eq, %arg1, %eq3A_289 : i32
    %convert_element_type3A_291 = arith.extui %eq3A_290 : i1 to i32
    %cond3A_292 = arith.constant 0 : i32
    %cond3A_293 = arith.cmpi ne, %convert_element_type3A_291, %cond3A_292 : i32
    scf.if %cond3A_293 {
      "tpu.region"() ({
        %run_scoped3A = tpu.sem_alloc : memref<!tpu.dma_semaphore, #tpu.memory_space<semaphore_mem>>
        %dma_start3A_294 = arith.constant 0 : i32
        %dma_start3A_295 = arith.constant 0 : i32
        %dma_start3A_296 = tpu.memref_slice %arg6[%arg0, %dma_start3A_294, %dma_start3A_295] : memref<2x10000x128xf32, #tpu.memory_space<hbm>> -> memref<1x10000x128xf32, #tpu.memory_space<hbm>>
        %dma_start3A_297 = tpu.memref_squeeze %dma_start3A_296 : memref<1x10000x128xf32, #tpu.memory_space<hbm>> -> memref<10000x128xf32, #tpu.memory_space<hbm>>
        %dma_start3A_298 = arith.constant 9984 : i32
        %dma_start3A_299 = arith.constant 0 : i32
        %dma_start3A_300 = tpu.memref_slice %dma_start3A_297[%dma_start3A_298, %dma_start3A_299] : memref<10000x128xf32, #tpu.memory_space<hbm>> -> memref<16x128xf32, #tpu.memory_space<hbm>>
        %dma_start3A_301 = arith.constant 9984 : i32
        %dma_start3A_302 = arith.constant 0 : i32
        %dma_start3A_303 = tpu.memref_slice %arg11[%dma_start3A_301, %dma_start3A_302] : memref<10000x128xf32, #tpu.memory_space<vmem_shared>> -> memref<16x128xf32, #tpu.memory_space<vmem_shared>>
        tpu.enqueue_dma source(%dma_start3A_303 : memref<16x128xf32, #tpu.memory_space<vmem_shared>>) target(%dma_start3A_300 : memref<16x128xf32, #tpu.memory_space<hbm>>) target_semaphore(%run_scoped3A : memref<!tpu.dma_semaphore, #tpu.memory_space<semaphore_mem>>)
        %dma_wait3A_304 = arith.constant 0 : i32
        %dma_wait3A_305 = arith.constant 0 : i32
        %dma_wait3A_306 = tpu.memref_slice %arg6[%arg0, %dma_wait3A_304, %dma_wait3A_305] : memref<2x10000x128xf32, #tpu.memory_space<hbm>> -> memref<1x10000x128xf32, #tpu.memory_space<hbm>>
        %dma_wait3A_307 = tpu.memref_squeeze %dma_wait3A_306 : memref<1x10000x128xf32, #tpu.memory_space<hbm>> -> memref<10000x128xf32, #tpu.memory_space<hbm>>
        %dma_wait3A_308 = arith.constant 9984 : i32
        %dma_wait3A_309 = arith.constant 0 : i32
        %dma_wait3A_310 = tpu.memref_slice %dma_wait3A_307[%dma_wait3A_308, %dma_wait3A_309] : memref<10000x128xf32, #tpu.memory_space<hbm>> -> memref<16x128xf32, #tpu.memory_space<hbm>>
        %dma_wait3A_311 = arith.constant 9984 : i32
        %dma_wait3A_312 = arith.constant 0 : i32
        %dma_wait3A_313 = tpu.memref_slice %arg11[%dma_wait3A_311, %dma_wait3A_312] : memref<10000x128xf32, #tpu.memory_space<vmem_shared>> -> memref<16x128xf32, #tpu.memory_space<vmem_shared>>
        tpu.wait_dma2 semaphore(%run_scoped3A : memref<!tpu.dma_semaphore, #tpu.memory_space<semaphore_mem>>) src(%dma_wait3A_313 : memref<16x128xf32, #tpu.memory_space<vmem_shared>>) dst(%dma_wait3A_310 : memref<16x128xf32, #tpu.memory_space<hbm>>)
        tpu.yield
      }) : () -> ()
    } else {
    }
    return
  }
}

module attributes {stable_mosaic.version = 14 : i64} {
  func.func @_cnt_body(%arg0: i32, %arg1: memref<1x1x8000xi32, #tpu.memory_space<vmem>>, %arg2: memref<125x80xf32, #tpu.memory_space<vmem>>, %arg3: memref<128x128xf32, #tpu.memory_space<vmem>>) attributes {dimension_semantics = [#tpu.dimension_semantics<arbitrary>], iteration_bounds = array<i64: 40>, scalar_prefetch = 0 : i64, scratch_operands = 1 : i64, tpu.core_type = #tpu.core_type<tc>, window_params = [{transform_indices = @transform_0, window_bounds = array<i64: 1, 1, 8000>}, {pipeline_mode = #tpu.pipeline_mode<synchronous>, transform_indices = @transform_1, window_bounds = array<i64: 125, 80>}]} {
    %eq3A = arith.constant 0 : i32
    %eq3A_0 = arith.cmpi eq, %arg0, %eq3A : i32
    %convert_element_type3A = arith.extui %eq3A_0 : i1 to i32
    %cond3A = arith.constant 0 : i32
    %cond3A_1 = arith.cmpi ne, %convert_element_type3A, %cond3A : i32
    scf.if %cond3A_1 {
      %broadcast_in_dim3A = arith.constant 0.000000e+00 : f32
      %broadcast_in_dim3A_33 = vector.broadcast %broadcast_in_dim3A : f32 to vector<128x128xf32>
      %swap3A_34 = arith.constant 0 : index
      %swap3A_35 = arith.constant 0 : index
      %swap3A_36 = vector.load %arg3[%swap3A_34, %swap3A_35] : memref<128x128xf32, #tpu.memory_space<vmem>>, vector<128x128xf32>
      tpu.vector_store %arg3[%swap3A_34, %swap3A_35], %broadcast_in_dim3A_33 {strides = array<i32>} : memref<128x128xf32, #tpu.memory_space<vmem>>, vector<128x128xf32>,
    } else {
    }
    %get3A = arith.constant 0 : index
    %get3A_2 = arith.constant 0 : index
    %get3A_3 = arith.constant 0 : index
    %get3A_4 = vector.load %arg1[%get3A, %get3A_2, %get3A_3] : memref<1x1x8000xi32, #tpu.memory_space<vmem>>, vector<1x1x8000xi32>
    %get3A_5 = vector.shape_cast %get3A_4 : vector<1x1x8000xi32> to vector<1x8000xi32>
    %rem3A = arith.constant 80 : i32
    %rem3A_6 = vector.broadcast %rem3A : i32 to vector<1x8000xi32>
    %rem3A_7 = arith.remsi %get3A_5, %rem3A_6 : vector<1x8000xi32>
    %div3A = arith.constant 80 : i32
    %div3A_8 = vector.broadcast %div3A : i32 to vector<1x8000xi32>
    %div3A_9 = arith.divsi %get3A_5, %div3A_8 : vector<1x8000xi32>
    %iota3A = tpu.iota {dimensions = array<i32: 0>} : vector<128x1xi32>
    %eq3A_10 = vector.broadcast %rem3A_7 : vector<1x8000xi32> to vector<128x8000xi32>
    %eq3A_11 = vector.broadcast %iota3A : vector<128x1xi32> to vector<128x8000xi32>
    %eq3A_12 = arith.cmpi eq, %eq3A_10, %eq3A_11 : vector<128x8000xi32>
    %convert_element_type3A_13 = arith.extui %eq3A_12 : vector<128x8000xi1> to vector<128x8000xi32>
    %convert_element_type3A_14 = arith.sitofp %convert_element_type3A_13 : vector<128x8000xi32> to vector<128x8000xf32>
    %convert_element_type3A_15 = arith.truncf %convert_element_type3A_14 : vector<128x8000xf32> to vector<128x8000xbf16>
    %eq3A_16 = vector.broadcast %div3A_9 : vector<1x8000xi32> to vector<128x8000xi32>
    %eq3A_17 = vector.broadcast %iota3A : vector<128x1xi32> to vector<128x8000xi32>
    %eq3A_18 = arith.cmpi eq, %eq3A_16, %eq3A_17 : vector<128x8000xi32>
    %convert_element_type3A_19 = arith.extui %eq3A_18 : vector<128x8000xi1> to vector<128x8000xi32>
    %convert_element_type3A_20 = arith.sitofp %convert_element_type3A_19 : vector<128x8000xi32> to vector<128x8000xf32>
    %convert_element_type3A_21 = arith.truncf %convert_element_type3A_20 : vector<128x8000xf32> to vector<128x8000xbf16>
    %get3A_22 = arith.constant 0 : index
    %get3A_23 = arith.constant 0 : index
    %get3A_24 = vector.load %arg3[%get3A_22, %get3A_23] : memref<128x128xf32, #tpu.memory_space<vmem>>, vector<128x128xf32>
    %dot_general3A = arith.constant dense<0.000000e+00> : vector<128x128xf32>
    %dot_general3A_25 = tpu.matmul %convert_element_type3A_15, %convert_element_type3A_21, %dot_general3A {dimension_numbers = #tpu.dot_dimension_numbers<[1], [1], [0], [0], [0, 0, 1, 0], [], []>, transpose_lhs_hint = false} : vector<128x8000xbf16>, vector<128x8000xbf16>, vector<128x128xf32> -> vector<128x128xf32>
    %add3A = arith.addf %get3A_24, %dot_general3A_25 : vector<128x128xf32>
    %swap3A = arith.constant 0 : index
    %swap3A_26 = arith.constant 0 : index
    %swap3A_27 = vector.load %arg3[%swap3A, %swap3A_26] : memref<128x128xf32, #tpu.memory_space<vmem>>, vector<128x128xf32>
    tpu.vector_store %arg3[%swap3A, %swap3A_26], %add3A {strides = array<i32>} : memref<128x128xf32, #tpu.memory_space<vmem>>, vector<128x128xf32>,
    %eq3A_28 = arith.constant 39 : i32
    %eq3A_29 = arith.cmpi eq, %arg0, %eq3A_28 : i32
    %convert_element_type3A_30 = arith.extui %eq3A_29 : i1 to i32
    %cond3A_31 = arith.constant 0 : i32
    %cond3A_32 = arith.cmpi ne, %convert_element_type3A_30, %cond3A_31 : i32
    scf.if %cond3A_32 {
      %get3A_33 = arith.constant 0 : index
      %get3A_34 = arith.constant 0 : index
      %get3A_35 = vector.load %arg3[%get3A_33, %get3A_34] : memref<128x128xf32, #tpu.memory_space<vmem>>, vector<128x128xf32>
      %transpose3A = tpu.transpose %get3A_35, [1, 0] : vector<128x128xf32> -> vector<128x128xf32>
      %slice3A = vector.extract_strided_slice %transpose3A {offsets = [0, 0], sizes = [125, 80], strides = [1, 1]} : vector<128x128xf32> to vector<125x80xf32>
      %max3A = arith.constant 1.000000e+00 : f32
      %max3A_36 = vector.broadcast %max3A : f32 to vector<125x80xf32>
      %max3A_37 = arith.maximumf %slice3A, %max3A_36 : vector<125x80xf32>
      %div3A_38 = arith.constant 1.000000e+00 : f32
      %div3A_39 = vector.broadcast %div3A_38 : f32 to vector<125x80xf32>
      %div3A_40 = arith.divf %div3A_39, %max3A_37 : vector<125x80xf32>
      %swap3A_41 = arith.constant 0 : index
      %swap3A_42 = arith.constant 0 : index
      %swap3A_43 = vector.load %arg2[%swap3A_41, %swap3A_42] : memref<125x80xf32, #tpu.memory_space<vmem>>, vector<125x80xf32>
      tpu.vector_store %arg2[%swap3A_41, %swap3A_42], %div3A_40 {strides = array<i32>} : memref<125x80xf32, #tpu.memory_space<vmem>>, vector<125x80xf32>,
    } else {
    }
    return
  }
  func.func @transform_0(%arg0: i32) -> (i32, i32, i32) {
    %c0_i32 = arith.constant 0 : i32
    %c0_i32_0 = arith.constant 0 : i32
    %c0_i32_1 = arith.constant 0 : i32
    return %arg0, %c0_i32, %c0_i32_0 : i32, i32, i32
  }
  func.func @transform_1(%arg0: i32) -> (i32, i32) {
    %c0_i32 = arith.constant 0 : i32
    %c0_i32_0 = arith.constant 0 : i32
    %c0_i32_1 = arith.constant 0 : i32
    return %c0_i32, %c0_i32_0 : i32, i32
  }
}

module attributes {stable_mosaic.version = 14 : i64} {
  func.func @_dense_body(%arg0: i32, %arg1: memref<2x5000x128xf32, #tpu.memory_space<vmem>>, %arg2: memref<5000x1xf32, #tpu.memory_space<vmem>>, %arg3: memref<5000x128xf32, #tpu.memory_space<vmem>>, %arg4: memref<128x128xf32, #tpu.memory_space<vmem>>, %arg5: memref<1x128xf32, #tpu.memory_space<vmem>>, %arg6: memref<128x128xf32, #tpu.memory_space<vmem>>, %arg7: memref<5000x128xf32, #tpu.memory_space<vmem>>) attributes {dimension_semantics = [#tpu.dimension_semantics<arbitrary>], iteration_bounds = array<i64: 2>, scalar_prefetch = 0 : i64, scratch_operands = 0 : i64, tpu.core_type = #tpu.core_type<tc>, window_params = [{transform_indices = @transform_0, window_bounds = array<i64: 2, 5000, 128>}, {transform_indices = @transform_1, window_bounds = array<i64: 5000, 1>}, {transform_indices = @transform_2, window_bounds = array<i64: 5000, 128>}, {pipeline_mode = #tpu.pipeline_mode<synchronous>, transform_indices = @transform_3, window_bounds = array<i64: 128, 128>}, {pipeline_mode = #tpu.pipeline_mode<synchronous>, transform_indices = @transform_4, window_bounds = array<i64: 1, 128>}, {pipeline_mode = #tpu.pipeline_mode<synchronous>, transform_indices = @transform_5, window_bounds = array<i64: 128, 128>}, {transform_indices = @transform_6, window_bounds = array<i64: 5000, 128>}]} {
    %get3A = arith.constant 0 : index
    %get3A_0 = arith.constant 0 : index
    %get3A_1 = arith.constant 0 : index
    %get3A_2 = vector.load %arg1[%get3A, %get3A_0, %get3A_1] : memref<2x5000x128xf32, #tpu.memory_space<vmem>>, vector<1x5000x128xf32>
    %get3A_3 = vector.shape_cast %get3A_2 : vector<1x5000x128xf32> to vector<5000x128xf32>
    %get3A_4 = arith.constant 1 : index
    %get3A_5 = arith.constant 0 : index
    %get3A_6 = arith.constant 0 : index
    %get3A_7 = vector.load %arg1[%get3A_4, %get3A_5, %get3A_6] : memref<2x5000x128xf32, #tpu.memory_space<vmem>>, vector<1x5000x128xf32>
    %get3A_8 = vector.shape_cast %get3A_7 : vector<1x5000x128xf32> to vector<5000x128xf32>
    %add3A = arith.addf %get3A_3, %get3A_8 : vector<5000x128xf32>
    %get3A_9 = arith.constant 0 : index
    %get3A_10 = arith.constant 0 : index
    %get3A_11 = vector.load %arg2[%get3A_9, %get3A_10] : memref<5000x1xf32, #tpu.memory_space<vmem>>, vector<5000x1xf32>
    %mul3A = vector.broadcast %get3A_11 : vector<5000x1xf32> to vector<5000x128xf32>
    %mul3A_12 = arith.mulf %add3A, %mul3A : vector<5000x128xf32>
    %get3A_13 = arith.constant 0 : index
    %get3A_14 = arith.constant 0 : index
    %get3A_15 = vector.load %arg4[%get3A_13, %get3A_14] : memref<128x128xf32, #tpu.memory_space<vmem>>, vector<128x128xf32>
    %dot_general3A = arith.constant dense<0.000000e+00> : vector<5000x128xf32>
    %dot_general3A_16 = tpu.matmul %mul3A_12, %get3A_15, %dot_general3A {dimension_numbers = #tpu.dot_dimension_numbers<[1], [0], [0], [1], [0, 0, 1, 1], [], []>, transpose_lhs_hint = false} : vector<5000x128xf32>, vector<128x128xf32>, vector<5000x128xf32> -> vector<5000x128xf32>
    %get3A_17 = arith.constant 0 : index
    %get3A_18 = arith.constant 0 : index
    %get3A_19 = vector.load %arg3[%get3A_17, %get3A_18] : memref<5000x128xf32, #tpu.memory_space<vmem>>, vector<5000x128xf32>
    %get3A_20 = arith.constant 0 : index
    %get3A_21 = arith.constant 0 : index
    %get3A_22 = vector.load %arg6[%get3A_20, %get3A_21] : memref<128x128xf32, #tpu.memory_space<vmem>>, vector<128x128xf32>
    %dot_general3A_23 = arith.constant dense<0.000000e+00> : vector<5000x128xf32>
    %dot_general3A_24 = tpu.matmul %get3A_19, %get3A_22, %dot_general3A_23 {dimension_numbers = #tpu.dot_dimension_numbers<[1], [0], [0], [1], [0, 0, 1, 1], [], []>, transpose_lhs_hint = false} : vector<5000x128xf32>, vector<128x128xf32>, vector<5000x128xf32> -> vector<5000x128xf32>
    %add3A_25 = arith.addf %dot_general3A_16, %dot_general3A_24 : vector<5000x128xf32>
    %get3A_26 = arith.constant 0 : index
    %get3A_27 = arith.constant 0 : index
    %get3A_28 = vector.load %arg5[%get3A_26, %get3A_27] : memref<1x128xf32, #tpu.memory_space<vmem>>, vector<1x128xf32>
    %add3A_29 = vector.broadcast %get3A_28 : vector<1x128xf32> to vector<5000x128xf32>
    %add3A_30 = arith.addf %add3A_25, %add3A_29 : vector<5000x128xf32>
    %max3A = arith.constant 0.000000e+00 : f32
    %max3A_31 = vector.broadcast %max3A : f32 to vector<5000x128xf32>
    %max3A_32 = arith.maximumf %add3A_30, %max3A_31 : vector<5000x128xf32>
    %swap3A = arith.constant 0 : index
    %swap3A_33 = arith.constant 0 : index
    %swap3A_34 = vector.load %arg7[%swap3A, %swap3A_33] : memref<5000x128xf32, #tpu.memory_space<vmem>>, vector<5000x128xf32>
    tpu.vector_store %arg7[%swap3A, %swap3A_33], %max3A_32 {strides = array<i32>} : memref<5000x128xf32, #tpu.memory_space<vmem>>, vector<5000x128xf32>,
    return
  }
  func.func @transform_0(%arg0: i32) -> (i32, i32, i32) {
    %c0_i32 = arith.constant 0 : i32
    %c0_i32_0 = arith.constant 0 : i32
    %c0_i32_1 = arith.constant 0 : i32
    return %c0_i32, %arg0, %c0_i32_0 : i32, i32, i32
  }
  func.func @transform_1(%arg0: i32) -> (i32, i32) {
    %c0_i32 = arith.constant 0 : i32
    %c0_i32_0 = arith.constant 0 : i32
    return %arg0, %c0_i32 : i32, i32
  }
  func.func @transform_2(%arg0: i32) -> (i32, i32) {
    %c0_i32 = arith.constant 0 : i32
    %c0_i32_0 = arith.constant 0 : i32
    return %arg0, %c0_i32 : i32, i32
  }
  func.func @transform_3(%arg0: i32) -> (i32, i32) {
    %c0_i32 = arith.constant 0 : i32
    %c0_i32_0 = arith.constant 0 : i32
    %c0_i32_1 = arith.constant 0 : i32
    return %c0_i32, %c0_i32_0 : i32, i32
  }
  func.func @transform_4(%arg0: i32) -> (i32, i32) {
    %c0_i32 = arith.constant 0 : i32
    %c0_i32_0 = arith.constant 0 : i32
    %c0_i32_1 = arith.constant 0 : i32
    return %c0_i32, %c0_i32_0 : i32, i32
  }
  func.func @transform_5(%arg0: i32) -> (i32, i32) {
    %c0_i32 = arith.constant 0 : i32
    %c0_i32_0 = arith.constant 0 : i32
    %c0_i32_1 = arith.constant 0 : i32
    return %c0_i32, %c0_i32_0 : i32, i32
  }
  func.func @transform_6(%arg0: i32) -> (i32, i32) {
    %c0_i32 = arith.constant 0 : i32
    %c0_i32_0 = arith.constant 0 : i32
    return %arg0, %c0_i32 : i32, i32
  }
}

module attributes {stable_mosaic.version = 14 : i64} {
  func.func @_dense_pool_body(%arg0: i32, %arg1: memref<2x5000x128xf32, #tpu.memory_space<vmem>>, %arg2: memref<5000x1xf32, #tpu.memory_space<vmem>>, %arg3: memref<5000x128xf32, #tpu.memory_space<vmem>>, %arg4: memref<128x128xf32, #tpu.memory_space<vmem>>, %arg5: memref<1x128xf32, #tpu.memory_space<vmem>>, %arg6: memref<128x128xf32, #tpu.memory_space<vmem>>, %arg7: memref<1x1x5000xi32, #tpu.memory_space<vmem>>, %arg8: memref<64x128xf32, #tpu.memory_space<vmem>>, %arg9: memref<64x128xf32, #tpu.memory_space<vmem>>, %arg10: memref<64x128xf32, #tpu.memory_space<vmem>>) attributes {dimension_semantics = [#tpu.dimension_semantics<arbitrary>], iteration_bounds = array<i64: 2>, scalar_prefetch = 0 : i64, scratch_operands = 2 : i64, tpu.core_type = #tpu.core_type<tc>, window_params = [{transform_indices = @transform_0, window_bounds = array<i64: 2, 5000, 128>}, {transform_indices = @transform_1, window_bounds = array<i64: 5000, 1>}, {transform_indices = @transform_2, window_bounds = array<i64: 5000, 128>}, {pipeline_mode = #tpu.pipeline_mode<synchronous>, transform_indices = @transform_3, window_bounds = array<i64: 128, 128>}, {pipeline_mode = #tpu.pipeline_mode<synchronous>, transform_indices = @transform_4, window_bounds = array<i64: 1, 128>}, {pipeline_mode = #tpu.pipeline_mode<synchronous>, transform_indices = @transform_5, window_bounds = array<i64: 128, 128>}, {transform_indices = @transform_6, window_bounds = array<i64: 1, 1, 5000>}, {pipeline_mode = #tpu.pipeline_mode<synchronous>, transform_indices = @transform_7, window_bounds = array<i64: 64, 128>}]} {
    %eq3A = arith.constant 0 : i32
    %eq3A_0 = arith.cmpi eq, %arg0, %eq3A : i32
    %convert_element_type3A = arith.extui %eq3A_0 : i1 to i32
    %cond3A = arith.constant 0 : i32
    %cond3A_1 = arith.cmpi ne, %convert_element_type3A, %cond3A : i32
    scf.if %cond3A_1 {
      %broadcast_in_dim3A_68 = arith.constant 0.000000e+00 : f32
      %broadcast_in_dim3A_69 = vector.broadcast %broadcast_in_dim3A_68 : f32 to vector<64x128xf32>
      %swap3A_70 = arith.constant 0 : index
      %swap3A_71 = arith.constant 0 : index
      %swap3A_72 = vector.load %arg9[%swap3A_70, %swap3A_71] : memref<64x128xf32, #tpu.memory_space<vmem>>, vector<64x128xf32>
      tpu.vector_store %arg9[%swap3A_70, %swap3A_71], %broadcast_in_dim3A_69 {strides = array<i32>} : memref<64x128xf32, #tpu.memory_space<vmem>>, vector<64x128xf32>,
      %broadcast_in_dim3A_73 = arith.constant 0.000000e+00 : f32
      %broadcast_in_dim3A_74 = vector.broadcast %broadcast_in_dim3A_73 : f32 to vector<64x128xf32>
      %swap3A_75 = arith.constant 0 : index
      %swap3A_76 = arith.constant 0 : index
      %swap3A_77 = vector.load %arg10[%swap3A_75, %swap3A_76] : memref<64x128xf32, #tpu.memory_space<vmem>>, vector<64x128xf32>
      tpu.vector_store %arg10[%swap3A_75, %swap3A_76], %broadcast_in_dim3A_74 {strides = array<i32>} : memref<64x128xf32, #tpu.memory_space<vmem>>, vector<64x128xf32>,
    } else {
    }
    %get3A = arith.constant 0 : index
    %get3A_2 = arith.constant 0 : index
    %get3A_3 = arith.constant 0 : index
    %get3A_4 = vector.load %arg1[%get3A, %get3A_2, %get3A_3] : memref<2x5000x128xf32, #tpu.memory_space<vmem>>, vector<1x5000x128xf32>
    %get3A_5 = vector.shape_cast %get3A_4 : vector<1x5000x128xf32> to vector<5000x128xf32>
    %get3A_6 = arith.constant 1 : index
    %get3A_7 = arith.constant 0 : index
    %get3A_8 = arith.constant 0 : index
    %get3A_9 = vector.load %arg1[%get3A_6, %get3A_7, %get3A_8] : memref<2x5000x128xf32, #tpu.memory_space<vmem>>, vector<1x5000x128xf32>
    %get3A_10 = vector.shape_cast %get3A_9 : vector<1x5000x128xf32> to vector<5000x128xf32>
    %add3A = arith.addf %get3A_5, %get3A_10 : vector<5000x128xf32>
    %get3A_11 = arith.constant 0 : index
    %get3A_12 = arith.constant 0 : index
    %get3A_13 = vector.load %arg2[%get3A_11, %get3A_12] : memref<5000x1xf32, #tpu.memory_space<vmem>>, vector<5000x1xf32>
    %mul3A = vector.broadcast %get3A_13 : vector<5000x1xf32> to vector<5000x128xf32>
    %mul3A_14 = arith.mulf %add3A, %mul3A : vector<5000x128xf32>
    %get3A_15 = arith.constant 0 : index
    %get3A_16 = arith.constant 0 : index
    %get3A_17 = vector.load %arg4[%get3A_15, %get3A_16] : memref<128x128xf32, #tpu.memory_space<vmem>>, vector<128x128xf32>
    %dot_general3A = arith.constant dense<0.000000e+00> : vector<5000x128xf32>
    %dot_general3A_18 = tpu.matmul %mul3A_14, %get3A_17, %dot_general3A {dimension_numbers = #tpu.dot_dimension_numbers<[1], [0], [0], [1], [0, 0, 1, 1], [], []>, transpose_lhs_hint = false} : vector<5000x128xf32>, vector<128x128xf32>, vector<5000x128xf32> -> vector<5000x128xf32>
    %get3A_19 = arith.constant 0 : index
    %get3A_20 = arith.constant 0 : index
    %get3A_21 = vector.load %arg3[%get3A_19, %get3A_20] : memref<5000x128xf32, #tpu.memory_space<vmem>>, vector<5000x128xf32>
    %get3A_22 = arith.constant 0 : index
    %get3A_23 = arith.constant 0 : index
    %get3A_24 = vector.load %arg6[%get3A_22, %get3A_23] : memref<128x128xf32, #tpu.memory_space<vmem>>, vector<128x128xf32>
    %dot_general3A_25 = arith.constant dense<0.000000e+00> : vector<5000x128xf32>
    %dot_general3A_26 = tpu.matmul %get3A_21, %get3A_24, %dot_general3A_25 {dimension_numbers = #tpu.dot_dimension_numbers<[1], [0], [0], [1], [0, 0, 1, 1], [], []>, transpose_lhs_hint = false} : vector<5000x128xf32>, vector<128x128xf32>, vector<5000x128xf32> -> vector<5000x128xf32>
    %add3A_27 = arith.addf %dot_general3A_18, %dot_general3A_26 : vector<5000x128xf32>
    %get3A_28 = arith.constant 0 : index
    %get3A_29 = arith.constant 0 : index
    %get3A_30 = vector.load %arg5[%get3A_28, %get3A_29] : memref<1x128xf32, #tpu.memory_space<vmem>>, vector<1x128xf32>
    %add3A_31 = vector.broadcast %get3A_30 : vector<1x128xf32> to vector<5000x128xf32>
    %add3A_32 = arith.addf %add3A_27, %add3A_31 : vector<5000x128xf32>
    %max3A = arith.constant 0.000000e+00 : f32
    %max3A_33 = vector.broadcast %max3A : f32 to vector<5000x128xf32>
    %max3A_34 = arith.maximumf %add3A_32, %max3A_33 : vector<5000x128xf32>
    %get3A_35 = arith.constant 0 : index
    %get3A_36 = arith.constant 0 : index
    %get3A_37 = arith.constant 0 : index
    %get3A_38 = vector.load %arg7[%get3A_35, %get3A_36, %get3A_37] : memref<1x1x5000xi32, #tpu.memory_space<vmem>>, vector<1x1x5000xi32>
    %get3A_39 = vector.shape_cast %get3A_38 : vector<1x1x5000xi32> to vector<1x5000xi32>
    %iota3A = tpu.iota {dimensions = array<i32: 0>} : vector<64x1xi32>
    %eq3A_40 = vector.broadcast %get3A_39 : vector<1x5000xi32> to vector<64x5000xi32>
    %eq3A_41 = vector.broadcast %iota3A : vector<64x1xi32> to vector<64x5000xi32>
    %eq3A_42 = arith.cmpi eq, %eq3A_40, %eq3A_41 : vector<64x5000xi32>
    %convert_element_type3A_43 = arith.extui %eq3A_42 : vector<64x5000xi1> to vector<64x5000xi32>
    %convert_element_type3A_44 = arith.sitofp %convert_element_type3A_43 : vector<64x5000xi32> to vector<64x5000xf32>
    %get3A_45 = arith.constant 0 : index
    %get3A_46 = arith.constant 0 : index
    %get3A_47 = vector.load %arg9[%get3A_45, %get3A_46] : memref<64x128xf32, #tpu.memory_space<vmem>>, vector<64x128xf32>
    %dot_general3A_48 = arith.constant dense<0.000000e+00> : vector<64x128xf32>
    %dot_general3A_49 = tpu.matmul %convert_element_type3A_44, %max3A_34, %dot_general3A_48 {dimension_numbers = #tpu.dot_dimension_numbers<[1], [0], [0], [1], [0, 0, 1, 1], [], []>, transpose_lhs_hint = false} : vector<64x5000xf32>, vector<5000x128xf32>, vector<64x128xf32> -> vector<64x128xf32>
    %add3A_50 = arith.addf %get3A_47, %dot_general3A_49 : vector<64x128xf32>
    %swap3A = arith.constant 0 : index
    %swap3A_51 = arith.constant 0 : index
    %swap3A_52 = vector.load %arg9[%swap3A, %swap3A_51] : memref<64x128xf32, #tpu.memory_space<vmem>>, vector<64x128xf32>
    tpu.vector_store %arg9[%swap3A, %swap3A_51], %add3A_50 {strides = array<i32>} : memref<64x128xf32, #tpu.memory_space<vmem>>, vector<64x128xf32>,
    %get3A_53 = arith.constant 0 : index
    %get3A_54 = arith.constant 0 : index
    %get3A_55 = vector.load %arg10[%get3A_53, %get3A_54] : memref<64x128xf32, #tpu.memory_space<vmem>>, vector<64x128xf32>
    %reduce_sum3A = arith.constant dense<0.000000e+00> : vector<64xf32>
    %reduce_sum3A_56 = vector.multi_reduction <add>, %convert_element_type3A_44, %reduce_sum3A [1] : vector<64x5000xf32> to vector<64xf32>
    %broadcast_in_dim3A = vector.shape_cast %reduce_sum3A_56 : vector<64xf32> to vector<64x1xf32>
    %broadcast_in_dim3A_57 = vector.shape_cast %broadcast_in_dim3A : vector<64x1xf32> to vector<64x1xf32>
    %broadcast_in_dim3A_58 = vector.broadcast %broadcast_in_dim3A_57 : vector<64x1xf32> to vector<64x128xf32>
    %add3A_59 = arith.addf %get3A_55, %broadcast_in_dim3A_58 : vector<64x128xf32>
    %swap3A_60 = arith.constant 0 : index
    %swap3A_61 = arith.constant 0 : index
    %swap3A_62 = vector.load %arg10[%swap3A_60, %swap3A_61] : memref<64x128xf32, #tpu.memory_space<vmem>>, vector<64x128xf32>
    tpu.vector_store %arg10[%swap3A_60, %swap3A_61], %add3A_59 {strides = array<i32>} : memref<64x128xf32, #tpu.memory_space<vmem>>, vector<64x128xf32>,
    %eq3A_63 = arith.constant 1 : i32
    %eq3A_64 = arith.cmpi eq, %arg0, %eq3A_63 : i32
    %convert_element_type3A_65 = arith.extui %eq3A_64 : i1 to i32
    %cond3A_66 = arith.constant 0 : i32
    %cond3A_67 = arith.cmpi ne, %convert_element_type3A_65, %cond3A_66 : i32
    scf.if %cond3A_67 {
      %get3A_68 = arith.constant 0 : index
      %get3A_69 = arith.constant 0 : index
      %get3A_70 = vector.load %arg9[%get3A_68, %get3A_69] : memref<64x128xf32, #tpu.memory_space<vmem>>, vector<64x128xf32>
      %get3A_71 = arith.constant 0 : index
      %get3A_72 = arith.constant 0 : index
      %get3A_73 = vector.load %arg10[%get3A_71, %get3A_72] : memref<64x128xf32, #tpu.memory_space<vmem>>, vector<64x128xf32>
      %max3A_74 = arith.constant 1.000000e+00 : f32
      %max3A_75 = vector.broadcast %max3A_74 : f32 to vector<64x128xf32>
      %max3A_76 = arith.maximumf %get3A_73, %max3A_75 : vector<64x128xf32>
      %div3A = arith.divf %get3A_70, %max3A_76 : vector<64x128xf32>
      %swap3A_77 = arith.constant 0 : index
      %swap3A_78 = arith.constant 0 : index
      %swap3A_79 = vector.load %arg8[%swap3A_77, %swap3A_78] : memref<64x128xf32, #tpu.memory_space<vmem>>, vector<64x128xf32>
      tpu.vector_store %arg8[%swap3A_77, %swap3A_78], %div3A {strides = array<i32>} : memref<64x128xf32, #tpu.memory_space<vmem>>, vector<64x128xf32>,
    } else {
    }
    return
  }
  func.func @transform_0(%arg0: i32) -> (i32, i32, i32) {
    %c0_i32 = arith.constant 0 : i32
    %c0_i32_0 = arith.constant 0 : i32
    %c0_i32_1 = arith.constant 0 : i32
    return %c0_i32, %arg0, %c0_i32_0 : i32, i32, i32
  }
  func.func @transform_1(%arg0: i32) -> (i32, i32) {
    %c0_i32 = arith.constant 0 : i32
    %c0_i32_0 = arith.constant 0 : i32
    return %arg0, %c0_i32 : i32, i32
  }
  func.func @transform_2(%arg0: i32) -> (i32, i32) {
    %c0_i32 = arith.constant 0 : i32
    %c0_i32_0 = arith.constant 0 : i32
    return %arg0, %c0_i32 : i32, i32
  }
  func.func @transform_3(%arg0: i32) -> (i32, i32) {
    %c0_i32 = arith.constant 0 : i32
    %c0_i32_0 = arith.constant 0 : i32
    %c0_i32_1 = arith.constant 0 : i32
    return %c0_i32, %c0_i32_0 : i32, i32
  }
  func.func @transform_4(%arg0: i32) -> (i32, i32) {
    %c0_i32 = arith.constant 0 : i32
    %c0_i32_0 = arith.constant 0 : i32
    %c0_i32_1 = arith.constant 0 : i32
    return %c0_i32, %c0_i32_0 : i32, i32
  }
  func.func @transform_5(%arg0: i32) -> (i32, i32) {
    %c0_i32 = arith.constant 0 : i32
    %c0_i32_0 = arith.constant 0 : i32
    %c0_i32_1 = arith.constant 0 : i32
    return %c0_i32, %c0_i32_0 : i32, i32
  }
  func.func @transform_6(%arg0: i32) -> (i32, i32, i32) {
    %c0_i32 = arith.constant 0 : i32
    %c0_i32_0 = arith.constant 0 : i32
    %c0_i32_1 = arith.constant 0 : i32
    return %arg0, %c0_i32, %c0_i32_0 : i32, i32, i32
  }
  func.func @transform_7(%arg0: i32) -> (i32, i32) {
    %c0_i32 = arith.constant 0 : i32
    %c0_i32_0 = arith.constant 0 : i32
    %c0_i32_1 = arith.constant 0 : i32
    return %c0_i32, %c0_i32_0 : i32, i32
  }
}

</mosaic_0001>

<sc_bundles>
// kernel: kernel.12.cloned.1.call-start
scs
__scs_entry_jumppad:
0x0: {  	(pc) =	sbr.rel $0x88, $3  }
0x1: {  	(tag) =	ssettag $0x0;
	lr =	simm.s32 $0x1  }
0x2: {  	[smem:$0x3F95] =	sst lr;
	_ =	strace $0xD0000000  }
0x3: {  	_ = 	snop  }
0x4: {  	_ = 	snop  }
0x5: {  	_ = 	snop  }
0x6: {  	_ = 	snop  }
0x7: {  	_ = 	snop  }
__scs_overlays_trampoline_lowered:
0x8: {  	[smem:$0x3FA4] =	sst s0  }
0x9: {  	[smem:$0x3FA5] =	sst s1  }
0xa: {  	[smem:$0x3FA6] =	sst s2  }
0xb: {  	[smem:$0x3FA7] =	sst s3  }
0xc: {  	[smem:$0x3FA8] =	sst s4  }
0xd: {  	[smem:$0x3FA9] =	sst s5  }
0xe: {  	[smem:$0x3FAA] =	sst s6  }
0xf: {  	[smem:$0x3FAB] =	sst s7  }
0x10: {  	[smem:$0x3FAC] =	sst s8  }
0x11: {  	[smem:$0x3FAD] =	sst s9;
	s0 =	simm.s32 @!p0 $0x0  }
0x12: {  	s1 =	sld [smem:$0x3F93];
	s0 =	simm.s32 @p0 $0x1  }
0x13: {  	[smem:$0x3FAE] =	sst s0;
	s0 =	simm.s32 @!p1 $0x0  }
0x14: {  	s2 =	sld [smem:$0x3F92];
	s0 =	simm.s32 @p1 $0x1  }
0x15: {  	[smem:$0x3FAF] =	sst s0;
	s0 =	simm.s32 @!p2 $0x0  }
0x16: {  	s3 =	sld [smem:$0x3FDB];
	s0 =	simm.s32 @p2 $0x1  }
0x17: {  	s4 =	simm.s32 $0x1BF5;
	[smem:$0x3FB1] =	sst s0  }
0x18: {  	s0 =	sld [smem:$0x3F94];
	_ =	swait.ge [sflag:s4], $0x0  }
0x19: {  	s7 =	sld [smem:$0x3F95]  }
0x1a: {  	s8 =	sadd.s32 $0xFFFFE003, lr  }
0x1b: {  	s9 =	sadd.s32 $0xFFFFFEF7, lr;
	s5 =	simm.s32 $0xFFFFFFFF;
	p2 =	slt.u32 s8, $0xFFFFF086  }
0x1c: {  	p1 =	slt.u32 s9, $0xF7A;
	s5 =	simm.s32 @!p2 $0x0  }
0x1d: {  	s5 =	simm.s32 @p1 $0x1;
	p0 =	seq.s32 s7, s2  }
0x1e: {  	s7 =	smul.u32 @!p0 $0xF7A, s2;
	p2 =	seq.s32 @!p0 s5, $0x0  }
0x1f: {  	s9 =	smul.u32 $0xF7A, s1;
	s8 =	simm.s32 @!p0 $0x1BF5;
	p2 =	por !p2, p0  }
0x20: {  	[sflag:s8] =	ssyncset.s32 @!p0 $0xFFFFF086;
	s6 =	sadd.s32 @!p0 s3, s7;
	s7 =	simm.s32 @!p0 $0x108  }
0x21: {  	s3 =	sadd.s32 s3, s9;
	s6 =	sadd.s32 @!p0 $0x88, s6;
	s7 =	simm.s32 @p2 $0x1082  }
0x22: {  	[simem:s7], [sflag:s8] =	dma.local @!p0 [hbm:s6], $0xF7A  }
0x23: {  	s9 =	sor.u32 $0xD0000000, s2;
	s6 =	simm.s32 $0x108;
	_ =	swait.ge @!p0 [sflag:s8], $0x0  }
0x24: {  	s3 =	sadd.s32 $0x88, s3;
	s6 =	simm.s32 @!p1 $0x1082;
	[sflag:s4] =	ssyncset.s32 $0xFFFFF086  }
0x25: {  	[simem:s6], [sflag:s4] =	dma.local [hbm:s3], $0xF7A  }
0x26: {  	[smem:$0x3F95] =	sst s1;
	(tag) =	ssettag s2;
	_ =	strace s9  }
0x27: {  	s1 =	sld [smem:$0x3FA5]  }
0x28: {  	s2 =	sld [smem:$0x3FA6]  }
0x29: {  	s4 =	sld [smem:$0x3FA8]  }
0x2a: {  	p0 =	seq.s32 s5, $0x0;
	s5 =	sld [smem:$0x3FA9]  }
0x2b: {  	s6 =	sld [smem:$0x3FAA]  }
0x2c: {  	s7 =	sld [smem:$0x3FAB]  }
0x2d: {  	s3 =	simm.s32 $0x108;
	s8 =	sld [smem:$0x3FAC]  }
0x2e: {  	s3 =	simm.s32 @!p0 $0x1082;
	s9 =	sld [smem:$0x3FAD]  }
0x2f: {  	lr =	sadd.s32 s0, s3;
	s0 =	sld [smem:$0x3FA4]  }
0x30: {  	s3 =	sld [smem:$0x3FA7]  }
0x31: {  	[smem:$0x3FB0] =	sst s10  }
0x32: {  	s10 =	sld [smem:$0x3FAE];
	_ =	sdelay $0x3  }
0x33: {  	p0 =	seq.s32 s10, $0x1;
	s10 =	sld [smem:$0x3FB0];
	_ =	sdelay $0x3  }
0x34: {  	[smem:$0x3FB0] =	sst s10  }
0x35: {  	s10 =	sld [smem:$0x3FAF];
	_ =	sdelay $0x3  }
0x36: {  	p1 =	seq.s32 s10, $0x1;
	s10 =	sld [smem:$0x3FB0];
	_ =	sdelay $0x3  }
0x37: {  	[smem:$0x3FB0] =	sst s10  }
0x38: {  	s10 =	sld [smem:$0x3FB1]  }
0x39: {  	_ = 	snop;
	(pc) =	sbr.ind lr, $3  }
0x3a: {  	_ = 	snop  }
0x3b: {  	_ = 	snop  }
0x3c: {  	p2 =	seq.s32 s10, $0x1;
	s10 =	sld [smem:$0x3FB0]  }
0x3d: {  	_ =	shalt  }
0x3e: {  	_ =	shalt  }
0x3f: {  	_ =	shalt  }
0x40: {  	_ =	shalt  }
0x41: {  	_ =	shalt  }
0x42: {  	_ =	shalt  }
0x43: {  	_ =	shalt  }
0x44: {  	_ =	shalt  }
0x45: {  	_ =	shalt  }
0x46: {  	_ =	shalt  }
0x47: {  	_ =	shalt  }
0x48: {  	_ =	shalt  }
0x49: {  	_ =	shalt  }
0x4a: {  	_ =	shalt  }
0x4b: {  	_ =	shalt  }
0x4c: {  	_ =	shalt  }
0x4d: {  	_ =	shalt  }
0x4e: {  	_ =	shalt  }
0x4f: {  	_ =	shalt  }
0x50: {  	_ =	shalt  }
0x51: {  	_ =	shalt  }
0x52: {  	_ =	shalt  }
0x53: {  	_ =	shalt  }
0x54: {  	_ =	shalt  }
0x55: {  	_ =	shalt  }
0x56: {  	_ =	shalt  }
0x57: {  	_ =	shalt  }
0x58: {  	_ =	shalt  }
0x59: {  	_ =	shalt  }
0x5a: {  	_ =	shalt  }
0x5b: {  	_ =	shalt  }
0x5c: {  	_ =	shalt  }
0x5d: {  	_ =	shalt  }
0x5e: {  	_ =	shalt  }
0x5f: {  	_ =	shalt  }
0x60: {  	_ =	shalt  }
0x61: {  	_ =	shalt  }
0x62: {  	_ =	shalt  }
0x63: {  	_ =	shalt  }
0x64: {  	_ =	shalt  }
0x65: {  	_ =	shalt  }
0x66: {  	_ =	shalt  }
0x67: {  	_ =	shalt  }
0x68: {  	_ =	shalt  }
0x69: {  	_ =	shalt  }
0x6a: {  	_ =	shalt  }
0x6b: {  	_ =	shalt  }
0x6c: {  	_ =	shalt  }
0x6d: {  	_ =	shalt  }
0x6e: {  	_ =	shalt  }
0x6f: {  	_ =	shalt  }
0x70: {  	_ =	shalt  }
0x71: {  	_ =	shalt  }
0x72: {  	_ =	shalt  }
0x73: {  	_ =	shalt  }
0x74: {  	_ =	shalt  }
0x75: {  	_ =	shalt  }
0x76: {  	_ =	shalt  }
0x77: {  	_ =	shalt  }
0x78: {  	_ =	shalt  }
0x79: {  	_ =	shalt  }
0x7a: {  	_ =	shalt  }
0x7b: {  	_ =	shalt  }
0x7c: {  	_ =	shalt  }
0x7d: {  	_ =	shalt  }
0x7e: {  	_ =	shalt  }
0x7f: {  	_ =	shalt  }
0x80: {  	_ =	shalt  }
0x81: {  	_ =	shalt  }
0x82: {  	_ =	shalt  }
0x83: {  	_ =	shalt  }
0x84: {  	_ =	shalt  }
0x85: {  	_ =	shalt  }
0x86: {  	_ =	shalt  }
0x87: {  	_ =	shalt  }
.Lfunc_end0:
.L_simem_size_0:
called_computation.1_lowered:
.L_overlay_start_0:
0x88: {  	s2 =	sld [smem:$0x3FD9]  }
0x89: {  	s3 =	sld [smem:$0x3FFE];
	_ =	sdelay $0x1  }
0x8a: {  	s1 =	srdreg.scid  }
0x8b: {  	s0 =	sand.u32 $0x1, s1  }
0x8c: {  	s16 =	sshll.u32 s0, $0xA;
	s2 =	sadd.s32 s3, s2  }
0x8d: {  	s2 =	sadd.s32 s2, s16  }
0x8e: {  	[smem:$0x3FBC] =	sst s2  }
0x8f: {  	_ = 	snop  }
0x90: {  	(tm) =	ssettm $0x1  }
0x91: {  	s17 =	sld [smem:$0x3FFB];
	_ =	sdelay $0x3  }
0x92: {  	_ =	strace s17  }
0x93: {  	s2 =	sld [smem:$0x3FFC];
	_ =	sdelay $0x3  }
0x94: {  	_ =	strace s2  }
0x95: {  	s2 =	sld [smem:$0x3FFD];
	_ =	sdelay $0x3  }
0x96: {  	_ =	strace s2  }
0x97: {  	_ =	strace $0x8FFFFFFF  }
0x98: {  	s18 =	sld [smem:$0x3FDB];
	_ =	sdelay $0x1  }
0x99: {  	s19 =	simm.s32 $_scs_section_size  }
0x9a: {  	s4 =	simm.s32 $_size__tile_overlayer_lowered;
	s5 =	simm.s32 $_tile_overlayer_lowered  }
0x9b: {  	s22 =	simm.s32 $0x1BFF;
	s21 =	sshll.u32 s5, $0x1;
	s2 =	sadd.s32 s19, s18  }
0x9c: {  	s6 =	simm.s32 $0x0;
	s20 =	sshll.u32 s4, $0x1;
	s4 =	sadd.s32 s21, s2  }
0x9d: {  	[timem:s6], [sflag:s22] =	dma.local [hbm:s4], s20  }
0x9e: {  	_ =	swait.ge [sflag:s22], s20  }
0x9f: {  	s3 =	ssub.s32 $0x0, s20;
	[sflag:s22] =	ssyncset.done $0x0  }
0xa0: {  	[sflag:s22] =	ssyncadd.s32 s3;
	_ =	sdelay $0x1  }
0xa1: {  	s23 =	simm.s32 $0x1B8B  }
0xa2: {  	_ =	swait.ge [sflag:s23], $0x1  }
0xa3: {  	[sflag:s23] =	ssyncset.done $0x0  }
0xa4: {  	s25 =	simm.s32 $0x1B8E;
	s24 =	sld [smem:$0x3FFE];
	[sflag:s23] =	ssyncadd.s32 $0xFFFFFFFF  }
0xa5: {  	s26 =	simm.s32 $execute0_lowered;
	[smem:$0x3FD2] =	sst s25  }
0xa6: {  	s4 =	sshll.u32 s26, $0x1;
	_ =	strace $0x80000049;
	[dreg:$0x1] =	wrdreg $0xFFFFFFFF  }
0xa7: {  	s28 =	simm.s32 $_size_execute0_lowered;
	s2 =	sadd.s32 s2, s4;
	[dreg:$0x0] =	wrdreg $0x0  }
0xa8: {  	s4 =	sshll.u32 s28, $0x1;
	[dreg:$0x2] =	wrdreg s2  }
0xa9: {  	[dreg:$0x3] =	wrdreg s4  }
0xaa: {  	[dreg:$0x4] =	wrdreg $0xC0  }
0xab: {  	_ =	task [dreg:s6], $0x5FFFF  }
0xac: {  	[dreg:$0x1] =	wrdreg $0xFFFFFFFF  }
0xad: {  	[dreg:$0x0] =	wrdreg $0x60  }
0xae: {  	[dreg:$0x2] =	wrdreg s24  }
0xaf: {  	[dreg:$0x3] =	wrdreg $0x84000  }
0xb0: {  	[dreg:$0x4] =	wrdreg $0x9  }
0xb1: {  	_ =	task.clear_ibuf [dreg:s6], $0x5FFFF;
	_ =	strace $0x90000049  }
0xb2: {  	s29 =	simm.s32 $0x9;
	_ =	strace $0x8000004B  }
0xb3: {  	_ =	swait.ge [sflag:s29], $0x1  }
0xb4: {  	[sflag:s29] =	ssyncadd.s32 $0xFFFFFFFF  }
0xb5: {  	_ =	strace $0x9000004B  }
0xb6: {  	_ =	sfence  }
0xb7: {  	s30 =	sld [smem:$0x0];
	_ =	sdelay $0x2  }
0xb8: {  	s31 =	sshll.u32 s1, $0xD;
	s1 =	sshrl.u32 s1, $0x2  }
0xb9: {  	s3 =	sand.u32 $0x4000, s31;
	s1 =	sadd.s32 s1, s30  }
0xba: {  	s0 =	sor.u32 s3, s0;
	s1 =	sshll.u32 s1, $0x11  }
0xbb: {  	s0 =	sor.u32 s1, s0  }
0xbc: {  	s0 =	sadd.s32 $0x8F2B, s0  }
0xbd: {  	[sflag:s0] =	ssyncadd.remote.s32 $0x1  }
0xbe: {  	_ =	sfence.sel $0xFFFF  }
0xbf: {  	[dreg:$0x0] =	wrdreg $0xFFFFFFFF;
	(pc) =	sbr.abs _section_cstart, $3  }
0xc0: {  	[dreg:$0x1] =	wrdreg $0xFFFFFFFF  }
0xc1: {  	_ =	task.clear_ibuf [dreg:s6], $0x2FFFF;
	_ =	strace $0x9FFFFFFF  }
0xc2: {  	(tm) =	ssettm $0x7FFFFFFF  }
0xc3: {  	_ =	shalt  }
tec
execute0_lowered:
.L_overlay_start_1:
0x0: {  	(tag) =	ssettag $0x1  }
0x1: {  	s0 =	rddreg [dreg:$0x0]  }
0x2: {  	s1 =	rddreg [dreg:$0x1]  }
0x3: {  	s2 =	srdreg.scid;
	s3 =	simm.s32 $0x0;
	s11 =	stileid.u32  }
0x4: {  	s20 =	simm.s32 $0x80;
	s28 =	simm.s32 $0x4;
	s29 =	simm.s32 $0x3  }
0x5: {  	s30 =	simm.s32 $0x7D;
	s31 =	simm.s32 $0x400;
	s19 =	simm.s32 $0x2  }
0x6: {  	s2 =	sand.u32 $0x1, s2;
	[smem:$0x7FF] =	sst s3;
	s21 =	smul.u32 $0x4E000, s11  }
0x7: {  	s25 =	sshll.u32 s11, $0x6;
	s16 =	sadd.s32 $0x138000, s1;
	s26 =	smul.u32 $0x2700, s11  }
0x8: {  	s4 =	sshll.u32 s2, $0x4;
	s6 =	smul.u32 $0x27100, s2;
	s2 =	ssub.s32 $0x2, s2  }
0x9: {  	p0 =	sne.s32 s11, $0xF;
	s4 =	sor.u32 s11, s4;
	s7 =	sshrl.u32 s2, $0x1  }
0xa: {  	_ =	strace $0x8000004A;
	s5 =	smul.u32 $0x500, s4;
	s2 =	ssub.s32 s2, s7  }
0xb: {  	s15 =	sor.u32 $0x1C04, s25;
	s4 =	sadd.s32 $0x19200, s0;
	s18 =	smax.u32 s2, $0x1  }
0xc: {  	s2 =	simm.s32 $0x1;
	s8 =	sadd.s32 s5, s0;
	s5 =	sadd.s32 $0x16A00, s0  }
0xd: {  	s0 =	sadd.s32 s6, s0;
	s6 =	sadd.s32 $0xCA00, s8;
	s9 =	sadd.s32 $0xCA10, s8  }
0xe: {  	s7 =	sadd.s32 $0x2A00, s8;
	s10 =	sadd.s32 $0x2A10, s8;
	[dreg:$0x3] =	wrdreg s9  }
.Ltmp0:
0xf: {  	s22 =	sadd.s32 $0xCA20, s8;
	[dreg:$0x4] =	wrdreg s10;
	(pc) =	sbr.rel .LBB2_1-.Ltmp0, $4  }
0x10: {  	s23 =	sadd.s32 $0x2A20, s8;
	s24 =	sadd.s32 $0xCA30, s8;
	[dreg:$0x5] =	wrdreg s22  }
0x11: {  	s13 =	sadd.s32 $0x2A30, s8;
	s17 =	sadd.s32 $0x40400, s0;
	[dreg:$0x6] =	wrdreg s23  }
0x12: {  	s0 =	simm.s32 $0x4400;
	[dreg:$0x7] =	wrdreg s24;
	s9 =	sshrl.u32 s21, $0x2  }
0x13: {  	s25 =	sadd.s32 s26, s17;
	s21 =	simm.s32 $0x0;
	s14 =	sadd.s32 s9, s1  }
.LBB2_7:
0x14: {  	[bflag:$0x0] =	sbarrier.arrive $0xFFFF  }
0x15: {  	[hbm:s25], [sflag:s15] =	dma.local [spmem:s22], $0x2700  }
0x16: {  	_ =	swait.ge [sflag:s28], $0x2700  }
0x17: {  	s21 =	sadd.s32 $0x1, s21;
	[sflag:s28] =	ssyncset.done $0x0  }
0x18: {  	s8 =	sadd.s32 @!p0 $0x27000, s17;
	p1 =	sne.s32 s21, s18;
	[sflag:s28] =	ssyncadd.s32 $0xFFFFD900  }
0x19: {  	[hbm:s8], [sflag:s15] =	dma.local @!p0 [spmem:s23], $0x100  }
.Ltmp1:
0x1a: {  	_ = 	snop;
	(pc) =	sbr.rel @!p1 .LBB2_8-.Ltmp1, $4  }
0x1b: {  	s8 =	simm.s32 @!p0 $0x4  }
0x1c: {  	_ =	swait.ge @!p0 [sflag:s8], $0x100  }
0x1d: {  	[sflag:s8] =	ssyncset.done @!p0 $0x0  }
0x1e: {  	[sflag:s8] =	ssyncadd.s32 @!p0 $0xFFFFFF00  }
.LBB2_1:
0x1f: {  	[tilespmem:s3], [sflag:$0x3] =	stream.linear.gather [hbm4b:s6+s3], $0x80, $0x38;
	[tilespmem:$0x1BC80] =	vst v63  }
0x20: {  	s8 =	simm.s32 $0x200  }
0x21: {  	[tilespmem:s8], [sflag:$0x3] =	stream.linear.gather [hbm4b:s7+s3], $0x80, $0x38;
	[tilespmem:$0x1BC80] =	vst v63  }
0x22: {  	s24 =	rddreg [dreg:$0x3]  }
0x23: {  	[tilespmem:s20], [sflag:$0x3] =	stream.linear.gather [hbm4b:s24+s3], $0x80, $0x38;
	[tilespmem:$0x1BC80] =	vst v63  }
0x24: {  	s26 =	rddreg [dreg:$0x4];
	s9 =	simm.s32 $0x280  }
0x25: {  	[tilespmem:s9], [sflag:$0x3] =	stream.linear.gather [hbm4b:s26+s3], $0x80, $0x38;
	[tilespmem:$0x1BC80] =	vst v63  }
0x26: {  	s10 =	rddreg [dreg:$0x5];
	s11 =	simm.s32 $0x100  }
0x27: {  	[tilespmem:s11], [sflag:$0x3] =	stream.linear.gather [hbm4b:s10+s3], $0x80, $0x38;
	[tilespmem:$0x1BC80] =	vst v63  }
0x28: {  	s12 =	rddreg [dreg:$0x6];
	s22 =	simm.s32 $0x300  }
0x29: {  	[tilespmem:s22], [sflag:$0x3] =	stream.linear.gather [hbm4b:s12+s3], $0x80, $0x38;
	[tilespmem:$0x1BC80] =	vst v63  }
0x2a: {  	s23 =	rddreg [dreg:$0x7];
	s24 =	simm.s32 $0x180  }
0x2b: {  	[tilespmem:s24], [sflag:$0x3] =	stream.linear.gather [hbm4b:s23+s3], $0x80, $0x38;
	[tilespmem:$0x1BC80] =	vst v63  }
0x2c: {  	s26 =	simm.s32 $0x380;
	s22 =	sshrl.u32 s14, $0x3  }
0x2d: {  	[tilespmem:s26], [sflag:$0x3] =	stream.linear.gather [hbm4b:s13+s3], $0x80, $0x38;
	[tilespmem:$0x1BC80] =	vst v63  }
0x2e: {  	[spmem:s22], [sflag:s15] =	dma.local [hbm:s5], $0x2700  }
0x2f: {  	_ =	swait.ge [sflag:s28], $0x2700  }
0x30: {  	[sflag:s28] =	ssyncset.done $0x0  }
0x31: {  	s8 =	simm.s32 @!p0 $0x4;
	s23 =	sshrl.u32 @!p0 s16, $0x3;
	[sflag:s28] =	ssyncadd.s32 $0xFFFFD900  }
0x32: {  	[spmem:s23], [sflag:s15] =	dma.local @!p0 [hbm:s5], $0x100  }
0x33: {  	_ =	swait.ge @!p0 [sflag:s8], $0x100  }
0x34: {  	[sflag:s8] =	ssyncset.done @!p0 $0x0  }
0x35: {  	[sflag:s8] =	ssyncadd.s32 @!p0 $0xFFFFFF00  }
0x36: {  	_ =	swait.ge [sflag:s29], $0x80  }
0x37: {  	[sflag:s29] =	ssyncset.done $0x0  }
0x38: {  	[sflag:s29] =	ssyncadd.s32 $0xFFFFFF80  }
0x39: {  	_ =	swait.ge [sflag:s29], $0x80  }
0x3a: {  	[sflag:s29] =	ssyncset.done $0x0  }
0x3b: {  	[sflag:s29] =	ssyncadd.s32 $0xFFFFFF80  }
0x3c: {  	[tilespmem:s31], [sflag:$0x1] =	stream.indirect.gather [hbm4b:s4+s30], $0x80, s3, s30, $0xb8;
	[tilespmem:$0x1BC80] =	vst v63  }
0x3d: {  	_ =	swait.ge [sflag:s29], $0x80  }
0x3e: {  	[sflag:s29] =	ssyncset.done $0x0  }
0x3f: {  	[sflag:s29] =	ssyncadd.s32 $0xFFFFFF80  }
0x40: {  	_ =	swait.ge [sflag:s29], $0x80  }
.Ltmp2:
0x41: {  	[sflag:s29] =	ssyncset.done $0x0;
	(pc) =	sbr.rel .LBB2_2-.Ltmp2, $4  }
0x42: {  	[sflag:s29] =	ssyncadd.s32 $0xFFFFFF80  }
0x43: {  	[tilespmem:s0], [sflag:$0x1] =	stream.indirect.gather [hbm4b:s4+s30], $0x80, s20, s30, $0xb8;
	[tilespmem:$0x1BC80] =	vst v63  }
0x44: {  	[bflag:$0x0] =	sbarrier.arrive $0xFFFF  }
0x45: {  	s24 =	simm.s32 $0x180;
	s26 =	simm.s32 $0x0;
	s8 =	simm.s32 $0x0  }
.LBB2_3:
0x46: {  	s12 =	sadd.s32 s26, s6  }
0x47: {  	s12 =	sadd.s32 $0x40, s12  }
0x48: {  	[tilespmem:s10], [sflag:$0x3] =	stream.linear.gather [hbm4b:s12+s3], $0x80, $0x38;
	[tilespmem:$0x1BC80] =	vst v63  }
0x49: {  	s12 =	sadd.s32 s26, s7  }
0x4a: {  	s12 =	sadd.s32 $0x40, s12  }
0x4b: {  	[tilespmem:s11], [sflag:$0x3] =	stream.linear.gather [hbm4b:s12+s3], $0x80, $0x38;
	[tilespmem:$0x1BC80] =	vst v63  }
.LBB2_4:
0x4c: {  	_ =	swait.ge [sflag:s29], $0x80  }
0x4d: {  	[sflag:s29] =	ssyncset.done $0x0  }
0x4e: {  	[sflag:s29] =	ssyncadd.s32 $0xFFFFFF80  }
0x4f: {  	_ =	swait.ge [sflag:s29], $0x80  }
0x50: {  	[sflag:s29] =	ssyncset.done $0x0  }
0x51: {  	s11 =	sxor.u32 $0x100, s10;
	[sflag:s29] =	ssyncadd.s32 $0xFFFFFF80  }
0x52: {  	[tilespmem:s31], [sflag:$0x1] =	stream.indirect.gather [hbm4b:s4+s30], $0x80, s11, s30, $0xb8;
	[tilespmem:$0x1BC80] =	vst v63  }
0x53: {  	_ =	swait.ge [sflag:s19], $0x3E80  }
0x54: {  	s10 =	sor.u32 $0x80, s10;
	s11 =	sadd.s32 @!p1 s26, s6;
	[sflag:s19] =	ssyncset.done $0x0  }
0x55: {  	s12 =	simm.s32 @!p1 $0x0;
	s11 =	sadd.s32 @!p1 $0x50, s11;
	[sflag:s19] =	ssyncadd.s32 $0xFFFFC180  }
0x56: {  	[tilespmem:s10], [sflag:$0x3] =	stream.linear.gather @!p1 [hbm4b:s11+s12], $0x80, $0x38;
	[tilespmem:$0x1BC80] =	vst v63  }
0x57: {  	s10 =	sadd.s32 @!p1 s26, s7  }
0x58: {  	s10 =	sadd.s32 @!p1 $0x50, s10  }
0x59: {  	[tilespmem:s9], [sflag:$0x3] =	stream.linear.gather @!p1 [hbm4b:s10+s12], $0x80, $0x38;
	[tilespmem:$0x1BC80] =	vst v63  }
0x5a: {  	s26 =	sadd.s32 $0x20, s26;
	_ =	swait.ge [sflag:s29], $0x80  }
0x5b: {  	p1 =	sne.s32 s26, $0x500;
	[sflag:s29] =	ssyncset.done $0x0  }
.Ltmp3:
0x5c: {  	[sflag:s29] =	ssyncadd.s32 $0xFFFFFF80;
	(pc) =	sbr.rel @!p1 .LBB2_7-.Ltmp3, $4  }
0x5d: {  	_ =	swait.ge [sflag:s29], $0x80  }
0x5e: {  	s8 =	sadd.s32 $0x1, s8;
	[sflag:s29] =	ssyncset.done $0x0  }
0x5f: {  	s12 =	sand.u32 $0x180, s24;
	s24 =	sadd.s32 $0x100, s24;
	[sflag:s29] =	ssyncadd.s32 $0xFFFFFF80  }
0x60: {  	[tilespmem:s0], [sflag:$0x1] =	stream.indirect.gather [hbm4b:s4+s30], $0x80, s12, s30, $0xb8;
	[tilespmem:$0x1BC80] =	vst v63  }
.LBB2_2:
0x61: {  	_ =	swait.ge [sflag:s2], $0x3E80;
	s9 =	sadd.s32 $0xFFFFFE80, s24  }
0x62: {  	[sflag:s2] =	ssyncset.done $0x0;
	s10 =	sand.u32 $0x100, s9  }
0x63: {  	[sflag:s2] =	ssyncadd.s32 $0xFFFFC180;
	s11 =	sor.u32 $0x200, s10  }
0x64: {  	[spmem:s1] =	stream.indirect.scatter.add.f32 [tilespmem:s31], [sflag:$0x2], $0x80, s11, s30, $0xb8;
	[tilespmem:$0x1BC80] =	vst v63  }
0x65: {  	_ =	swait.ge [sflag:s2], $0x3E80  }
0x66: {  	p1 =	sgt.u32 s8, $0x25;
	[sflag:s2] =	ssyncset.done $0x0  }
.Ltmp4:
0x67: {  	s9 =	sor.u32 $0x280, s10;
	[sflag:s2] =	ssyncadd.s32 $0xFFFFC180;
	(pc) =	sbr.rel @!p1 .LBB2_3-.Ltmp4, $4  }
0x68: {  	[spmem:s1] =	stream.indirect.scatter.add.f32 [tilespmem:s0], [sflag:$0x2], $0x80, s9, s30, $0xb8;
	[tilespmem:$0x1BC80] =	vst v63  }
0x69: {  	_ =	swait.ge [sflag:s19], $0x3E80  }
0x6a: {  	[sflag:s19] =	ssyncset.done $0x0  }
0x6b: {  	[sflag:s19] =	ssyncadd.s32 $0xFFFFC180  }
0x6c: {  	p2 =	sne.s32 s26, $0x4E0  }
.Ltmp5:
0x6d: {  	_ = 	snop;
	(pc) =	sbr.rel @p2 .LBB2_4-.Ltmp5, $1  }
0x6e: {  	_ =	sdelay $0x3  }
.Ltmp6:
0x6f: {  	(pc) =	sbr.rel .LBB2_7-.Ltmp6, $4  }
0x70: {  	_ = 	snop  }
0x71: {  	_ =	swait.ge [sflag:s19], $0x3E80  }
0x72: {  	[sflag:s19] =	ssyncset.done $0x0  }
0x73: {  	[sflag:s19] =	ssyncadd.s32 $0xFFFFC180  }
.LBB2_8:
0x74: {  	_ =	sfence.sel $0x180000  }
0x75: {  	[bflag:$0x0] =	sbarrier.arrive $0xFFFF  }
0x76: {  	_ =	strace $0x9000004A  }
0x77: {  	s0 =	stileid.u32;
	[bflag:$0x2] =	sbarrier.arrive $0xFFFF  }
0x78: {  	p0 =	sne.s32 s0, $0x0;
	s0 =	rddreg [dreg:$0x2]  }
0x79: {  	s0 =	sadd.s32 @!p0 $0x100000, s0  }
0x7a: {  	[sflag:s0] =	ssyncadd.tile.s32 @!p0 $0x1;
	_ =	shalt  }
.Lfunc_end2:
_tile_overlayer_lowered:
.L_overlay_start_2:
0x7b: {  	(tag) =	ssettag $0x2  }
0x7c: {  	s0 =	rddreg [dreg:$0x0];
	s2 =	stileid.u32  }
0x7d: {  	s1 =	rddreg [dreg:$0x1];
	p0 =	sne.s32 s2, $0x0  }
0x7e: {  	s3 =	rddreg [dreg:$0x2];
	[bflag:$0x3] =	sbarrier.arrive $0xFFFF;
	s2 =	simm.s32 @!p0 $0x1C04  }
0x7f: {  	[timem:s3], [sflag:s2] =	dma.local @!p0 [hbm:s0], s1  }
0x80: {  	s0 =	simm.s32 @!p0 $0x4  }
0x81: {  	_ =	swait.ge @!p0 [sflag:s0], s1  }
0x82: {  	s1 =	ssub.s32 @!p0 $0x0, s1;
	[sflag:s0] =	ssyncset.done @!p0 $0x0  }
0x83: {  	[sflag:s0] =	ssyncadd.s32 @!p0 s1  }
0x84: {  	[bflag:$0x3] =	sbarrier.arrive $0xFFFF  }
0x85: {  	_ =	shalt  }

// kernel: kernel.15.cloned.1.call-start
scs
__scs_entry_jumppad:
0x0: {  	(pc) =	sbr.rel $0x88, $3  }
0x1: {  	(tag) =	ssettag $0x0;
	lr =	simm.s32 $0x1  }
0x2: {  	[smem:$0x3F95] =	sst lr;
	_ =	strace $0xD0000000  }
0x3: {  	_ = 	snop  }
0x4: {  	_ = 	snop  }
0x5: {  	_ = 	snop  }
0x6: {  	_ = 	snop  }
0x7: {  	_ = 	snop  }
__scs_overlays_trampoline_lowered:
0x8: {  	[smem:$0x3FA4] =	sst s0  }
0x9: {  	[smem:$0x3FA5] =	sst s1  }
0xa: {  	[smem:$0x3FA6] =	sst s2  }
0xb: {  	[smem:$0x3FA7] =	sst s3  }
0xc: {  	[smem:$0x3FA8] =	sst s4  }
0xd: {  	[smem:$0x3FA9] =	sst s5  }
0xe: {  	[smem:$0x3FAA] =	sst s6  }
0xf: {  	[smem:$0x3FAB] =	sst s7  }
0x10: {  	[smem:$0x3FAC] =	sst s8  }
0x11: {  	[smem:$0x3FAD] =	sst s9;
	s0 =	simm.s32 @!p0 $0x0  }
0x12: {  	s1 =	sld [smem:$0x3F93];
	s0 =	simm.s32 @p0 $0x1  }
0x13: {  	[smem:$0x3FAE] =	sst s0;
	s0 =	simm.s32 @!p1 $0x0  }
0x14: {  	s2 =	sld [smem:$0x3F92];
	s0 =	simm.s32 @p1 $0x1  }
0x15: {  	[smem:$0x3FAF] =	sst s0;
	s0 =	simm.s32 @!p2 $0x0  }
0x16: {  	s3 =	sld [smem:$0x3FDB];
	s0 =	simm.s32 @p2 $0x1  }
0x17: {  	s4 =	simm.s32 $0x1BF5;
	[smem:$0x3FB1] =	sst s0  }
0x18: {  	s0 =	sld [smem:$0x3F94];
	_ =	swait.ge [sflag:s4], $0x0  }
0x19: {  	s7 =	sld [smem:$0x3F95]  }
0x1a: {  	s8 =	sadd.s32 $0xFFFFE003, lr  }
0x1b: {  	s9 =	sadd.s32 $0xFFFFFEF7, lr;
	s5 =	simm.s32 $0xFFFFFFFF;
	p2 =	slt.u32 s8, $0xFFFFF086  }
0x1c: {  	p1 =	slt.u32 s9, $0xF7A;
	s5 =	simm.s32 @!p2 $0x0  }
0x1d: {  	s5 =	simm.s32 @p1 $0x1;
	p0 =	seq.s32 s7, s2  }
0x1e: {  	s7 =	smul.u32 @!p0 $0xF7A, s2;
	p2 =	seq.s32 @!p0 s5, $0x0  }
0x1f: {  	s9 =	smul.u32 $0xF7A, s1;
	s8 =	simm.s32 @!p0 $0x1BF5;
	p2 =	por !p2, p0  }
0x20: {  	[sflag:s8] =	ssyncset.s32 @!p0 $0xFFFFF086;
	s6 =	sadd.s32 @!p0 s3, s7;
	s7 =	simm.s32 @!p0 $0x108  }
0x21: {  	s3 =	sadd.s32 s3, s9;
	s6 =	sadd.s32 @!p0 $0x88, s6;
	s7 =	simm.s32 @p2 $0x1082  }
0x22: {  	[simem:s7], [sflag:s8] =	dma.local @!p0 [hbm:s6], $0xF7A  }
0x23: {  	s9 =	sor.u32 $0xD0000000, s2;
	s6 =	simm.s32 $0x108;
	_ =	swait.ge @!p0 [sflag:s8], $0x0  }
0x24: {  	s3 =	sadd.s32 $0x88, s3;
	s6 =	simm.s32 @!p1 $0x1082;
	[sflag:s4] =	ssyncset.s32 $0xFFFFF086  }
0x25: {  	[simem:s6], [sflag:s4] =	dma.local [hbm:s3], $0xF7A  }
0x26: {  	[smem:$0x3F95] =	sst s1;
	(tag) =	ssettag s2;
	_ =	strace s9  }
0x27: {  	s1 =	sld [smem:$0x3FA5]  }
0x28: {  	s2 =	sld [smem:$0x3FA6]  }
0x29: {  	s4 =	sld [smem:$0x3FA8]  }
0x2a: {  	p0 =	seq.s32 s5, $0x0;
	s5 =	sld [smem:$0x3FA9]  }
0x2b: {  	s6 =	sld [smem:$0x3FAA]  }
0x2c: {  	s7 =	sld [smem:$0x3FAB]  }
0x2d: {  	s3 =	simm.s32 $0x108;
	s8 =	sld [smem:$0x3FAC]  }
0x2e: {  	s3 =	simm.s32 @!p0 $0x1082;
	s9 =	sld [smem:$0x3FAD]  }
0x2f: {  	lr =	sadd.s32 s0, s3;
	s0 =	sld [smem:$0x3FA4]  }
0x30: {  	s3 =	sld [smem:$0x3FA7]  }
0x31: {  	[smem:$0x3FB0] =	sst s10  }
0x32: {  	s10 =	sld [smem:$0x3FAE];
	_ =	sdelay $0x3  }
0x33: {  	p0 =	seq.s32 s10, $0x1;
	s10 =	sld [smem:$0x3FB0];
	_ =	sdelay $0x3  }
0x34: {  	[smem:$0x3FB0] =	sst s10  }
0x35: {  	s10 =	sld [smem:$0x3FAF];
	_ =	sdelay $0x3  }
0x36: {  	p1 =	seq.s32 s10, $0x1;
	s10 =	sld [smem:$0x3FB0];
	_ =	sdelay $0x3  }
0x37: {  	[smem:$0x3FB0] =	sst s10  }
0x38: {  	s10 =	sld [smem:$0x3FB1]  }
0x39: {  	_ = 	snop;
	(pc) =	sbr.ind lr, $3  }
0x3a: {  	_ = 	snop  }
0x3b: {  	_ = 	snop  }
0x3c: {  	p2 =	seq.s32 s10, $0x1;
	s10 =	sld [smem:$0x3FB0]  }
0x3d: {  	_ =	shalt  }
0x3e: {  	_ =	shalt  }
0x3f: {  	_ =	shalt  }
0x40: {  	_ =	shalt  }
0x41: {  	_ =	shalt  }
0x42: {  	_ =	shalt  }
0x43: {  	_ =	shalt  }
0x44: {  	_ =	shalt  }
0x45: {  	_ =	shalt  }
0x46: {  	_ =	shalt  }
0x47: {  	_ =	shalt  }
0x48: {  	_ =	shalt  }
0x49: {  	_ =	shalt  }
0x4a: {  	_ =	shalt  }
0x4b: {  	_ =	shalt  }
0x4c: {  	_ =	shalt  }
0x4d: {  	_ =	shalt  }
0x4e: {  	_ =	shalt  }
0x4f: {  	_ =	shalt  }
0x50: {  	_ =	shalt  }
0x51: {  	_ =	shalt  }
0x52: {  	_ =	shalt  }
0x53: {  	_ =	shalt  }
0x54: {  	_ =	shalt  }
0x55: {  	_ =	shalt  }
0x56: {  	_ =	shalt  }
0x57: {  	_ =	shalt  }
0x58: {  	_ =	shalt  }
0x59: {  	_ =	shalt  }
0x5a: {  	_ =	shalt  }
0x5b: {  	_ =	shalt  }
0x5c: {  	_ =	shalt  }
0x5d: {  	_ =	shalt  }
0x5e: {  	_ =	shalt  }
0x5f: {  	_ =	shalt  }
0x60: {  	_ =	shalt  }
0x61: {  	_ =	shalt  }
0x62: {  	_ =	shalt  }
0x63: {  	_ =	shalt  }
0x64: {  	_ =	shalt  }
0x65: {  	_ =	shalt  }
0x66: {  	_ =	shalt  }
0x67: {  	_ =	shalt  }
0x68: {  	_ =	shalt  }
0x69: {  	_ =	shalt  }
0x6a: {  	_ =	shalt  }
0x6b: {  	_ =	shalt  }
0x6c: {  	_ =	shalt  }
0x6d: {  	_ =	shalt  }
0x6e: {  	_ =	shalt  }
0x6f: {  	_ =	shalt  }
0x70: {  	_ =	shalt  }
0x71: {  	_ =	shalt  }
0x72: {  	_ =	shalt  }
0x73: {  	_ =	shalt  }
0x74: {  	_ =	shalt  }
0x75: {  	_ =	shalt  }
0x76: {  	_ =	shalt  }
0x77: {  	_ =	shalt  }
0x78: {  	_ =	shalt  }
0x79: {  	_ =	shalt  }
0x7a: {  	_ =	shalt  }
0x7b: {  	_ =	shalt  }
0x7c: {  	_ =	shalt  }
0x7d: {  	_ =	shalt  }
0x7e: {  	_ =	shalt  }
0x7f: {  	_ =	shalt  }
0x80: {  	_ =	shalt  }
0x81: {  	_ =	shalt  }
0x82: {  	_ =	shalt  }
0x83: {  	_ =	shalt  }
0x84: {  	_ =	shalt  }
0x85: {  	_ =	shalt  }
0x86: {  	_ =	shalt  }
0x87: {  	_ =	shalt  }
.Lfunc_end0:
.L_simem_size_0:
called_computation.2_lowered:
.L_overlay_start_0:
0x88: {  	s2 =	sld [smem:$0x3FD9]  }
0x89: {  	s3 =	sld [smem:$0x3FFE];
	_ =	sdelay $0x1  }
0x8a: {  	s1 =	srdreg.scid  }
0x8b: {  	s0 =	sand.u32 $0x1, s1  }
0x8c: {  	s16 =	sshll.u32 s0, $0xA;
	s2 =	sadd.s32 s3, s2  }
0x8d: {  	s2 =	sadd.s32 s2, s16  }
0x8e: {  	[smem:$0x3FBC] =	sst s2  }
0x8f: {  	_ = 	snop  }
0x90: {  	(tm) =	ssettm $0x1  }
0x91: {  	s17 =	sld [smem:$0x3FFB];
	_ =	sdelay $0x3  }
0x92: {  	_ =	strace s17  }
0x93: {  	s2 =	sld [smem:$0x3FFC];
	_ =	sdelay $0x3  }
0x94: {  	_ =	strace s2  }
0x95: {  	s2 =	sld [smem:$0x3FFD];
	_ =	sdelay $0x3  }
0x96: {  	_ =	strace s2  }
0x97: {  	_ =	strace $0x8FFFFFFF  }
0x98: {  	s18 =	sld [smem:$0x3FDB];
	_ =	sdelay $0x1  }
0x99: {  	s19 =	simm.s32 $_scs_section_size  }
0x9a: {  	s4 =	simm.s32 $_size__tile_overlayer_lowered;
	s5 =	simm.s32 $_tile_overlayer_lowered  }
0x9b: {  	s22 =	simm.s32 $0x1BFF;
	s21 =	sshll.u32 s5, $0x1;
	s2 =	sadd.s32 s19, s18  }
0x9c: {  	s6 =	simm.s32 $0x0;
	s20 =	sshll.u32 s4, $0x1;
	s4 =	sadd.s32 s21, s2  }
0x9d: {  	[timem:s6], [sflag:s22] =	dma.local [hbm:s4], s20  }
0x9e: {  	_ =	swait.ge [sflag:s22], s20  }
0x9f: {  	s3 =	ssub.s32 $0x0, s20;
	[sflag:s22] =	ssyncset.done $0x0  }
0xa0: {  	[sflag:s22] =	ssyncadd.s32 s3;
	_ =	sdelay $0x1  }
0xa1: {  	s23 =	simm.s32 $0x1B8B  }
0xa2: {  	_ =	swait.ge [sflag:s23], $0x1  }
0xa3: {  	[sflag:s23] =	ssyncset.done $0x0  }
0xa4: {  	s25 =	simm.s32 $0x1B8E;
	s24 =	sld [smem:$0x3FFE];
	[sflag:s23] =	ssyncadd.s32 $0xFFFFFFFF  }
0xa5: {  	s26 =	simm.s32 $execute0_lowered;
	[smem:$0x3FD2] =	sst s25  }
0xa6: {  	s4 =	sshll.u32 s26, $0x1;
	_ =	strace $0x8000004C;
	[dreg:$0x1] =	wrdreg $0xFFFFFFFF  }
0xa7: {  	s28 =	simm.s32 $_size_execute0_lowered;
	s2 =	sadd.s32 s2, s4;
	[dreg:$0x0] =	wrdreg $0x0  }
0xa8: {  	s4 =	sshll.u32 s28, $0x1;
	[dreg:$0x2] =	wrdreg s2  }
0xa9: {  	[dreg:$0x3] =	wrdreg s4  }
0xaa: {  	[dreg:$0x4] =	wrdreg $0xC0  }
0xab: {  	_ =	task [dreg:s6], $0x5FFFF  }
0xac: {  	[dreg:$0x1] =	wrdreg $0xFFFFFFFF  }
0xad: {  	[dreg:$0x0] =	wrdreg $0x60  }
0xae: {  	[dreg:$0x2] =	wrdreg s24  }
0xaf: {  	[dreg:$0x3] =	wrdreg $0x84000  }
0xb0: {  	[dreg:$0x4] =	wrdreg $0x9  }
0xb1: {  	_ =	task.clear_ibuf [dreg:s6], $0x5FFFF;
	_ =	strace $0x9000004C  }
0xb2: {  	s29 =	simm.s32 $0x9;
	_ =	strace $0x8000004E  }
0xb3: {  	_ =	swait.ge [sflag:s29], $0x1  }
0xb4: {  	[sflag:s29] =	ssyncadd.s32 $0xFFFFFFFF  }
0xb5: {  	_ =	strace $0x9000004E  }
0xb6: {  	_ =	sfence  }
0xb7: {  	s30 =	sld [smem:$0x0];
	_ =	sdelay $0x2  }
0xb8: {  	s31 =	sshll.u32 s1, $0xD;
	s1 =	sshrl.u32 s1, $0x2  }
0xb9: {  	s3 =	sand.u32 $0x4000, s31;
	s1 =	sadd.s32 s1, s30  }
0xba: {  	s0 =	sor.u32 s3, s0;
	s1 =	sshll.u32 s1, $0x11  }
0xbb: {  	s0 =	sor.u32 s1, s0  }
0xbc: {  	s0 =	sadd.s32 $0x8F2B, s0  }
0xbd: {  	[sflag:s0] =	ssyncadd.remote.s32 $0x1  }
0xbe: {  	_ =	sfence.sel $0xFFFF  }
0xbf: {  	[dreg:$0x0] =	wrdreg $0xFFFFFFFF;
	(pc) =	sbr.abs _section_cstart, $3  }
0xc0: {  	[dreg:$0x1] =	wrdreg $0xFFFFFFFF  }
0xc1: {  	_ =	task.clear_ibuf [dreg:s6], $0x2FFFF;
	_ =	strace $0x9FFFFFFF  }
0xc2: {  	(tm) =	ssettm $0x7FFFFFFF  }
0xc3: {  	_ =	shalt  }
tec
execute0_lowered:
.L_overlay_start_1:
0x0: {  	(tag) =	ssettag $0x1  }
0x1: {  	s0 =	rddreg [dreg:$0x0]  }
0x2: {  	s1 =	rddreg [dreg:$0x1]  }
0x3: {  	s2 =	srdreg.scid;
	s3 =	simm.s32 $0x0;
	s11 =	stileid.u32  }
0x4: {  	s20 =	simm.s32 $0x80;
	s28 =	simm.s32 $0x4;
	s29 =	simm.s32 $0x3  }
0x5: {  	s30 =	simm.s32 $0x7D;
	s31 =	simm.s32 $0x400;
	s19 =	simm.s32 $0x2  }
0x6: {  	s2 =	sand.u32 $0x1, s2;
	[smem:$0x7FF] =	sst s3;
	s21 =	smul.u32 $0x4E000, s11  }
0x7: {  	s25 =	sshll.u32 s11, $0x6;
	s16 =	sadd.s32 $0x138000, s1;
	s26 =	smul.u32 $0x2700, s11  }
0x8: {  	s4 =	sshll.u32 s2, $0x4;
	s6 =	smul.u32 $0x27100, s2;
	s2 =	ssub.s32 $0x2, s2  }
0x9: {  	p0 =	sne.s32 s11, $0xF;
	s4 =	sor.u32 s11, s4;
	s7 =	sshrl.u32 s2, $0x1  }
0xa: {  	_ =	strace $0x8000004D;
	s5 =	smul.u32 $0x500, s4;
	s2 =	ssub.s32 s2, s7  }
0xb: {  	s15 =	sor.u32 $0x1C04, s25;
	s4 =	sadd.s32 $0x19200, s0;
	s18 =	smax.u32 s2, $0x1  }
0xc: {  	s2 =	simm.s32 $0x1;
	s8 =	sadd.s32 s5, s0;
	s5 =	sadd.s32 $0x16A00, s0  }
0xd: {  	s0 =	sadd.s32 s6, s0;
	s6 =	sadd.s32 $0xCA00, s8;
	s9 =	sadd.s32 $0xCA10, s8  }
0xe: {  	s7 =	sadd.s32 $0x2A00, s8;
	s10 =	sadd.s32 $0x2A10, s8;
	[dreg:$0x3] =	wrdreg s9  }
.Ltmp0:
0xf: {  	s22 =	sadd.s32 $0xCA20, s8;
	[dreg:$0x4] =	wrdreg s10;
	(pc) =	sbr.rel .LBB2_1-.Ltmp0, $4  }
0x10: {  	s23 =	sadd.s32 $0x2A20, s8;
	s24 =	sadd.s32 $0xCA30, s8;
	[dreg:$0x5] =	wrdreg s22  }
0x11: {  	s13 =	sadd.s32 $0x2A30, s8;
	s17 =	sadd.s32 $0x40400, s0;
	[dreg:$0x6] =	wrdreg s23  }
0x12: {  	s0 =	simm.s32 $0x4400;
	[dreg:$0x7] =	wrdreg s24;
	s9 =	sshrl.u32 s21, $0x2  }
0x13: {  	s25 =	sadd.s32 s26, s17;
	s21 =	simm.s32 $0x0;
	s14 =	sadd.s32 s9, s1  }
.LBB2_7:
0x14: {  	[bflag:$0x0] =	sbarrier.arrive $0xFFFF  }
0x15: {  	[hbm:s25], [sflag:s15] =	dma.local [spmem:s22], $0x2700  }
0x16: {  	_ =	swait.ge [sflag:s28], $0x2700  }
0x17: {  	s21 =	sadd.s32 $0x1, s21;
	[sflag:s28] =	ssyncset.done $0x0  }
0x18: {  	s8 =	sadd.s32 @!p0 $0x27000, s17;
	p1 =	sne.s32 s21, s18;
	[sflag:s28] =	ssyncadd.s32 $0xFFFFD900  }
0x19: {  	[hbm:s8], [sflag:s15] =	dma.local @!p0 [spmem:s23], $0x100  }
.Ltmp1:
0x1a: {  	_ = 	snop;
	(pc) =	sbr.rel @!p1 .LBB2_8-.Ltmp1, $4  }
0x1b: {  	s8 =	simm.s32 @!p0 $0x4  }
0x1c: {  	_ =	swait.ge @!p0 [sflag:s8], $0x100  }
0x1d: {  	[sflag:s8] =	ssyncset.done @!p0 $0x0  }
0x1e: {  	[sflag:s8] =	ssyncadd.s32 @!p0 $0xFFFFFF00  }
.LBB2_1:
0x1f: {  	[tilespmem:s3], [sflag:$0x3] =	stream.linear.gather [hbm4b:s6+s3], $0x80, $0x38;
	[tilespmem:$0x1BC80] =	vst v63  }
0x20: {  	s8 =	simm.s32 $0x200  }
0x21: {  	[tilespmem:s8], [sflag:$0x3] =	stream.linear.gather [hbm4b:s7+s3], $0x80, $0x38;
	[tilespmem:$0x1BC80] =	vst v63  }
0x22: {  	s24 =	rddreg [dreg:$0x3]  }
0x23: {  	[tilespmem:s20], [sflag:$0x3] =	stream.linear.gather [hbm4b:s24+s3], $0x80, $0x38;
	[tilespmem:$0x1BC80] =	vst v63  }
0x24: {  	s26 =	rddreg [dreg:$0x4];
	s9 =	simm.s32 $0x280  }
0x25: {  	[tilespmem:s9], [sflag:$0x3] =	stream.linear.gather [hbm4b:s26+s3], $0x80, $0x38;
	[tilespmem:$0x1BC80] =	vst v63  }
0x26: {  	s10 =	rddreg [dreg:$0x5];
	s11 =	simm.s32 $0x100  }
0x27: {  	[tilespmem:s11], [sflag:$0x3] =	stream.linear.gather [hbm4b:s10+s3], $0x80, $0x38;
	[tilespmem:$0x1BC80] =	vst v63  }
0x28: {  	s12 =	rddreg [dreg:$0x6];
	s22 =	simm.s32 $0x300  }
0x29: {  	[tilespmem:s22], [sflag:$0x3] =	stream.linear.gather [hbm4b:s12+s3], $0x80, $0x38;
	[tilespmem:$0x1BC80] =	vst v63  }
0x2a: {  	s23 =	rddreg [dreg:$0x7];
	s24 =	simm.s32 $0x180  }
0x2b: {  	[tilespmem:s24], [sflag:$0x3] =	stream.linear.gather [hbm4b:s23+s3], $0x80, $0x38;
	[tilespmem:$0x1BC80] =	vst v63  }
0x2c: {  	s26 =	simm.s32 $0x380;
	s22 =	sshrl.u32 s14, $0x3  }
0x2d: {  	[tilespmem:s26], [sflag:$0x3] =	stream.linear.gather [hbm4b:s13+s3], $0x80, $0x38;
	[tilespmem:$0x1BC80] =	vst v63  }
0x2e: {  	[spmem:s22], [sflag:s15] =	dma.local [hbm:s5], $0x2700  }
0x2f: {  	_ =	swait.ge [sflag:s28], $0x2700  }
0x30: {  	[sflag:s28] =	ssyncset.done $0x0  }
0x31: {  	s8 =	simm.s32 @!p0 $0x4;
	s23 =	sshrl.u32 @!p0 s16, $0x3;
	[sflag:s28] =	ssyncadd.s32 $0xFFFFD900  }
0x32: {  	[spmem:s23], [sflag:s15] =	dma.local @!p0 [hbm:s5], $0x100  }
0x33: {  	_ =	swait.ge @!p0 [sflag:s8], $0x100  }
0x34: {  	[sflag:s8] =	ssyncset.done @!p0 $0x0  }
0x35: {  	[sflag:s8] =	ssyncadd.s32 @!p0 $0xFFFFFF00  }
0x36: {  	_ =	swait.ge [sflag:s29], $0x80  }
0x37: {  	[sflag:s29] =	ssyncset.done $0x0  }
0x38: {  	[sflag:s29] =	ssyncadd.s32 $0xFFFFFF80  }
0x39: {  	_ =	swait.ge [sflag:s29], $0x80  }
0x3a: {  	[sflag:s29] =	ssyncset.done $0x0  }
0x3b: {  	[sflag:s29] =	ssyncadd.s32 $0xFFFFFF80  }
0x3c: {  	[tilespmem:s31], [sflag:$0x1] =	stream.indirect.gather [hbm4b:s4+s30], $0x80, s3, s30, $0xb8;
	[tilespmem:$0x1BC80] =	vst v63  }
0x3d: {  	_ =	swait.ge [sflag:s29], $0x80  }
0x3e: {  	[sflag:s29] =	ssyncset.done $0x0  }
0x3f: {  	[sflag:s29] =	ssyncadd.s32 $0xFFFFFF80  }
0x40: {  	_ =	swait.ge [sflag:s29], $0x80  }
.Ltmp2:
0x41: {  	[sflag:s29] =	ssyncset.done $0x0;
	(pc) =	sbr.rel .LBB2_2-.Ltmp2, $4  }
0x42: {  	[sflag:s29] =	ssyncadd.s32 $0xFFFFFF80  }
0x43: {  	[tilespmem:s0], [sflag:$0x1] =	stream.indirect.gather [hbm4b:s4+s30], $0x80, s20, s30, $0xb8;
	[tilespmem:$0x1BC80] =	vst v63  }
0x44: {  	[bflag:$0x0] =	sbarrier.arrive $0xFFFF  }
0x45: {  	s24 =	simm.s32 $0x180;
	s26 =	simm.s32 $0x0;
	s8 =	simm.s32 $0x0  }
.LBB2_3:
0x46: {  	s12 =	sadd.s32 s26, s6  }
0x47: {  	s12 =	sadd.s32 $0x40, s12  }
0x48: {  	[tilespmem:s10], [sflag:$0x3] =	stream.linear.gather [hbm4b:s12+s3], $0x80, $0x38;
	[tilespmem:$0x1BC80] =	vst v63  }
0x49: {  	s12 =	sadd.s32 s26, s7  }
0x4a: {  	s12 =	sadd.s32 $0x40, s12  }
0x4b: {  	[tilespmem:s11], [sflag:$0x3] =	stream.linear.gather [hbm4b:s12+s3], $0x80, $0x38;
	[tilespmem:$0x1BC80] =	vst v63  }
.LBB2_4:
0x4c: {  	_ =	swait.ge [sflag:s29], $0x80  }
0x4d: {  	[sflag:s29] =	ssyncset.done $0x0  }
0x4e: {  	[sflag:s29] =	ssyncadd.s32 $0xFFFFFF80  }
0x4f: {  	_ =	swait.ge [sflag:s29], $0x80  }
0x50: {  	[sflag:s29] =	ssyncset.done $0x0  }
0x51: {  	s11 =	sxor.u32 $0x100, s10;
	[sflag:s29] =	ssyncadd.s32 $0xFFFFFF80  }
0x52: {  	[tilespmem:s31], [sflag:$0x1] =	stream.indirect.gather [hbm4b:s4+s30], $0x80, s11, s30, $0xb8;
	[tilespmem:$0x1BC80] =	vst v63  }
0x53: {  	_ =	swait.ge [sflag:s19], $0x3E80  }
0x54: {  	s10 =	sor.u32 $0x80, s10;
	s11 =	sadd.s32 @!p1 s26, s6;
	[sflag:s19] =	ssyncset.done $0x0  }
0x55: {  	s12 =	simm.s32 @!p1 $0x0;
	s11 =	sadd.s32 @!p1 $0x50, s11;
	[sflag:s19] =	ssyncadd.s32 $0xFFFFC180  }
0x56: {  	[tilespmem:s10], [sflag:$0x3] =	stream.linear.gather @!p1 [hbm4b:s11+s12], $0x80, $0x38;
	[tilespmem:$0x1BC80] =	vst v63  }
0x57: {  	s10 =	sadd.s32 @!p1 s26, s7  }
0x58: {  	s10 =	sadd.s32 @!p1 $0x50, s10  }
0x59: {  	[tilespmem:s9], [sflag:$0x3] =	stream.linear.gather @!p1 [hbm4b:s10+s12], $0x80, $0x38;
	[tilespmem:$0x1BC80] =	vst v63  }
0x5a: {  	s26 =	sadd.s32 $0x20, s26;
	_ =	swait.ge [sflag:s29], $0x80  }
0x5b: {  	p1 =	sne.s32 s26, $0x500;
	[sflag:s29] =	ssyncset.done $0x0  }
.Ltmp3:
0x5c: {  	[sflag:s29] =	ssyncadd.s32 $0xFFFFFF80;
	(pc) =	sbr.rel @!p1 .LBB2_7-.Ltmp3, $4  }
0x5d: {  	_ =	swait.ge [sflag:s29], $0x80  }
0x5e: {  	s8 =	sadd.s32 $0x1, s8;
	[sflag:s29] =	ssyncset.done $0x0  }
0x5f: {  	s12 =	sand.u32 $0x180, s24;
	s24 =	sadd.s32 $0x100, s24;
	[sflag:s29] =	ssyncadd.s32 $0xFFFFFF80  }
0x60: {  	[tilespmem:s0], [sflag:$0x1] =	stream.indirect.gather [hbm4b:s4+s30], $0x80, s12, s30, $0xb8;
	[tilespmem:$0x1BC80] =	vst v63  }
.LBB2_2:
0x61: {  	_ =	swait.ge [sflag:s2], $0x3E80;
	s9 =	sadd.s32 $0xFFFFFE80, s24  }
0x62: {  	[sflag:s2] =	ssyncset.done $0x0;
	s10 =	sand.u32 $0x100, s9  }
0x63: {  	[sflag:s2] =	ssyncadd.s32 $0xFFFFC180;
	s11 =	sor.u32 $0x200, s10  }
0x64: {  	[spmem:s1] =	stream.indirect.scatter.add.f32 [tilespmem:s31], [sflag:$0x2], $0x80, s11, s30, $0xb8;
	[tilespmem:$0x1BC80] =	vst v63  }
0x65: {  	_ =	swait.ge [sflag:s2], $0x3E80  }
0x66: {  	p1 =	sgt.u32 s8, $0x25;
	[sflag:s2] =	ssyncset.done $0x0  }
.Ltmp4:
0x67: {  	s9 =	sor.u32 $0x280, s10;
	[sflag:s2] =	ssyncadd.s32 $0xFFFFC180;
	(pc) =	sbr.rel @!p1 .LBB2_3-.Ltmp4, $4  }
0x68: {  	[spmem:s1] =	stream.indirect.scatter.add.f32 [tilespmem:s0], [sflag:$0x2], $0x80, s9, s30, $0xb8;
	[tilespmem:$0x1BC80] =	vst v63  }
0x69: {  	_ =	swait.ge [sflag:s19], $0x3E80  }
0x6a: {  	[sflag:s19] =	ssyncset.done $0x0  }
0x6b: {  	[sflag:s19] =	ssyncadd.s32 $0xFFFFC180  }
0x6c: {  	p2 =	sne.s32 s26, $0x4E0  }
.Ltmp5:
0x6d: {  	_ = 	snop;
	(pc) =	sbr.rel @p2 .LBB2_4-.Ltmp5, $1  }
0x6e: {  	_ =	sdelay $0x3  }
.Ltmp6:
0x6f: {  	(pc) =	sbr.rel .LBB2_7-.Ltmp6, $4  }
0x70: {  	_ = 	snop  }
0x71: {  	_ =	swait.ge [sflag:s19], $0x3E80  }
0x72: {  	[sflag:s19] =	ssyncset.done $0x0  }
0x73: {  	[sflag:s19] =	ssyncadd.s32 $0xFFFFC180  }
.LBB2_8:
0x74: {  	_ =	sfence.sel $0x180000  }
0x75: {  	[bflag:$0x0] =	sbarrier.arrive $0xFFFF  }
0x76: {  	_ =	strace $0x9000004D  }
0x77: {  	s0 =	stileid.u32;
	[bflag:$0x2] =	sbarrier.arrive $0xFFFF  }
0x78: {  	p0 =	sne.s32 s0, $0x0;
	s0 =	rddreg [dreg:$0x2]  }
0x79: {  	s0 =	sadd.s32 @!p0 $0x100000, s0  }
0x7a: {  	[sflag:s0] =	ssyncadd.tile.s32 @!p0 $0x1;
	_ =	shalt  }
.Lfunc_end2:
_tile_overlayer_lowered:
.L_overlay_start_2:
0x7b: {  	(tag) =	ssettag $0x2  }
0x7c: {  	s0 =	rddreg [dreg:$0x0];
	s2 =	stileid.u32  }
0x7d: {  	s1 =	rddreg [dreg:$0x1];
	p0 =	sne.s32 s2, $0x0  }
0x7e: {  	s3 =	rddreg [dreg:$0x2];
	[bflag:$0x3] =	sbarrier.arrive $0xFFFF;
	s2 =	simm.s32 @!p0 $0x1C04  }
0x7f: {  	[timem:s3], [sflag:s2] =	dma.local @!p0 [hbm:s0], s1  }
0x80: {  	s0 =	simm.s32 @!p0 $0x4  }
0x81: {  	_ =	swait.ge @!p0 [sflag:s0], s1  }
0x82: {  	s1 =	ssub.s32 @!p0 $0x0, s1;
	[sflag:s0] =	ssyncset.done @!p0 $0x0  }
0x83: {  	[sflag:s0] =	ssyncadd.s32 @!p0 s1  }
0x84: {  	[bflag:$0x3] =	sbarrier.arrive $0xFFFF  }
0x85: {  	_ =	shalt  }

// kernel: kernel.9.cloned.1.call-start
scs
__scs_entry_jumppad:
0x0: {  	(pc) =	sbr.rel $0x88, $3  }
0x1: {  	(tag) =	ssettag $0x0;
	lr =	simm.s32 $0x1  }
0x2: {  	[smem:$0x3F95] =	sst lr;
	_ =	strace $0xD0000000  }
0x3: {  	_ = 	snop  }
0x4: {  	_ = 	snop  }
0x5: {  	_ = 	snop  }
0x6: {  	_ = 	snop  }
0x7: {  	_ = 	snop  }
__scs_overlays_trampoline_lowered:
0x8: {  	[smem:$0x3FA4] =	sst s0  }
0x9: {  	[smem:$0x3FA5] =	sst s1  }
0xa: {  	[smem:$0x3FA6] =	sst s2  }
0xb: {  	[smem:$0x3FA7] =	sst s3  }
0xc: {  	[smem:$0x3FA8] =	sst s4  }
0xd: {  	[smem:$0x3FA9] =	sst s5  }
0xe: {  	[smem:$0x3FAA] =	sst s6  }
0xf: {  	[smem:$0x3FAB] =	sst s7  }
0x10: {  	[smem:$0x3FAC] =	sst s8  }
0x11: {  	[smem:$0x3FAD] =	sst s9;
	s0 =	simm.s32 @!p0 $0x0  }
0x12: {  	s1 =	sld [smem:$0x3F93];
	s0 =	simm.s32 @p0 $0x1  }
0x13: {  	[smem:$0x3FAE] =	sst s0;
	s0 =	simm.s32 @!p1 $0x0  }
0x14: {  	s2 =	sld [smem:$0x3F92];
	s0 =	simm.s32 @p1 $0x1  }
0x15: {  	[smem:$0x3FAF] =	sst s0;
	s0 =	simm.s32 @!p2 $0x0  }
0x16: {  	s3 =	sld [smem:$0x3FDB];
	s0 =	simm.s32 @p2 $0x1  }
0x17: {  	s4 =	simm.s32 $0x1BF5;
	[smem:$0x3FB1] =	sst s0  }
0x18: {  	s0 =	sld [smem:$0x3F94];
	_ =	swait.ge [sflag:s4], $0x0  }
0x19: {  	s7 =	sld [smem:$0x3F95]  }
0x1a: {  	s8 =	sadd.s32 $0xFFFFE003, lr  }
0x1b: {  	s9 =	sadd.s32 $0xFFFFFEF7, lr;
	s5 =	simm.s32 $0xFFFFFFFF;
	p2 =	slt.u32 s8, $0xFFFFF086  }
0x1c: {  	p1 =	slt.u32 s9, $0xF7A;
	s5 =	simm.s32 @!p2 $0x0  }
0x1d: {  	s5 =	simm.s32 @p1 $0x1;
	p0 =	seq.s32 s7, s2  }
0x1e: {  	s7 =	smul.u32 @!p0 $0xF7A, s2;
	p2 =	seq.s32 @!p0 s5, $0x0  }
0x1f: {  	s9 =	smul.u32 $0xF7A, s1;
	s8 =	simm.s32 @!p0 $0x1BF5;
	p2 =	por !p2, p0  }
0x20: {  	[sflag:s8] =	ssyncset.s32 @!p0 $0xFFFFF086;
	s6 =	sadd.s32 @!p0 s3, s7;
	s7 =	simm.s32 @!p0 $0x108  }
0x21: {  	s3 =	sadd.s32 s3, s9;
	s6 =	sadd.s32 @!p0 $0x88, s6;
	s7 =	simm.s32 @p2 $0x1082  }
0x22: {  	[simem:s7], [sflag:s8] =	dma.local @!p0 [hbm:s6], $0xF7A  }
0x23: {  	s9 =	sor.u32 $0xD0000000, s2;
	s6 =	simm.s32 $0x108;
	_ =	swait.ge @!p0 [sflag:s8], $0x0  }
0x24: {  	s3 =	sadd.s32 $0x88, s3;
	s6 =	simm.s32 @!p1 $0x1082;
	[sflag:s4] =	ssyncset.s32 $0xFFFFF086  }
0x25: {  	[simem:s6], [sflag:s4] =	dma.local [hbm:s3], $0xF7A  }
0x26: {  	[smem:$0x3F95] =	sst s1;
	(tag) =	ssettag s2;
	_ =	strace s9  }
0x27: {  	s1 =	sld [smem:$0x3FA5]  }
0x28: {  	s2 =	sld [smem:$0x3FA6]  }
0x29: {  	s4 =	sld [smem:$0x3FA8]  }
0x2a: {  	p0 =	seq.s32 s5, $0x0;
	s5 =	sld [smem:$0x3FA9]  }
0x2b: {  	s6 =	sld [smem:$0x3FAA]  }
0x2c: {  	s7 =	sld [smem:$0x3FAB]  }
0x2d: {  	s3 =	simm.s32 $0x108;
	s8 =	sld [smem:$0x3FAC]  }
0x2e: {  	s3 =	simm.s32 @!p0 $0x1082;
	s9 =	sld [smem:$0x3FAD]  }
0x2f: {  	lr =	sadd.s32 s0, s3;
	s0 =	sld [smem:$0x3FA4]  }
0x30: {  	s3 =	sld [smem:$0x3FA7]  }
0x31: {  	[smem:$0x3FB0] =	sst s10  }
0x32: {  	s10 =	sld [smem:$0x3FAE];
	_ =	sdelay $0x3  }
0x33: {  	p0 =	seq.s32 s10, $0x1;
	s10 =	sld [smem:$0x3FB0];
	_ =	sdelay $0x3  }
0x34: {  	[smem:$0x3FB0] =	sst s10  }
0x35: {  	s10 =	sld [smem:$0x3FAF];
	_ =	sdelay $0x3  }
0x36: {  	p1 =	seq.s32 s10, $0x1;
	s10 =	sld [smem:$0x3FB0];
	_ =	sdelay $0x3  }
0x37: {  	[smem:$0x3FB0] =	sst s10  }
0x38: {  	s10 =	sld [smem:$0x3FB1]  }
0x39: {  	_ = 	snop;
	(pc) =	sbr.ind lr, $3  }
0x3a: {  	_ = 	snop  }
0x3b: {  	_ = 	snop  }
0x3c: {  	p2 =	seq.s32 s10, $0x1;
	s10 =	sld [smem:$0x3FB0]  }
0x3d: {  	_ =	shalt  }
0x3e: {  	_ =	shalt  }
0x3f: {  	_ =	shalt  }
0x40: {  	_ =	shalt  }
0x41: {  	_ =	shalt  }
0x42: {  	_ =	shalt  }
0x43: {  	_ =	shalt  }
0x44: {  	_ =	shalt  }
0x45: {  	_ =	shalt  }
0x46: {  	_ =	shalt  }
0x47: {  	_ =	shalt  }
0x48: {  	_ =	shalt  }
0x49: {  	_ =	shalt  }
0x4a: {  	_ =	shalt  }
0x4b: {  	_ =	shalt  }
0x4c: {  	_ =	shalt  }
0x4d: {  	_ =	shalt  }
0x4e: {  	_ =	shalt  }
0x4f: {  	_ =	shalt  }
0x50: {  	_ =	shalt  }
0x51: {  	_ =	shalt  }
0x52: {  	_ =	shalt  }
0x53: {  	_ =	shalt  }
0x54: {  	_ =	shalt  }
0x55: {  	_ =	shalt  }
0x56: {  	_ =	shalt  }
0x57: {  	_ =	shalt  }
0x58: {  	_ =	shalt  }
0x59: {  	_ =	shalt  }
0x5a: {  	_ =	shalt  }
0x5b: {  	_ =	shalt  }
0x5c: {  	_ =	shalt  }
0x5d: {  	_ =	shalt  }
0x5e: {  	_ =	shalt  }
0x5f: {  	_ =	shalt  }
0x60: {  	_ =	shalt  }
0x61: {  	_ =	shalt  }
0x62: {  	_ =	shalt  }
0x63: {  	_ =	shalt  }
0x64: {  	_ =	shalt  }
0x65: {  	_ =	shalt  }
0x66: {  	_ =	shalt  }
0x67: {  	_ =	shalt  }
0x68: {  	_ =	shalt  }
0x69: {  	_ =	shalt  }
0x6a: {  	_ =	shalt  }
0x6b: {  	_ =	shalt  }
0x6c: {  	_ =	shalt  }
0x6d: {  	_ =	shalt  }
0x6e: {  	_ =	shalt  }
0x6f: {  	_ =	shalt  }
0x70: {  	_ =	shalt  }
0x71: {  	_ =	shalt  }
0x72: {  	_ =	shalt  }
0x73: {  	_ =	shalt  }
0x74: {  	_ =	shalt  }
0x75: {  	_ =	shalt  }
0x76: {  	_ =	shalt  }
0x77: {  	_ =	shalt  }
0x78: {  	_ =	shalt  }
0x79: {  	_ =	shalt  }
0x7a: {  	_ =	shalt  }
0x7b: {  	_ =	shalt  }
0x7c: {  	_ =	shalt  }
0x7d: {  	_ =	shalt  }
0x7e: {  	_ =	shalt  }
0x7f: {  	_ =	shalt  }
0x80: {  	_ =	shalt  }
0x81: {  	_ =	shalt  }
0x82: {  	_ =	shalt  }
0x83: {  	_ =	shalt  }
0x84: {  	_ =	shalt  }
0x85: {  	_ =	shalt  }
0x86: {  	_ =	shalt  }
0x87: {  	_ =	shalt  }
.Lfunc_end0:
.L_simem_size_0:
called_computation_lowered:
.L_overlay_start_0:
0x88: {  	s2 =	sld [smem:$0x3FD9]  }
0x89: {  	s3 =	sld [smem:$0x3FFE];
	_ =	sdelay $0x1  }
0x8a: {  	s1 =	srdreg.scid  }
0x8b: {  	s0 =	sand.u32 $0x1, s1  }
0x8c: {  	s17 =	sshll.u32 s0, $0xA;
	s2 =	sadd.s32 s3, s2  }
0x8d: {  	s2 =	sadd.s32 s2, s17  }
0x8e: {  	[smem:$0x3FBC] =	sst s2  }
0x8f: {  	_ = 	snop  }
0x90: {  	s2 =	sld [smem:$0x3FC9];
	(tm) =	ssettm $0x1  }
0x91: {  	s18 =	sld [smem:$0x3FFB];
	_ =	sdelay $0x3  }
0x92: {  	_ =	strace s18  }
0x93: {  	s3 =	sld [smem:$0x3FFC];
	_ =	sdelay $0x3  }
0x94: {  	_ =	strace s3  }
0x95: {  	s3 =	sld [smem:$0x3FFD];
	_ =	sdelay $0x3  }
0x96: {  	_ =	strace s3  }
0x97: {  	_ =	strace $0x8FFFFFFF  }
0x98: {  	s19 =	sld [smem:$0x3FDB];
	_ =	sdelay $0x1  }
0x99: {  	s4 =	simm.s32 $_scs_section_size  }
0x9a: {  	s5 =	simm.s32 $_size__tile_overlayer_lowered;
	s6 =	simm.s32 $_tile_overlayer_lowered  }
0x9b: {  	s22 =	simm.s32 $0x1BFF;
	s21 =	sshll.u32 s6, $0x1;
	s3 =	sadd.s32 s4, s19  }
0x9c: {  	s7 =	simm.s32 $0x0;
	s20 =	sshll.u32 s5, $0x1;
	s5 =	sadd.s32 s21, s3  }
0x9d: {  	[timem:s7], [sflag:s22] =	dma.local [hbm:s5], s20  }
0x9e: {  	_ =	swait.ge [sflag:s22], s20  }
0x9f: {  	s4 =	ssub.s32 $0x0, s20;
	[sflag:s22] =	ssyncset.done $0x0  }
0xa0: {  	[sflag:s22] =	ssyncadd.s32 s4;
	_ =	sdelay $0x1  }
0xa1: {  	s23 =	simm.s32 $0x1B8B  }
0xa2: {  	_ =	swait.ge [sflag:s23], $0x1  }
0xa3: {  	[sflag:s23] =	ssyncset.done $0x0  }
0xa4: {  	s25 =	simm.s32 $0x1B8E;
	s24 =	sld [smem:$0x3FFE];
	[sflag:s23] =	ssyncadd.s32 $0xFFFFFFFF  }
0xa5: {  	s26 =	simm.s32 $execute0_lowered;
	[smem:$0x3FD2] =	sst s25  }
0xa6: {  	s5 =	sshll.u32 s26, $0x1;
	_ =	strace $0x80000046;
	[dreg:$0x1] =	wrdreg $0xFFFFFFFF  }
0xa7: {  	s28 =	simm.s32 $_size_execute0_lowered;
	s3 =	sadd.s32 s3, s5;
	[dreg:$0x0] =	wrdreg $0x0  }
0xa8: {  	s5 =	sshll.u32 s28, $0x1;
	[dreg:$0x2] =	wrdreg s3  }
0xa9: {  	[dreg:$0x3] =	wrdreg s5  }
0xaa: {  	[dreg:$0x4] =	wrdreg $0xC0  }
0xab: {  	_ =	task [dreg:s7], $0x5FFFF  }
0xac: {  	[dreg:$0x1] =	wrdreg $0xFFFFFFFF  }
0xad: {  	[dreg:$0x0] =	wrdreg $0x60  }
0xae: {  	[dreg:$0x2] =	wrdreg s2  }
0xaf: {  	[dreg:$0x3] =	wrdreg s24  }
0xb0: {  	[dreg:$0x4] =	wrdreg $0x84000  }
0xb1: {  	[dreg:$0x5] =	wrdreg $0x9  }
0xb2: {  	_ =	task.clear_ibuf [dreg:s7], $0x6FFFF;
	_ =	strace $0x90000046  }
0xb3: {  	s29 =	simm.s32 $0x9;
	_ =	strace $0x80000048  }
0xb4: {  	_ =	swait.ge [sflag:s29], $0x1  }
0xb5: {  	[sflag:s29] =	ssyncadd.s32 $0xFFFFFFFF  }
0xb6: {  	_ =	strace $0x90000048  }
0xb7: {  	_ =	sfence  }
0xb8: {  	s30 =	sld [smem:$0x0];
	_ =	sdelay $0x2  }
0xb9: {  	s31 =	sshll.u32 s1, $0xD;
	s1 =	sshrl.u32 s1, $0x2  }
0xba: {  	s3 =	sand.u32 $0x4000, s31;
	s1 =	sadd.s32 s1, s30  }
0xbb: {  	s0 =	sor.u32 s3, s0;
	s1 =	sshll.u32 s1, $0x11  }
0xbc: {  	s0 =	sor.u32 s1, s0  }
0xbd: {  	s0 =	sadd.s32 $0x8F2B, s0  }
0xbe: {  	[sflag:s0] =	ssyncadd.remote.s32 $0x1  }
0xbf: {  	_ =	sfence.sel $0xFFFF  }
0xc0: {  	[dreg:$0x0] =	wrdreg $0xFFFFFFFF;
	(pc) =	sbr.abs _section_cstart, $3  }
0xc1: {  	[dreg:$0x1] =	wrdreg $0xFFFFFFFF  }
0xc2: {  	_ =	task.clear_ibuf [dreg:s7], $0x2FFFF;
	_ =	strace $0x9FFFFFFF  }
0xc3: {  	(tm) =	ssettm $0x7FFFFFFF  }
tec
execute0_lowered:
.L_overlay_start_1:
0x0: {  	(tag) =	ssettag $0x1  }
0x1: {  	s0 =	rddreg [dreg:$0x0]  }
0x2: {  	s1 =	srdreg.scid;
	s2 =	rddreg [dreg:$0x1]  }
0x3: {  	s3 =	rddreg [dreg:$0x2];
	s11 =	stileid.u32  }
0x4: {  	s4 =	simm.s32 $0x0;
	s20 =	simm.s32 $0x80;
	s28 =	simm.s32 $0x4  }
0x5: {  	s29 =	simm.s32 $0x3;
	s30 =	simm.s32 $0x7D;
	s31 =	simm.s32 $0x400  }
0x6: {  	s19 =	simm.s32 $0x2;
	s1 =	sand.u32 $0x1, s1;
	[smem:$0x7FF] =	sst s4  }
0x7: {  	s21 =	smul.u32 $0x4E000, s11;
	s25 =	sshll.u32 s11, $0x6;
	s16 =	sadd.s32 $0x138000, s3  }
0x8: {  	s5 =	sshll.u32 s1, $0x4;
	s6 =	smul.u32 $0x27100, s1;
	s1 =	ssub.s32 $0x2, s1  }
0x9: {  	s26 =	smul.u32 $0x2700, s11;
	s5 =	sor.u32 s11, s5;
	s7 =	sshrl.u32 s1, $0x1  }
0xa: {  	p0 =	sne.s32 s11, $0xF;
	s5 =	smul.u32 $0x500, s5;
	s1 =	ssub.s32 s1, s7  }
0xb: {  	_ =	strace $0x80000047;
	s15 =	sor.u32 $0x1C04, s25;
	s18 =	smax.u32 s1, $0x1  }
0xc: {  	s1 =	simm.s32 $0x4400;
	s8 =	sadd.s32 s5, s2;
	s5 =	sadd.s32 $0x16A00, s2  }
0xd: {  	s2 =	sadd.s32 s6, s2;
	s6 =	sadd.s32 $0xCA00, s8;
	s9 =	sadd.s32 $0xCA10, s8  }
0xe: {  	s7 =	sadd.s32 $0x2A00, s8;
	s10 =	sadd.s32 $0x2A10, s8;
	[dreg:$0x4] =	wrdreg s9  }
.Ltmp0:
0xf: {  	s22 =	sadd.s32 $0xCA20, s8;
	[dreg:$0x5] =	wrdreg s10;
	(pc) =	sbr.rel .LBB2_1-.Ltmp0, $4  }
0x10: {  	s23 =	sadd.s32 $0x2A20, s8;
	s24 =	sadd.s32 $0xCA30, s8;
	[dreg:$0x6] =	wrdreg s22  }
0x11: {  	s13 =	sadd.s32 $0x2A30, s8;
	s17 =	sadd.s32 $0x19200, s2;
	[dreg:$0x7] =	wrdreg s23  }
0x12: {  	s2 =	simm.s32 $0x1;
	[dreg:$0x8] =	wrdreg s24;
	s9 =	sshrl.u32 s21, $0x2  }
0x13: {  	s25 =	sadd.s32 s26, s17;
	s21 =	simm.s32 $0x0;
	s14 =	sadd.s32 s9, s3  }
.LBB2_7:
0x14: {  	[bflag:$0x0] =	sbarrier.arrive $0xFFFF  }
0x15: {  	[hbm:s25], [sflag:s15] =	dma.local [spmem:s22], $0x2700  }
0x16: {  	_ =	swait.ge [sflag:s28], $0x2700  }
0x17: {  	s21 =	sadd.s32 $0x1, s21;
	[sflag:s28] =	ssyncset.done $0x0  }
0x18: {  	s8 =	sadd.s32 @!p0 $0x27000, s17;
	p1 =	sne.s32 s21, s18;
	[sflag:s28] =	ssyncadd.s32 $0xFFFFD900  }
0x19: {  	[hbm:s8], [sflag:s15] =	dma.local @!p0 [spmem:s23], $0x100  }
.Ltmp1:
0x1a: {  	_ = 	snop;
	(pc) =	sbr.rel @!p1 .LBB2_8-.Ltmp1, $4  }
0x1b: {  	s8 =	simm.s32 @!p0 $0x4  }
0x1c: {  	_ =	swait.ge @!p0 [sflag:s8], $0x100  }
0x1d: {  	[sflag:s8] =	ssyncset.done @!p0 $0x0  }
0x1e: {  	[sflag:s8] =	ssyncadd.s32 @!p0 $0xFFFFFF00  }
.LBB2_1:
0x1f: {  	[tilespmem:s4], [sflag:$0x3] =	stream.linear.gather [hbm4b:s6+s4], $0x80, $0x38;
	[tilespmem:$0x1BC80] =	vst v63  }
0x20: {  	s8 =	simm.s32 $0x200  }
0x21: {  	[tilespmem:s8], [sflag:$0x3] =	stream.linear.gather [hbm4b:s7+s4], $0x80, $0x38;
	[tilespmem:$0x1BC80] =	vst v63  }
0x22: {  	s24 =	rddreg [dreg:$0x4]  }
0x23: {  	[tilespmem:s20], [sflag:$0x3] =	stream.linear.gather [hbm4b:s24+s4], $0x80, $0x38;
	[tilespmem:$0x1BC80] =	vst v63  }
0x24: {  	s26 =	rddreg [dreg:$0x5];
	s9 =	simm.s32 $0x280  }
0x25: {  	[tilespmem:s9], [sflag:$0x3] =	stream.linear.gather [hbm4b:s26+s4], $0x80, $0x38;
	[tilespmem:$0x1BC80] =	vst v63  }
0x26: {  	s10 =	rddreg [dreg:$0x6];
	s11 =	simm.s32 $0x100  }
0x27: {  	[tilespmem:s11], [sflag:$0x3] =	stream.linear.gather [hbm4b:s10+s4], $0x80, $0x38;
	[tilespmem:$0x1BC80] =	vst v63  }
0x28: {  	s12 =	rddreg [dreg:$0x7];
	s22 =	simm.s32 $0x300  }
0x29: {  	[tilespmem:s22], [sflag:$0x3] =	stream.linear.gather [hbm4b:s12+s4], $0x80, $0x38;
	[tilespmem:$0x1BC80] =	vst v63  }
0x2a: {  	s23 =	rddreg [dreg:$0x8];
	s24 =	simm.s32 $0x180  }
0x2b: {  	[tilespmem:s24], [sflag:$0x3] =	stream.linear.gather [hbm4b:s23+s4], $0x80, $0x38;
	[tilespmem:$0x1BC80] =	vst v63  }
0x2c: {  	s26 =	simm.s32 $0x380;
	s22 =	sshrl.u32 s14, $0x3  }
0x2d: {  	[tilespmem:s26], [sflag:$0x3] =	stream.linear.gather [hbm4b:s13+s4], $0x80, $0x38;
	[tilespmem:$0x1BC80] =	vst v63  }
0x2e: {  	[spmem:s22], [sflag:s15] =	dma.local [hbm:s5], $0x2700  }
0x2f: {  	_ =	swait.ge [sflag:s28], $0x2700  }
0x30: {  	[sflag:s28] =	ssyncset.done $0x0  }
0x31: {  	s8 =	simm.s32 @!p0 $0x4;
	s23 =	sshrl.u32 @!p0 s16, $0x3;
	[sflag:s28] =	ssyncadd.s32 $0xFFFFD900  }
0x32: {  	[spmem:s23], [sflag:s15] =	dma.local @!p0 [hbm:s5], $0x100  }
0x33: {  	_ =	swait.ge @!p0 [sflag:s8], $0x100  }
0x34: {  	[sflag:s8] =	ssyncset.done @!p0 $0x0  }
0x35: {  	[sflag:s8] =	ssyncadd.s32 @!p0 $0xFFFFFF00  }
0x36: {  	_ =	swait.ge [sflag:s29], $0x80  }
0x37: {  	[sflag:s29] =	ssyncset.done $0x0  }
0x38: {  	[sflag:s29] =	ssyncadd.s32 $0xFFFFFF80  }
0x39: {  	_ =	swait.ge [sflag:s29], $0x80  }
0x3a: {  	[sflag:s29] =	ssyncset.done $0x0  }
0x3b: {  	[sflag:s29] =	ssyncadd.s32 $0xFFFFFF80  }
0x3c: {  	[tilespmem:s31], [sflag:$0x1] =	stream.indirect.gather [hbm4b:s0+s30], $0x80, s4, s30, $0xb8;
	[tilespmem:$0x1BC80] =	vst v63  }
0x3d: {  	_ =	swait.ge [sflag:s29], $0x80  }
0x3e: {  	[sflag:s29] =	ssyncset.done $0x0  }
0x3f: {  	[sflag:s29] =	ssyncadd.s32 $0xFFFFFF80  }
0x40: {  	_ =	swait.ge [sflag:s29], $0x80  }
.Ltmp2:
0x41: {  	[sflag:s29] =	ssyncset.done $0x0;
	(pc) =	sbr.rel .LBB2_2-.Ltmp2, $4  }
0x42: {  	[sflag:s29] =	ssyncadd.s32 $0xFFFFFF80  }
0x43: {  	[tilespmem:s1], [sflag:$0x1] =	stream.indirect.gather [hbm4b:s0+s30], $0x80, s20, s30, $0xb8;
	[tilespmem:$0x1BC80] =	vst v63  }
0x44: {  	[bflag:$0x0] =	sbarrier.arrive $0xFFFF  }
0x45: {  	s24 =	simm.s32 $0x180;
	s26 =	simm.s32 $0x0;
	s8 =	simm.s32 $0x0  }
.LBB2_3:
0x46: {  	s12 =	sadd.s32 s26, s6  }
0x47: {  	s12 =	sadd.s32 $0x40, s12  }
0x48: {  	[tilespmem:s10], [sflag:$0x3] =	stream.linear.gather [hbm4b:s12+s4], $0x80, $0x38;
	[tilespmem:$0x1BC80] =	vst v63  }
0x49: {  	s12 =	sadd.s32 s26, s7  }
0x4a: {  	s12 =	sadd.s32 $0x40, s12  }
0x4b: {  	[tilespmem:s11], [sflag:$0x3] =	stream.linear.gather [hbm4b:s12+s4], $0x80, $0x38;
	[tilespmem:$0x1BC80] =	vst v63  }
.LBB2_4:
0x4c: {  	_ =	swait.ge [sflag:s29], $0x80  }
0x4d: {  	[sflag:s29] =	ssyncset.done $0x0  }
0x4e: {  	[sflag:s29] =	ssyncadd.s32 $0xFFFFFF80  }
0x4f: {  	_ =	swait.ge [sflag:s29], $0x80  }
0x50: {  	[sflag:s29] =	ssyncset.done $0x0  }
0x51: {  	s11 =	sxor.u32 $0x100, s10;
	[sflag:s29] =	ssyncadd.s32 $0xFFFFFF80  }
0x52: {  	[tilespmem:s31], [sflag:$0x1] =	stream.indirect.gather [hbm4b:s0+s30], $0x80, s11, s30, $0xb8;
	[tilespmem:$0x1BC80] =	vst v63  }
0x53: {  	_ =	swait.ge [sflag:s19], $0x3E80  }
0x54: {  	s10 =	sor.u32 $0x80, s10;
	s11 =	sadd.s32 @!p1 s26, s6;
	[sflag:s19] =	ssyncset.done $0x0  }
0x55: {  	s12 =	simm.s32 @!p1 $0x0;
	s11 =	sadd.s32 @!p1 $0x50, s11;
	[sflag:s19] =	ssyncadd.s32 $0xFFFFC180  }
0x56: {  	[tilespmem:s10], [sflag:$0x3] =	stream.linear.gather @!p1 [hbm4b:s11+s12], $0x80, $0x38;
	[tilespmem:$0x1BC80] =	vst v63  }
0x57: {  	s10 =	sadd.s32 @!p1 s26, s7  }
0x58: {  	s10 =	sadd.s32 @!p1 $0x50, s10  }
0x59: {  	[tilespmem:s9], [sflag:$0x3] =	stream.linear.gather @!p1 [hbm4b:s10+s12], $0x80, $0x38;
	[tilespmem:$0x1BC80] =	vst v63  }
0x5a: {  	s26 =	sadd.s32 $0x20, s26;
	_ =	swait.ge [sflag:s29], $0x80  }
0x5b: {  	p1 =	sne.s32 s26, $0x500;
	[sflag:s29] =	ssyncset.done $0x0  }
.Ltmp3:
0x5c: {  	[sflag:s29] =	ssyncadd.s32 $0xFFFFFF80;
	(pc) =	sbr.rel @!p1 .LBB2_7-.Ltmp3, $4  }
0x5d: {  	_ =	swait.ge [sflag:s29], $0x80  }
0x5e: {  	s8 =	sadd.s32 $0x1, s8;
	[sflag:s29] =	ssyncset.done $0x0  }
0x5f: {  	s12 =	sand.u32 $0x180, s24;
	s24 =	sadd.s32 $0x100, s24;
	[sflag:s29] =	ssyncadd.s32 $0xFFFFFF80  }
0x60: {  	[tilespmem:s1], [sflag:$0x1] =	stream.indirect.gather [hbm4b:s0+s30], $0x80, s12, s30, $0xb8;
	[tilespmem:$0x1BC80] =	vst v63  }
.LBB2_2:
0x61: {  	_ =	swait.ge [sflag:s2], $0x3E80;
	s9 =	sadd.s32 $0xFFFFFE80, s24  }
0x62: {  	[sflag:s2] =	ssyncset.done $0x0;
	s10 =	sand.u32 $0x100, s9  }
0x63: {  	[sflag:s2] =	ssyncadd.s32 $0xFFFFC180;
	s11 =	sor.u32 $0x200, s10  }
0x64: {  	[spmem:s3] =	stream.indirect.scatter.add.f32 [tilespmem:s31], [sflag:$0x2], $0x80, s11, s30, $0xb8;
	[tilespmem:$0x1BC80] =	vst v63  }
0x65: {  	_ =	swait.ge [sflag:s2], $0x3E80  }
0x66: {  	p1 =	sgt.u32 s8, $0x25;
	[sflag:s2] =	ssyncset.done $0x0  }
.Ltmp4:
0x67: {  	s9 =	sor.u32 $0x280, s10;
	[sflag:s2] =	ssyncadd.s32 $0xFFFFC180;
	(pc) =	sbr.rel @!p1 .LBB2_3-.Ltmp4, $4  }
0x68: {  	[spmem:s3] =	stream.indirect.scatter.add.f32 [tilespmem:s1], [sflag:$0x2], $0x80, s9, s30, $0xb8;
	[tilespmem:$0x1BC80] =	vst v63  }
0x69: {  	_ =	swait.ge [sflag:s19], $0x3E80  }
0x6a: {  	[sflag:s19] =	ssyncset.done $0x0  }
0x6b: {  	[sflag:s19] =	ssyncadd.s32 $0xFFFFC180  }
0x6c: {  	p2 =	sne.s32 s26, $0x4E0  }
.Ltmp5:
0x6d: {  	_ = 	snop;
	(pc) =	sbr.rel @p2 .LBB2_4-.Ltmp5, $1  }
0x6e: {  	_ =	sdelay $0x3  }
.Ltmp6:
0x6f: {  	(pc) =	sbr.rel .LBB2_7-.Ltmp6, $4  }
0x70: {  	_ = 	snop  }
0x71: {  	_ =	swait.ge [sflag:s19], $0x3E80  }
0x72: {  	[sflag:s19] =	ssyncset.done $0x0  }
0x73: {  	[sflag:s19] =	ssyncadd.s32 $0xFFFFC180  }
.LBB2_8:
0x74: {  	_ =	sfence.sel $0x180000  }
0x75: {  	[bflag:$0x0] =	sbarrier.arrive $0xFFFF  }
0x76: {  	_ =	strace $0x90000047  }
0x77: {  	s0 =	stileid.u32;
	[bflag:$0x2] =	sbarrier.arrive $0xFFFF  }
0x78: {  	p0 =	sne.s32 s0, $0x0;
	s0 =	rddreg [dreg:$0x3]  }
0x79: {  	s0 =	sadd.s32 @!p0 $0x100000, s0  }
0x7a: {  	[sflag:s0] =	ssyncadd.tile.s32 @!p0 $0x1;
	_ =	shalt  }
.Lfunc_end2:
_tile_overlayer_lowered:
.L_overlay_start_2:
0x7b: {  	(tag) =	ssettag $0x2  }
0x7c: {  	s0 =	rddreg [dreg:$0x0];
	s2 =	stileid.u32  }
0x7d: {  	s1 =	rddreg [dreg:$0x1];
	p0 =	sne.s32 s2, $0x0  }
0x7e: {  	s3 =	rddreg [dreg:$0x2];
	[bflag:$0x3] =	sbarrier.arrive $0xFFFF;
	s2 =	simm.s32 @!p0 $0x1C04  }
0x7f: {  	[timem:s3], [sflag:s2] =	dma.local @!p0 [hbm:s0], s1  }
0x80: {  	s0 =	simm.s32 @!p0 $0x4  }
0x81: {  	_ =	swait.ge @!p0 [sflag:s0], s1  }
0x82: {  	s1 =	ssub.s32 @!p0 $0x0, s1;
	[sflag:s0] =	ssyncset.done @!p0 $0x0  }
0x83: {  	[sflag:s0] =	ssyncadd.s32 @!p0 s1  }
0x84: {  	[bflag:$0x3] =	sbarrier.arrive $0xFFFF  }
0x85: {  	_ =	shalt  }

</sc_bundles>
